<compile_context>
chip_gen: v7x
topology: tpu7x:2x2x1
jax: 0.10.2.dev20260603
libtpu: 0.0.44.dev20260713+nightly
codegen_flags: <defaults>
</compile_context>

<pallas_src>
import functools

import jax
import jax.numpy as jnp
from jax import lax
from jax.experimental import pallas as pl
from jax.experimental.pallas import tpu as pltpu
from jax.experimental.pallas import tpu_sc as plsc

_N = 10000
_NPAD = 12288
_E = 320000
_NW = 32
_EPW = _E // _NW
_K = 400
_CHUNKS = _EPW // _K
_RPT = _NPAD // 16
_ZB = 256

_BN = 2048
_GB = -(-_N // _BN)


def _pre_body(x_ref, ext_ref, wr_ref, wo_ref, ws_ref,
              z_ref, xd_ref, base_ref):
    ws = ws_ref[...]
    g = jnp.dot(wo_ref[144:272, :], ws, preferred_element_type=jnp.float32)
    wz = jnp.dot(wr_ref[0:128, :], g, preferred_element_type=jnp.float32)
    wxd = jnp.dot(wr_ref[128:256, :], g, preferred_element_type=jnp.float32)
    wbase = jnp.dot(wo_ref[0:128, :], ws, preferred_element_type=jnp.float32)
    wext = jnp.dot(wo_ref[128:144, :], ws, preferred_element_type=jnp.float32)
    xblk = x_ref[...]
    z_ref[...] = jnp.dot(xblk, wz, preferred_element_type=jnp.float32)
    xd_ref[...] = jnp.dot(xblk, wxd, preferred_element_type=jnp.float32)
    base_ref[...] = (
        jnp.dot(xblk, wbase, preferred_element_type=jnp.float32)
        + jnp.dot(ext_ref[...], wext, preferred_element_type=jnp.float32)
    )


def _fill(ref, rows, val):
    def body(i, carry):
        ref[i, :] = jnp.full((16,), val, jnp.float32)
        return carry
    lax.fori_loop(0, rows, body, 0)


def _zero_accs(zerov, accs, sid, sem):
    _fill(zerov, _ZB, 0.0)
    row0 = sid * _RPT
    zs = []
    for j in range(_RPT // _ZB):
        dst_slice = pl.ds(row0 + j * _ZB, _ZB)
        for acc in accs:
            zs.append(pltpu.async_copy(zerov, acc.at[dst_slice], sem))
    for h in zs:
        h.wait()
    plsc.subcore_barrier()


def _write_out(accs_outs, cid, sid):
    out_slice = pl.ds(cid * _NPAD + sid * _RPT, _RPT)
    acc_slice = pl.ds(sid * _RPT, _RPT)
    for acc, out in accs_outs:
        pltpu.sync_copy(acc.at[acc_slice], out.at[out_slice])


def _sc_a_body(z_hbm, src_hbm, dst_hbm, s1_out, dg_out,
               srcv0, dstv0, zrows0, srcv1, dstv1, zrows1,
               onesv, zerov, s1acc, dgacc,
               sem_ld0, sem_g0, sem_sc0, sem_ld1, sem_g1, sem_sc1):
    cid = lax.axis_index("c")
    sid = lax.axis_index("s")
    srcv = (srcv0, srcv1)
    dstv = (dstv0, dstv1)
    zrows = (zrows0, zrows1)
    sem_ld = (sem_ld0, sem_ld1)
    sem_g = (sem_g0, sem_g1)
    sem_sc = (sem_sc0, sem_sc1)

    _fill(onesv, _K, 1.0)
    _zero_accs(zerov, (s1acc, dgacc), sid, sem_ld0)

    off0 = (cid * 16 + sid) * _EPW

    def loads(c, s):
        base = off0 + c * _K
        return (
            pltpu.async_copy(src_hbm.at[pl.ds(base, _K)], srcv[s], sem_ld[s]),
            pltpu.async_copy(dst_hbm.at[pl.ds(base, _K)], dstv[s], sem_ld[s]),
        )

    ldp = [None, None]
    scp = [None, None]
    ldp[0] = loads(0, 0)
    for i in range(_CHUNKS):
        s = i & 1
        o = 1 - s
        for h in ldp[s]:
            h.wait()
        g = pltpu.async_copy(z_hbm.at[srcv[s]], zrows[s], sem_g[s])
        if scp[o] is not None:
            for h in scp[o]:
                h.wait()
        if i + 1 < _CHUNKS:
            ldp[o] = loads(i + 1, o)
        g.wait()
        scp[s] = (
            pltpu.async_copy(zrows[s], s1acc.at[dstv[s]], sem_sc[s], add=True),
            pltpu.async_copy(onesv, dgacc.at[dstv[s]], sem_sc[s], add=True),
        )
    for h in scp[(_CHUNKS - 1) & 1]:
        h.wait()
    plsc.subcore_barrier()
    _write_out(((s1acc, s1_out), (dgacc, dg_out)), cid, sid)


def _sc_b_body(dst_hbm, ea_hbm, s2_out,
               dstv0, earows0, dstv1, earows1, zerov, s2acc,
               sem_ld0, sem_sc0, sem_ld1, sem_sc1):
    cid = lax.axis_index("c")
    sid = lax.axis_index("s")
    dstv = (dstv0, dstv1)
    earows = (earows0, earows1)
    sem_ld = (sem_ld0, sem_ld1)
    sem_sc = (sem_sc0, sem_sc1)

    _zero_accs(zerov, (s2acc,), sid, sem_ld0)
    off0 = (cid * 16 + sid) * _EPW

    def loads(c, s):
        base = off0 + c * _K
        return (
            pltpu.async_copy(dst_hbm.at[pl.ds(base, _K)], dstv[s], sem_ld[s]),
            pltpu.async_copy(ea_hbm.at[pl.ds(base, _K)], earows[s], sem_ld[s]),
        )

    ldp = [None, None]
    scp = [None, None]
    ldp[0] = loads(0, 0)
    for i in range(_CHUNKS):
        s = i & 1
        o = 1 - s
        for h in ldp[s]:
            h.wait()
        if scp[o] is not None:
            for h in scp[o]:
                h.wait()
        if i + 1 < _CHUNKS:
            ldp[o] = loads(i + 1, o)
        scp[s] = (
            pltpu.async_copy(earows[s], s2acc.at[dstv[s]], sem_sc[s], add=True),
        )
    for h in scp[(_CHUNKS - 1) & 1]:
        h.wait()
    plsc.subcore_barrier()
    _write_out(((s2acc, s2_out),), cid, sid)


_sc_mesh = plsc.VectorSubcoreMesh(core_axis_name="c", subcore_axis_name="s")
_sc_params = pltpu.CompilerParams(use_tc_tiling_on_sc=False)

_sc_segsum_a = functools.partial(
    pl.kernel,
    out_type=[jax.ShapeDtypeStruct((2 * _NPAD, 16), jnp.float32)] * 2,
    mesh=_sc_mesh,
    scratch_types=[
        pltpu.VMEM((_K,), jnp.int32),
        pltpu.VMEM((_K,), jnp.int32),
        pltpu.VMEM((_K, 16), jnp.float32),
        pltpu.VMEM((_K,), jnp.int32),
        pltpu.VMEM((_K,), jnp.int32),
        pltpu.VMEM((_K, 16), jnp.float32),
        pltpu.VMEM((_K, 16), jnp.float32),
        pltpu.VMEM((_ZB, 16), jnp.float32),
        pltpu.VMEM_SHARED((_NPAD, 16), jnp.float32),
        pltpu.VMEM_SHARED((_NPAD, 16), jnp.float32),
        pltpu.SemaphoreType.DMA,
        pltpu.SemaphoreType.DMA,
        pltpu.SemaphoreType.DMA,
        pltpu.SemaphoreType.DMA,
        pltpu.SemaphoreType.DMA,
        pltpu.SemaphoreType.DMA,
    ],
    compiler_params=_sc_params,
)(_sc_a_body)

_sc_segsum_b = functools.partial(
    pl.kernel,
    out_type=[jax.ShapeDtypeStruct((2 * _NPAD, 16), jnp.float32)],
    mesh=_sc_mesh,
    scratch_types=[
        pltpu.VMEM((_K,), jnp.int32),
        pltpu.VMEM((_K, 16), jnp.float32),
        pltpu.VMEM((_K,), jnp.int32),
        pltpu.VMEM((_K, 16), jnp.float32),
        pltpu.VMEM((_ZB, 16), jnp.float32),
        pltpu.VMEM_SHARED((_NPAD, 16), jnp.float32),
        pltpu.SemaphoreType.DMA,
        pltpu.SemaphoreType.DMA,
        pltpu.SemaphoreType.DMA,
        pltpu.SemaphoreType.DMA,
    ],
    compiler_params=_sc_params,
)(_sc_b_body)


def _post_body(s1a_ref, s1b_ref, s2a_ref, s2b_ref, dga_ref, dgb_ref,
               xd_ref, base_ref,
               wr_ref, wo_ref, ws_ref, br_ref, bo_ref, bs_ref, out_ref):
    ws = ws_ref[...]
    g = jnp.dot(wo_ref[144:272, :], ws, preferred_element_type=jnp.float32)
    wea = jnp.dot(wr_ref[256:272, :], g, preferred_element_type=jnp.float32)
    c16 = jnp.dot(br_ref[...], g, preferred_element_type=jnp.float32)
    cb = jnp.dot(bo_ref[...], ws, preferred_element_type=jnp.float32) + bs_ref[...]

    s1 = s1a_ref[...] + s1b_ref[...]
    s2 = s2a_ref[...] + s2b_ref[...]
    deg = dga_ref[...] + dgb_ref[...]
    scores = (
        base_ref[...] + s1
        + deg * (xd_ref[...] + c16)
        + jnp.dot(s2, wea, preferred_element_type=jnp.float32)
        + cb
    )
    m = jnp.max(scores, axis=1, keepdims=True)
    e = jnp.exp(scores - m)
    out_ref[...] = e / jnp.sum(e, axis=1, keepdims=True)


def kernel(x, edge_index, edge_attr, ext, W_r, b_r, W_o, b_o, W_s, b_s):
    n, ds = x.shape
    e = edge_index.shape[1]
    assert (n, ds, e) == (_N, 128, _E)

    grid = (_GB,)
    full = lambda shape: pl.BlockSpec(shape, lambda i: (0, 0))
    blk16 = pl.BlockSpec((_BN, 16), lambda i: (i, 0))

    z, xd16, base16 = pl.pallas_call(
        _pre_body,
        grid=grid,
        in_specs=[
            pl.BlockSpec((_BN, 128), lambda i: (i, 0)),
            blk16,
            full((272, 128)),
            full((272, 128)),
            full((128, 16)),
        ],
        out_specs=[blk16, blk16, blk16],
        out_shape=[jax.ShapeDtypeStruct((_N, 16), jnp.float32)] * 3,
    )(x, ext, W_r, W_o, W_s)

    src, dst = edge_index[0], edge_index[1]
    s1p, dgp = _sc_segsum_a(z, src, dst)
    (s2p,) = _sc_segsum_b(dst, edge_attr)

    s1f, s2f, dgf = s1p, s2p, dgp
    hoff = _NPAD // _BN
    lof = pl.BlockSpec((_BN, 16), lambda i: (i, 0))
    hif = pl.BlockSpec((_BN, 16), lambda i: (i + hoff, 0))
    probs = pl.pallas_call(
        _post_body,
        grid=grid,
        in_specs=[
            lof, hif, lof, hif, lof, hif, blk16, blk16,
            full((272, 128)),
            full((272, 128)),
            full((128, 16)),
            full((1, 128)),
            full((1, 128)),
            full((1, 16)),
        ],
        out_specs=blk16,
        out_shape=jax.ShapeDtypeStruct((_N, 16), jnp.float32),
    )(s1f, s1f, s2f, s2f, dgf, dgf, xd16, base16, W_r, W_o, W_s,
      b_r.reshape(1, 128), b_o.reshape(1, 128), b_s.reshape(1, 16))
    return probs

# --- scband reference (transcript-rebuilt; emitter-appended) ---
"""Pipeline reference for scband-interaction-network-90469191123233 (READ-ONLY COPY).

The authoritative reference and input builder live on the scoring server;
editing this copy changes nothing except your own understanding.
"""

import jax, jax.numpy as jnp
import numpy as np

N = 10000
E = 320000
D_S = 128
D_R = 16
D_E = 128
D_X = 16
D_P = 128
NUM_CLASSES = 16


def setup_inputs(seed: int = 0) -> dict:
    key = jax.random.key(seed)
    ks = jax.random.split(key, 12)
    x = jax.random.normal(ks[0], (N, D_S), dtype=jnp.float32)
    edge_index = jax.random.randint(ks[1], (2, E), 0, N)
    edge_attr = jax.random.normal(ks[2], (E, D_R), dtype=jnp.float32)
    ext = jax.random.normal(ks[3], (N, D_X), dtype=jnp.float32)
    # Learned parameters (Linear layers of phi_r, phi_o, scores)
    W_r = jax.random.normal(ks[4], (2 * D_S + D_R, D_E), dtype=jnp.float32) * 0.02
    b_r = jnp.zeros((D_E,), dtype=jnp.float32)
    W_o = jax.random.normal(ks[5], (D_S + D_X + D_E, D_P), dtype=jnp.float32) * 0.02
    b_o = jnp.zeros((D_P,), dtype=jnp.float32)
    W_s = jax.random.normal(ks[6], (D_P, NUM_CLASSES), dtype=jnp.float32) * 0.02
    b_s = jnp.zeros((NUM_CLASSES,), dtype=jnp.float32)
    return {
        "x": x,
        "edge_index": edge_index,
        "edge_attr": edge_attr,
        "ext": ext,
        "W_r": W_r,
        "b_r": b_r,
        "W_o": W_o,
        "b_o": b_o,
        "W_s": W_s,
        "b_s": b_s,
    }


def reference(x, edge_index, edge_attr, ext, W_r, b_r, W_o, b_o, W_s, b_s):
    # Interaction Network (Battaglia et al. 2016)
    n_nodes = x.shape[0]
    src = edge_index[0]
    dst = edge_index[1]
    # m(G): marshal per-edge inputs B = [O_src ; O_dst ; R_a]  (gather)
    B = jnp.concatenate([jnp.take(x, src, axis=0), jnp.take(x, dst, axis=0), edge_attr], axis=1)
    # phi_r: relation model -> per-edge effects E
    E_eff = B @ W_r + b_r
    # e_hat: aggregate effects onto receiver nodes (scatter-add / segment sum)
    e_agg = jax.ops.segment_sum(E_eff, dst, num_segments=n_nodes)
    # aggregate: C = [O ; X ; e_hat]
    C = jnp.concatenate([x, ext, e_agg], axis=1)
    # phi_o: object model
    P = C @ W_o + b_o
    # readout scores + softmax probs
    scores = P @ W_s + b_s
    probs = jax.nn.softmax(scores, axis=1)
    return probs

if __name__ == "__main__":
    import jax
    _d = setup_inputs()
    print(jax.jit(kernel)(*tuple(_d.values())))

</pallas_src>

<mosaic_0001>
#map = affine_map<(d0, d1) -> (0)>
#map1 = affine_map<(d0, d1) -> (0, 0)>
module attributes {stable_mosaic.version = 14 : i64} {
  func.func @_sc_b_body(%arg0: i32, %arg1: i32, %arg2: memref<320000xi32, #tpu.memory_space<hbm>>, %arg3: memref<320000x16xf32, #tpu.memory_space<hbm>>, %arg4: memref<24576x16xf32, #tpu.memory_space<hbm>>, %arg5: memref<400xi32, #tpu.memory_space<vmem>>, %arg6: memref<400x16xf32, #tpu.memory_space<vmem>>, %arg7: memref<400xi32, #tpu.memory_space<vmem>>, %arg8: memref<400x16xf32, #tpu.memory_space<vmem>>, %arg9: memref<256x16xf32, #tpu.memory_space<vmem>>, %arg10: memref<12288x16xf32, #tpu.memory_space<vmem_shared>>, %arg11: memref<!tpu.dma_semaphore, #tpu.memory_space<semaphore_mem>>, %arg12: memref<!tpu.dma_semaphore, #tpu.memory_space<semaphore_mem>>, %arg13: memref<!tpu.dma_semaphore, #tpu.memory_space<semaphore_mem>>, %arg14: memref<!tpu.dma_semaphore, #tpu.memory_space<semaphore_mem>>) attributes {dimension_semantics = [#tpu.dimension_semantics<core_parallel>, #tpu.dimension_semantics<subcore_parallel>], iteration_bounds = array<i64: 2, 16>, scalar_prefetch = 0 : i64, scratch_operands = 10 : i64, tpu.core_type = #tpu.core_type<sc_vector_subcore>, window_params = [{transform_indices = #map}, {transform_indices = #map1}, {transform_indices = #map1}]} {
    %scan3A = arith.constant 0 : i32
    %scan3A_0 = arith.constant 0 : i32
    %scan3A_1 = arith.constant 256 : i32
    %scan3A_2 = arith.addi %scan3A_0, %scan3A_1 : i32
    %scan3A_3 = arith.constant 1 : i32
    scf.for %scan3A_546 = %scan3A_0 to %scan3A_2 step %scan3A_3  : i32 {
      %broadcast_in_dim3A = arith.constant 0.000000e+00 : f32
      %broadcast_in_dim3A_547 = vector.broadcast %broadcast_in_dim3A : f32 to vector<16xf32>
      %swap3A = arith.index_cast %scan3A_546 : i32 to index
      %swap3A_548 = arith.constant 0 : index
      %swap3A_549 = tpu.vector_load %arg9[%swap3A, %swap3A_548] {strides = array<i32>} : memref<256x16xf32, #tpu.memory_space<vmem>>, vector<1x16xf32>,
      %swap3A_550 = vector.shape_cast %swap3A_549 : vector<1x16xf32> to vector<16xf32>
      %swap3A_551 = vector.shape_cast %broadcast_in_dim3A_547 : vector<16xf32> to vector<1x16xf32>
      tpu.vector_store %arg9[%swap3A, %swap3A_548], %swap3A_551 {strides = array<i32>} : memref<256x16xf32, #tpu.memory_space<vmem>>, vector<1x16xf32>,
    }
    %scan3A_4 = arith.constant 256 : i32
    %mul3A = arith.constant 768 : i32
    %mul3A_5 = arith.muli %arg1, %mul3A : i32
    %add3A = arith.constant 0 : i32
    %add3A_6 = arith.addi %mul3A_5, %add3A : i32
    %dma_start3A = arith.constant 0 : i32
    %dma_start3A_7 = tpu.memref_slice %arg10[%add3A_6, %dma_start3A] : memref<12288x16xf32, #tpu.memory_space<vmem_shared>> -> memref<256x16xf32, #tpu.memory_space<vmem_shared>>
    %dma_start3A_8 = arith.constant 0 : i32
    %dma_start3A_9 = tpu.memref_slice %arg10[%add3A_6, %dma_start3A_8] : memref<12288x16xf32, #tpu.memory_space<vmem_shared>> -> memref<256x16xf32, #tpu.memory_space<vmem_shared>>
    tpu.enqueue_dma source(%arg9 : memref<256x16xf32, #tpu.memory_space<vmem>>) target(%dma_start3A_9 : memref<256x16xf32, #tpu.memory_space<vmem_shared>>) target_semaphore(%arg11 : memref<!tpu.dma_semaphore, #tpu.memory_space<semaphore_mem>>)
    %add3A_10 = arith.constant 256 : i32
    %add3A_11 = arith.addi %mul3A_5, %add3A_10 : i32
    %dma_start3A_12 = arith.constant 0 : i32
    %dma_start3A_13 = tpu.memref_slice %arg10[%add3A_11, %dma_start3A_12] : memref<12288x16xf32, #tpu.memory_space<vmem_shared>> -> memref<256x16xf32, #tpu.memory_space<vmem_shared>>
    %dma_start3A_14 = arith.constant 0 : i32
    %dma_start3A_15 = tpu.memref_slice %arg10[%add3A_11, %dma_start3A_14] : memref<12288x16xf32, #tpu.memory_space<vmem_shared>> -> memref<256x16xf32, #tpu.memory_space<vmem_shared>>
    tpu.enqueue_dma source(%arg9 : memref<256x16xf32, #tpu.memory_space<vmem>>) target(%dma_start3A_15 : memref<256x16xf32, #tpu.memory_space<vmem_shared>>) target_semaphore(%arg11 : memref<!tpu.dma_semaphore, #tpu.memory_space<semaphore_mem>>)
    %add3A_16 = arith.constant 512 : i32
    %add3A_17 = arith.addi %mul3A_5, %add3A_16 : i32
    %dma_start3A_18 = arith.constant 0 : i32
    %dma_start3A_19 = tpu.memref_slice %arg10[%add3A_17, %dma_start3A_18] : memref<12288x16xf32, #tpu.memory_space<vmem_shared>> -> memref<256x16xf32, #tpu.memory_space<vmem_shared>>
    %dma_start3A_20 = arith.constant 0 : i32
    %dma_start3A_21 = tpu.memref_slice %arg10[%add3A_17, %dma_start3A_20] : memref<12288x16xf32, #tpu.memory_space<vmem_shared>> -> memref<256x16xf32, #tpu.memory_space<vmem_shared>>
    tpu.enqueue_dma source(%arg9 : memref<256x16xf32, #tpu.memory_space<vmem>>) target(%dma_start3A_21 : memref<256x16xf32, #tpu.memory_space<vmem_shared>>) target_semaphore(%arg11 : memref<!tpu.dma_semaphore, #tpu.memory_space<semaphore_mem>>)
    %dma_wait3A = arith.constant 0 : i32
    %dma_wait3A_22 = tpu.memref_slice %arg10[%add3A_6, %dma_wait3A] : memref<12288x16xf32, #tpu.memory_space<vmem_shared>> -> memref<256x16xf32, #tpu.memory_space<vmem_shared>>
    %dma_wait3A_23 = arith.constant 0 : i32
    %dma_wait3A_24 = tpu.memref_slice %arg10[%add3A_6, %dma_wait3A_23] : memref<12288x16xf32, #tpu.memory_space<vmem_shared>> -> memref<256x16xf32, #tpu.memory_space<vmem_shared>>
    tpu.wait_dma2 semaphore(%arg11 : memref<!tpu.dma_semaphore, #tpu.memory_space<semaphore_mem>>) src(%arg9 : memref<256x16xf32, #tpu.memory_space<vmem>>) dst(%dma_wait3A_24 : memref<256x16xf32, #tpu.memory_space<vmem_shared>>)
    %dma_wait3A_25 = arith.constant 0 : i32
    %dma_wait3A_26 = tpu.memref_slice %arg10[%add3A_11, %dma_wait3A_25] : memref<12288x16xf32, #tpu.memory_space<vmem_shared>> -> memref<256x16xf32, #tpu.memory_space<vmem_shared>>
    %dma_wait3A_27 = arith.constant 0 : i32
    %dma_wait3A_28 = tpu.memref_slice %arg10[%add3A_11, %dma_wait3A_27] : memref<12288x16xf32, #tpu.memory_space<vmem_shared>> -> memref<256x16xf32, #tpu.memory_space<vmem_shared>>
    tpu.wait_dma2 semaphore(%arg11 : memref<!tpu.dma_semaphore, #tpu.memory_space<semaphore_mem>>) src(%arg9 : memref<256x16xf32, #tpu.memory_space<vmem>>) dst(%dma_wait3A_28 : memref<256x16xf32, #tpu.memory_space<vmem_shared>>)
    %dma_wait3A_29 = arith.constant 0 : i32
    %dma_wait3A_30 = tpu.memref_slice %arg10[%add3A_17, %dma_wait3A_29] : memref<12288x16xf32, #tpu.memory_space<vmem_shared>> -> memref<256x16xf32, #tpu.memory_space<vmem_shared>>
    %dma_wait3A_31 = arith.constant 0 : i32
    %dma_wait3A_32 = tpu.memref_slice %arg10[%add3A_17, %dma_wait3A_31] : memref<12288x16xf32, #tpu.memory_space<vmem_shared>> -> memref<256x16xf32, #tpu.memory_space<vmem_shared>>
    tpu.wait_dma2 semaphore(%arg11 : memref<!tpu.dma_semaphore, #tpu.memory_space<semaphore_mem>>) src(%arg9 : memref<256x16xf32, #tpu.memory_space<vmem>>) dst(%dma_wait3A_32 : memref<256x16xf32, #tpu.memory_space<vmem_shared>>)
    %barrier3A = arith.constant 0 : index
    tpu.barrier barrier_id(%barrier3A)
    %mul3A_33 = arith.constant 16 : i32
    %mul3A_34 = arith.muli %arg0, %mul3A_33 : i32
    %add3A_35 = arith.addi %mul3A_34, %arg1 : i32
    %mul3A_36 = arith.constant 10000 : i32
    %mul3A_37 = arith.muli %add3A_35, %mul3A_36 : i32
    %add3A_38 = arith.constant 0 : i32
    %add3A_39 = arith.addi %mul3A_37, %add3A_38 : i32
    %dma_start3A_40 = tpu.memref_slice %arg2[%add3A_39] : memref<320000xi32, #tpu.memory_space<hbm>> -> memref<400xi32, #tpu.memory_space<hbm>>
    %dma_start3A_41 = tpu.memref_slice %arg2[%add3A_39] : memref<320000xi32, #tpu.memory_space<hbm>> -> memref<400xi32, #tpu.memory_space<hbm>>
    tpu.enqueue_dma source(%dma_start3A_41 : memref<400xi32, #tpu.memory_space<hbm>>) target(%arg5 : memref<400xi32, #tpu.memory_space<vmem>>) target_semaphore(%arg11 : memref<!tpu.dma_semaphore, #tpu.memory_space<semaphore_mem>>)
    %dma_start3A_42 = arith.constant 0 : i32
    %dma_start3A_43 = tpu.memref_slice %arg3[%add3A_39, %dma_start3A_42] : memref<320000x16xf32, #tpu.memory_space<hbm>> -> memref<400x16xf32, #tpu.memory_space<hbm>>
    %dma_start3A_44 = arith.constant 0 : i32
    %dma_start3A_45 = tpu.memref_slice %arg3[%add3A_39, %dma_start3A_44] : memref<320000x16xf32, #tpu.memory_space<hbm>> -> memref<400x16xf32, #tpu.memory_space<hbm>>
    tpu.enqueue_dma source(%dma_start3A_45 : memref<400x16xf32, #tpu.memory_space<hbm>>) target(%arg6 : memref<400x16xf32, #tpu.memory_space<vmem>>) target_semaphore(%arg11 : memref<!tpu.dma_semaphore, #tpu.memory_space<semaphore_mem>>)
    %dma_wait3A_46 = tpu.memref_slice %arg2[%add3A_39] : memref<320000xi32, #tpu.memory_space<hbm>> -> memref<400xi32, #tpu.memory_space<hbm>>
    %dma_wait3A_47 = tpu.memref_slice %arg2[%add3A_39] : memref<320000xi32, #tpu.memory_space<hbm>> -> memref<400xi32, #tpu.memory_space<hbm>>
    tpu.wait_dma2 semaphore(%arg11 : memref<!tpu.dma_semaphore, #tpu.memory_space<semaphore_mem>>) src(%dma_wait3A_47 : memref<400xi32, #tpu.memory_space<hbm>>) dst(%arg5 : memref<400xi32, #tpu.memory_space<vmem>>)
    %dma_wait3A_48 = arith.constant 0 : i32
    %dma_wait3A_49 = tpu.memref_slice %arg3[%add3A_39, %dma_wait3A_48] : memref<320000x16xf32, #tpu.memory_space<hbm>> -> memref<400x16xf32, #tpu.memory_space<hbm>>
    %dma_wait3A_50 = arith.constant 0 : i32
    %dma_wait3A_51 = tpu.memref_slice %arg3[%add3A_39, %dma_wait3A_50] : memref<320000x16xf32, #tpu.memory_space<hbm>> -> memref<400x16xf32, #tpu.memory_space<hbm>>
    tpu.wait_dma2 semaphore(%arg11 : memref<!tpu.dma_semaphore, #tpu.memory_space<semaphore_mem>>) src(%dma_wait3A_51 : memref<400x16xf32, #tpu.memory_space<hbm>>) dst(%arg6 : memref<400x16xf32, #tpu.memory_space<vmem>>)
    %add3A_52 = arith.constant 400 : i32
    %add3A_53 = arith.addi %mul3A_37, %add3A_52 : i32
    %dma_start3A_54 = tpu.memref_slice %arg2[%add3A_53] : memref<320000xi32, #tpu.memory_space<hbm>> -> memref<400xi32, #tpu.memory_space<hbm>>
    %dma_start3A_55 = tpu.memref_slice %arg2[%add3A_53] : memref<320000xi32, #tpu.memory_space<hbm>> -> memref<400xi32, #tpu.memory_space<hbm>>
    tpu.enqueue_dma source(%dma_start3A_55 : memref<400xi32, #tpu.memory_space<hbm>>) target(%arg7 : memref<400xi32, #tpu.memory_space<vmem>>) target_semaphore(%arg13 : memref<!tpu.dma_semaphore, #tpu.memory_space<semaphore_mem>>)
    %dma_start3A_56 = arith.constant 0 : i32
    %dma_start3A_57 = tpu.memref_slice %arg3[%add3A_53, %dma_start3A_56] : memref<320000x16xf32, #tpu.memory_space<hbm>> -> memref<400x16xf32, #tpu.memory_space<hbm>>
    %dma_start3A_58 = arith.constant 0 : i32
    %dma_start3A_59 = tpu.memref_slice %arg3[%add3A_53, %dma_start3A_58] : memref<320000x16xf32, #tpu.memory_space<hbm>> -> memref<400x16xf32, #tpu.memory_space<hbm>>
    tpu.enqueue_dma source(%dma_start3A_59 : memref<400x16xf32, #tpu.memory_space<hbm>>) target(%arg8 : memref<400x16xf32, #tpu.memory_space<vmem>>) target_semaphore(%arg13 : memref<!tpu.dma_semaphore, #tpu.memory_space<semaphore_mem>>)
    %dma_start3A_60 = arith.constant 0 : i32
    %dma_start3A_61 = arith.constant 0 : i32
    %dma_start3A_62 = tpu.memref_slice %arg10[%dma_start3A_60, %dma_start3A_61] : memref<12288x16xf32, #tpu.memory_space<vmem_shared>> -> memref<12288x16xf32, #tpu.memory_space<vmem_shared>>
    tpu.enqueue_indirect_dma source(%arg6 : memref<400x16xf32, #tpu.memory_space<vmem>>) target(%dma_start3A_62 : memref<12288x16xf32, #tpu.memory_space<vmem_shared>>) offsets(%arg5 : memref<400xi32, #tpu.memory_space<vmem>>) semaphore(%arg12 : memref<!tpu.dma_semaphore, #tpu.memory_space<semaphore_mem>>) {add = true}
    %dma_wait3A_63 = tpu.memref_slice %arg2[%add3A_53] : memref<320000xi32, #tpu.memory_space<hbm>> -> memref<400xi32, #tpu.memory_space<hbm>>
    %dma_wait3A_64 = tpu.memref_slice %arg2[%add3A_53] : memref<320000xi32, #tpu.memory_space<hbm>> -> memref<400xi32, #tpu.memory_space<hbm>>
    tpu.wait_dma2 semaphore(%arg13 : memref<!tpu.dma_semaphore, #tpu.memory_space<semaphore_mem>>) src(%dma_wait3A_64 : memref<400xi32, #tpu.memory_space<hbm>>) dst(%arg7 : memref<400xi32, #tpu.memory_space<vmem>>)
    %dma_wait3A_65 = arith.constant 0 : i32
    %dma_wait3A_66 = tpu.memref_slice %arg3[%add3A_53, %dma_wait3A_65] : memref<320000x16xf32, #tpu.memory_space<hbm>> -> memref<400x16xf32, #tpu.memory_space<hbm>>
    %dma_wait3A_67 = arith.constant 0 : i32
    %dma_wait3A_68 = tpu.memref_slice %arg3[%add3A_53, %dma_wait3A_67] : memref<320000x16xf32, #tpu.memory_space<hbm>> -> memref<400x16xf32, #tpu.memory_space<hbm>>
    tpu.wait_dma2 semaphore(%arg13 : memref<!tpu.dma_semaphore, #tpu.memory_space<semaphore_mem>>) src(%dma_wait3A_68 : memref<400x16xf32, #tpu.memory_space<hbm>>) dst(%arg8 : memref<400x16xf32, #tpu.memory_space<vmem>>)
    %dma_wait3A_69 = arith.constant 0 : i32
    %dma_wait3A_70 = arith.constant 0 : i32
    %dma_wait3A_71 = tpu.memref_slice %arg10[%dma_wait3A_69, %dma_wait3A_70] : memref<12288x16xf32, #tpu.memory_space<vmem_shared>> -> memref<12288x16xf32, #tpu.memory_space<vmem_shared>>
    tpu.wait_indirect_dma semaphore(%arg12 : memref<!tpu.dma_semaphore, #tpu.memory_space<semaphore_mem>>) src(%arg6 : memref<400x16xf32, #tpu.memory_space<vmem>>) dst(%dma_wait3A_71 : memref<12288x16xf32, #tpu.memory_space<vmem_shared>>)
    %add3A_72 = arith.constant 800 : i32
    %add3A_73 = arith.addi %mul3A_37, %add3A_72 : i32
    %dma_start3A_74 = tpu.memref_slice %arg2[%add3A_73] : memref<320000xi32, #tpu.memory_space<hbm>> -> memref<400xi32, #tpu.memory_space<hbm>>
    %dma_start3A_75 = tpu.memref_slice %arg2[%add3A_73] : memref<320000xi32, #tpu.memory_space<hbm>> -> memref<400xi32, #tpu.memory_space<hbm>>
    tpu.enqueue_dma source(%dma_start3A_75 : memref<400xi32, #tpu.memory_space<hbm>>) target(%arg5 : memref<400xi32, #tpu.memory_space<vmem>>) target_semaphore(%arg11 : memref<!tpu.dma_semaphore, #tpu.memory_space<semaphore_mem>>)
    %dma_start3A_76 = arith.constant 0 : i32
    %dma_start3A_77 = tpu.memref_slice %arg3[%add3A_73, %dma_start3A_76] : memref<320000x16xf32, #tpu.memory_space<hbm>> -> memref<400x16xf32, #tpu.memory_space<hbm>>
    %dma_start3A_78 = arith.constant 0 : i32
    %dma_start3A_79 = tpu.memref_slice %arg3[%add3A_73, %dma_start3A_78] : memref<320000x16xf32, #tpu.memory_space<hbm>> -> memref<400x16xf32, #tpu.memory_space<hbm>>
    tpu.enqueue_dma source(%dma_start3A_79 : memref<400x16xf32, #tpu.memory_space<hbm>>) target(%arg6 : memref<400x16xf32, #tpu.memory_space<vmem>>) target_semaphore(%arg11 : memref<!tpu.dma_semaphore, #tpu.memory_space<semaphore_mem>>)
    %dma_start3A_80 = arith.constant 0 : i32
    %dma_start3A_81 = arith.constant 0 : i32
    %dma_start3A_82 = tpu.memref_slice %arg10[%dma_start3A_80, %dma_start3A_81] : memref<12288x16xf32, #tpu.memory_space<vmem_shared>> -> memref<12288x16xf32, #tpu.memory_space<vmem_shared>>
    tpu.enqueue_indirect_dma source(%arg8 : memref<400x16xf32, #tpu.memory_space<vmem>>) target(%dma_start3A_82 : memref<12288x16xf32, #tpu.memory_space<vmem_shared>>) offsets(%arg7 : memref<400xi32, #tpu.memory_space<vmem>>) semaphore(%arg14 : memref<!tpu.dma_semaphore, #tpu.memory_space<semaphore_mem>>) {add = true}
    %dma_wait3A_83 = tpu.memref_slice %arg2[%add3A_73] : memref<320000xi32, #tpu.memory_space<hbm>> -> memref<400xi32, #tpu.memory_space<hbm>>
    %dma_wait3A_84 = tpu.memref_slice %arg2[%add3A_73] : memref<320000xi32, #tpu.memory_space<hbm>> -> memref<400xi32, #tpu.memory_space<hbm>>
    tpu.wait_dma2 semaphore(%arg11 : memref<!tpu.dma_semaphore, #tpu.memory_space<semaphore_mem>>) src(%dma_wait3A_84 : memref<400xi32, #tpu.memory_space<hbm>>) dst(%arg5 : memref<400xi32, #tpu.memory_space<vmem>>)
    %dma_wait3A_85 = arith.constant 0 : i32
    %dma_wait3A_86 = tpu.memref_slice %arg3[%add3A_73, %dma_wait3A_85] : memref<320000x16xf32, #tpu.memory_space<hbm>> -> memref<400x16xf32, #tpu.memory_space<hbm>>
    %dma_wait3A_87 = arith.constant 0 : i32
    %dma_wait3A_88 = tpu.memref_slice %arg3[%add3A_73, %dma_wait3A_87] : memref<320000x16xf32, #tpu.memory_space<hbm>> -> memref<400x16xf32, #tpu.memory_space<hbm>>
    tpu.wait_dma2 semaphore(%arg11 : memref<!tpu.dma_semaphore, #tpu.memory_space<semaphore_mem>>) src(%dma_wait3A_88 : memref<400x16xf32, #tpu.memory_space<hbm>>) dst(%arg6 : memref<400x16xf32, #tpu.memory_space<vmem>>)
    %dma_wait3A_89 = arith.constant 0 : i32
    %dma_wait3A_90 = arith.constant 0 : i32
    %dma_wait3A_91 = tpu.memref_slice %arg10[%dma_wait3A_89, %dma_wait3A_90] : memref<12288x16xf32, #tpu.memory_space<vmem_shared>> -> memref<12288x16xf32, #tpu.memory_space<vmem_shared>>
    tpu.wait_indirect_dma semaphore(%arg14 : memref<!tpu.dma_semaphore, #tpu.memory_space<semaphore_mem>>) src(%arg8 : memref<400x16xf32, #tpu.memory_space<vmem>>) dst(%dma_wait3A_91 : memref<12288x16xf32, #tpu.memory_space<vmem_shared>>)
    %add3A_92 = arith.constant 1200 : i32
    %add3A_93 = arith.addi %mul3A_37, %add3A_92 : i32
    %dma_start3A_94 = tpu.memref_slice %arg2[%add3A_93] : memref<320000xi32, #tpu.memory_space<hbm>> -> memref<400xi32, #tpu.memory_space<hbm>>
    %dma_start3A_95 = tpu.memref_slice %arg2[%add3A_93] : memref<320000xi32, #tpu.memory_space<hbm>> -> memref<400xi32, #tpu.memory_space<hbm>>
    tpu.enqueue_dma source(%dma_start3A_95 : memref<400xi32, #tpu.memory_space<hbm>>) target(%arg7 : memref<400xi32, #tpu.memory_space<vmem>>) target_semaphore(%arg13 : memref<!tpu.dma_semaphore, #tpu.memory_space<semaphore_mem>>)
    %dma_start3A_96 = arith.constant 0 : i32
    %dma_start3A_97 = tpu.memref_slice %arg3[%add3A_93, %dma_start3A_96] : memref<320000x16xf32, #tpu.memory_space<hbm>> -> memref<400x16xf32, #tpu.memory_space<hbm>>
    %dma_start3A_98 = arith.constant 0 : i32
    %dma_start3A_99 = tpu.memref_slice %arg3[%add3A_93, %dma_start3A_98] : memref<320000x16xf32, #tpu.memory_space<hbm>> -> memref<400x16xf32, #tpu.memory_space<hbm>>
    tpu.enqueue_dma source(%dma_start3A_99 : memref<400x16xf32, #tpu.memory_space<hbm>>) target(%arg8 : memref<400x16xf32, #tpu.memory_space<vmem>>) target_semaphore(%arg13 : memref<!tpu.dma_semaphore, #tpu.memory_space<semaphore_mem>>)
    %dma_start3A_100 = arith.constant 0 : i32
    %dma_start3A_101 = arith.constant 0 : i32
    %dma_start3A_102 = tpu.memref_slice %arg10[%dma_start3A_100, %dma_start3A_101] : memref<12288x16xf32, #tpu.memory_space<vmem_shared>> -> memref<12288x16xf32, #tpu.memory_space<vmem_shared>>
    tpu.enqueue_indirect_dma source(%arg6 : memref<400x16xf32, #tpu.memory_space<vmem>>) target(%dma_start3A_102 : memref<12288x16xf32, #tpu.memory_space<vmem_shared>>) offsets(%arg5 : memref<400xi32, #tpu.memory_space<vmem>>) semaphore(%arg12 : memref<!tpu.dma_semaphore, #tpu.memory_space<semaphore_mem>>) {add = true}
    %dma_wait3A_103 = tpu.memref_slice %arg2[%add3A_93] : memref<320000xi32, #tpu.memory_space<hbm>> -> memref<400xi32, #tpu.memory_space<hbm>>
    %dma_wait3A_104 = tpu.memref_slice %arg2[%add3A_93] : memref<320000xi32, #tpu.memory_space<hbm>> -> memref<400xi32, #tpu.memory_space<hbm>>
    tpu.wait_dma2 semaphore(%arg13 : memref<!tpu.dma_semaphore, #tpu.memory_space<semaphore_mem>>) src(%dma_wait3A_104 : memref<400xi32, #tpu.memory_space<hbm>>) dst(%arg7 : memref<400xi32, #tpu.memory_space<vmem>>)
    %dma_wait3A_105 = arith.constant 0 : i32
    %dma_wait3A_106 = tpu.memref_slice %arg3[%add3A_93, %dma_wait3A_105] : memref<320000x16xf32, #tpu.memory_space<hbm>> -> memref<400x16xf32, #tpu.memory_space<hbm>>
    %dma_wait3A_107 = arith.constant 0 : i32
    %dma_wait3A_108 = tpu.memref_slice %arg3[%add3A_93, %dma_wait3A_107] : memref<320000x16xf32, #tpu.memory_space<hbm>> -> memref<400x16xf32, #tpu.memory_space<hbm>>
    tpu.wait_dma2 semaphore(%arg13 : memref<!tpu.dma_semaphore, #tpu.memory_space<semaphore_mem>>) src(%dma_wait3A_108 : memref<400x16xf32, #tpu.memory_space<hbm>>) dst(%arg8 : memref<400x16xf32, #tpu.memory_space<vmem>>)
    %dma_wait3A_109 = arith.constant 0 : i32
    %dma_wait3A_110 = arith.constant 0 : i32
    %dma_wait3A_111 = tpu.memref_slice %arg10[%dma_wait3A_109, %dma_wait3A_110] : memref<12288x16xf32, #tpu.memory_space<vmem_shared>> -> memref<12288x16xf32, #tpu.memory_space<vmem_shared>>
    tpu.wait_indirect_dma semaphore(%arg12 : memref<!tpu.dma_semaphore, #tpu.memory_space<semaphore_mem>>) src(%arg6 : memref<400x16xf32, #tpu.memory_space<vmem>>) dst(%dma_wait3A_111 : memref<12288x16xf32, #tpu.memory_space<vmem_shared>>)
    %add3A_112 = arith.constant 1600 : i32
    %add3A_113 = arith.addi %mul3A_37, %add3A_112 : i32
    %dma_start3A_114 = tpu.memref_slice %arg2[%add3A_113] : memref<320000xi32, #tpu.memory_space<hbm>> -> memref<400xi32, #tpu.memory_space<hbm>>
    %dma_start3A_115 = tpu.memref_slice %arg2[%add3A_113] : memref<320000xi32, #tpu.memory_space<hbm>> -> memref<400xi32, #tpu.memory_space<hbm>>
    tpu.enqueue_dma source(%dma_start3A_115 : memref<400xi32, #tpu.memory_space<hbm>>) target(%arg5 : memref<400xi32, #tpu.memory_space<vmem>>) target_semaphore(%arg11 : memref<!tpu.dma_semaphore, #tpu.memory_space<semaphore_mem>>)
    %dma_start3A_116 = arith.constant 0 : i32
    %dma_start3A_117 = tpu.memref_slice %arg3[%add3A_113, %dma_start3A_116] : memref<320000x16xf32, #tpu.memory_space<hbm>> -> memref<400x16xf32, #tpu.memory_space<hbm>>
    %dma_start3A_118 = arith.constant 0 : i32
    %dma_start3A_119 = tpu.memref_slice %arg3[%add3A_113, %dma_start3A_118] : memref<320000x16xf32, #tpu.memory_space<hbm>> -> memref<400x16xf32, #tpu.memory_space<hbm>>
    tpu.enqueue_dma source(%dma_start3A_119 : memref<400x16xf32, #tpu.memory_space<hbm>>) target(%arg6 : memref<400x16xf32, #tpu.memory_space<vmem>>) target_semaphore(%arg11 : memref<!tpu.dma_semaphore, #tpu.memory_space<semaphore_mem>>)
    %dma_start3A_120 = arith.constant 0 : i32
    %dma_start3A_121 = arith.constant 0 : i32
    %dma_start3A_122 = tpu.memref_slice %arg10[%dma_start3A_120, %dma_start3A_121] : memref<12288x16xf32, #tpu.memory_space<vmem_shared>> -> memref<12288x16xf32, #tpu.memory_space<vmem_shared>>
    tpu.enqueue_indirect_dma source(%arg8 : memref<400x16xf32, #tpu.memory_space<vmem>>) target(%dma_start3A_122 : memref<12288x16xf32, #tpu.memory_space<vmem_shared>>) offsets(%arg7 : memref<400xi32, #tpu.memory_space<vmem>>) semaphore(%arg14 : memref<!tpu.dma_semaphore, #tpu.memory_space<semaphore_mem>>) {add = true}
    %dma_wait3A_123 = tpu.memref_slice %arg2[%add3A_113] : memref<320000xi32, #tpu.memory_space<hbm>> -> memref<400xi32, #tpu.memory_space<hbm>>
    %dma_wait3A_124 = tpu.memref_slice %arg2[%add3A_113] : memref<320000xi32, #tpu.memory_space<hbm>> -> memref<400xi32, #tpu.memory_space<hbm>>
    tpu.wait_dma2 semaphore(%arg11 : memref<!tpu.dma_semaphore, #tpu.memory_space<semaphore_mem>>) src(%dma_wait3A_124 : memref<400xi32, #tpu.memory_space<hbm>>) dst(%arg5 : memref<400xi32, #tpu.memory_space<vmem>>)
    %dma_wait3A_125 = arith.constant 0 : i32
    %dma_wait3A_126 = tpu.memref_slice %arg3[%add3A_113, %dma_wait3A_125] : memref<320000x16xf32, #tpu.memory_space<hbm>> -> memref<400x16xf32, #tpu.memory_space<hbm>>
    %dma_wait3A_127 = arith.constant 0 : i32
    %dma_wait3A_128 = tpu.memref_slice %arg3[%add3A_113, %dma_wait3A_127] : memref<320000x16xf32, #tpu.memory_space<hbm>> -> memref<400x16xf32, #tpu.memory_space<hbm>>
    tpu.wait_dma2 semaphore(%arg11 : memref<!tpu.dma_semaphore, #tpu.memory_space<semaphore_mem>>) src(%dma_wait3A_128 : memref<400x16xf32, #tpu.memory_space<hbm>>) dst(%arg6 : memref<400x16xf32, #tpu.memory_space<vmem>>)
    %dma_wait3A_129 = arith.constant 0 : i32
    %dma_wait3A_130 = arith.constant 0 : i32
    %dma_wait3A_131 = tpu.memref_slice %arg10[%dma_wait3A_129, %dma_wait3A_130] : memref<12288x16xf32, #tpu.memory_space<vmem_shared>> -> memref<12288x16xf32, #tpu.memory_space<vmem_shared>>
    tpu.wait_indirect_dma semaphore(%arg14 : memref<!tpu.dma_semaphore, #tpu.memory_space<semaphore_mem>>) src(%arg8 : memref<400x16xf32, #tpu.memory_space<vmem>>) dst(%dma_wait3A_131 : memref<12288x16xf32, #tpu.memory_space<vmem_shared>>)
    %add3A_132 = arith.constant 2000 : i32
    %add3A_133 = arith.addi %mul3A_37, %add3A_132 : i32
    %dma_start3A_134 = tpu.memref_slice %arg2[%add3A_133] : memref<320000xi32, #tpu.memory_space<hbm>> -> memref<400xi32, #tpu.memory_space<hbm>>
    %dma_start3A_135 = tpu.memref_slice %arg2[%add3A_133] : memref<320000xi32, #tpu.memory_space<hbm>> -> memref<400xi32, #tpu.memory_space<hbm>>
    tpu.enqueue_dma source(%dma_start3A_135 : memref<400xi32, #tpu.memory_space<hbm>>) target(%arg7 : memref<400xi32, #tpu.memory_space<vmem>>) target_semaphore(%arg13 : memref<!tpu.dma_semaphore, #tpu.memory_space<semaphore_mem>>)
    %dma_start3A_136 = arith.constant 0 : i32
    %dma_start3A_137 = tpu.memref_slice %arg3[%add3A_133, %dma_start3A_136] : memref<320000x16xf32, #tpu.memory_space<hbm>> -> memref<400x16xf32, #tpu.memory_space<hbm>>
    %dma_start3A_138 = arith.constant 0 : i32
    %dma_start3A_139 = tpu.memref_slice %arg3[%add3A_133, %dma_start3A_138] : memref<320000x16xf32, #tpu.memory_space<hbm>> -> memref<400x16xf32, #tpu.memory_space<hbm>>
    tpu.enqueue_dma source(%dma_start3A_139 : memref<400x16xf32, #tpu.memory_space<hbm>>) target(%arg8 : memref<400x16xf32, #tpu.memory_space<vmem>>) target_semaphore(%arg13 : memref<!tpu.dma_semaphore, #tpu.memory_space<semaphore_mem>>)
    %dma_start3A_140 = arith.constant 0 : i32
    %dma_start3A_141 = arith.constant 0 : i32
    %dma_start3A_142 = tpu.memref_slice %arg10[%dma_start3A_140, %dma_start3A_141] : memref<12288x16xf32, #tpu.memory_space<vmem_shared>> -> memref<12288x16xf32, #tpu.memory_space<vmem_shared>>
    tpu.enqueue_indirect_dma source(%arg6 : memref<400x16xf32, #tpu.memory_space<vmem>>) target(%dma_start3A_142 : memref<12288x16xf32, #tpu.memory_space<vmem_shared>>) offsets(%arg5 : memref<400xi32, #tpu.memory_space<vmem>>) semaphore(%arg12 : memref<!tpu.dma_semaphore, #tpu.memory_space<semaphore_mem>>) {add = true}
    %dma_wait3A_143 = tpu.memref_slice %arg2[%add3A_133] : memref<320000xi32, #tpu.memory_space<hbm>> -> memref<400xi32, #tpu.memory_space<hbm>>
    %dma_wait3A_144 = tpu.memref_slice %arg2[%add3A_133] : memref<320000xi32, #tpu.memory_space<hbm>> -> memref<400xi32, #tpu.memory_space<hbm>>
    tpu.wait_dma2 semaphore(%arg13 : memref<!tpu.dma_semaphore, #tpu.memory_space<semaphore_mem>>) src(%dma_wait3A_144 : memref<400xi32, #tpu.memory_space<hbm>>) dst(%arg7 : memref<400xi32, #tpu.memory_space<vmem>>)
    %dma_wait3A_145 = arith.constant 0 : i32
    %dma_wait3A_146 = tpu.memref_slice %arg3[%add3A_133, %dma_wait3A_145] : memref<320000x16xf32, #tpu.memory_space<hbm>> -> memref<400x16xf32, #tpu.memory_space<hbm>>
    %dma_wait3A_147 = arith.constant 0 : i32
    %dma_wait3A_148 = tpu.memref_slice %arg3[%add3A_133, %dma_wait3A_147] : memref<320000x16xf32, #tpu.memory_space<hbm>> -> memref<400x16xf32, #tpu.memory_space<hbm>>
    tpu.wait_dma2 semaphore(%arg13 : memref<!tpu.dma_semaphore, #tpu.memory_space<semaphore_mem>>) src(%dma_wait3A_148 : memref<400x16xf32, #tpu.memory_space<hbm>>) dst(%arg8 : memref<400x16xf32, #tpu.memory_space<vmem>>)
    %dma_wait3A_149 = arith.constant 0 : i32
    %dma_wait3A_150 = arith.constant 0 : i32
    %dma_wait3A_151 = tpu.memref_slice %arg10[%dma_wait3A_149, %dma_wait3A_150] : memref<12288x16xf32, #tpu.memory_space<vmem_shared>> -> memref<12288x16xf32, #tpu.memory_space<vmem_shared>>
    tpu.wait_indirect_dma semaphore(%arg12 : memref<!tpu.dma_semaphore, #tpu.memory_space<semaphore_mem>>) src(%arg6 : memref<400x16xf32, #tpu.memory_space<vmem>>) dst(%dma_wait3A_151 : memref<12288x16xf32, #tpu.memory_space<vmem_shared>>)
    %add3A_152 = arith.constant 2400 : i32
    %add3A_153 = arith.addi %mul3A_37, %add3A_152 : i32
    %dma_start3A_154 = tpu.memref_slice %arg2[%add3A_153] : memref<320000xi32, #tpu.memory_space<hbm>> -> memref<400xi32, #tpu.memory_space<hbm>>
    %dma_start3A_155 = tpu.memref_slice %arg2[%add3A_153] : memref<320000xi32, #tpu.memory_space<hbm>> -> memref<400xi32, #tpu.memory_space<hbm>>
    tpu.enqueue_dma source(%dma_start3A_155 : memref<400xi32, #tpu.memory_space<hbm>>) target(%arg5 : memref<400xi32, #tpu.memory_space<vmem>>) target_semaphore(%arg11 : memref<!tpu.dma_semaphore, #tpu.memory_space<semaphore_mem>>)
    %dma_start3A_156 = arith.constant 0 : i32
    %dma_start3A_157 = tpu.memref_slice %arg3[%add3A_153, %dma_start3A_156] : memref<320000x16xf32, #tpu.memory_space<hbm>> -> memref<400x16xf32, #tpu.memory_space<hbm>>
    %dma_start3A_158 = arith.constant 0 : i32
    %dma_start3A_159 = tpu.memref_slice %arg3[%add3A_153, %dma_start3A_158] : memref<320000x16xf32, #tpu.memory_space<hbm>> -> memref<400x16xf32, #tpu.memory_space<hbm>>
    tpu.enqueue_dma source(%dma_start3A_159 : memref<400x16xf32, #tpu.memory_space<hbm>>) target(%arg6 : memref<400x16xf32, #tpu.memory_space<vmem>>) target_semaphore(%arg11 : memref<!tpu.dma_semaphore, #tpu.memory_space<semaphore_mem>>)
    %dma_start3A_160 = arith.constant 0 : i32
    %dma_start3A_161 = arith.constant 0 : i32
    %dma_start3A_162 = tpu.memref_slice %arg10[%dma_start3A_160, %dma_start3A_161] : memref<12288x16xf32, #tpu.memory_space<vmem_shared>> -> memref<12288x16xf32, #tpu.memory_space<vmem_shared>>
    tpu.enqueue_indirect_dma source(%arg8 : memref<400x16xf32, #tpu.memory_space<vmem>>) target(%dma_start3A_162 : memref<12288x16xf32, #tpu.memory_space<vmem_shared>>) offsets(%arg7 : memref<400xi32, #tpu.memory_space<vmem>>) semaphore(%arg14 : memref<!tpu.dma_semaphore, #tpu.memory_space<semaphore_mem>>) {add = true}
    %dma_wait3A_163 = tpu.memref_slice %arg2[%add3A_153] : memref<320000xi32, #tpu.memory_space<hbm>> -> memref<400xi32, #tpu.memory_space<hbm>>
    %dma_wait3A_164 = tpu.memref_slice %arg2[%add3A_153] : memref<320000xi32, #tpu.memory_space<hbm>> -> memref<400xi32, #tpu.memory_space<hbm>>
    tpu.wait_dma2 semaphore(%arg11 : memref<!tpu.dma_semaphore, #tpu.memory_space<semaphore_mem>>) src(%dma_wait3A_164 : memref<400xi32, #tpu.memory_space<hbm>>) dst(%arg5 : memref<400xi32, #tpu.memory_space<vmem>>)
    %dma_wait3A_165 = arith.constant 0 : i32
    %dma_wait3A_166 = tpu.memref_slice %arg3[%add3A_153, %dma_wait3A_165] : memref<320000x16xf32, #tpu.memory_space<hbm>> -> memref<400x16xf32, #tpu.memory_space<hbm>>
    %dma_wait3A_167 = arith.constant 0 : i32
    %dma_wait3A_168 = tpu.memref_slice %arg3[%add3A_153, %dma_wait3A_167] : memref<320000x16xf32, #tpu.memory_space<hbm>> -> memref<400x16xf32, #tpu.memory_space<hbm>>
    tpu.wait_dma2 semaphore(%arg11 : memref<!tpu.dma_semaphore, #tpu.memory_space<semaphore_mem>>) src(%dma_wait3A_168 : memref<400x16xf32, #tpu.memory_space<hbm>>) dst(%arg6 : memref<400x16xf32, #tpu.memory_space<vmem>>)
    %dma_wait3A_169 = arith.constant 0 : i32
    %dma_wait3A_170 = arith.constant 0 : i32
    %dma_wait3A_171 = tpu.memref_slice %arg10[%dma_wait3A_169, %dma_wait3A_170] : memref<12288x16xf32, #tpu.memory_space<vmem_shared>> -> memref<12288x16xf32, #tpu.memory_space<vmem_shared>>
    tpu.wait_indirect_dma semaphore(%arg14 : memref<!tpu.dma_semaphore, #tpu.memory_space<semaphore_mem>>) src(%arg8 : memref<400x16xf32, #tpu.memory_space<vmem>>) dst(%dma_wait3A_171 : memref<12288x16xf32, #tpu.memory_space<vmem_shared>>)
    %add3A_172 = arith.constant 2800 : i32
    %add3A_173 = arith.addi %mul3A_37, %add3A_172 : i32
    %dma_start3A_174 = tpu.memref_slice %arg2[%add3A_173] : memref<320000xi32, #tpu.memory_space<hbm>> -> memref<400xi32, #tpu.memory_space<hbm>>
    %dma_start3A_175 = tpu.memref_slice %arg2[%add3A_173] : memref<320000xi32, #tpu.memory_space<hbm>> -> memref<400xi32, #tpu.memory_space<hbm>>
    tpu.enqueue_dma source(%dma_start3A_175 : memref<400xi32, #tpu.memory_space<hbm>>) target(%arg7 : memref<400xi32, #tpu.memory_space<vmem>>) target_semaphore(%arg13 : memref<!tpu.dma_semaphore, #tpu.memory_space<semaphore_mem>>)
    %dma_start3A_176 = arith.constant 0 : i32
    %dma_start3A_177 = tpu.memref_slice %arg3[%add3A_173, %dma_start3A_176] : memref<320000x16xf32, #tpu.memory_space<hbm>> -> memref<400x16xf32, #tpu.memory_space<hbm>>
    %dma_start3A_178 = arith.constant 0 : i32
    %dma_start3A_179 = tpu.memref_slice %arg3[%add3A_173, %dma_start3A_178] : memref<320000x16xf32, #tpu.memory_space<hbm>> -> memref<400x16xf32, #tpu.memory_space<hbm>>
    tpu.enqueue_dma source(%dma_start3A_179 : memref<400x16xf32, #tpu.memory_space<hbm>>) target(%arg8 : memref<400x16xf32, #tpu.memory_space<vmem>>) target_semaphore(%arg13 : memref<!tpu.dma_semaphore, #tpu.memory_space<semaphore_mem>>)
    %dma_start3A_180 = arith.constant 0 : i32
    %dma_start3A_181 = arith.constant 0 : i32
    %dma_start3A_182 = tpu.memref_slice %arg10[%dma_start3A_180, %dma_start3A_181] : memref<12288x16xf32, #tpu.memory_space<vmem_shared>> -> memref<12288x16xf32, #tpu.memory_space<vmem_shared>>
    tpu.enqueue_indirect_dma source(%arg6 : memref<400x16xf32, #tpu.memory_space<vmem>>) target(%dma_start3A_182 : memref<12288x16xf32, #tpu.memory_space<vmem_shared>>) offsets(%arg5 : memref<400xi32, #tpu.memory_space<vmem>>) semaphore(%arg12 : memref<!tpu.dma_semaphore, #tpu.memory_space<semaphore_mem>>) {add = true}
    %dma_wait3A_183 = tpu.memref_slice %arg2[%add3A_173] : memref<320000xi32, #tpu.memory_space<hbm>> -> memref<400xi32, #tpu.memory_space<hbm>>
    %dma_wait3A_184 = tpu.memref_slice %arg2[%add3A_173] : memref<320000xi32, #tpu.memory_space<hbm>> -> memref<400xi32, #tpu.memory_space<hbm>>
    tpu.wait_dma2 semaphore(%arg13 : memref<!tpu.dma_semaphore, #tpu.memory_space<semaphore_mem>>) src(%dma_wait3A_184 : memref<400xi32, #tpu.memory_space<hbm>>) dst(%arg7 : memref<400xi32, #tpu.memory_space<vmem>>)
    %dma_wait3A_185 = arith.constant 0 : i32
    %dma_wait3A_186 = tpu.memref_slice %arg3[%add3A_173, %dma_wait3A_185] : memref<320000x16xf32, #tpu.memory_space<hbm>> -> memref<400x16xf32, #tpu.memory_space<hbm>>
    %dma_wait3A_187 = arith.constant 0 : i32
    %dma_wait3A_188 = tpu.memref_slice %arg3[%add3A_173, %dma_wait3A_187] : memref<320000x16xf32, #tpu.memory_space<hbm>> -> memref<400x16xf32, #tpu.memory_space<hbm>>
    tpu.wait_dma2 semaphore(%arg13 : memref<!tpu.dma_semaphore, #tpu.memory_space<semaphore_mem>>) src(%dma_wait3A_188 : memref<400x16xf32, #tpu.memory_space<hbm>>) dst(%arg8 : memref<400x16xf32, #tpu.memory_space<vmem>>)
    %dma_wait3A_189 = arith.constant 0 : i32
    %dma_wait3A_190 = arith.constant 0 : i32
    %dma_wait3A_191 = tpu.memref_slice %arg10[%dma_wait3A_189, %dma_wait3A_190] : memref<12288x16xf32, #tpu.memory_space<vmem_shared>> -> memref<12288x16xf32, #tpu.memory_space<vmem_shared>>
    tpu.wait_indirect_dma semaphore(%arg12 : memref<!tpu.dma_semaphore, #tpu.memory_space<semaphore_mem>>) src(%arg6 : memref<400x16xf32, #tpu.memory_space<vmem>>) dst(%dma_wait3A_191 : memref<12288x16xf32, #tpu.memory_space<vmem_shared>>)
    %add3A_192 = arith.constant 3200 : i32
    %add3A_193 = arith.addi %mul3A_37, %add3A_192 : i32
    %dma_start3A_194 = tpu.memref_slice %arg2[%add3A_193] : memref<320000xi32, #tpu.memory_space<hbm>> -> memref<400xi32, #tpu.memory_space<hbm>>
    %dma_start3A_195 = tpu.memref_slice %arg2[%add3A_193] : memref<320000xi32, #tpu.memory_space<hbm>> -> memref<400xi32, #tpu.memory_space<hbm>>
    tpu.enqueue_dma source(%dma_start3A_195 : memref<400xi32, #tpu.memory_space<hbm>>) target(%arg5 : memref<400xi32, #tpu.memory_space<vmem>>) target_semaphore(%arg11 : memref<!tpu.dma_semaphore, #tpu.memory_space<semaphore_mem>>)
    %dma_start3A_196 = arith.constant 0 : i32
    %dma_start3A_197 = tpu.memref_slice %arg3[%add3A_193, %dma_start3A_196] : memref<320000x16xf32, #tpu.memory_space<hbm>> -> memref<400x16xf32, #tpu.memory_space<hbm>>
    %dma_start3A_198 = arith.constant 0 : i32
    %dma_start3A_199 = tpu.memref_slice %arg3[%add3A_193, %dma_start3A_198] : memref<320000x16xf32, #tpu.memory_space<hbm>> -> memref<400x16xf32, #tpu.memory_space<hbm>>
    tpu.enqueue_dma source(%dma_start3A_199 : memref<400x16xf32, #tpu.memory_space<hbm>>) target(%arg6 : memref<400x16xf32, #tpu.memory_space<vmem>>) target_semaphore(%arg11 : memref<!tpu.dma_semaphore, #tpu.memory_space<semaphore_mem>>)
    %dma_start3A_200 = arith.constant 0 : i32
    %dma_start3A_201 = arith.constant 0 : i32
    %dma_start3A_202 = tpu.memref_slice %arg10[%dma_start3A_200, %dma_start3A_201] : memref<12288x16xf32, #tpu.memory_space<vmem_shared>> -> memref<12288x16xf32, #tpu.memory_space<vmem_shared>>
    tpu.enqueue_indirect_dma source(%arg8 : memref<400x16xf32, #tpu.memory_space<vmem>>) target(%dma_start3A_202 : memref<12288x16xf32, #tpu.memory_space<vmem_shared>>) offsets(%arg7 : memref<400xi32, #tpu.memory_space<vmem>>) semaphore(%arg14 : memref<!tpu.dma_semaphore, #tpu.memory_space<semaphore_mem>>) {add = true}
    %dma_wait3A_203 = tpu.memref_slice %arg2[%add3A_193] : memref<320000xi32, #tpu.memory_space<hbm>> -> memref<400xi32, #tpu.memory_space<hbm>>
    %dma_wait3A_204 = tpu.memref_slice %arg2[%add3A_193] : memref<320000xi32, #tpu.memory_space<hbm>> -> memref<400xi32, #tpu.memory_space<hbm>>
    tpu.wait_dma2 semaphore(%arg11 : memref<!tpu.dma_semaphore, #tpu.memory_space<semaphore_mem>>) src(%dma_wait3A_204 : memref<400xi32, #tpu.memory_space<hbm>>) dst(%arg5 : memref<400xi32, #tpu.memory_space<vmem>>)
    %dma_wait3A_205 = arith.constant 0 : i32
    %dma_wait3A_206 = tpu.memref_slice %arg3[%add3A_193, %dma_wait3A_205] : memref<320000x16xf32, #tpu.memory_space<hbm>> -> memref<400x16xf32, #tpu.memory_space<hbm>>
    %dma_wait3A_207 = arith.constant 0 : i32
    %dma_wait3A_208 = tpu.memref_slice %arg3[%add3A_193, %dma_wait3A_207] : memref<320000x16xf32, #tpu.memory_space<hbm>> -> memref<400x16xf32, #tpu.memory_space<hbm>>
    tpu.wait_dma2 semaphore(%arg11 : memref<!tpu.dma_semaphore, #tpu.memory_space<semaphore_mem>>) src(%dma_wait3A_208 : memref<400x16xf32, #tpu.memory_space<hbm>>) dst(%arg6 : memref<400x16xf32, #tpu.memory_space<vmem>>)
    %dma_wait3A_209 = arith.constant 0 : i32
    %dma_wait3A_210 = arith.constant 0 : i32
    %dma_wait3A_211 = tpu.memref_slice %arg10[%dma_wait3A_209, %dma_wait3A_210] : memref<12288x16xf32, #tpu.memory_space<vmem_shared>> -> memref<12288x16xf32, #tpu.memory_space<vmem_shared>>
    tpu.wait_indirect_dma semaphore(%arg14 : memref<!tpu.dma_semaphore, #tpu.memory_space<semaphore_mem>>) src(%arg8 : memref<400x16xf32, #tpu.memory_space<vmem>>) dst(%dma_wait3A_211 : memref<12288x16xf32, #tpu.memory_space<vmem_shared>>)
    %add3A_212 = arith.constant 3600 : i32
    %add3A_213 = arith.addi %mul3A_37, %add3A_212 : i32
    %dma_start3A_214 = tpu.memref_slice %arg2[%add3A_213] : memref<320000xi32, #tpu.memory_space<hbm>> -> memref<400xi32, #tpu.memory_space<hbm>>
    %dma_start3A_215 = tpu.memref_slice %arg2[%add3A_213] : memref<320000xi32, #tpu.memory_space<hbm>> -> memref<400xi32, #tpu.memory_space<hbm>>
    tpu.enqueue_dma source(%dma_start3A_215 : memref<400xi32, #tpu.memory_space<hbm>>) target(%arg7 : memref<400xi32, #tpu.memory_space<vmem>>) target_semaphore(%arg13 : memref<!tpu.dma_semaphore, #tpu.memory_space<semaphore_mem>>)
    %dma_start3A_216 = arith.constant 0 : i32
    %dma_start3A_217 = tpu.memref_slice %arg3[%add3A_213, %dma_start3A_216] : memref<320000x16xf32, #tpu.memory_space<hbm>> -> memref<400x16xf32, #tpu.memory_space<hbm>>
    %dma_start3A_218 = arith.constant 0 : i32
    %dma_start3A_219 = tpu.memref_slice %arg3[%add3A_213, %dma_start3A_218] : memref<320000x16xf32, #tpu.memory_space<hbm>> -> memref<400x16xf32, #tpu.memory_space<hbm>>
    tpu.enqueue_dma source(%dma_start3A_219 : memref<400x16xf32, #tpu.memory_space<hbm>>) target(%arg8 : memref<400x16xf32, #tpu.memory_space<vmem>>) target_semaphore(%arg13 : memref<!tpu.dma_semaphore, #tpu.memory_space<semaphore_mem>>)
    %dma_start3A_220 = arith.constant 0 : i32
    %dma_start3A_221 = arith.constant 0 : i32
    %dma_start3A_222 = tpu.memref_slice %arg10[%dma_start3A_220, %dma_start3A_221] : memref<12288x16xf32, #tpu.memory_space<vmem_shared>> -> memref<12288x16xf32, #tpu.memory_space<vmem_shared>>
    tpu.enqueue_indirect_dma source(%arg6 : memref<400x16xf32, #tpu.memory_space<vmem>>) target(%dma_start3A_222 : memref<12288x16xf32, #tpu.memory_space<vmem_shared>>) offsets(%arg5 : memref<400xi32, #tpu.memory_space<vmem>>) semaphore(%arg12 : memref<!tpu.dma_semaphore, #tpu.memory_space<semaphore_mem>>) {add = true}
    %dma_wait3A_223 = tpu.memref_slice %arg2[%add3A_213] : memref<320000xi32, #tpu.memory_space<hbm>> -> memref<400xi32, #tpu.memory_space<hbm>>
    %dma_wait3A_224 = tpu.memref_slice %arg2[%add3A_213] : memref<320000xi32, #tpu.memory_space<hbm>> -> memref<400xi32, #tpu.memory_space<hbm>>
    tpu.wait_dma2 semaphore(%arg13 : memref<!tpu.dma_semaphore, #tpu.memory_space<semaphore_mem>>) src(%dma_wait3A_224 : memref<400xi32, #tpu.memory_space<hbm>>) dst(%arg7 : memref<400xi32, #tpu.memory_space<vmem>>)
    %dma_wait3A_225 = arith.constant 0 : i32
    %dma_wait3A_226 = tpu.memref_slice %arg3[%add3A_213, %dma_wait3A_225] : memref<320000x16xf32, #tpu.memory_space<hbm>> -> memref<400x16xf32, #tpu.memory_space<hbm>>
    %dma_wait3A_227 = arith.constant 0 : i32
    %dma_wait3A_228 = tpu.memref_slice %arg3[%add3A_213, %dma_wait3A_227] : memref<320000x16xf32, #tpu.memory_space<hbm>> -> memref<400x16xf32, #tpu.memory_space<hbm>>
    tpu.wait_dma2 semaphore(%arg13 : memref<!tpu.dma_semaphore, #tpu.memory_space<semaphore_mem>>) src(%dma_wait3A_228 : memref<400x16xf32, #tpu.memory_space<hbm>>) dst(%arg8 : memref<400x16xf32, #tpu.memory_space<vmem>>)
    %dma_wait3A_229 = arith.constant 0 : i32
    %dma_wait3A_230 = arith.constant 0 : i32
    %dma_wait3A_231 = tpu.memref_slice %arg10[%dma_wait3A_229, %dma_wait3A_230] : memref<12288x16xf32, #tpu.memory_space<vmem_shared>> -> memref<12288x16xf32, #tpu.memory_space<vmem_shared>>
    tpu.wait_indirect_dma semaphore(%arg12 : memref<!tpu.dma_semaphore, #tpu.memory_space<semaphore_mem>>) src(%arg6 : memref<400x16xf32, #tpu.memory_space<vmem>>) dst(%dma_wait3A_231 : memref<12288x16xf32, #tpu.memory_space<vmem_shared>>)
    %add3A_232 = arith.constant 4000 : i32
    %add3A_233 = arith.addi %mul3A_37, %add3A_232 : i32
    %dma_start3A_234 = tpu.memref_slice %arg2[%add3A_233] : memref<320000xi32, #tpu.memory_space<hbm>> -> memref<400xi32, #tpu.memory_space<hbm>>
    %dma_start3A_235 = tpu.memref_slice %arg2[%add3A_233] : memref<320000xi32, #tpu.memory_space<hbm>> -> memref<400xi32, #tpu.memory_space<hbm>>
    tpu.enqueue_dma source(%dma_start3A_235 : memref<400xi32, #tpu.memory_space<hbm>>) target(%arg5 : memref<400xi32, #tpu.memory_space<vmem>>) target_semaphore(%arg11 : memref<!tpu.dma_semaphore, #tpu.memory_space<semaphore_mem>>)
    %dma_start3A_236 = arith.constant 0 : i32
    %dma_start3A_237 = tpu.memref_slice %arg3[%add3A_233, %dma_start3A_236] : memref<320000x16xf32, #tpu.memory_space<hbm>> -> memref<400x16xf32, #tpu.memory_space<hbm>>
    %dma_start3A_238 = arith.constant 0 : i32
    %dma_start3A_239 = tpu.memref_slice %arg3[%add3A_233, %dma_start3A_238] : memref<320000x16xf32, #tpu.memory_space<hbm>> -> memref<400x16xf32, #tpu.memory_space<hbm>>
    tpu.enqueue_dma source(%dma_start3A_239 : memref<400x16xf32, #tpu.memory_space<hbm>>) target(%arg6 : memref<400x16xf32, #tpu.memory_space<vmem>>) target_semaphore(%arg11 : memref<!tpu.dma_semaphore, #tpu.memory_space<semaphore_mem>>)
    %dma_start3A_240 = arith.constant 0 : i32
    %dma_start3A_241 = arith.constant 0 : i32
    %dma_start3A_242 = tpu.memref_slice %arg10[%dma_start3A_240, %dma_start3A_241] : memref<12288x16xf32, #tpu.memory_space<vmem_shared>> -> memref<12288x16xf32, #tpu.memory_space<vmem_shared>>
    tpu.enqueue_indirect_dma source(%arg8 : memref<400x16xf32, #tpu.memory_space<vmem>>) target(%dma_start3A_242 : memref<12288x16xf32, #tpu.memory_space<vmem_shared>>) offsets(%arg7 : memref<400xi32, #tpu.memory_space<vmem>>) semaphore(%arg14 : memref<!tpu.dma_semaphore, #tpu.memory_space<semaphore_mem>>) {add = true}
    %dma_wait3A_243 = tpu.memref_slice %arg2[%add3A_233] : memref<320000xi32, #tpu.memory_space<hbm>> -> memref<400xi32, #tpu.memory_space<hbm>>
    %dma_wait3A_244 = tpu.memref_slice %arg2[%add3A_233] : memref<320000xi32, #tpu.memory_space<hbm>> -> memref<400xi32, #tpu.memory_space<hbm>>
    tpu.wait_dma2 semaphore(%arg11 : memref<!tpu.dma_semaphore, #tpu.memory_space<semaphore_mem>>) src(%dma_wait3A_244 : memref<400xi32, #tpu.memory_space<hbm>>) dst(%arg5 : memref<400xi32, #tpu.memory_space<vmem>>)
    %dma_wait3A_245 = arith.constant 0 : i32
    %dma_wait3A_246 = tpu.memref_slice %arg3[%add3A_233, %dma_wait3A_245] : memref<320000x16xf32, #tpu.memory_space<hbm>> -> memref<400x16xf32, #tpu.memory_space<hbm>>
    %dma_wait3A_247 = arith.constant 0 : i32
    %dma_wait3A_248 = tpu.memref_slice %arg3[%add3A_233, %dma_wait3A_247] : memref<320000x16xf32, #tpu.memory_space<hbm>> -> memref<400x16xf32, #tpu.memory_space<hbm>>
    tpu.wait_dma2 semaphore(%arg11 : memref<!tpu.dma_semaphore, #tpu.memory_space<semaphore_mem>>) src(%dma_wait3A_248 : memref<400x16xf32, #tpu.memory_space<hbm>>) dst(%arg6 : memref<400x16xf32, #tpu.memory_space<vmem>>)
    %dma_wait3A_249 = arith.constant 0 : i32
    %dma_wait3A_250 = arith.constant 0 : i32
    %dma_wait3A_251 = tpu.memref_slice %arg10[%dma_wait3A_249, %dma_wait3A_250] : memref<12288x16xf32, #tpu.memory_space<vmem_shared>> -> memref<12288x16xf32, #tpu.memory_space<vmem_shared>>
    tpu.wait_indirect_dma semaphore(%arg14 : memref<!tpu.dma_semaphore, #tpu.memory_space<semaphore_mem>>) src(%arg8 : memref<400x16xf32, #tpu.memory_space<vmem>>) dst(%dma_wait3A_251 : memref<12288x16xf32, #tpu.memory_space<vmem_shared>>)
    %add3A_252 = arith.constant 4400 : i32
    %add3A_253 = arith.addi %mul3A_37, %add3A_252 : i32
    %dma_start3A_254 = tpu.memref_slice %arg2[%add3A_253] : memref<320000xi32, #tpu.memory_space<hbm>> -> memref<400xi32, #tpu.memory_space<hbm>>
    %dma_start3A_255 = tpu.memref_slice %arg2[%add3A_253] : memref<320000xi32, #tpu.memory_space<hbm>> -> memref<400xi32, #tpu.memory_space<hbm>>
    tpu.enqueue_dma source(%dma_start3A_255 : memref<400xi32, #tpu.memory_space<hbm>>) target(%arg7 : memref<400xi32, #tpu.memory_space<vmem>>) target_semaphore(%arg13 : memref<!tpu.dma_semaphore, #tpu.memory_space<semaphore_mem>>)
    %dma_start3A_256 = arith.constant 0 : i32
    %dma_start3A_257 = tpu.memref_slice %arg3[%add3A_253, %dma_start3A_256] : memref<320000x16xf32, #tpu.memory_space<hbm>> -> memref<400x16xf32, #tpu.memory_space<hbm>>
    %dma_start3A_258 = arith.constant 0 : i32
    %dma_start3A_259 = tpu.memref_slice %arg3[%add3A_253, %dma_start3A_258] : memref<320000x16xf32, #tpu.memory_space<hbm>> -> memref<400x16xf32, #tpu.memory_space<hbm>>
    tpu.enqueue_dma source(%dma_start3A_259 : memref<400x16xf32, #tpu.memory_space<hbm>>) target(%arg8 : memref<400x16xf32, #tpu.memory_space<vmem>>) target_semaphore(%arg13 : memref<!tpu.dma_semaphore, #tpu.memory_space<semaphore_mem>>)
    %dma_start3A_260 = arith.constant 0 : i32
    %dma_start3A_261 = arith.constant 0 : i32
    %dma_start3A_262 = tpu.memref_slice %arg10[%dma_start3A_260, %dma_start3A_261] : memref<12288x16xf32, #tpu.memory_space<vmem_shared>> -> memref<12288x16xf32, #tpu.memory_space<vmem_shared>>
    tpu.enqueue_indirect_dma source(%arg6 : memref<400x16xf32, #tpu.memory_space<vmem>>) target(%dma_start3A_262 : memref<12288x16xf32, #tpu.memory_space<vmem_shared>>) offsets(%arg5 : memref<400xi32, #tpu.memory_space<vmem>>) semaphore(%arg12 : memref<!tpu.dma_semaphore, #tpu.memory_space<semaphore_mem>>) {add = true}
    %dma_wait3A_263 = tpu.memref_slice %arg2[%add3A_253] : memref<320000xi32, #tpu.memory_space<hbm>> -> memref<400xi32, #tpu.memory_space<hbm>>
    %dma_wait3A_264 = tpu.memref_slice %arg2[%add3A_253] : memref<320000xi32, #tpu.memory_space<hbm>> -> memref<400xi32, #tpu.memory_space<hbm>>
    tpu.wait_dma2 semaphore(%arg13 : memref<!tpu.dma_semaphore, #tpu.memory_space<semaphore_mem>>) src(%dma_wait3A_264 : memref<400xi32, #tpu.memory_space<hbm>>) dst(%arg7 : memref<400xi32, #tpu.memory_space<vmem>>)
    %dma_wait3A_265 = arith.constant 0 : i32
    %dma_wait3A_266 = tpu.memref_slice %arg3[%add3A_253, %dma_wait3A_265] : memref<320000x16xf32, #tpu.memory_space<hbm>> -> memref<400x16xf32, #tpu.memory_space<hbm>>
    %dma_wait3A_267 = arith.constant 0 : i32
    %dma_wait3A_268 = tpu.memref_slice %arg3[%add3A_253, %dma_wait3A_267] : memref<320000x16xf32, #tpu.memory_space<hbm>> -> memref<400x16xf32, #tpu.memory_space<hbm>>
    tpu.wait_dma2 semaphore(%arg13 : memref<!tpu.dma_semaphore, #tpu.memory_space<semaphore_mem>>) src(%dma_wait3A_268 : memref<400x16xf32, #tpu.memory_space<hbm>>) dst(%arg8 : memref<400x16xf32, #tpu.memory_space<vmem>>)
    %dma_wait3A_269 = arith.constant 0 : i32
    %dma_wait3A_270 = arith.constant 0 : i32
    %dma_wait3A_271 = tpu.memref_slice %arg10[%dma_wait3A_269, %dma_wait3A_270] : memref<12288x16xf32, #tpu.memory_space<vmem_shared>> -> memref<12288x16xf32, #tpu.memory_space<vmem_shared>>
    tpu.wait_indirect_dma semaphore(%arg12 : memref<!tpu.dma_semaphore, #tpu.memory_space<semaphore_mem>>) src(%arg6 : memref<400x16xf32, #tpu.memory_space<vmem>>) dst(%dma_wait3A_271 : memref<12288x16xf32, #tpu.memory_space<vmem_shared>>)
    %add3A_272 = arith.constant 4800 : i32
    %add3A_273 = arith.addi %mul3A_37, %add3A_272 : i32
    %dma_start3A_274 = tpu.memref_slice %arg2[%add3A_273] : memref<320000xi32, #tpu.memory_space<hbm>> -> memref<400xi32, #tpu.memory_space<hbm>>
    %dma_start3A_275 = tpu.memref_slice %arg2[%add3A_273] : memref<320000xi32, #tpu.memory_space<hbm>> -> memref<400xi32, #tpu.memory_space<hbm>>
    tpu.enqueue_dma source(%dma_start3A_275 : memref<400xi32, #tpu.memory_space<hbm>>) target(%arg5 : memref<400xi32, #tpu.memory_space<vmem>>) target_semaphore(%arg11 : memref<!tpu.dma_semaphore, #tpu.memory_space<semaphore_mem>>)
    %dma_start3A_276 = arith.constant 0 : i32
    %dma_start3A_277 = tpu.memref_slice %arg3[%add3A_273, %dma_start3A_276] : memref<320000x16xf32, #tpu.memory_space<hbm>> -> memref<400x16xf32, #tpu.memory_space<hbm>>
    %dma_start3A_278 = arith.constant 0 : i32
    %dma_start3A_279 = tpu.memref_slice %arg3[%add3A_273, %dma_start3A_278] : memref<320000x16xf32, #tpu.memory_space<hbm>> -> memref<400x16xf32, #tpu.memory_space<hbm>>
    tpu.enqueue_dma source(%dma_start3A_279 : memref<400x16xf32, #tpu.memory_space<hbm>>) target(%arg6 : memref<400x16xf32, #tpu.memory_space<vmem>>) target_semaphore(%arg11 : memref<!tpu.dma_semaphore, #tpu.memory_space<semaphore_mem>>)
    %dma_start3A_280 = arith.constant 0 : i32
    %dma_start3A_281 = arith.constant 0 : i32
    %dma_start3A_282 = tpu.memref_slice %arg10[%dma_start3A_280, %dma_start3A_281] : memref<12288x16xf32, #tpu.memory_space<vmem_shared>> -> memref<12288x16xf32, #tpu.memory_space<vmem_shared>>
    tpu.enqueue_indirect_dma source(%arg8 : memref<400x16xf32, #tpu.memory_space<vmem>>) target(%dma_start3A_282 : memref<12288x16xf32, #tpu.memory_space<vmem_shared>>) offsets(%arg7 : memref<400xi32, #tpu.memory_space<vmem>>) semaphore(%arg14 : memref<!tpu.dma_semaphore, #tpu.memory_space<semaphore_mem>>) {add = true}
    %dma_wait3A_283 = tpu.memref_slice %arg2[%add3A_273] : memref<320000xi32, #tpu.memory_space<hbm>> -> memref<400xi32, #tpu.memory_space<hbm>>
    %dma_wait3A_284 = tpu.memref_slice %arg2[%add3A_273] : memref<320000xi32, #tpu.memory_space<hbm>> -> memref<400xi32, #tpu.memory_space<hbm>>
    tpu.wait_dma2 semaphore(%arg11 : memref<!tpu.dma_semaphore, #tpu.memory_space<semaphore_mem>>) src(%dma_wait3A_284 : memref<400xi32, #tpu.memory_space<hbm>>) dst(%arg5 : memref<400xi32, #tpu.memory_space<vmem>>)
    %dma_wait3A_285 = arith.constant 0 : i32
    %dma_wait3A_286 = tpu.memref_slice %arg3[%add3A_273, %dma_wait3A_285] : memref<320000x16xf32, #tpu.memory_space<hbm>> -> memref<400x16xf32, #tpu.memory_space<hbm>>
    %dma_wait3A_287 = arith.constant 0 : i32
    %dma_wait3A_288 = tpu.memref_slice %arg3[%add3A_273, %dma_wait3A_287] : memref<320000x16xf32, #tpu.memory_space<hbm>> -> memref<400x16xf32, #tpu.memory_space<hbm>>
    tpu.wait_dma2 semaphore(%arg11 : memref<!tpu.dma_semaphore, #tpu.memory_space<semaphore_mem>>) src(%dma_wait3A_288 : memref<400x16xf32, #tpu.memory_space<hbm>>) dst(%arg6 : memref<400x16xf32, #tpu.memory_space<vmem>>)
    %dma_wait3A_289 = arith.constant 0 : i32
    %dma_wait3A_290 = arith.constant 0 : i32
    %dma_wait3A_291 = tpu.memref_slice %arg10[%dma_wait3A_289, %dma_wait3A_290] : memref<12288x16xf32, #tpu.memory_space<vmem_shared>> -> memref<12288x16xf32, #tpu.memory_space<vmem_shared>>
    tpu.wait_indirect_dma semaphore(%arg14 : memref<!tpu.dma_semaphore, #tpu.memory_space<semaphore_mem>>) src(%arg8 : memref<400x16xf32, #tpu.memory_space<vmem>>) dst(%dma_wait3A_291 : memref<12288x16xf32, #tpu.memory_space<vmem_shared>>)
    %add3A_292 = arith.constant 5200 : i32
    %add3A_293 = arith.addi %mul3A_37, %add3A_292 : i32
    %dma_start3A_294 = tpu.memref_slice %arg2[%add3A_293] : memref<320000xi32, #tpu.memory_space<hbm>> -> memref<400xi32, #tpu.memory_space<hbm>>
    %dma_start3A_295 = tpu.memref_slice %arg2[%add3A_293] : memref<320000xi32, #tpu.memory_space<hbm>> -> memref<400xi32, #tpu.memory_space<hbm>>
    tpu.enqueue_dma source(%dma_start3A_295 : memref<400xi32, #tpu.memory_space<hbm>>) target(%arg7 : memref<400xi32, #tpu.memory_space<vmem>>) target_semaphore(%arg13 : memref<!tpu.dma_semaphore, #tpu.memory_space<semaphore_mem>>)
    %dma_start3A_296 = arith.constant 0 : i32
    %dma_start3A_297 = tpu.memref_slice %arg3[%add3A_293, %dma_start3A_296] : memref<320000x16xf32, #tpu.memory_space<hbm>> -> memref<400x16xf32, #tpu.memory_space<hbm>>
    %dma_start3A_298 = arith.constant 0 : i32
    %dma_start3A_299 = tpu.memref_slice %arg3[%add3A_293, %dma_start3A_298] : memref<320000x16xf32, #tpu.memory_space<hbm>> -> memref<400x16xf32, #tpu.memory_space<hbm>>
    tpu.enqueue_dma source(%dma_start3A_299 : memref<400x16xf32, #tpu.memory_space<hbm>>) target(%arg8 : memref<400x16xf32, #tpu.memory_space<vmem>>) target_semaphore(%arg13 : memref<!tpu.dma_semaphore, #tpu.memory_space<semaphore_mem>>)
    %dma_start3A_300 = arith.constant 0 : i32
    %dma_start3A_301 = arith.constant 0 : i32
    %dma_start3A_302 = tpu.memref_slice %arg10[%dma_start3A_300, %dma_start3A_301] : memref<12288x16xf32, #tpu.memory_space<vmem_shared>> -> memref<12288x16xf32, #tpu.memory_space<vmem_shared>>
    tpu.enqueue_indirect_dma source(%arg6 : memref<400x16xf32, #tpu.memory_space<vmem>>) target(%dma_start3A_302 : memref<12288x16xf32, #tpu.memory_space<vmem_shared>>) offsets(%arg5 : memref<400xi32, #tpu.memory_space<vmem>>) semaphore(%arg12 : memref<!tpu.dma_semaphore, #tpu.memory_space<semaphore_mem>>) {add = true}
    %dma_wait3A_303 = tpu.memref_slice %arg2[%add3A_293] : memref<320000xi32, #tpu.memory_space<hbm>> -> memref<400xi32, #tpu.memory_space<hbm>>
    %dma_wait3A_304 = tpu.memref_slice %arg2[%add3A_293] : memref<320000xi32, #tpu.memory_space<hbm>> -> memref<400xi32, #tpu.memory_space<hbm>>
    tpu.wait_dma2 semaphore(%arg13 : memref<!tpu.dma_semaphore, #tpu.memory_space<semaphore_mem>>) src(%dma_wait3A_304 : memref<400xi32, #tpu.memory_space<hbm>>) dst(%arg7 : memref<400xi32, #tpu.memory_space<vmem>>)
    %dma_wait3A_305 = arith.constant 0 : i32
    %dma_wait3A_306 = tpu.memref_slice %arg3[%add3A_293, %dma_wait3A_305] : memref<320000x16xf32, #tpu.memory_space<hbm>> -> memref<400x16xf32, #tpu.memory_space<hbm>>
    %dma_wait3A_307 = arith.constant 0 : i32
    %dma_wait3A_308 = tpu.memref_slice %arg3[%add3A_293, %dma_wait3A_307] : memref<320000x16xf32, #tpu.memory_space<hbm>> -> memref<400x16xf32, #tpu.memory_space<hbm>>
    tpu.wait_dma2 semaphore(%arg13 : memref<!tpu.dma_semaphore, #tpu.memory_space<semaphore_mem>>) src(%dma_wait3A_308 : memref<400x16xf32, #tpu.memory_space<hbm>>) dst(%arg8 : memref<400x16xf32, #tpu.memory_space<vmem>>)
    %dma_wait3A_309 = arith.constant 0 : i32
    %dma_wait3A_310 = arith.constant 0 : i32
    %dma_wait3A_311 = tpu.memref_slice %arg10[%dma_wait3A_309, %dma_wait3A_310] : memref<12288x16xf32, #tpu.memory_space<vmem_shared>> -> memref<12288x16xf32, #tpu.memory_space<vmem_shared>>
    tpu.wait_indirect_dma semaphore(%arg12 : memref<!tpu.dma_semaphore, #tpu.memory_space<semaphore_mem>>) src(%arg6 : memref<400x16xf32, #tpu.memory_space<vmem>>) dst(%dma_wait3A_311 : memref<12288x16xf32, #tpu.memory_space<vmem_shared>>)
    %add3A_312 = arith.constant 5600 : i32
    %add3A_313 = arith.addi %mul3A_37, %add3A_312 : i32
    %dma_start3A_314 = tpu.memref_slice %arg2[%add3A_313] : memref<320000xi32, #tpu.memory_space<hbm>> -> memref<400xi32, #tpu.memory_space<hbm>>
    %dma_start3A_315 = tpu.memref_slice %arg2[%add3A_313] : memref<320000xi32, #tpu.memory_space<hbm>> -> memref<400xi32, #tpu.memory_space<hbm>>
    tpu.enqueue_dma source(%dma_start3A_315 : memref<400xi32, #tpu.memory_space<hbm>>) target(%arg5 : memref<400xi32, #tpu.memory_space<vmem>>) target_semaphore(%arg11 : memref<!tpu.dma_semaphore, #tpu.memory_space<semaphore_mem>>)
    %dma_start3A_316 = arith.constant 0 : i32
    %dma_start3A_317 = tpu.memref_slice %arg3[%add3A_313, %dma_start3A_316] : memref<320000x16xf32, #tpu.memory_space<hbm>> -> memref<400x16xf32, #tpu.memory_space<hbm>>
    %dma_start3A_318 = arith.constant 0 : i32
    %dma_start3A_319 = tpu.memref_slice %arg3[%add3A_313, %dma_start3A_318] : memref<320000x16xf32, #tpu.memory_space<hbm>> -> memref<400x16xf32, #tpu.memory_space<hbm>>
    tpu.enqueue_dma source(%dma_start3A_319 : memref<400x16xf32, #tpu.memory_space<hbm>>) target(%arg6 : memref<400x16xf32, #tpu.memory_space<vmem>>) target_semaphore(%arg11 : memref<!tpu.dma_semaphore, #tpu.memory_space<semaphore_mem>>)
    %dma_start3A_320 = arith.constant 0 : i32
    %dma_start3A_321 = arith.constant 0 : i32
    %dma_start3A_322 = tpu.memref_slice %arg10[%dma_start3A_320, %dma_start3A_321] : memref<12288x16xf32, #tpu.memory_space<vmem_shared>> -> memref<12288x16xf32, #tpu.memory_space<vmem_shared>>
    tpu.enqueue_indirect_dma source(%arg8 : memref<400x16xf32, #tpu.memory_space<vmem>>) target(%dma_start3A_322 : memref<12288x16xf32, #tpu.memory_space<vmem_shared>>) offsets(%arg7 : memref<400xi32, #tpu.memory_space<vmem>>) semaphore(%arg14 : memref<!tpu.dma_semaphore, #tpu.memory_space<semaphore_mem>>) {add = true}
    %dma_wait3A_323 = tpu.memref_slice %arg2[%add3A_313] : memref<320000xi32, #tpu.memory_space<hbm>> -> memref<400xi32, #tpu.memory_space<hbm>>
    %dma_wait3A_324 = tpu.memref_slice %arg2[%add3A_313] : memref<320000xi32, #tpu.memory_space<hbm>> -> memref<400xi32, #tpu.memory_space<hbm>>
    tpu.wait_dma2 semaphore(%arg11 : memref<!tpu.dma_semaphore, #tpu.memory_space<semaphore_mem>>) src(%dma_wait3A_324 : memref<400xi32, #tpu.memory_space<hbm>>) dst(%arg5 : memref<400xi32, #tpu.memory_space<vmem>>)
    %dma_wait3A_325 = arith.constant 0 : i32
    %dma_wait3A_326 = tpu.memref_slice %arg3[%add3A_313, %dma_wait3A_325] : memref<320000x16xf32, #tpu.memory_space<hbm>> -> memref<400x16xf32, #tpu.memory_space<hbm>>
    %dma_wait3A_327 = arith.constant 0 : i32
    %dma_wait3A_328 = tpu.memref_slice %arg3[%add3A_313, %dma_wait3A_327] : memref<320000x16xf32, #tpu.memory_space<hbm>> -> memref<400x16xf32, #tpu.memory_space<hbm>>
    tpu.wait_dma2 semaphore(%arg11 : memref<!tpu.dma_semaphore, #tpu.memory_space<semaphore_mem>>) src(%dma_wait3A_328 : memref<400x16xf32, #tpu.memory_space<hbm>>) dst(%arg6 : memref<400x16xf32, #tpu.memory_space<vmem>>)
    %dma_wait3A_329 = arith.constant 0 : i32
    %dma_wait3A_330 = arith.constant 0 : i32
    %dma_wait3A_331 = tpu.memref_slice %arg10[%dma_wait3A_329, %dma_wait3A_330] : memref<12288x16xf32, #tpu.memory_space<vmem_shared>> -> memref<12288x16xf32, #tpu.memory_space<vmem_shared>>
    tpu.wait_indirect_dma semaphore(%arg14 : memref<!tpu.dma_semaphore, #tpu.memory_space<semaphore_mem>>) src(%arg8 : memref<400x16xf32, #tpu.memory_space<vmem>>) dst(%dma_wait3A_331 : memref<12288x16xf32, #tpu.memory_space<vmem_shared>>)
    %add3A_332 = arith.constant 6000 : i32
    %add3A_333 = arith.addi %mul3A_37, %add3A_332 : i32
    %dma_start3A_334 = tpu.memref_slice %arg2[%add3A_333] : memref<320000xi32, #tpu.memory_space<hbm>> -> memref<400xi32, #tpu.memory_space<hbm>>
    %dma_start3A_335 = tpu.memref_slice %arg2[%add3A_333] : memref<320000xi32, #tpu.memory_space<hbm>> -> memref<400xi32, #tpu.memory_space<hbm>>
    tpu.enqueue_dma source(%dma_start3A_335 : memref<400xi32, #tpu.memory_space<hbm>>) target(%arg7 : memref<400xi32, #tpu.memory_space<vmem>>) target_semaphore(%arg13 : memref<!tpu.dma_semaphore, #tpu.memory_space<semaphore_mem>>)
    %dma_start3A_336 = arith.constant 0 : i32
    %dma_start3A_337 = tpu.memref_slice %arg3[%add3A_333, %dma_start3A_336] : memref<320000x16xf32, #tpu.memory_space<hbm>> -> memref<400x16xf32, #tpu.memory_space<hbm>>
    %dma_start3A_338 = arith.constant 0 : i32
    %dma_start3A_339 = tpu.memref_slice %arg3[%add3A_333, %dma_start3A_338] : memref<320000x16xf32, #tpu.memory_space<hbm>> -> memref<400x16xf32, #tpu.memory_space<hbm>>
    tpu.enqueue_dma source(%dma_start3A_339 : memref<400x16xf32, #tpu.memory_space<hbm>>) target(%arg8 : memref<400x16xf32, #tpu.memory_space<vmem>>) target_semaphore(%arg13 : memref<!tpu.dma_semaphore, #tpu.memory_space<semaphore_mem>>)
    %dma_start3A_340 = arith.constant 0 : i32
    %dma_start3A_341 = arith.constant 0 : i32
    %dma_start3A_342 = tpu.memref_slice %arg10[%dma_start3A_340, %dma_start3A_341] : memref<12288x16xf32, #tpu.memory_space<vmem_shared>> -> memref<12288x16xf32, #tpu.memory_space<vmem_shared>>
    tpu.enqueue_indirect_dma source(%arg6 : memref<400x16xf32, #tpu.memory_space<vmem>>) target(%dma_start3A_342 : memref<12288x16xf32, #tpu.memory_space<vmem_shared>>) offsets(%arg5 : memref<400xi32, #tpu.memory_space<vmem>>) semaphore(%arg12 : memref<!tpu.dma_semaphore, #tpu.memory_space<semaphore_mem>>) {add = true}
    %dma_wait3A_343 = tpu.memref_slice %arg2[%add3A_333] : memref<320000xi32, #tpu.memory_space<hbm>> -> memref<400xi32, #tpu.memory_space<hbm>>
    %dma_wait3A_344 = tpu.memref_slice %arg2[%add3A_333] : memref<320000xi32, #tpu.memory_space<hbm>> -> memref<400xi32, #tpu.memory_space<hbm>>
    tpu.wait_dma2 semaphore(%arg13 : memref<!tpu.dma_semaphore, #tpu.memory_space<semaphore_mem>>) src(%dma_wait3A_344 : memref<400xi32, #tpu.memory_space<hbm>>) dst(%arg7 : memref<400xi32, #tpu.memory_space<vmem>>)
    %dma_wait3A_345 = arith.constant 0 : i32
    %dma_wait3A_346 = tpu.memref_slice %arg3[%add3A_333, %dma_wait3A_345] : memref<320000x16xf32, #tpu.memory_space<hbm>> -> memref<400x16xf32, #tpu.memory_space<hbm>>
    %dma_wait3A_347 = arith.constant 0 : i32
    %dma_wait3A_348 = tpu.memref_slice %arg3[%add3A_333, %dma_wait3A_347] : memref<320000x16xf32, #tpu.memory_space<hbm>> -> memref<400x16xf32, #tpu.memory_space<hbm>>
    tpu.wait_dma2 semaphore(%arg13 : memref<!tpu.dma_semaphore, #tpu.memory_space<semaphore_mem>>) src(%dma_wait3A_348 : memref<400x16xf32, #tpu.memory_space<hbm>>) dst(%arg8 : memref<400x16xf32, #tpu.memory_space<vmem>>)
    %dma_wait3A_349 = arith.constant 0 : i32
    %dma_wait3A_350 = arith.constant 0 : i32
    %dma_wait3A_351 = tpu.memref_slice %arg10[%dma_wait3A_349, %dma_wait3A_350] : memref<12288x16xf32, #tpu.memory_space<vmem_shared>> -> memref<12288x16xf32, #tpu.memory_space<vmem_shared>>
    tpu.wait_indirect_dma semaphore(%arg12 : memref<!tpu.dma_semaphore, #tpu.memory_space<semaphore_mem>>) src(%arg6 : memref<400x16xf32, #tpu.memory_space<vmem>>) dst(%dma_wait3A_351 : memref<12288x16xf32, #tpu.memory_space<vmem_shared>>)
    %add3A_352 = arith.constant 6400 : i32
    %add3A_353 = arith.addi %mul3A_37, %add3A_352 : i32
    %dma_start3A_354 = tpu.memref_slice %arg2[%add3A_353] : memref<320000xi32, #tpu.memory_space<hbm>> -> memref<400xi32, #tpu.memory_space<hbm>>
    %dma_start3A_355 = tpu.memref_slice %arg2[%add3A_353] : memref<320000xi32, #tpu.memory_space<hbm>> -> memref<400xi32, #tpu.memory_space<hbm>>
    tpu.enqueue_dma source(%dma_start3A_355 : memref<400xi32, #tpu.memory_space<hbm>>) target(%arg5 : memref<400xi32, #tpu.memory_space<vmem>>) target_semaphore(%arg11 : memref<!tpu.dma_semaphore, #tpu.memory_space<semaphore_mem>>)
    %dma_start3A_356 = arith.constant 0 : i32
    %dma_start3A_357 = tpu.memref_slice %arg3[%add3A_353, %dma_start3A_356] : memref<320000x16xf32, #tpu.memory_space<hbm>> -> memref<400x16xf32, #tpu.memory_space<hbm>>
    %dma_start3A_358 = arith.constant 0 : i32
    %dma_start3A_359 = tpu.memref_slice %arg3[%add3A_353, %dma_start3A_358] : memref<320000x16xf32, #tpu.memory_space<hbm>> -> memref<400x16xf32, #tpu.memory_space<hbm>>
    tpu.enqueue_dma source(%dma_start3A_359 : memref<400x16xf32, #tpu.memory_space<hbm>>) target(%arg6 : memref<400x16xf32, #tpu.memory_space<vmem>>) target_semaphore(%arg11 : memref<!tpu.dma_semaphore, #tpu.memory_space<semaphore_mem>>)
    %dma_start3A_360 = arith.constant 0 : i32
    %dma_start3A_361 = arith.constant 0 : i32
    %dma_start3A_362 = tpu.memref_slice %arg10[%dma_start3A_360, %dma_start3A_361] : memref<12288x16xf32, #tpu.memory_space<vmem_shared>> -> memref<12288x16xf32, #tpu.memory_space<vmem_shared>>
    tpu.enqueue_indirect_dma source(%arg8 : memref<400x16xf32, #tpu.memory_space<vmem>>) target(%dma_start3A_362 : memref<12288x16xf32, #tpu.memory_space<vmem_shared>>) offsets(%arg7 : memref<400xi32, #tpu.memory_space<vmem>>) semaphore(%arg14 : memref<!tpu.dma_semaphore, #tpu.memory_space<semaphore_mem>>) {add = true}
    %dma_wait3A_363 = tpu.memref_slice %arg2[%add3A_353] : memref<320000xi32, #tpu.memory_space<hbm>> -> memref<400xi32, #tpu.memory_space<hbm>>
    %dma_wait3A_364 = tpu.memref_slice %arg2[%add3A_353] : memref<320000xi32, #tpu.memory_space<hbm>> -> memref<400xi32, #tpu.memory_space<hbm>>
    tpu.wait_dma2 semaphore(%arg11 : memref<!tpu.dma_semaphore, #tpu.memory_space<semaphore_mem>>) src(%dma_wait3A_364 : memref<400xi32, #tpu.memory_space<hbm>>) dst(%arg5 : memref<400xi32, #tpu.memory_space<vmem>>)
    %dma_wait3A_365 = arith.constant 0 : i32
    %dma_wait3A_366 = tpu.memref_slice %arg3[%add3A_353, %dma_wait3A_365] : memref<320000x16xf32, #tpu.memory_space<hbm>> -> memref<400x16xf32, #tpu.memory_space<hbm>>
    %dma_wait3A_367 = arith.constant 0 : i32
    %dma_wait3A_368 = tpu.memref_slice %arg3[%add3A_353, %dma_wait3A_367] : memref<320000x16xf32, #tpu.memory_space<hbm>> -> memref<400x16xf32, #tpu.memory_space<hbm>>
    tpu.wait_dma2 semaphore(%arg11 : memref<!tpu.dma_semaphore, #tpu.memory_space<semaphore_mem>>) src(%dma_wait3A_368 : memref<400x16xf32, #tpu.memory_space<hbm>>) dst(%arg6 : memref<400x16xf32, #tpu.memory_space<vmem>>)
    %dma_wait3A_369 = arith.constant 0 : i32
    %dma_wait3A_370 = arith.constant 0 : i32
    %dma_wait3A_371 = tpu.memref_slice %arg10[%dma_wait3A_369, %dma_wait3A_370] : memref<12288x16xf32, #tpu.memory_space<vmem_shared>> -> memref<12288x16xf32, #tpu.memory_space<vmem_shared>>
    tpu.wait_indirect_dma semaphore(%arg14 : memref<!tpu.dma_semaphore, #tpu.memory_space<semaphore_mem>>) src(%arg8 : memref<400x16xf32, #tpu.memory_space<vmem>>) dst(%dma_wait3A_371 : memref<12288x16xf32, #tpu.memory_space<vmem_shared>>)
    %add3A_372 = arith.constant 6800 : i32
    %add3A_373 = arith.addi %mul3A_37, %add3A_372 : i32
    %dma_start3A_374 = tpu.memref_slice %arg2[%add3A_373] : memref<320000xi32, #tpu.memory_space<hbm>> -> memref<400xi32, #tpu.memory_space<hbm>>
    %dma_start3A_375 = tpu.memref_slice %arg2[%add3A_373] : memref<320000xi32, #tpu.memory_space<hbm>> -> memref<400xi32, #tpu.memory_space<hbm>>
    tpu.enqueue_dma source(%dma_start3A_375 : memref<400xi32, #tpu.memory_space<hbm>>) target(%arg7 : memref<400xi32, #tpu.memory_space<vmem>>) target_semaphore(%arg13 : memref<!tpu.dma_semaphore, #tpu.memory_space<semaphore_mem>>)
    %dma_start3A_376 = arith.constant 0 : i32
    %dma_start3A_377 = tpu.memref_slice %arg3[%add3A_373, %dma_start3A_376] : memref<320000x16xf32, #tpu.memory_space<hbm>> -> memref<400x16xf32, #tpu.memory_space<hbm>>
    %dma_start3A_378 = arith.constant 0 : i32
    %dma_start3A_379 = tpu.memref_slice %arg3[%add3A_373, %dma_start3A_378] : memref<320000x16xf32, #tpu.memory_space<hbm>> -> memref<400x16xf32, #tpu.memory_space<hbm>>
    tpu.enqueue_dma source(%dma_start3A_379 : memref<400x16xf32, #tpu.memory_space<hbm>>) target(%arg8 : memref<400x16xf32, #tpu.memory_space<vmem>>) target_semaphore(%arg13 : memref<!tpu.dma_semaphore, #tpu.memory_space<semaphore_mem>>)
    %dma_start3A_380 = arith.constant 0 : i32
    %dma_start3A_381 = arith.constant 0 : i32
    %dma_start3A_382 = tpu.memref_slice %arg10[%dma_start3A_380, %dma_start3A_381] : memref<12288x16xf32, #tpu.memory_space<vmem_shared>> -> memref<12288x16xf32, #tpu.memory_space<vmem_shared>>
    tpu.enqueue_indirect_dma source(%arg6 : memref<400x16xf32, #tpu.memory_space<vmem>>) target(%dma_start3A_382 : memref<12288x16xf32, #tpu.memory_space<vmem_shared>>) offsets(%arg5 : memref<400xi32, #tpu.memory_space<vmem>>) semaphore(%arg12 : memref<!tpu.dma_semaphore, #tpu.memory_space<semaphore_mem>>) {add = true}
    %dma_wait3A_383 = tpu.memref_slice %arg2[%add3A_373] : memref<320000xi32, #tpu.memory_space<hbm>> -> memref<400xi32, #tpu.memory_space<hbm>>
    %dma_wait3A_384 = tpu.memref_slice %arg2[%add3A_373] : memref<320000xi32, #tpu.memory_space<hbm>> -> memref<400xi32, #tpu.memory_space<hbm>>
    tpu.wait_dma2 semaphore(%arg13 : memref<!tpu.dma_semaphore, #tpu.memory_space<semaphore_mem>>) src(%dma_wait3A_384 : memref<400xi32, #tpu.memory_space<hbm>>) dst(%arg7 : memref<400xi32, #tpu.memory_space<vmem>>)
    %dma_wait3A_385 = arith.constant 0 : i32
    %dma_wait3A_386 = tpu.memref_slice %arg3[%add3A_373, %dma_wait3A_385] : memref<320000x16xf32, #tpu.memory_space<hbm>> -> memref<400x16xf32, #tpu.memory_space<hbm>>
    %dma_wait3A_387 = arith.constant 0 : i32
    %dma_wait3A_388 = tpu.memref_slice %arg3[%add3A_373, %dma_wait3A_387] : memref<320000x16xf32, #tpu.memory_space<hbm>> -> memref<400x16xf32, #tpu.memory_space<hbm>>
    tpu.wait_dma2 semaphore(%arg13 : memref<!tpu.dma_semaphore, #tpu.memory_space<semaphore_mem>>) src(%dma_wait3A_388 : memref<400x16xf32, #tpu.memory_space<hbm>>) dst(%arg8 : memref<400x16xf32, #tpu.memory_space<vmem>>)
    %dma_wait3A_389 = arith.constant 0 : i32
    %dma_wait3A_390 = arith.constant 0 : i32
    %dma_wait3A_391 = tpu.memref_slice %arg10[%dma_wait3A_389, %dma_wait3A_390] : memref<12288x16xf32, #tpu.memory_space<vmem_shared>> -> memref<12288x16xf32, #tpu.memory_space<vmem_shared>>
    tpu.wait_indirect_dma semaphore(%arg12 : memref<!tpu.dma_semaphore, #tpu.memory_space<semaphore_mem>>) src(%arg6 : memref<400x16xf32, #tpu.memory_space<vmem>>) dst(%dma_wait3A_391 : memref<12288x16xf32, #tpu.memory_space<vmem_shared>>)
    %add3A_392 = arith.constant 7200 : i32
    %add3A_393 = arith.addi %mul3A_37, %add3A_392 : i32
    %dma_start3A_394 = tpu.memref_slice %arg2[%add3A_393] : memref<320000xi32, #tpu.memory_space<hbm>> -> memref<400xi32, #tpu.memory_space<hbm>>
    %dma_start3A_395 = tpu.memref_slice %arg2[%add3A_393] : memref<320000xi32, #tpu.memory_space<hbm>> -> memref<400xi32, #tpu.memory_space<hbm>>
    tpu.enqueue_dma source(%dma_start3A_395 : memref<400xi32, #tpu.memory_space<hbm>>) target(%arg5 : memref<400xi32, #tpu.memory_space<vmem>>) target_semaphore(%arg11 : memref<!tpu.dma_semaphore, #tpu.memory_space<semaphore_mem>>)
    %dma_start3A_396 = arith.constant 0 : i32
    %dma_start3A_397 = tpu.memref_slice %arg3[%add3A_393, %dma_start3A_396] : memref<320000x16xf32, #tpu.memory_space<hbm>> -> memref<400x16xf32, #tpu.memory_space<hbm>>
    %dma_start3A_398 = arith.constant 0 : i32
    %dma_start3A_399 = tpu.memref_slice %arg3[%add3A_393, %dma_start3A_398] : memref<320000x16xf32, #tpu.memory_space<hbm>> -> memref<400x16xf32, #tpu.memory_space<hbm>>
    tpu.enqueue_dma source(%dma_start3A_399 : memref<400x16xf32, #tpu.memory_space<hbm>>) target(%arg6 : memref<400x16xf32, #tpu.memory_space<vmem>>) target_semaphore(%arg11 : memref<!tpu.dma_semaphore, #tpu.memory_space<semaphore_mem>>)
    %dma_start3A_400 = arith.constant 0 : i32
    %dma_start3A_401 = arith.constant 0 : i32
    %dma_start3A_402 = tpu.memref_slice %arg10[%dma_start3A_400, %dma_start3A_401] : memref<12288x16xf32, #tpu.memory_space<vmem_shared>> -> memref<12288x16xf32, #tpu.memory_space<vmem_shared>>
    tpu.enqueue_indirect_dma source(%arg8 : memref<400x16xf32, #tpu.memory_space<vmem>>) target(%dma_start3A_402 : memref<12288x16xf32, #tpu.memory_space<vmem_shared>>) offsets(%arg7 : memref<400xi32, #tpu.memory_space<vmem>>) semaphore(%arg14 : memref<!tpu.dma_semaphore, #tpu.memory_space<semaphore_mem>>) {add = true}
    %dma_wait3A_403 = tpu.memref_slice %arg2[%add3A_393] : memref<320000xi32, #tpu.memory_space<hbm>> -> memref<400xi32, #tpu.memory_space<hbm>>
    %dma_wait3A_404 = tpu.memref_slice %arg2[%add3A_393] : memref<320000xi32, #tpu.memory_space<hbm>> -> memref<400xi32, #tpu.memory_space<hbm>>
    tpu.wait_dma2 semaphore(%arg11 : memref<!tpu.dma_semaphore, #tpu.memory_space<semaphore_mem>>) src(%dma_wait3A_404 : memref<400xi32, #tpu.memory_space<hbm>>) dst(%arg5 : memref<400xi32, #tpu.memory_space<vmem>>)
    %dma_wait3A_405 = arith.constant 0 : i32
    %dma_wait3A_406 = tpu.memref_slice %arg3[%add3A_393, %dma_wait3A_405] : memref<320000x16xf32, #tpu.memory_space<hbm>> -> memref<400x16xf32, #tpu.memory_space<hbm>>
    %dma_wait3A_407 = arith.constant 0 : i32
    %dma_wait3A_408 = tpu.memref_slice %arg3[%add3A_393, %dma_wait3A_407] : memref<320000x16xf32, #tpu.memory_space<hbm>> -> memref<400x16xf32, #tpu.memory_space<hbm>>
    tpu.wait_dma2 semaphore(%arg11 : memref<!tpu.dma_semaphore, #tpu.memory_space<semaphore_mem>>) src(%dma_wait3A_408 : memref<400x16xf32, #tpu.memory_space<hbm>>) dst(%arg6 : memref<400x16xf32, #tpu.memory_space<vmem>>)
    %dma_wait3A_409 = arith.constant 0 : i32
    %dma_wait3A_410 = arith.constant 0 : i32
    %dma_wait3A_411 = tpu.memref_slice %arg10[%dma_wait3A_409, %dma_wait3A_410] : memref<12288x16xf32, #tpu.memory_space<vmem_shared>> -> memref<12288x16xf32, #tpu.memory_space<vmem_shared>>
    tpu.wait_indirect_dma semaphore(%arg14 : memref<!tpu.dma_semaphore, #tpu.memory_space<semaphore_mem>>) src(%arg8 : memref<400x16xf32, #tpu.memory_space<vmem>>) dst(%dma_wait3A_411 : memref<12288x16xf32, #tpu.memory_space<vmem_shared>>)
    %add3A_412 = arith.constant 7600 : i32
    %add3A_413 = arith.addi %mul3A_37, %add3A_412 : i32
    %dma_start3A_414 = tpu.memref_slice %arg2[%add3A_413] : memref<320000xi32, #tpu.memory_space<hbm>> -> memref<400xi32, #tpu.memory_space<hbm>>
    %dma_start3A_415 = tpu.memref_slice %arg2[%add3A_413] : memref<320000xi32, #tpu.memory_space<hbm>> -> memref<400xi32, #tpu.memory_space<hbm>>
    tpu.enqueue_dma source(%dma_start3A_415 : memref<400xi32, #tpu.memory_space<hbm>>) target(%arg7 : memref<400xi32, #tpu.memory_space<vmem>>) target_semaphore(%arg13 : memref<!tpu.dma_semaphore, #tpu.memory_space<semaphore_mem>>)
    %dma_start3A_416 = arith.constant 0 : i32
    %dma_start3A_417 = tpu.memref_slice %arg3[%add3A_413, %dma_start3A_416] : memref<320000x16xf32, #tpu.memory_space<hbm>> -> memref<400x16xf32, #tpu.memory_space<hbm>>
    %dma_start3A_418 = arith.constant 0 : i32
    %dma_start3A_419 = tpu.memref_slice %arg3[%add3A_413, %dma_start3A_418] : memref<320000x16xf32, #tpu.memory_space<hbm>> -> memref<400x16xf32, #tpu.memory_space<hbm>>
    tpu.enqueue_dma source(%dma_start3A_419 : memref<400x16xf32, #tpu.memory_space<hbm>>) target(%arg8 : memref<400x16xf32, #tpu.memory_space<vmem>>) target_semaphore(%arg13 : memref<!tpu.dma_semaphore, #tpu.memory_space<semaphore_mem>>)
    %dma_start3A_420 = arith.constant 0 : i32
    %dma_start3A_421 = arith.constant 0 : i32
    %dma_start3A_422 = tpu.memref_slice %arg10[%dma_start3A_420, %dma_start3A_421] : memref<12288x16xf32, #tpu.memory_space<vmem_shared>> -> memref<12288x16xf32, #tpu.memory_space<vmem_shared>>
    tpu.enqueue_indirect_dma source(%arg6 : memref<400x16xf32, #tpu.memory_space<vmem>>) target(%dma_start3A_422 : memref<12288x16xf32, #tpu.memory_space<vmem_shared>>) offsets(%arg5 : memref<400xi32, #tpu.memory_space<vmem>>) semaphore(%arg12 : memref<!tpu.dma_semaphore, #tpu.memory_space<semaphore_mem>>) {add = true}
    %dma_wait3A_423 = tpu.memref_slice %arg2[%add3A_413] : memref<320000xi32, #tpu.memory_space<hbm>> -> memref<400xi32, #tpu.memory_space<hbm>>
    %dma_wait3A_424 = tpu.memref_slice %arg2[%add3A_413] : memref<320000xi32, #tpu.memory_space<hbm>> -> memref<400xi32, #tpu.memory_space<hbm>>
    tpu.wait_dma2 semaphore(%arg13 : memref<!tpu.dma_semaphore, #tpu.memory_space<semaphore_mem>>) src(%dma_wait3A_424 : memref<400xi32, #tpu.memory_space<hbm>>) dst(%arg7 : memref<400xi32, #tpu.memory_space<vmem>>)
    %dma_wait3A_425 = arith.constant 0 : i32
    %dma_wait3A_426 = tpu.memref_slice %arg3[%add3A_413, %dma_wait3A_425] : memref<320000x16xf32, #tpu.memory_space<hbm>> -> memref<400x16xf32, #tpu.memory_space<hbm>>
    %dma_wait3A_427 = arith.constant 0 : i32
    %dma_wait3A_428 = tpu.memref_slice %arg3[%add3A_413, %dma_wait3A_427] : memref<320000x16xf32, #tpu.memory_space<hbm>> -> memref<400x16xf32, #tpu.memory_space<hbm>>
    tpu.wait_dma2 semaphore(%arg13 : memref<!tpu.dma_semaphore, #tpu.memory_space<semaphore_mem>>) src(%dma_wait3A_428 : memref<400x16xf32, #tpu.memory_space<hbm>>) dst(%arg8 : memref<400x16xf32, #tpu.memory_space<vmem>>)
    %dma_wait3A_429 = arith.constant 0 : i32
    %dma_wait3A_430 = arith.constant 0 : i32
    %dma_wait3A_431 = tpu.memref_slice %arg10[%dma_wait3A_429, %dma_wait3A_430] : memref<12288x16xf32, #tpu.memory_space<vmem_shared>> -> memref<12288x16xf32, #tpu.memory_space<vmem_shared>>
    tpu.wait_indirect_dma semaphore(%arg12 : memref<!tpu.dma_semaphore, #tpu.memory_space<semaphore_mem>>) src(%arg6 : memref<400x16xf32, #tpu.memory_space<vmem>>) dst(%dma_wait3A_431 : memref<12288x16xf32, #tpu.memory_space<vmem_shared>>)
    %add3A_432 = arith.constant 8000 : i32
    %add3A_433 = arith.addi %mul3A_37, %add3A_432 : i32
    %dma_start3A_434 = tpu.memref_slice %arg2[%add3A_433] : memref<320000xi32, #tpu.memory_space<hbm>> -> memref<400xi32, #tpu.memory_space<hbm>>
    %dma_start3A_435 = tpu.memref_slice %arg2[%add3A_433] : memref<320000xi32, #tpu.memory_space<hbm>> -> memref<400xi32, #tpu.memory_space<hbm>>
    tpu.enqueue_dma source(%dma_start3A_435 : memref<400xi32, #tpu.memory_space<hbm>>) target(%arg5 : memref<400xi32, #tpu.memory_space<vmem>>) target_semaphore(%arg11 : memref<!tpu.dma_semaphore, #tpu.memory_space<semaphore_mem>>)
    %dma_start3A_436 = arith.constant 0 : i32
    %dma_start3A_437 = tpu.memref_slice %arg3[%add3A_433, %dma_start3A_436] : memref<320000x16xf32, #tpu.memory_space<hbm>> -> memref<400x16xf32, #tpu.memory_space<hbm>>
    %dma_start3A_438 = arith.constant 0 : i32
    %dma_start3A_439 = tpu.memref_slice %arg3[%add3A_433, %dma_start3A_438] : memref<320000x16xf32, #tpu.memory_space<hbm>> -> memref<400x16xf32, #tpu.memory_space<hbm>>
    tpu.enqueue_dma source(%dma_start3A_439 : memref<400x16xf32, #tpu.memory_space<hbm>>) target(%arg6 : memref<400x16xf32, #tpu.memory_space<vmem>>) target_semaphore(%arg11 : memref<!tpu.dma_semaphore, #tpu.memory_space<semaphore_mem>>)
    %dma_start3A_440 = arith.constant 0 : i32
    %dma_start3A_441 = arith.constant 0 : i32
    %dma_start3A_442 = tpu.memref_slice %arg10[%dma_start3A_440, %dma_start3A_441] : memref<12288x16xf32, #tpu.memory_space<vmem_shared>> -> memref<12288x16xf32, #tpu.memory_space<vmem_shared>>
    tpu.enqueue_indirect_dma source(%arg8 : memref<400x16xf32, #tpu.memory_space<vmem>>) target(%dma_start3A_442 : memref<12288x16xf32, #tpu.memory_space<vmem_shared>>) offsets(%arg7 : memref<400xi32, #tpu.memory_space<vmem>>) semaphore(%arg14 : memref<!tpu.dma_semaphore, #tpu.memory_space<semaphore_mem>>) {add = true}
    %dma_wait3A_443 = tpu.memref_slice %arg2[%add3A_433] : memref<320000xi32, #tpu.memory_space<hbm>> -> memref<400xi32, #tpu.memory_space<hbm>>
    %dma_wait3A_444 = tpu.memref_slice %arg2[%add3A_433] : memref<320000xi32, #tpu.memory_space<hbm>> -> memref<400xi32, #tpu.memory_space<hbm>>
    tpu.wait_dma2 semaphore(%arg11 : memref<!tpu.dma_semaphore, #tpu.memory_space<semaphore_mem>>) src(%dma_wait3A_444 : memref<400xi32, #tpu.memory_space<hbm>>) dst(%arg5 : memref<400xi32, #tpu.memory_space<vmem>>)
    %dma_wait3A_445 = arith.constant 0 : i32
    %dma_wait3A_446 = tpu.memref_slice %arg3[%add3A_433, %dma_wait3A_445] : memref<320000x16xf32, #tpu.memory_space<hbm>> -> memref<400x16xf32, #tpu.memory_space<hbm>>
    %dma_wait3A_447 = arith.constant 0 : i32
    %dma_wait3A_448 = tpu.memref_slice %arg3[%add3A_433, %dma_wait3A_447] : memref<320000x16xf32, #tpu.memory_space<hbm>> -> memref<400x16xf32, #tpu.memory_space<hbm>>
    tpu.wait_dma2 semaphore(%arg11 : memref<!tpu.dma_semaphore, #tpu.memory_space<semaphore_mem>>) src(%dma_wait3A_448 : memref<400x16xf32, #tpu.memory_space<hbm>>) dst(%arg6 : memref<400x16xf32, #tpu.memory_space<vmem>>)
    %dma_wait3A_449 = arith.constant 0 : i32
    %dma_wait3A_450 = arith.constant 0 : i32
    %dma_wait3A_451 = tpu.memref_slice %arg10[%dma_wait3A_449, %dma_wait3A_450] : memref<12288x16xf32, #tpu.memory_space<vmem_shared>> -> memref<12288x16xf32, #tpu.memory_space<vmem_shared>>
    tpu.wait_indirect_dma semaphore(%arg14 : memref<!tpu.dma_semaphore, #tpu.memory_space<semaphore_mem>>) src(%arg8 : memref<400x16xf32, #tpu.memory_space<vmem>>) dst(%dma_wait3A_451 : memref<12288x16xf32, #tpu.memory_space<vmem_shared>>)
    %add3A_452 = arith.constant 8400 : i32
    %add3A_453 = arith.addi %mul3A_37, %add3A_452 : i32
    %dma_start3A_454 = tpu.memref_slice %arg2[%add3A_453] : memref<320000xi32, #tpu.memory_space<hbm>> -> memref<400xi32, #tpu.memory_space<hbm>>
    %dma_start3A_455 = tpu.memref_slice %arg2[%add3A_453] : memref<320000xi32, #tpu.memory_space<hbm>> -> memref<400xi32, #tpu.memory_space<hbm>>
    tpu.enqueue_dma source(%dma_start3A_455 : memref<400xi32, #tpu.memory_space<hbm>>) target(%arg7 : memref<400xi32, #tpu.memory_space<vmem>>) target_semaphore(%arg13 : memref<!tpu.dma_semaphore, #tpu.memory_space<semaphore_mem>>)
    %dma_start3A_456 = arith.constant 0 : i32
    %dma_start3A_457 = tpu.memref_slice %arg3[%add3A_453, %dma_start3A_456] : memref<320000x16xf32, #tpu.memory_space<hbm>> -> memref<400x16xf32, #tpu.memory_space<hbm>>
    %dma_start3A_458 = arith.constant 0 : i32
    %dma_start3A_459 = tpu.memref_slice %arg3[%add3A_453, %dma_start3A_458] : memref<320000x16xf32, #tpu.memory_space<hbm>> -> memref<400x16xf32, #tpu.memory_space<hbm>>
    tpu.enqueue_dma source(%dma_start3A_459 : memref<400x16xf32, #tpu.memory_space<hbm>>) target(%arg8 : memref<400x16xf32, #tpu.memory_space<vmem>>) target_semaphore(%arg13 : memref<!tpu.dma_semaphore, #tpu.memory_space<semaphore_mem>>)
    %dma_start3A_460 = arith.constant 0 : i32
    %dma_start3A_461 = arith.constant 0 : i32
    %dma_start3A_462 = tpu.memref_slice %arg10[%dma_start3A_460, %dma_start3A_461] : memref<12288x16xf32, #tpu.memory_space<vmem_shared>> -> memref<12288x16xf32, #tpu.memory_space<vmem_shared>>
    tpu.enqueue_indirect_dma source(%arg6 : memref<400x16xf32, #tpu.memory_space<vmem>>) target(%dma_start3A_462 : memref<12288x16xf32, #tpu.memory_space<vmem_shared>>) offsets(%arg5 : memref<400xi32, #tpu.memory_space<vmem>>) semaphore(%arg12 : memref<!tpu.dma_semaphore, #tpu.memory_space<semaphore_mem>>) {add = true}
    %dma_wait3A_463 = tpu.memref_slice %arg2[%add3A_453] : memref<320000xi32, #tpu.memory_space<hbm>> -> memref<400xi32, #tpu.memory_space<hbm>>
    %dma_wait3A_464 = tpu.memref_slice %arg2[%add3A_453] : memref<320000xi32, #tpu.memory_space<hbm>> -> memref<400xi32, #tpu.memory_space<hbm>>
    tpu.wait_dma2 semaphore(%arg13 : memref<!tpu.dma_semaphore, #tpu.memory_space<semaphore_mem>>) src(%dma_wait3A_464 : memref<400xi32, #tpu.memory_space<hbm>>) dst(%arg7 : memref<400xi32, #tpu.memory_space<vmem>>)
    %dma_wait3A_465 = arith.constant 0 : i32
    %dma_wait3A_466 = tpu.memref_slice %arg3[%add3A_453, %dma_wait3A_465] : memref<320000x16xf32, #tpu.memory_space<hbm>> -> memref<400x16xf32, #tpu.memory_space<hbm>>
    %dma_wait3A_467 = arith.constant 0 : i32
    %dma_wait3A_468 = tpu.memref_slice %arg3[%add3A_453, %dma_wait3A_467] : memref<320000x16xf32, #tpu.memory_space<hbm>> -> memref<400x16xf32, #tpu.memory_space<hbm>>
    tpu.wait_dma2 semaphore(%arg13 : memref<!tpu.dma_semaphore, #tpu.memory_space<semaphore_mem>>) src(%dma_wait3A_468 : memref<400x16xf32, #tpu.memory_space<hbm>>) dst(%arg8 : memref<400x16xf32, #tpu.memory_space<vmem>>)
    %dma_wait3A_469 = arith.constant 0 : i32
    %dma_wait3A_470 = arith.constant 0 : i32
    %dma_wait3A_471 = tpu.memref_slice %arg10[%dma_wait3A_469, %dma_wait3A_470] : memref<12288x16xf32, #tpu.memory_space<vmem_shared>> -> memref<12288x16xf32, #tpu.memory_space<vmem_shared>>
    tpu.wait_indirect_dma semaphore(%arg12 : memref<!tpu.dma_semaphore, #tpu.memory_space<semaphore_mem>>) src(%arg6 : memref<400x16xf32, #tpu.memory_space<vmem>>) dst(%dma_wait3A_471 : memref<12288x16xf32, #tpu.memory_space<vmem_shared>>)
    %add3A_472 = arith.constant 8800 : i32
    %add3A_473 = arith.addi %mul3A_37, %add3A_472 : i32
    %dma_start3A_474 = tpu.memref_slice %arg2[%add3A_473] : memref<320000xi32, #tpu.memory_space<hbm>> -> memref<400xi32, #tpu.memory_space<hbm>>
    %dma_start3A_475 = tpu.memref_slice %arg2[%add3A_473] : memref<320000xi32, #tpu.memory_space<hbm>> -> memref<400xi32, #tpu.memory_space<hbm>>
    tpu.enqueue_dma source(%dma_start3A_475 : memref<400xi32, #tpu.memory_space<hbm>>) target(%arg5 : memref<400xi32, #tpu.memory_space<vmem>>) target_semaphore(%arg11 : memref<!tpu.dma_semaphore, #tpu.memory_space<semaphore_mem>>)
    %dma_start3A_476 = arith.constant 0 : i32
    %dma_start3A_477 = tpu.memref_slice %arg3[%add3A_473, %dma_start3A_476] : memref<320000x16xf32, #tpu.memory_space<hbm>> -> memref<400x16xf32, #tpu.memory_space<hbm>>
    %dma_start3A_478 = arith.constant 0 : i32
    %dma_start3A_479 = tpu.memref_slice %arg3[%add3A_473, %dma_start3A_478] : memref<320000x16xf32, #tpu.memory_space<hbm>> -> memref<400x16xf32, #tpu.memory_space<hbm>>
    tpu.enqueue_dma source(%dma_start3A_479 : memref<400x16xf32, #tpu.memory_space<hbm>>) target(%arg6 : memref<400x16xf32, #tpu.memory_space<vmem>>) target_semaphore(%arg11 : memref<!tpu.dma_semaphore, #tpu.memory_space<semaphore_mem>>)
    %dma_start3A_480 = arith.constant 0 : i32
    %dma_start3A_481 = arith.constant 0 : i32
    %dma_start3A_482 = tpu.memref_slice %arg10[%dma_start3A_480, %dma_start3A_481] : memref<12288x16xf32, #tpu.memory_space<vmem_shared>> -> memref<12288x16xf32, #tpu.memory_space<vmem_shared>>
    tpu.enqueue_indirect_dma source(%arg8 : memref<400x16xf32, #tpu.memory_space<vmem>>) target(%dma_start3A_482 : memref<12288x16xf32, #tpu.memory_space<vmem_shared>>) offsets(%arg7 : memref<400xi32, #tpu.memory_space<vmem>>) semaphore(%arg14 : memref<!tpu.dma_semaphore, #tpu.memory_space<semaphore_mem>>) {add = true}
    %dma_wait3A_483 = tpu.memref_slice %arg2[%add3A_473] : memref<320000xi32, #tpu.memory_space<hbm>> -> memref<400xi32, #tpu.memory_space<hbm>>
    %dma_wait3A_484 = tpu.memref_slice %arg2[%add3A_473] : memref<320000xi32, #tpu.memory_space<hbm>> -> memref<400xi32, #tpu.memory_space<hbm>>
    tpu.wait_dma2 semaphore(%arg11 : memref<!tpu.dma_semaphore, #tpu.memory_space<semaphore_mem>>) src(%dma_wait3A_484 : memref<400xi32, #tpu.memory_space<hbm>>) dst(%arg5 : memref<400xi32, #tpu.memory_space<vmem>>)
    %dma_wait3A_485 = arith.constant 0 : i32
    %dma_wait3A_486 = tpu.memref_slice %arg3[%add3A_473, %dma_wait3A_485] : memref<320000x16xf32, #tpu.memory_space<hbm>> -> memref<400x16xf32, #tpu.memory_space<hbm>>
    %dma_wait3A_487 = arith.constant 0 : i32
    %dma_wait3A_488 = tpu.memref_slice %arg3[%add3A_473, %dma_wait3A_487] : memref<320000x16xf32, #tpu.memory_space<hbm>> -> memref<400x16xf32, #tpu.memory_space<hbm>>
    tpu.wait_dma2 semaphore(%arg11 : memref<!tpu.dma_semaphore, #tpu.memory_space<semaphore_mem>>) src(%dma_wait3A_488 : memref<400x16xf32, #tpu.memory_space<hbm>>) dst(%arg6 : memref<400x16xf32, #tpu.memory_space<vmem>>)
    %dma_wait3A_489 = arith.constant 0 : i32
    %dma_wait3A_490 = arith.constant 0 : i32
    %dma_wait3A_491 = tpu.memref_slice %arg10[%dma_wait3A_489, %dma_wait3A_490] : memref<12288x16xf32, #tpu.memory_space<vmem_shared>> -> memref<12288x16xf32, #tpu.memory_space<vmem_shared>>
    tpu.wait_indirect_dma semaphore(%arg14 : memref<!tpu.dma_semaphore, #tpu.memory_space<semaphore_mem>>) src(%arg8 : memref<400x16xf32, #tpu.memory_space<vmem>>) dst(%dma_wait3A_491 : memref<12288x16xf32, #tpu.memory_space<vmem_shared>>)
    %add3A_492 = arith.constant 9200 : i32
    %add3A_493 = arith.addi %mul3A_37, %add3A_492 : i32
    %dma_start3A_494 = tpu.memref_slice %arg2[%add3A_493] : memref<320000xi32, #tpu.memory_space<hbm>> -> memref<400xi32, #tpu.memory_space<hbm>>
    %dma_start3A_495 = tpu.memref_slice %arg2[%add3A_493] : memref<320000xi32, #tpu.memory_space<hbm>> -> memref<400xi32, #tpu.memory_space<hbm>>
    tpu.enqueue_dma source(%dma_start3A_495 : memref<400xi32, #tpu.memory_space<hbm>>) target(%arg7 : memref<400xi32, #tpu.memory_space<vmem>>) target_semaphore(%arg13 : memref<!tpu.dma_semaphore, #tpu.memory_space<semaphore_mem>>)
    %dma_start3A_496 = arith.constant 0 : i32
    %dma_start3A_497 = tpu.memref_slice %arg3[%add3A_493, %dma_start3A_496] : memref<320000x16xf32, #tpu.memory_space<hbm>> -> memref<400x16xf32, #tpu.memory_space<hbm>>
    %dma_start3A_498 = arith.constant 0 : i32
    %dma_start3A_499 = tpu.memref_slice %arg3[%add3A_493, %dma_start3A_498] : memref<320000x16xf32, #tpu.memory_space<hbm>> -> memref<400x16xf32, #tpu.memory_space<hbm>>
    tpu.enqueue_dma source(%dma_start3A_499 : memref<400x16xf32, #tpu.memory_space<hbm>>) target(%arg8 : memref<400x16xf32, #tpu.memory_space<vmem>>) target_semaphore(%arg13 : memref<!tpu.dma_semaphore, #tpu.memory_space<semaphore_mem>>)
    %dma_start3A_500 = arith.constant 0 : i32
    %dma_start3A_501 = arith.constant 0 : i32
    %dma_start3A_502 = tpu.memref_slice %arg10[%dma_start3A_500, %dma_start3A_501] : memref<12288x16xf32, #tpu.memory_space<vmem_shared>> -> memref<12288x16xf32, #tpu.memory_space<vmem_shared>>
    tpu.enqueue_indirect_dma source(%arg6 : memref<400x16xf32, #tpu.memory_space<vmem>>) target(%dma_start3A_502 : memref<12288x16xf32, #tpu.memory_space<vmem_shared>>) offsets(%arg5 : memref<400xi32, #tpu.memory_space<vmem>>) semaphore(%arg12 : memref<!tpu.dma_semaphore, #tpu.memory_space<semaphore_mem>>) {add = true}
    %dma_wait3A_503 = tpu.memref_slice %arg2[%add3A_493] : memref<320000xi32, #tpu.memory_space<hbm>> -> memref<400xi32, #tpu.memory_space<hbm>>
    %dma_wait3A_504 = tpu.memref_slice %arg2[%add3A_493] : memref<320000xi32, #tpu.memory_space<hbm>> -> memref<400xi32, #tpu.memory_space<hbm>>
    tpu.wait_dma2 semaphore(%arg13 : memref<!tpu.dma_semaphore, #tpu.memory_space<semaphore_mem>>) src(%dma_wait3A_504 : memref<400xi32, #tpu.memory_space<hbm>>) dst(%arg7 : memref<400xi32, #tpu.memory_space<vmem>>)
    %dma_wait3A_505 = arith.constant 0 : i32
    %dma_wait3A_506 = tpu.memref_slice %arg3[%add3A_493, %dma_wait3A_505] : memref<320000x16xf32, #tpu.memory_space<hbm>> -> memref<400x16xf32, #tpu.memory_space<hbm>>
    %dma_wait3A_507 = arith.constant 0 : i32
    %dma_wait3A_508 = tpu.memref_slice %arg3[%add3A_493, %dma_wait3A_507] : memref<320000x16xf32, #tpu.memory_space<hbm>> -> memref<400x16xf32, #tpu.memory_space<hbm>>
    tpu.wait_dma2 semaphore(%arg13 : memref<!tpu.dma_semaphore, #tpu.memory_space<semaphore_mem>>) src(%dma_wait3A_508 : memref<400x16xf32, #tpu.memory_space<hbm>>) dst(%arg8 : memref<400x16xf32, #tpu.memory_space<vmem>>)
    %dma_wait3A_509 = arith.constant 0 : i32
    %dma_wait3A_510 = arith.constant 0 : i32
    %dma_wait3A_511 = tpu.memref_slice %arg10[%dma_wait3A_509, %dma_wait3A_510] : memref<12288x16xf32, #tpu.memory_space<vmem_shared>> -> memref<12288x16xf32, #tpu.memory_space<vmem_shared>>
    tpu.wait_indirect_dma semaphore(%arg12 : memref<!tpu.dma_semaphore, #tpu.memory_space<semaphore_mem>>) src(%arg6 : memref<400x16xf32, #tpu.memory_space<vmem>>) dst(%dma_wait3A_511 : memref<12288x16xf32, #tpu.memory_space<vmem_shared>>)
    %add3A_512 = arith.constant 9600 : i32
    %add3A_513 = arith.addi %mul3A_37, %add3A_512 : i32
    %dma_start3A_514 = tpu.memref_slice %arg2[%add3A_513] : memref<320000xi32, #tpu.memory_space<hbm>> -> memref<400xi32, #tpu.memory_space<hbm>>
    %dma_start3A_515 = tpu.memref_slice %arg2[%add3A_513] : memref<320000xi32, #tpu.memory_space<hbm>> -> memref<400xi32, #tpu.memory_space<hbm>>
    tpu.enqueue_dma source(%dma_start3A_515 : memref<400xi32, #tpu.memory_space<hbm>>) target(%arg5 : memref<400xi32, #tpu.memory_space<vmem>>) target_semaphore(%arg11 : memref<!tpu.dma_semaphore, #tpu.memory_space<semaphore_mem>>)
    %dma_start3A_516 = arith.constant 0 : i32
    %dma_start3A_517 = tpu.memref_slice %arg3[%add3A_513, %dma_start3A_516] : memref<320000x16xf32, #tpu.memory_space<hbm>> -> memref<400x16xf32, #tpu.memory_space<hbm>>
    %dma_start3A_518 = arith.constant 0 : i32
    %dma_start3A_519 = tpu.memref_slice %arg3[%add3A_513, %dma_start3A_518] : memref<320000x16xf32, #tpu.memory_space<hbm>> -> memref<400x16xf32, #tpu.memory_space<hbm>>
    tpu.enqueue_dma source(%dma_start3A_519 : memref<400x16xf32, #tpu.memory_space<hbm>>) target(%arg6 : memref<400x16xf32, #tpu.memory_space<vmem>>) target_semaphore(%arg11 : memref<!tpu.dma_semaphore, #tpu.memory_space<semaphore_mem>>)
    %dma_start3A_520 = arith.constant 0 : i32
    %dma_start3A_521 = arith.constant 0 : i32
    %dma_start3A_522 = tpu.memref_slice %arg10[%dma_start3A_520, %dma_start3A_521] : memref<12288x16xf32, #tpu.memory_space<vmem_shared>> -> memref<12288x16xf32, #tpu.memory_space<vmem_shared>>
    tpu.enqueue_indirect_dma source(%arg8 : memref<400x16xf32, #tpu.memory_space<vmem>>) target(%dma_start3A_522 : memref<12288x16xf32, #tpu.memory_space<vmem_shared>>) offsets(%arg7 : memref<400xi32, #tpu.memory_space<vmem>>) semaphore(%arg14 : memref<!tpu.dma_semaphore, #tpu.memory_space<semaphore_mem>>) {add = true}
    %dma_wait3A_523 = tpu.memref_slice %arg2[%add3A_513] : memref<320000xi32, #tpu.memory_space<hbm>> -> memref<400xi32, #tpu.memory_space<hbm>>
    %dma_wait3A_524 = tpu.memref_slice %arg2[%add3A_513] : memref<320000xi32, #tpu.memory_space<hbm>> -> memref<400xi32, #tpu.memory_space<hbm>>
    tpu.wait_dma2 semaphore(%arg11 : memref<!tpu.dma_semaphore, #tpu.memory_space<semaphore_mem>>) src(%dma_wait3A_524 : memref<400xi32, #tpu.memory_space<hbm>>) dst(%arg5 : memref<400xi32, #tpu.memory_space<vmem>>)
    %dma_wait3A_525 = arith.constant 0 : i32
    %dma_wait3A_526 = tpu.memref_slice %arg3[%add3A_513, %dma_wait3A_525] : memref<320000x16xf32, #tpu.memory_space<hbm>> -> memref<400x16xf32, #tpu.memory_space<hbm>>
    %dma_wait3A_527 = arith.constant 0 : i32
    %dma_wait3A_528 = tpu.memref_slice %arg3[%add3A_513, %dma_wait3A_527] : memref<320000x16xf32, #tpu.memory_space<hbm>> -> memref<400x16xf32, #tpu.memory_space<hbm>>
    tpu.wait_dma2 semaphore(%arg11 : memref<!tpu.dma_semaphore, #tpu.memory_space<semaphore_mem>>) src(%dma_wait3A_528 : memref<400x16xf32, #tpu.memory_space<hbm>>) dst(%arg6 : memref<400x16xf32, #tpu.memory_space<vmem>>)
    %dma_wait3A_529 = arith.constant 0 : i32
    %dma_wait3A_530 = arith.constant 0 : i32
    %dma_wait3A_531 = tpu.memref_slice %arg10[%dma_wait3A_529, %dma_wait3A_530] : memref<12288x16xf32, #tpu.memory_space<vmem_shared>> -> memref<12288x16xf32, #tpu.memory_space<vmem_shared>>
    tpu.wait_indirect_dma semaphore(%arg14 : memref<!tpu.dma_semaphore, #tpu.memory_space<semaphore_mem>>) src(%arg8 : memref<400x16xf32, #tpu.memory_space<vmem>>) dst(%dma_wait3A_531 : memref<12288x16xf32, #tpu.memory_space<vmem_shared>>)
    %dma_start3A_532 = arith.constant 0 : i32
    %dma_start3A_533 = arith.constant 0 : i32
    %dma_start3A_534 = tpu.memref_slice %arg10[%dma_start3A_532, %dma_start3A_533] : memref<12288x16xf32, #tpu.memory_space<vmem_shared>> -> memref<12288x16xf32, #tpu.memory_space<vmem_shared>>
    tpu.enqueue_indirect_dma source(%arg6 : memref<400x16xf32, #tpu.memory_space<vmem>>) target(%dma_start3A_534 : memref<12288x16xf32, #tpu.memory_space<vmem_shared>>) offsets(%arg5 : memref<400xi32, #tpu.memory_space<vmem>>) semaphore(%arg12 : memref<!tpu.dma_semaphore, #tpu.memory_space<semaphore_mem>>) {add = true}
    %dma_wait3A_535 = arith.constant 0 : i32
    %dma_wait3A_536 = arith.constant 0 : i32
    %dma_wait3A_537 = tpu.memref_slice %arg10[%dma_wait3A_535, %dma_wait3A_536] : memref<12288x16xf32, #tpu.memory_space<vmem_shared>> -> memref<12288x16xf32, #tpu.memory_space<vmem_shared>>
    tpu.wait_indirect_dma semaphore(%arg12 : memref<!tpu.dma_semaphore, #tpu.memory_space<semaphore_mem>>) src(%arg6 : memref<400x16xf32, #tpu.memory_space<vmem>>) dst(%dma_wait3A_537 : memref<12288x16xf32, #tpu.memory_space<vmem_shared>>)
    %barrier3A_538 = arith.constant 0 : index
    tpu.barrier barrier_id(%barrier3A_538)
    %mul3A_539 = arith.constant 12288 : i32
    %mul3A_540 = arith.muli %arg0, %mul3A_539 : i32
    %mul3A_541 = arith.constant 768 : i32
    %mul3A_542 = arith.muli %arg1, %mul3A_541 : i32
    %add3A_543 = arith.addi %mul3A_540, %mul3A_542 : i32
    %mul3A_544 = arith.constant 768 : i32
    %mul3A_545 = arith.muli %arg1, %mul3A_544 : i32
    "tpu.region"() ({
      %run_scoped3A = tpu.sem_alloc : memref<!tpu.dma_semaphore, #tpu.memory_space<semaphore_mem>>
      %dma_start3A_546 = arith.constant 0 : i32
      %dma_start3A_547 = tpu.memref_slice %arg4[%add3A_543, %dma_start3A_546] : memref<24576x16xf32, #tpu.memory_space<hbm>> -> memref<768x16xf32, #tpu.memory_space<hbm>>
      %dma_start3A_548 = arith.constant 0 : i32
      %dma_start3A_549 = tpu.memref_slice %arg10[%mul3A_545, %dma_start3A_548] : memref<12288x16xf32, #tpu.memory_space<vmem_shared>> -> memref<768x16xf32, #tpu.memory_space<vmem_shared>>
      tpu.enqueue_dma source(%dma_start3A_549 : memref<768x16xf32, #tpu.memory_space<vmem_shared>>) target(%dma_start3A_547 : memref<768x16xf32, #tpu.memory_space<hbm>>) target_semaphore(%run_scoped3A : memref<!tpu.dma_semaphore, #tpu.memory_space<semaphore_mem>>)
      %dma_wait3A_550 = arith.constant 0 : i32
      %dma_wait3A_551 = tpu.memref_slice %arg4[%add3A_543, %dma_wait3A_550] : memref<24576x16xf32, #tpu.memory_space<hbm>> -> memref<768x16xf32, #tpu.memory_space<hbm>>
      %dma_wait3A_552 = arith.constant 0 : i32
      %dma_wait3A_553 = tpu.memref_slice %arg10[%mul3A_545, %dma_wait3A_552] : memref<12288x16xf32, #tpu.memory_space<vmem_shared>> -> memref<768x16xf32, #tpu.memory_space<vmem_shared>>
      tpu.wait_dma2 semaphore(%run_scoped3A : memref<!tpu.dma_semaphore, #tpu.memory_space<semaphore_mem>>) src(%dma_wait3A_553 : memref<768x16xf32, #tpu.memory_space<vmem_shared>>) dst(%dma_wait3A_551 : memref<768x16xf32, #tpu.memory_space<hbm>>)
      tpu.yield
    }) : () -> ()
    return
  }
}

#map = affine_map<(d0, d1) -> (0, 0)>
#map1 = affine_map<(d0, d1) -> (0)>
module attributes {stable_mosaic.version = 14 : i64} {
  func.func @_sc_a_body(%arg0: i32, %arg1: i32, %arg2: memref<10000x16xf32, #tpu.memory_space<hbm>>, %arg3: memref<320000xi32, #tpu.memory_space<hbm>>, %arg4: memref<320000xi32, #tpu.memory_space<hbm>>, %arg5: memref<24576x16xf32, #tpu.memory_space<hbm>>, %arg6: memref<24576x16xf32, #tpu.memory_space<hbm>>, %arg7: memref<400xi32, #tpu.memory_space<vmem>>, %arg8: memref<400xi32, #tpu.memory_space<vmem>>, %arg9: memref<400x16xf32, #tpu.memory_space<vmem>>, %arg10: memref<400xi32, #tpu.memory_space<vmem>>, %arg11: memref<400xi32, #tpu.memory_space<vmem>>, %arg12: memref<400x16xf32, #tpu.memory_space<vmem>>, %arg13: memref<400x16xf32, #tpu.memory_space<vmem>>, %arg14: memref<256x16xf32, #tpu.memory_space<vmem>>, %arg15: memref<12288x16xf32, #tpu.memory_space<vmem_shared>>, %arg16: memref<12288x16xf32, #tpu.memory_space<vmem_shared>>, %arg17: memref<!tpu.dma_semaphore, #tpu.memory_space<semaphore_mem>>, %arg18: memref<!tpu.dma_semaphore, #tpu.memory_space<semaphore_mem>>, %arg19: memref<!tpu.dma_semaphore, #tpu.memory_space<semaphore_mem>>, %arg20: memref<!tpu.dma_semaphore, #tpu.memory_space<semaphore_mem>>, %arg21: memref<!tpu.dma_semaphore, #tpu.memory_space<semaphore_mem>>, %arg22: memref<!tpu.dma_semaphore, #tpu.memory_space<semaphore_mem>>) attributes {dimension_semantics = [#tpu.dimension_semantics<core_parallel>, #tpu.dimension_semantics<subcore_parallel>], iteration_bounds = array<i64: 2, 16>, scalar_prefetch = 0 : i64, scratch_operands = 16 : i64, tpu.core_type = #tpu.core_type<sc_vector_subcore>, window_params = [{transform_indices = #map}, {transform_indices = #map1}, {transform_indices = #map1}, {transform_indices = #map}, {transform_indices = #map}]} {
    %scan3A = arith.constant 0 : i32
    %scan3A_0 = arith.constant 0 : i32
    %scan3A_1 = arith.constant 400 : i32
    %scan3A_2 = arith.addi %scan3A_0, %scan3A_1 : i32
    %scan3A_3 = arith.constant 1 : i32
    scf.for %scan3A_776 = %scan3A_0 to %scan3A_2 step %scan3A_3  : i32 {
      %broadcast_in_dim3A = arith.constant 1.000000e+00 : f32
      %broadcast_in_dim3A_777 = vector.broadcast %broadcast_in_dim3A : f32 to vector<16xf32>
      %swap3A = arith.index_cast %scan3A_776 : i32 to index
      %swap3A_778 = arith.constant 0 : index
      %swap3A_779 = tpu.vector_load %arg13[%swap3A, %swap3A_778] {strides = array<i32>} : memref<400x16xf32, #tpu.memory_space<vmem>>, vector<1x16xf32>,
      %swap3A_780 = vector.shape_cast %swap3A_779 : vector<1x16xf32> to vector<16xf32>
      %swap3A_781 = vector.shape_cast %broadcast_in_dim3A_777 : vector<16xf32> to vector<1x16xf32>
      tpu.vector_store %arg13[%swap3A, %swap3A_778], %swap3A_781 {strides = array<i32>} : memref<400x16xf32, #tpu.memory_space<vmem>>, vector<1x16xf32>,
    }
    %scan3A_4 = arith.constant 400 : i32
    %scan3A_5 = arith.constant 0 : i32
    %scan3A_6 = arith.constant 0 : i32
    %scan3A_7 = arith.constant 256 : i32
    %scan3A_8 = arith.addi %scan3A_6, %scan3A_7 : i32
    %scan3A_9 = arith.constant 1 : i32
    scf.for %scan3A_776 = %scan3A_6 to %scan3A_8 step %scan3A_9  : i32 {
      %broadcast_in_dim3A = arith.constant 0.000000e+00 : f32
      %broadcast_in_dim3A_777 = vector.broadcast %broadcast_in_dim3A : f32 to vector<16xf32>
      %swap3A = arith.index_cast %scan3A_776 : i32 to index
      %swap3A_778 = arith.constant 0 : index
      %swap3A_779 = tpu.vector_load %arg14[%swap3A, %swap3A_778] {strides = array<i32>} : memref<256x16xf32, #tpu.memory_space<vmem>>, vector<1x16xf32>,
      %swap3A_780 = vector.shape_cast %swap3A_779 : vector<1x16xf32> to vector<16xf32>
      %swap3A_781 = vector.shape_cast %broadcast_in_dim3A_777 : vector<16xf32> to vector<1x16xf32>
      tpu.vector_store %arg14[%swap3A, %swap3A_778], %swap3A_781 {strides = array<i32>} : memref<256x16xf32, #tpu.memory_space<vmem>>, vector<1x16xf32>,
    }
    %scan3A_10 = arith.constant 256 : i32
    %mul3A = arith.constant 768 : i32
    %mul3A_11 = arith.muli %arg1, %mul3A : i32
    %add3A = arith.constant 0 : i32
    %add3A_12 = arith.addi %mul3A_11, %add3A : i32
    %dma_start3A = arith.constant 0 : i32
    %dma_start3A_13 = tpu.memref_slice %arg15[%add3A_12, %dma_start3A] : memref<12288x16xf32, #tpu.memory_space<vmem_shared>> -> memref<256x16xf32, #tpu.memory_space<vmem_shared>>
    %dma_start3A_14 = arith.constant 0 : i32
    %dma_start3A_15 = tpu.memref_slice %arg15[%add3A_12, %dma_start3A_14] : memref<12288x16xf32, #tpu.memory_space<vmem_shared>> -> memref<256x16xf32, #tpu.memory_space<vmem_shared>>
    tpu.enqueue_dma source(%arg14 : memref<256x16xf32, #tpu.memory_space<vmem>>) target(%dma_start3A_15 : memref<256x16xf32, #tpu.memory_space<vmem_shared>>) target_semaphore(%arg17 : memref<!tpu.dma_semaphore, #tpu.memory_space<semaphore_mem>>)
    %dma_start3A_16 = arith.constant 0 : i32
    %dma_start3A_17 = tpu.memref_slice %arg16[%add3A_12, %dma_start3A_16] : memref<12288x16xf32, #tpu.memory_space<vmem_shared>> -> memref<256x16xf32, #tpu.memory_space<vmem_shared>>
    %dma_start3A_18 = arith.constant 0 : i32
    %dma_start3A_19 = tpu.memref_slice %arg16[%add3A_12, %dma_start3A_18] : memref<12288x16xf32, #tpu.memory_space<vmem_shared>> -> memref<256x16xf32, #tpu.memory_space<vmem_shared>>
    tpu.enqueue_dma source(%arg14 : memref<256x16xf32, #tpu.memory_space<vmem>>) target(%dma_start3A_19 : memref<256x16xf32, #tpu.memory_space<vmem_shared>>) target_semaphore(%arg17 : memref<!tpu.dma_semaphore, #tpu.memory_space<semaphore_mem>>)
    %add3A_20 = arith.constant 256 : i32
    %add3A_21 = arith.addi %mul3A_11, %add3A_20 : i32
    %dma_start3A_22 = arith.constant 0 : i32
    %dma_start3A_23 = tpu.memref_slice %arg15[%add3A_21, %dma_start3A_22] : memref<12288x16xf32, #tpu.memory_space<vmem_shared>> -> memref<256x16xf32, #tpu.memory_space<vmem_shared>>
    %dma_start3A_24 = arith.constant 0 : i32
    %dma_start3A_25 = tpu.memref_slice %arg15[%add3A_21, %dma_start3A_24] : memref<12288x16xf32, #tpu.memory_space<vmem_shared>> -> memref<256x16xf32, #tpu.memory_space<vmem_shared>>
    tpu.enqueue_dma source(%arg14 : memref<256x16xf32, #tpu.memory_space<vmem>>) target(%dma_start3A_25 : memref<256x16xf32, #tpu.memory_space<vmem_shared>>) target_semaphore(%arg17 : memref<!tpu.dma_semaphore, #tpu.memory_space<semaphore_mem>>)
    %dma_start3A_26 = arith.constant 0 : i32
    %dma_start3A_27 = tpu.memref_slice %arg16[%add3A_21, %dma_start3A_26] : memref<12288x16xf32, #tpu.memory_space<vmem_shared>> -> memref<256x16xf32, #tpu.memory_space<vmem_shared>>
    %dma_start3A_28 = arith.constant 0 : i32
    %dma_start3A_29 = tpu.memref_slice %arg16[%add3A_21, %dma_start3A_28] : memref<12288x16xf32, #tpu.memory_space<vmem_shared>> -> memref<256x16xf32, #tpu.memory_space<vmem_shared>>
    tpu.enqueue_dma source(%arg14 : memref<256x16xf32, #tpu.memory_space<vmem>>) target(%dma_start3A_29 : memref<256x16xf32, #tpu.memory_space<vmem_shared>>) target_semaphore(%arg17 : memref<!tpu.dma_semaphore, #tpu.memory_space<semaphore_mem>>)
    %add3A_30 = arith.constant 512 : i32
    %add3A_31 = arith.addi %mul3A_11, %add3A_30 : i32
    %dma_start3A_32 = arith.constant 0 : i32
    %dma_start3A_33 = tpu.memref_slice %arg15[%add3A_31, %dma_start3A_32] : memref<12288x16xf32, #tpu.memory_space<vmem_shared>> -> memref<256x16xf32, #tpu.memory_space<vmem_shared>>
    %dma_start3A_34 = arith.constant 0 : i32
    %dma_start3A_35 = tpu.memref_slice %arg15[%add3A_31, %dma_start3A_34] : memref<12288x16xf32, #tpu.memory_space<vmem_shared>> -> memref<256x16xf32, #tpu.memory_space<vmem_shared>>
    tpu.enqueue_dma source(%arg14 : memref<256x16xf32, #tpu.memory_space<vmem>>) target(%dma_start3A_35 : memref<256x16xf32, #tpu.memory_space<vmem_shared>>) target_semaphore(%arg17 : memref<!tpu.dma_semaphore, #tpu.memory_space<semaphore_mem>>)
    %dma_start3A_36 = arith.constant 0 : i32
    %dma_start3A_37 = tpu.memref_slice %arg16[%add3A_31, %dma_start3A_36] : memref<12288x16xf32, #tpu.memory_space<vmem_shared>> -> memref<256x16xf32, #tpu.memory_space<vmem_shared>>
    %dma_start3A_38 = arith.constant 0 : i32
    %dma_start3A_39 = tpu.memref_slice %arg16[%add3A_31, %dma_start3A_38] : memref<12288x16xf32, #tpu.memory_space<vmem_shared>> -> memref<256x16xf32, #tpu.memory_space<vmem_shared>>
    tpu.enqueue_dma source(%arg14 : memref<256x16xf32, #tpu.memory_space<vmem>>) target(%dma_start3A_39 : memref<256x16xf32, #tpu.memory_space<vmem_shared>>) target_semaphore(%arg17 : memref<!tpu.dma_semaphore, #tpu.memory_space<semaphore_mem>>)
    %dma_wait3A = arith.constant 0 : i32
    %dma_wait3A_40 = tpu.memref_slice %arg15[%add3A_12, %dma_wait3A] : memref<12288x16xf32, #tpu.memory_space<vmem_shared>> -> memref<256x16xf32, #tpu.memory_space<vmem_shared>>
    %dma_wait3A_41 = arith.constant 0 : i32
    %dma_wait3A_42 = tpu.memref_slice %arg15[%add3A_12, %dma_wait3A_41] : memref<12288x16xf32, #tpu.memory_space<vmem_shared>> -> memref<256x16xf32, #tpu.memory_space<vmem_shared>>
    tpu.wait_dma2 semaphore(%arg17 : memref<!tpu.dma_semaphore, #tpu.memory_space<semaphore_mem>>) src(%arg14 : memref<256x16xf32, #tpu.memory_space<vmem>>) dst(%dma_wait3A_42 : memref<256x16xf32, #tpu.memory_space<vmem_shared>>)
    %dma_wait3A_43 = arith.constant 0 : i32
    %dma_wait3A_44 = tpu.memref_slice %arg16[%add3A_12, %dma_wait3A_43] : memref<12288x16xf32, #tpu.memory_space<vmem_shared>> -> memref<256x16xf32, #tpu.memory_space<vmem_shared>>
    %dma_wait3A_45 = arith.constant 0 : i32
    %dma_wait3A_46 = tpu.memref_slice %arg16[%add3A_12, %dma_wait3A_45] : memref<12288x16xf32, #tpu.memory_space<vmem_shared>> -> memref<256x16xf32, #tpu.memory_space<vmem_shared>>
    tpu.wait_dma2 semaphore(%arg17 : memref<!tpu.dma_semaphore, #tpu.memory_space<semaphore_mem>>) src(%arg14 : memref<256x16xf32, #tpu.memory_space<vmem>>) dst(%dma_wait3A_46 : memref<256x16xf32, #tpu.memory_space<vmem_shared>>)
    %dma_wait3A_47 = arith.constant 0 : i32
    %dma_wait3A_48 = tpu.memref_slice %arg15[%add3A_21, %dma_wait3A_47] : memref<12288x16xf32, #tpu.memory_space<vmem_shared>> -> memref<256x16xf32, #tpu.memory_space<vmem_shared>>
    %dma_wait3A_49 = arith.constant 0 : i32
    %dma_wait3A_50 = tpu.memref_slice %arg15[%add3A_21, %dma_wait3A_49] : memref<12288x16xf32, #tpu.memory_space<vmem_shared>> -> memref<256x16xf32, #tpu.memory_space<vmem_shared>>
    tpu.wait_dma2 semaphore(%arg17 : memref<!tpu.dma_semaphore, #tpu.memory_space<semaphore_mem>>) src(%arg14 : memref<256x16xf32, #tpu.memory_space<vmem>>) dst(%dma_wait3A_50 : memref<256x16xf32, #tpu.memory_space<vmem_shared>>)
    %dma_wait3A_51 = arith.constant 0 : i32
    %dma_wait3A_52 = tpu.memref_slice %arg16[%add3A_21, %dma_wait3A_51] : memref<12288x16xf32, #tpu.memory_space<vmem_shared>> -> memref<256x16xf32, #tpu.memory_space<vmem_shared>>
    %dma_wait3A_53 = arith.constant 0 : i32
    %dma_wait3A_54 = tpu.memref_slice %arg16[%add3A_21, %dma_wait3A_53] : memref<12288x16xf32, #tpu.memory_space<vmem_shared>> -> memref<256x16xf32, #tpu.memory_space<vmem_shared>>
    tpu.wait_dma2 semaphore(%arg17 : memref<!tpu.dma_semaphore, #tpu.memory_space<semaphore_mem>>) src(%arg14 : memref<256x16xf32, #tpu.memory_space<vmem>>) dst(%dma_wait3A_54 : memref<256x16xf32, #tpu.memory_space<vmem_shared>>)
    %dma_wait3A_55 = arith.constant 0 : i32
    %dma_wait3A_56 = tpu.memref_slice %arg15[%add3A_31, %dma_wait3A_55] : memref<12288x16xf32, #tpu.memory_space<vmem_shared>> -> memref<256x16xf32, #tpu.memory_space<vmem_shared>>
    %dma_wait3A_57 = arith.constant 0 : i32
    %dma_wait3A_58 = tpu.memref_slice %arg15[%add3A_31, %dma_wait3A_57] : memref<12288x16xf32, #tpu.memory_space<vmem_shared>> -> memref<256x16xf32, #tpu.memory_space<vmem_shared>>
    tpu.wait_dma2 semaphore(%arg17 : memref<!tpu.dma_semaphore, #tpu.memory_space<semaphore_mem>>) src(%arg14 : memref<256x16xf32, #tpu.memory_space<vmem>>) dst(%dma_wait3A_58 : memref<256x16xf32, #tpu.memory_space<vmem_shared>>)
    %dma_wait3A_59 = arith.constant 0 : i32
    %dma_wait3A_60 = tpu.memref_slice %arg16[%add3A_31, %dma_wait3A_59] : memref<12288x16xf32, #tpu.memory_space<vmem_shared>> -> memref<256x16xf32, #tpu.memory_space<vmem_shared>>
    %dma_wait3A_61 = arith.constant 0 : i32
    %dma_wait3A_62 = tpu.memref_slice %arg16[%add3A_31, %dma_wait3A_61] : memref<12288x16xf32, #tpu.memory_space<vmem_shared>> -> memref<256x16xf32, #tpu.memory_space<vmem_shared>>
    tpu.wait_dma2 semaphore(%arg17 : memref<!tpu.dma_semaphore, #tpu.memory_space<semaphore_mem>>) src(%arg14 : memref<256x16xf32, #tpu.memory_space<vmem>>) dst(%dma_wait3A_62 : memref<256x16xf32, #tpu.memory_space<vmem_shared>>)
    %barrier3A = arith.constant 0 : index
    tpu.barrier barrier_id(%barrier3A)
    %mul3A_63 = arith.constant 16 : i32
    %mul3A_64 = arith.muli %arg0, %mul3A_63 : i32
    %add3A_65 = arith.addi %mul3A_64, %arg1 : i32
    %mul3A_66 = arith.constant 10000 : i32
    %mul3A_67 = arith.muli %add3A_65, %mul3A_66 : i32
    %add3A_68 = arith.constant 0 : i32
    %add3A_69 = arith.addi %mul3A_67, %add3A_68 : i32
    %dma_start3A_70 = tpu.memref_slice %arg3[%add3A_69] : memref<320000xi32, #tpu.memory_space<hbm>> -> memref<400xi32, #tpu.memory_space<hbm>>
    %dma_start3A_71 = tpu.memref_slice %arg3[%add3A_69] : memref<320000xi32, #tpu.memory_space<hbm>> -> memref<400xi32, #tpu.memory_space<hbm>>
    tpu.enqueue_dma source(%dma_start3A_71 : memref<400xi32, #tpu.memory_space<hbm>>) target(%arg7 : memref<400xi32, #tpu.memory_space<vmem>>) target_semaphore(%arg17 : memref<!tpu.dma_semaphore, #tpu.memory_space<semaphore_mem>>)
    %dma_start3A_72 = tpu.memref_slice %arg4[%add3A_69] : memref<320000xi32, #tpu.memory_space<hbm>> -> memref<400xi32, #tpu.memory_space<hbm>>
    %dma_start3A_73 = tpu.memref_slice %arg4[%add3A_69] : memref<320000xi32, #tpu.memory_space<hbm>> -> memref<400xi32, #tpu.memory_space<hbm>>
    tpu.enqueue_dma source(%dma_start3A_73 : memref<400xi32, #tpu.memory_space<hbm>>) target(%arg8 : memref<400xi32, #tpu.memory_space<vmem>>) target_semaphore(%arg17 : memref<!tpu.dma_semaphore, #tpu.memory_space<semaphore_mem>>)
    %dma_wait3A_74 = tpu.memref_slice %arg3[%add3A_69] : memref<320000xi32, #tpu.memory_space<hbm>> -> memref<400xi32, #tpu.memory_space<hbm>>
    %dma_wait3A_75 = tpu.memref_slice %arg3[%add3A_69] : memref<320000xi32, #tpu.memory_space<hbm>> -> memref<400xi32, #tpu.memory_space<hbm>>
    tpu.wait_dma2 semaphore(%arg17 : memref<!tpu.dma_semaphore, #tpu.memory_space<semaphore_mem>>) src(%dma_wait3A_75 : memref<400xi32, #tpu.memory_space<hbm>>) dst(%arg7 : memref<400xi32, #tpu.memory_space<vmem>>)
    %dma_wait3A_76 = tpu.memref_slice %arg4[%add3A_69] : memref<320000xi32, #tpu.memory_space<hbm>> -> memref<400xi32, #tpu.memory_space<hbm>>
    %dma_wait3A_77 = tpu.memref_slice %arg4[%add3A_69] : memref<320000xi32, #tpu.memory_space<hbm>> -> memref<400xi32, #tpu.memory_space<hbm>>
    tpu.wait_dma2 semaphore(%arg17 : memref<!tpu.dma_semaphore, #tpu.memory_space<semaphore_mem>>) src(%dma_wait3A_77 : memref<400xi32, #tpu.memory_space<hbm>>) dst(%arg8 : memref<400xi32, #tpu.memory_space<vmem>>)
    %dma_start3A_78 = arith.constant 0 : i32
    %dma_start3A_79 = arith.constant 0 : i32
    %dma_start3A_80 = tpu.memref_slice %arg2[%dma_start3A_78, %dma_start3A_79] : memref<10000x16xf32, #tpu.memory_space<hbm>> -> memref<10000x16xf32, #tpu.memory_space<hbm>>
    tpu.enqueue_indirect_dma source(%dma_start3A_80 : memref<10000x16xf32, #tpu.memory_space<hbm>>) target(%arg9 : memref<400x16xf32, #tpu.memory_space<vmem>>) offsets(%arg7 : memref<400xi32, #tpu.memory_space<vmem>>) semaphore(%arg18 : memref<!tpu.dma_semaphore, #tpu.memory_space<semaphore_mem>>)
    %add3A_81 = arith.constant 400 : i32
    %add3A_82 = arith.addi %mul3A_67, %add3A_81 : i32
    %dma_start3A_83 = tpu.memref_slice %arg3[%add3A_82] : memref<320000xi32, #tpu.memory_space<hbm>> -> memref<400xi32, #tpu.memory_space<hbm>>
    %dma_start3A_84 = tpu.memref_slice %arg3[%add3A_82] : memref<320000xi32, #tpu.memory_space<hbm>> -> memref<400xi32, #tpu.memory_space<hbm>>
    tpu.enqueue_dma source(%dma_start3A_84 : memref<400xi32, #tpu.memory_space<hbm>>) target(%arg10 : memref<400xi32, #tpu.memory_space<vmem>>) target_semaphore(%arg20 : memref<!tpu.dma_semaphore, #tpu.memory_space<semaphore_mem>>)
    %dma_start3A_85 = tpu.memref_slice %arg4[%add3A_82] : memref<320000xi32, #tpu.memory_space<hbm>> -> memref<400xi32, #tpu.memory_space<hbm>>
    %dma_start3A_86 = tpu.memref_slice %arg4[%add3A_82] : memref<320000xi32, #tpu.memory_space<hbm>> -> memref<400xi32, #tpu.memory_space<hbm>>
    tpu.enqueue_dma source(%dma_start3A_86 : memref<400xi32, #tpu.memory_space<hbm>>) target(%arg11 : memref<400xi32, #tpu.memory_space<vmem>>) target_semaphore(%arg20 : memref<!tpu.dma_semaphore, #tpu.memory_space<semaphore_mem>>)
    %dma_wait3A_87 = arith.constant 0 : i32
    %dma_wait3A_88 = arith.constant 0 : i32
    %dma_wait3A_89 = tpu.memref_slice %arg2[%dma_wait3A_87, %dma_wait3A_88] : memref<10000x16xf32, #tpu.memory_space<hbm>> -> memref<10000x16xf32, #tpu.memory_space<hbm>>
    tpu.wait_indirect_dma semaphore(%arg18 : memref<!tpu.dma_semaphore, #tpu.memory_space<semaphore_mem>>) src(%dma_wait3A_89 : memref<10000x16xf32, #tpu.memory_space<hbm>>) dst(%arg9 : memref<400x16xf32, #tpu.memory_space<vmem>>)
    %dma_start3A_90 = arith.constant 0 : i32
    %dma_start3A_91 = arith.constant 0 : i32
    %dma_start3A_92 = tpu.memref_slice %arg15[%dma_start3A_90, %dma_start3A_91] : memref<12288x16xf32, #tpu.memory_space<vmem_shared>> -> memref<12288x16xf32, #tpu.memory_space<vmem_shared>>
    tpu.enqueue_indirect_dma source(%arg9 : memref<400x16xf32, #tpu.memory_space<vmem>>) target(%dma_start3A_92 : memref<12288x16xf32, #tpu.memory_space<vmem_shared>>) offsets(%arg8 : memref<400xi32, #tpu.memory_space<vmem>>) semaphore(%arg19 : memref<!tpu.dma_semaphore, #tpu.memory_space<semaphore_mem>>) {add = true}
    %dma_start3A_93 = arith.constant 0 : i32
    %dma_start3A_94 = arith.constant 0 : i32
    %dma_start3A_95 = tpu.memref_slice %arg16[%dma_start3A_93, %dma_start3A_94] : memref<12288x16xf32, #tpu.memory_space<vmem_shared>> -> memref<12288x16xf32, #tpu.memory_space<vmem_shared>>
    tpu.enqueue_indirect_dma source(%arg13 : memref<400x16xf32, #tpu.memory_space<vmem>>) target(%dma_start3A_95 : memref<12288x16xf32, #tpu.memory_space<vmem_shared>>) offsets(%arg8 : memref<400xi32, #tpu.memory_space<vmem>>) semaphore(%arg19 : memref<!tpu.dma_semaphore, #tpu.memory_space<semaphore_mem>>) {add = true}
    %dma_wait3A_96 = tpu.memref_slice %arg3[%add3A_82] : memref<320000xi32, #tpu.memory_space<hbm>> -> memref<400xi32, #tpu.memory_space<hbm>>
    %dma_wait3A_97 = tpu.memref_slice %arg3[%add3A_82] : memref<320000xi32, #tpu.memory_space<hbm>> -> memref<400xi32, #tpu.memory_space<hbm>>
    tpu.wait_dma2 semaphore(%arg20 : memref<!tpu.dma_semaphore, #tpu.memory_space<semaphore_mem>>) src(%dma_wait3A_97 : memref<400xi32, #tpu.memory_space<hbm>>) dst(%arg10 : memref<400xi32, #tpu.memory_space<vmem>>)
    %dma_wait3A_98 = tpu.memref_slice %arg4[%add3A_82] : memref<320000xi32, #tpu.memory_space<hbm>> -> memref<400xi32, #tpu.memory_space<hbm>>
    %dma_wait3A_99 = tpu.memref_slice %arg4[%add3A_82] : memref<320000xi32, #tpu.memory_space<hbm>> -> memref<400xi32, #tpu.memory_space<hbm>>
    tpu.wait_dma2 semaphore(%arg20 : memref<!tpu.dma_semaphore, #tpu.memory_space<semaphore_mem>>) src(%dma_wait3A_99 : memref<400xi32, #tpu.memory_space<hbm>>) dst(%arg11 : memref<400xi32, #tpu.memory_space<vmem>>)
    %dma_start3A_100 = arith.constant 0 : i32
    %dma_start3A_101 = arith.constant 0 : i32
    %dma_start3A_102 = tpu.memref_slice %arg2[%dma_start3A_100, %dma_start3A_101] : memref<10000x16xf32, #tpu.memory_space<hbm>> -> memref<10000x16xf32, #tpu.memory_space<hbm>>
    tpu.enqueue_indirect_dma source(%dma_start3A_102 : memref<10000x16xf32, #tpu.memory_space<hbm>>) target(%arg12 : memref<400x16xf32, #tpu.memory_space<vmem>>) offsets(%arg10 : memref<400xi32, #tpu.memory_space<vmem>>) semaphore(%arg21 : memref<!tpu.dma_semaphore, #tpu.memory_space<semaphore_mem>>)
    %dma_wait3A_103 = arith.constant 0 : i32
    %dma_wait3A_104 = arith.constant 0 : i32
    %dma_wait3A_105 = tpu.memref_slice %arg15[%dma_wait3A_103, %dma_wait3A_104] : memref<12288x16xf32, #tpu.memory_space<vmem_shared>> -> memref<12288x16xf32, #tpu.memory_space<vmem_shared>>
    tpu.wait_indirect_dma semaphore(%arg19 : memref<!tpu.dma_semaphore, #tpu.memory_space<semaphore_mem>>) src(%arg9 : memref<400x16xf32, #tpu.memory_space<vmem>>) dst(%dma_wait3A_105 : memref<12288x16xf32, #tpu.memory_space<vmem_shared>>)
    %dma_wait3A_106 = arith.constant 0 : i32
    %dma_wait3A_107 = arith.constant 0 : i32
    %dma_wait3A_108 = tpu.memref_slice %arg16[%dma_wait3A_106, %dma_wait3A_107] : memref<12288x16xf32, #tpu.memory_space<vmem_shared>> -> memref<12288x16xf32, #tpu.memory_space<vmem_shared>>
    tpu.wait_indirect_dma semaphore(%arg19 : memref<!tpu.dma_semaphore, #tpu.memory_space<semaphore_mem>>) src(%arg13 : memref<400x16xf32, #tpu.memory_space<vmem>>) dst(%dma_wait3A_108 : memref<12288x16xf32, #tpu.memory_space<vmem_shared>>)
    %add3A_109 = arith.constant 800 : i32
    %add3A_110 = arith.addi %mul3A_67, %add3A_109 : i32
    %dma_start3A_111 = tpu.memref_slice %arg3[%add3A_110] : memref<320000xi32, #tpu.memory_space<hbm>> -> memref<400xi32, #tpu.memory_space<hbm>>
    %dma_start3A_112 = tpu.memref_slice %arg3[%add3A_110] : memref<320000xi32, #tpu.memory_space<hbm>> -> memref<400xi32, #tpu.memory_space<hbm>>
    tpu.enqueue_dma source(%dma_start3A_112 : memref<400xi32, #tpu.memory_space<hbm>>) target(%arg7 : memref<400xi32, #tpu.memory_space<vmem>>) target_semaphore(%arg17 : memref<!tpu.dma_semaphore, #tpu.memory_space<semaphore_mem>>)
    %dma_start3A_113 = tpu.memref_slice %arg4[%add3A_110] : memref<320000xi32, #tpu.memory_space<hbm>> -> memref<400xi32, #tpu.memory_space<hbm>>
    %dma_start3A_114 = tpu.memref_slice %arg4[%add3A_110] : memref<320000xi32, #tpu.memory_space<hbm>> -> memref<400xi32, #tpu.memory_space<hbm>>
    tpu.enqueue_dma source(%dma_start3A_114 : memref<400xi32, #tpu.memory_space<hbm>>) target(%arg8 : memref<400xi32, #tpu.memory_space<vmem>>) target_semaphore(%arg17 : memref<!tpu.dma_semaphore, #tpu.memory_space<semaphore_mem>>)
    %dma_wait3A_115 = arith.constant 0 : i32
    %dma_wait3A_116 = arith.constant 0 : i32
    %dma_wait3A_117 = tpu.memref_slice %arg2[%dma_wait3A_115, %dma_wait3A_116] : memref<10000x16xf32, #tpu.memory_space<hbm>> -> memref<10000x16xf32, #tpu.memory_space<hbm>>
    tpu.wait_indirect_dma semaphore(%arg21 : memref<!tpu.dma_semaphore, #tpu.memory_space<semaphore_mem>>) src(%dma_wait3A_117 : memref<10000x16xf32, #tpu.memory_space<hbm>>) dst(%arg12 : memref<400x16xf32, #tpu.memory_space<vmem>>)
    %dma_start3A_118 = arith.constant 0 : i32
    %dma_start3A_119 = arith.constant 0 : i32
    %dma_start3A_120 = tpu.memref_slice %arg15[%dma_start3A_118, %dma_start3A_119] : memref<12288x16xf32, #tpu.memory_space<vmem_shared>> -> memref<12288x16xf32, #tpu.memory_space<vmem_shared>>
    tpu.enqueue_indirect_dma source(%arg12 : memref<400x16xf32, #tpu.memory_space<vmem>>) target(%dma_start3A_120 : memref<12288x16xf32, #tpu.memory_space<vmem_shared>>) offsets(%arg11 : memref<400xi32, #tpu.memory_space<vmem>>) semaphore(%arg22 : memref<!tpu.dma_semaphore, #tpu.memory_space<semaphore_mem>>) {add = true}
    %dma_start3A_121 = arith.constant 0 : i32
    %dma_start3A_122 = arith.constant 0 : i32
    %dma_start3A_123 = tpu.memref_slice %arg16[%dma_start3A_121, %dma_start3A_122] : memref<12288x16xf32, #tpu.memory_space<vmem_shared>> -> memref<12288x16xf32, #tpu.memory_space<vmem_shared>>
    tpu.enqueue_indirect_dma source(%arg13 : memref<400x16xf32, #tpu.memory_space<vmem>>) target(%dma_start3A_123 : memref<12288x16xf32, #tpu.memory_space<vmem_shared>>) offsets(%arg11 : memref<400xi32, #tpu.memory_space<vmem>>) semaphore(%arg22 : memref<!tpu.dma_semaphore, #tpu.memory_space<semaphore_mem>>) {add = true}
    %dma_wait3A_124 = tpu.memref_slice %arg3[%add3A_110] : memref<320000xi32, #tpu.memory_space<hbm>> -> memref<400xi32, #tpu.memory_space<hbm>>
    %dma_wait3A_125 = tpu.memref_slice %arg3[%add3A_110] : memref<320000xi32, #tpu.memory_space<hbm>> -> memref<400xi32, #tpu.memory_space<hbm>>
    tpu.wait_dma2 semaphore(%arg17 : memref<!tpu.dma_semaphore, #tpu.memory_space<semaphore_mem>>) src(%dma_wait3A_125 : memref<400xi32, #tpu.memory_space<hbm>>) dst(%arg7 : memref<400xi32, #tpu.memory_space<vmem>>)
    %dma_wait3A_126 = tpu.memref_slice %arg4[%add3A_110] : memref<320000xi32, #tpu.memory_space<hbm>> -> memref<400xi32, #tpu.memory_space<hbm>>
    %dma_wait3A_127 = tpu.memref_slice %arg4[%add3A_110] : memref<320000xi32, #tpu.memory_space<hbm>> -> memref<400xi32, #tpu.memory_space<hbm>>
    tpu.wait_dma2 semaphore(%arg17 : memref<!tpu.dma_semaphore, #tpu.memory_space<semaphore_mem>>) src(%dma_wait3A_127 : memref<400xi32, #tpu.memory_space<hbm>>) dst(%arg8 : memref<400xi32, #tpu.memory_space<vmem>>)
    %dma_start3A_128 = arith.constant 0 : i32
    %dma_start3A_129 = arith.constant 0 : i32
    %dma_start3A_130 = tpu.memref_slice %arg2[%dma_start3A_128, %dma_start3A_129] : memref<10000x16xf32, #tpu.memory_space<hbm>> -> memref<10000x16xf32, #tpu.memory_space<hbm>>
    tpu.enqueue_indirect_dma source(%dma_start3A_130 : memref<10000x16xf32, #tpu.memory_space<hbm>>) target(%arg9 : memref<400x16xf32, #tpu.memory_space<vmem>>) offsets(%arg7 : memref<400xi32, #tpu.memory_space<vmem>>) semaphore(%arg18 : memref<!tpu.dma_semaphore, #tpu.memory_space<semaphore_mem>>)
    %dma_wait3A_131 = arith.constant 0 : i32
    %dma_wait3A_132 = arith.constant 0 : i32
    %dma_wait3A_133 = tpu.memref_slice %arg15[%dma_wait3A_131, %dma_wait3A_132] : memref<12288x16xf32, #tpu.memory_space<vmem_shared>> -> memref<12288x16xf32, #tpu.memory_space<vmem_shared>>
    tpu.wait_indirect_dma semaphore(%arg22 : memref<!tpu.dma_semaphore, #tpu.memory_space<semaphore_mem>>) src(%arg12 : memref<400x16xf32, #tpu.memory_space<vmem>>) dst(%dma_wait3A_133 : memref<12288x16xf32, #tpu.memory_space<vmem_shared>>)
    %dma_wait3A_134 = arith.constant 0 : i32
    %dma_wait3A_135 = arith.constant 0 : i32
    %dma_wait3A_136 = tpu.memref_slice %arg16[%dma_wait3A_134, %dma_wait3A_135] : memref<12288x16xf32, #tpu.memory_space<vmem_shared>> -> memref<12288x16xf32, #tpu.memory_space<vmem_shared>>
    tpu.wait_indirect_dma semaphore(%arg22 : memref<!tpu.dma_semaphore, #tpu.memory_space<semaphore_mem>>) src(%arg13 : memref<400x16xf32, #tpu.memory_space<vmem>>) dst(%dma_wait3A_136 : memref<12288x16xf32, #tpu.memory_space<vmem_shared>>)
    %add3A_137 = arith.constant 1200 : i32
    %add3A_138 = arith.addi %mul3A_67, %add3A_137 : i32
    %dma_start3A_139 = tpu.memref_slice %arg3[%add3A_138] : memref<320000xi32, #tpu.memory_space<hbm>> -> memref<400xi32, #tpu.memory_space<hbm>>
    %dma_start3A_140 = tpu.memref_slice %arg3[%add3A_138] : memref<320000xi32, #tpu.memory_space<hbm>> -> memref<400xi32, #tpu.memory_space<hbm>>
    tpu.enqueue_dma source(%dma_start3A_140 : memref<400xi32, #tpu.memory_space<hbm>>) target(%arg10 : memref<400xi32, #tpu.memory_space<vmem>>) target_semaphore(%arg20 : memref<!tpu.dma_semaphore, #tpu.memory_space<semaphore_mem>>)
    %dma_start3A_141 = tpu.memref_slice %arg4[%add3A_138] : memref<320000xi32, #tpu.memory_space<hbm>> -> memref<400xi32, #tpu.memory_space<hbm>>
    %dma_start3A_142 = tpu.memref_slice %arg4[%add3A_138] : memref<320000xi32, #tpu.memory_space<hbm>> -> memref<400xi32, #tpu.memory_space<hbm>>
    tpu.enqueue_dma source(%dma_start3A_142 : memref<400xi32, #tpu.memory_space<hbm>>) target(%arg11 : memref<400xi32, #tpu.memory_space<vmem>>) target_semaphore(%arg20 : memref<!tpu.dma_semaphore, #tpu.memory_space<semaphore_mem>>)
    %dma_wait3A_143 = arith.constant 0 : i32
    %dma_wait3A_144 = arith.constant 0 : i32
    %dma_wait3A_145 = tpu.memref_slice %arg2[%dma_wait3A_143, %dma_wait3A_144] : memref<10000x16xf32, #tpu.memory_space<hbm>> -> memref<10000x16xf32, #tpu.memory_space<hbm>>
    tpu.wait_indirect_dma semaphore(%arg18 : memref<!tpu.dma_semaphore, #tpu.memory_space<semaphore_mem>>) src(%dma_wait3A_145 : memref<10000x16xf32, #tpu.memory_space<hbm>>) dst(%arg9 : memref<400x16xf32, #tpu.memory_space<vmem>>)
    %dma_start3A_146 = arith.constant 0 : i32
    %dma_start3A_147 = arith.constant 0 : i32
    %dma_start3A_148 = tpu.memref_slice %arg15[%dma_start3A_146, %dma_start3A_147] : memref<12288x16xf32, #tpu.memory_space<vmem_shared>> -> memref<12288x16xf32, #tpu.memory_space<vmem_shared>>
    tpu.enqueue_indirect_dma source(%arg9 : memref<400x16xf32, #tpu.memory_space<vmem>>) target(%dma_start3A_148 : memref<12288x16xf32, #tpu.memory_space<vmem_shared>>) offsets(%arg8 : memref<400xi32, #tpu.memory_space<vmem>>) semaphore(%arg19 : memref<!tpu.dma_semaphore, #tpu.memory_space<semaphore_mem>>) {add = true}
    %dma_start3A_149 = arith.constant 0 : i32
    %dma_start3A_150 = arith.constant 0 : i32
    %dma_start3A_151 = tpu.memref_slice %arg16[%dma_start3A_149, %dma_start3A_150] : memref<12288x16xf32, #tpu.memory_space<vmem_shared>> -> memref<12288x16xf32, #tpu.memory_space<vmem_shared>>
    tpu.enqueue_indirect_dma source(%arg13 : memref<400x16xf32, #tpu.memory_space<vmem>>) target(%dma_start3A_151 : memref<12288x16xf32, #tpu.memory_space<vmem_shared>>) offsets(%arg8 : memref<400xi32, #tpu.memory_space<vmem>>) semaphore(%arg19 : memref<!tpu.dma_semaphore, #tpu.memory_space<semaphore_mem>>) {add = true}
    %dma_wait3A_152 = tpu.memref_slice %arg3[%add3A_138] : memref<320000xi32, #tpu.memory_space<hbm>> -> memref<400xi32, #tpu.memory_space<hbm>>
    %dma_wait3A_153 = tpu.memref_slice %arg3[%add3A_138] : memref<320000xi32, #tpu.memory_space<hbm>> -> memref<400xi32, #tpu.memory_space<hbm>>
    tpu.wait_dma2 semaphore(%arg20 : memref<!tpu.dma_semaphore, #tpu.memory_space<semaphore_mem>>) src(%dma_wait3A_153 : memref<400xi32, #tpu.memory_space<hbm>>) dst(%arg10 : memref<400xi32, #tpu.memory_space<vmem>>)
    %dma_wait3A_154 = tpu.memref_slice %arg4[%add3A_138] : memref<320000xi32, #tpu.memory_space<hbm>> -> memref<400xi32, #tpu.memory_space<hbm>>
    %dma_wait3A_155 = tpu.memref_slice %arg4[%add3A_138] : memref<320000xi32, #tpu.memory_space<hbm>> -> memref<400xi32, #tpu.memory_space<hbm>>
    tpu.wait_dma2 semaphore(%arg20 : memref<!tpu.dma_semaphore, #tpu.memory_space<semaphore_mem>>) src(%dma_wait3A_155 : memref<400xi32, #tpu.memory_space<hbm>>) dst(%arg11 : memref<400xi32, #tpu.memory_space<vmem>>)
    %dma_start3A_156 = arith.constant 0 : i32
    %dma_start3A_157 = arith.constant 0 : i32
    %dma_start3A_158 = tpu.memref_slice %arg2[%dma_start3A_156, %dma_start3A_157] : memref<10000x16xf32, #tpu.memory_space<hbm>> -> memref<10000x16xf32, #tpu.memory_space<hbm>>
    tpu.enqueue_indirect_dma source(%dma_start3A_158 : memref<10000x16xf32, #tpu.memory_space<hbm>>) target(%arg12 : memref<400x16xf32, #tpu.memory_space<vmem>>) offsets(%arg10 : memref<400xi32, #tpu.memory_space<vmem>>) semaphore(%arg21 : memref<!tpu.dma_semaphore, #tpu.memory_space<semaphore_mem>>)
    %dma_wait3A_159 = arith.constant 0 : i32
    %dma_wait3A_160 = arith.constant 0 : i32
    %dma_wait3A_161 = tpu.memref_slice %arg15[%dma_wait3A_159, %dma_wait3A_160] : memref<12288x16xf32, #tpu.memory_space<vmem_shared>> -> memref<12288x16xf32, #tpu.memory_space<vmem_shared>>
    tpu.wait_indirect_dma semaphore(%arg19 : memref<!tpu.dma_semaphore, #tpu.memory_space<semaphore_mem>>) src(%arg9 : memref<400x16xf32, #tpu.memory_space<vmem>>) dst(%dma_wait3A_161 : memref<12288x16xf32, #tpu.memory_space<vmem_shared>>)
    %dma_wait3A_162 = arith.constant 0 : i32
    %dma_wait3A_163 = arith.constant 0 : i32
    %dma_wait3A_164 = tpu.memref_slice %arg16[%dma_wait3A_162, %dma_wait3A_163] : memref<12288x16xf32, #tpu.memory_space<vmem_shared>> -> memref<12288x16xf32, #tpu.memory_space<vmem_shared>>
    tpu.wait_indirect_dma semaphore(%arg19 : memref<!tpu.dma_semaphore, #tpu.memory_space<semaphore_mem>>) src(%arg13 : memref<400x16xf32, #tpu.memory_space<vmem>>) dst(%dma_wait3A_164 : memref<12288x16xf32, #tpu.memory_space<vmem_shared>>)
    %add3A_165 = arith.constant 1600 : i32
    %add3A_166 = arith.addi %mul3A_67, %add3A_165 : i32
    %dma_start3A_167 = tpu.memref_slice %arg3[%add3A_166] : memref<320000xi32, #tpu.memory_space<hbm>> -> memref<400xi32, #tpu.memory_space<hbm>>
    %dma_start3A_168 = tpu.memref_slice %arg3[%add3A_166] : memref<320000xi32, #tpu.memory_space<hbm>> -> memref<400xi32, #tpu.memory_space<hbm>>
    tpu.enqueue_dma source(%dma_start3A_168 : memref<400xi32, #tpu.memory_space<hbm>>) target(%arg7 : memref<400xi32, #tpu.memory_space<vmem>>) target_semaphore(%arg17 : memref<!tpu.dma_semaphore, #tpu.memory_space<semaphore_mem>>)
    %dma_start3A_169 = tpu.memref_slice %arg4[%add3A_166] : memref<320000xi32, #tpu.memory_space<hbm>> -> memref<400xi32, #tpu.memory_space<hbm>>
    %dma_start3A_170 = tpu.memref_slice %arg4[%add3A_166] : memref<320000xi32, #tpu.memory_space<hbm>> -> memref<400xi32, #tpu.memory_space<hbm>>
    tpu.enqueue_dma source(%dma_start3A_170 : memref<400xi32, #tpu.memory_space<hbm>>) target(%arg8 : memref<400xi32, #tpu.memory_space<vmem>>) target_semaphore(%arg17 : memref<!tpu.dma_semaphore, #tpu.memory_space<semaphore_mem>>)
    %dma_wait3A_171 = arith.constant 0 : i32
    %dma_wait3A_172 = arith.constant 0 : i32
    %dma_wait3A_173 = tpu.memref_slice %arg2[%dma_wait3A_171, %dma_wait3A_172] : memref<10000x16xf32, #tpu.memory_space<hbm>> -> memref<10000x16xf32, #tpu.memory_space<hbm>>
    tpu.wait_indirect_dma semaphore(%arg21 : memref<!tpu.dma_semaphore, #tpu.memory_space<semaphore_mem>>) src(%dma_wait3A_173 : memref<10000x16xf32, #tpu.memory_space<hbm>>) dst(%arg12 : memref<400x16xf32, #tpu.memory_space<vmem>>)
    %dma_start3A_174 = arith.constant 0 : i32
    %dma_start3A_175 = arith.constant 0 : i32
    %dma_start3A_176 = tpu.memref_slice %arg15[%dma_start3A_174, %dma_start3A_175] : memref<12288x16xf32, #tpu.memory_space<vmem_shared>> -> memref<12288x16xf32, #tpu.memory_space<vmem_shared>>
    tpu.enqueue_indirect_dma source(%arg12 : memref<400x16xf32, #tpu.memory_space<vmem>>) target(%dma_start3A_176 : memref<12288x16xf32, #tpu.memory_space<vmem_shared>>) offsets(%arg11 : memref<400xi32, #tpu.memory_space<vmem>>) semaphore(%arg22 : memref<!tpu.dma_semaphore, #tpu.memory_space<semaphore_mem>>) {add = true}
    %dma_start3A_177 = arith.constant 0 : i32
    %dma_start3A_178 = arith.constant 0 : i32
    %dma_start3A_179 = tpu.memref_slice %arg16[%dma_start3A_177, %dma_start3A_178] : memref<12288x16xf32, #tpu.memory_space<vmem_shared>> -> memref<12288x16xf32, #tpu.memory_space<vmem_shared>>
    tpu.enqueue_indirect_dma source(%arg13 : memref<400x16xf32, #tpu.memory_space<vmem>>) target(%dma_start3A_179 : memref<12288x16xf32, #tpu.memory_space<vmem_shared>>) offsets(%arg11 : memref<400xi32, #tpu.memory_space<vmem>>) semaphore(%arg22 : memref<!tpu.dma_semaphore, #tpu.memory_space<semaphore_mem>>) {add = true}
    %dma_wait3A_180 = tpu.memref_slice %arg3[%add3A_166] : memref<320000xi32, #tpu.memory_space<hbm>> -> memref<400xi32, #tpu.memory_space<hbm>>
    %dma_wait3A_181 = tpu.memref_slice %arg3[%add3A_166] : memref<320000xi32, #tpu.memory_space<hbm>> -> memref<400xi32, #tpu.memory_space<hbm>>
    tpu.wait_dma2 semaphore(%arg17 : memref<!tpu.dma_semaphore, #tpu.memory_space<semaphore_mem>>) src(%dma_wait3A_181 : memref<400xi32, #tpu.memory_space<hbm>>) dst(%arg7 : memref<400xi32, #tpu.memory_space<vmem>>)
    %dma_wait3A_182 = tpu.memref_slice %arg4[%add3A_166] : memref<320000xi32, #tpu.memory_space<hbm>> -> memref<400xi32, #tpu.memory_space<hbm>>
    %dma_wait3A_183 = tpu.memref_slice %arg4[%add3A_166] : memref<320000xi32, #tpu.memory_space<hbm>> -> memref<400xi32, #tpu.memory_space<hbm>>
    tpu.wait_dma2 semaphore(%arg17 : memref<!tpu.dma_semaphore, #tpu.memory_space<semaphore_mem>>) src(%dma_wait3A_183 : memref<400xi32, #tpu.memory_space<hbm>>) dst(%arg8 : memref<400xi32, #tpu.memory_space<vmem>>)
    %dma_start3A_184 = arith.constant 0 : i32
    %dma_start3A_185 = arith.constant 0 : i32
    %dma_start3A_186 = tpu.memref_slice %arg2[%dma_start3A_184, %dma_start3A_185] : memref<10000x16xf32, #tpu.memory_space<hbm>> -> memref<10000x16xf32, #tpu.memory_space<hbm>>
    tpu.enqueue_indirect_dma source(%dma_start3A_186 : memref<10000x16xf32, #tpu.memory_space<hbm>>) target(%arg9 : memref<400x16xf32, #tpu.memory_space<vmem>>) offsets(%arg7 : memref<400xi32, #tpu.memory_space<vmem>>) semaphore(%arg18 : memref<!tpu.dma_semaphore, #tpu.memory_space<semaphore_mem>>)
    %dma_wait3A_187 = arith.constant 0 : i32
    %dma_wait3A_188 = arith.constant 0 : i32
    %dma_wait3A_189 = tpu.memref_slice %arg15[%dma_wait3A_187, %dma_wait3A_188] : memref<12288x16xf32, #tpu.memory_space<vmem_shared>> -> memref<12288x16xf32, #tpu.memory_space<vmem_shared>>
    tpu.wait_indirect_dma semaphore(%arg22 : memref<!tpu.dma_semaphore, #tpu.memory_space<semaphore_mem>>) src(%arg12 : memref<400x16xf32, #tpu.memory_space<vmem>>) dst(%dma_wait3A_189 : memref<12288x16xf32, #tpu.memory_space<vmem_shared>>)
    %dma_wait3A_190 = arith.constant 0 : i32
    %dma_wait3A_191 = arith.constant 0 : i32
    %dma_wait3A_192 = tpu.memref_slice %arg16[%dma_wait3A_190, %dma_wait3A_191] : memref<12288x16xf32, #tpu.memory_space<vmem_shared>> -> memref<12288x16xf32, #tpu.memory_space<vmem_shared>>
    tpu.wait_indirect_dma semaphore(%arg22 : memref<!tpu.dma_semaphore, #tpu.memory_space<semaphore_mem>>) src(%arg13 : memref<400x16xf32, #tpu.memory_space<vmem>>) dst(%dma_wait3A_192 : memref<12288x16xf32, #tpu.memory_space<vmem_shared>>)
    %add3A_193 = arith.constant 2000 : i32
    %add3A_194 = arith.addi %mul3A_67, %add3A_193 : i32
    %dma_start3A_195 = tpu.memref_slice %arg3[%add3A_194] : memref<320000xi32, #tpu.memory_space<hbm>> -> memref<400xi32, #tpu.memory_space<hbm>>
    %dma_start3A_196 = tpu.memref_slice %arg3[%add3A_194] : memref<320000xi32, #tpu.memory_space<hbm>> -> memref<400xi32, #tpu.memory_space<hbm>>
    tpu.enqueue_dma source(%dma_start3A_196 : memref<400xi32, #tpu.memory_space<hbm>>) target(%arg10 : memref<400xi32, #tpu.memory_space<vmem>>) target_semaphore(%arg20 : memref<!tpu.dma_semaphore, #tpu.memory_space<semaphore_mem>>)
    %dma_start3A_197 = tpu.memref_slice %arg4[%add3A_194] : memref<320000xi32, #tpu.memory_space<hbm>> -> memref<400xi32, #tpu.memory_space<hbm>>
    %dma_start3A_198 = tpu.memref_slice %arg4[%add3A_194] : memref<320000xi32, #tpu.memory_space<hbm>> -> memref<400xi32, #tpu.memory_space<hbm>>
    tpu.enqueue_dma source(%dma_start3A_198 : memref<400xi32, #tpu.memory_space<hbm>>) target(%arg11 : memref<400xi32, #tpu.memory_space<vmem>>) target_semaphore(%arg20 : memref<!tpu.dma_semaphore, #tpu.memory_space<semaphore_mem>>)
    %dma_wait3A_199 = arith.constant 0 : i32
    %dma_wait3A_200 = arith.constant 0 : i32
    %dma_wait3A_201 = tpu.memref_slice %arg2[%dma_wait3A_199, %dma_wait3A_200] : memref<10000x16xf32, #tpu.memory_space<hbm>> -> memref<10000x16xf32, #tpu.memory_space<hbm>>
    tpu.wait_indirect_dma semaphore(%arg18 : memref<!tpu.dma_semaphore, #tpu.memory_space<semaphore_mem>>) src(%dma_wait3A_201 : memref<10000x16xf32, #tpu.memory_space<hbm>>) dst(%arg9 : memref<400x16xf32, #tpu.memory_space<vmem>>)
    %dma_start3A_202 = arith.constant 0 : i32
    %dma_start3A_203 = arith.constant 0 : i32
    %dma_start3A_204 = tpu.memref_slice %arg15[%dma_start3A_202, %dma_start3A_203] : memref<12288x16xf32, #tpu.memory_space<vmem_shared>> -> memref<12288x16xf32, #tpu.memory_space<vmem_shared>>
    tpu.enqueue_indirect_dma source(%arg9 : memref<400x16xf32, #tpu.memory_space<vmem>>) target(%dma_start3A_204 : memref<12288x16xf32, #tpu.memory_space<vmem_shared>>) offsets(%arg8 : memref<400xi32, #tpu.memory_space<vmem>>) semaphore(%arg19 : memref<!tpu.dma_semaphore, #tpu.memory_space<semaphore_mem>>) {add = true}
    %dma_start3A_205 = arith.constant 0 : i32
    %dma_start3A_206 = arith.constant 0 : i32
    %dma_start3A_207 = tpu.memref_slice %arg16[%dma_start3A_205, %dma_start3A_206] : memref<12288x16xf32, #tpu.memory_space<vmem_shared>> -> memref<12288x16xf32, #tpu.memory_space<vmem_shared>>
    tpu.enqueue_indirect_dma source(%arg13 : memref<400x16xf32, #tpu.memory_space<vmem>>) target(%dma_start3A_207 : memref<12288x16xf32, #tpu.memory_space<vmem_shared>>) offsets(%arg8 : memref<400xi32, #tpu.memory_space<vmem>>) semaphore(%arg19 : memref<!tpu.dma_semaphore, #tpu.memory_space<semaphore_mem>>) {add = true}
    %dma_wait3A_208 = tpu.memref_slice %arg3[%add3A_194] : memref<320000xi32, #tpu.memory_space<hbm>> -> memref<400xi32, #tpu.memory_space<hbm>>
    %dma_wait3A_209 = tpu.memref_slice %arg3[%add3A_194] : memref<320000xi32, #tpu.memory_space<hbm>> -> memref<400xi32, #tpu.memory_space<hbm>>
    tpu.wait_dma2 semaphore(%arg20 : memref<!tpu.dma_semaphore, #tpu.memory_space<semaphore_mem>>) src(%dma_wait3A_209 : memref<400xi32, #tpu.memory_space<hbm>>) dst(%arg10 : memref<400xi32, #tpu.memory_space<vmem>>)
    %dma_wait3A_210 = tpu.memref_slice %arg4[%add3A_194] : memref<320000xi32, #tpu.memory_space<hbm>> -> memref<400xi32, #tpu.memory_space<hbm>>
    %dma_wait3A_211 = tpu.memref_slice %arg4[%add3A_194] : memref<320000xi32, #tpu.memory_space<hbm>> -> memref<400xi32, #tpu.memory_space<hbm>>
    tpu.wait_dma2 semaphore(%arg20 : memref<!tpu.dma_semaphore, #tpu.memory_space<semaphore_mem>>) src(%dma_wait3A_211 : memref<400xi32, #tpu.memory_space<hbm>>) dst(%arg11 : memref<400xi32, #tpu.memory_space<vmem>>)
    %dma_start3A_212 = arith.constant 0 : i32
    %dma_start3A_213 = arith.constant 0 : i32
    %dma_start3A_214 = tpu.memref_slice %arg2[%dma_start3A_212, %dma_start3A_213] : memref<10000x16xf32, #tpu.memory_space<hbm>> -> memref<10000x16xf32, #tpu.memory_space<hbm>>
    tpu.enqueue_indirect_dma source(%dma_start3A_214 : memref<10000x16xf32, #tpu.memory_space<hbm>>) target(%arg12 : memref<400x16xf32, #tpu.memory_space<vmem>>) offsets(%arg10 : memref<400xi32, #tpu.memory_space<vmem>>) semaphore(%arg21 : memref<!tpu.dma_semaphore, #tpu.memory_space<semaphore_mem>>)
    %dma_wait3A_215 = arith.constant 0 : i32
    %dma_wait3A_216 = arith.constant 0 : i32
    %dma_wait3A_217 = tpu.memref_slice %arg15[%dma_wait3A_215, %dma_wait3A_216] : memref<12288x16xf32, #tpu.memory_space<vmem_shared>> -> memref<12288x16xf32, #tpu.memory_space<vmem_shared>>
    tpu.wait_indirect_dma semaphore(%arg19 : memref<!tpu.dma_semaphore, #tpu.memory_space<semaphore_mem>>) src(%arg9 : memref<400x16xf32, #tpu.memory_space<vmem>>) dst(%dma_wait3A_217 : memref<12288x16xf32, #tpu.memory_space<vmem_shared>>)
    %dma_wait3A_218 = arith.constant 0 : i32
    %dma_wait3A_219 = arith.constant 0 : i32
    %dma_wait3A_220 = tpu.memref_slice %arg16[%dma_wait3A_218, %dma_wait3A_219] : memref<12288x16xf32, #tpu.memory_space<vmem_shared>> -> memref<12288x16xf32, #tpu.memory_space<vmem_shared>>
    tpu.wait_indirect_dma semaphore(%arg19 : memref<!tpu.dma_semaphore, #tpu.memory_space<semaphore_mem>>) src(%arg13 : memref<400x16xf32, #tpu.memory_space<vmem>>) dst(%dma_wait3A_220 : memref<12288x16xf32, #tpu.memory_space<vmem_shared>>)
    %add3A_221 = arith.constant 2400 : i32
    %add3A_222 = arith.addi %mul3A_67, %add3A_221 : i32
    %dma_start3A_223 = tpu.memref_slice %arg3[%add3A_222] : memref<320000xi32, #tpu.memory_space<hbm>> -> memref<400xi32, #tpu.memory_space<hbm>>
    %dma_start3A_224 = tpu.memref_slice %arg3[%add3A_222] : memref<320000xi32, #tpu.memory_space<hbm>> -> memref<400xi32, #tpu.memory_space<hbm>>
    tpu.enqueue_dma source(%dma_start3A_224 : memref<400xi32, #tpu.memory_space<hbm>>) target(%arg7 : memref<400xi32, #tpu.memory_space<vmem>>) target_semaphore(%arg17 : memref<!tpu.dma_semaphore, #tpu.memory_space<semaphore_mem>>)
    %dma_start3A_225 = tpu.memref_slice %arg4[%add3A_222] : memref<320000xi32, #tpu.memory_space<hbm>> -> memref<400xi32, #tpu.memory_space<hbm>>
    %dma_start3A_226 = tpu.memref_slice %arg4[%add3A_222] : memref<320000xi32, #tpu.memory_space<hbm>> -> memref<400xi32, #tpu.memory_space<hbm>>
    tpu.enqueue_dma source(%dma_start3A_226 : memref<400xi32, #tpu.memory_space<hbm>>) target(%arg8 : memref<400xi32, #tpu.memory_space<vmem>>) target_semaphore(%arg17 : memref<!tpu.dma_semaphore, #tpu.memory_space<semaphore_mem>>)
    %dma_wait3A_227 = arith.constant 0 : i32
    %dma_wait3A_228 = arith.constant 0 : i32
    %dma_wait3A_229 = tpu.memref_slice %arg2[%dma_wait3A_227, %dma_wait3A_228] : memref<10000x16xf32, #tpu.memory_space<hbm>> -> memref<10000x16xf32, #tpu.memory_space<hbm>>
    tpu.wait_indirect_dma semaphore(%arg21 : memref<!tpu.dma_semaphore, #tpu.memory_space<semaphore_mem>>) src(%dma_wait3A_229 : memref<10000x16xf32, #tpu.memory_space<hbm>>) dst(%arg12 : memref<400x16xf32, #tpu.memory_space<vmem>>)
    %dma_start3A_230 = arith.constant 0 : i32
    %dma_start3A_231 = arith.constant 0 : i32
    %dma_start3A_232 = tpu.memref_slice %arg15[%dma_start3A_230, %dma_start3A_231] : memref<12288x16xf32, #tpu.memory_space<vmem_shared>> -> memref<12288x16xf32, #tpu.memory_space<vmem_shared>>
    tpu.enqueue_indirect_dma source(%arg12 : memref<400x16xf32, #tpu.memory_space<vmem>>) target(%dma_start3A_232 : memref<12288x16xf32, #tpu.memory_space<vmem_shared>>) offsets(%arg11 : memref<400xi32, #tpu.memory_space<vmem>>) semaphore(%arg22 : memref<!tpu.dma_semaphore, #tpu.memory_space<semaphore_mem>>) {add = true}
    %dma_start3A_233 = arith.constant 0 : i32
    %dma_start3A_234 = arith.constant 0 : i32
    %dma_start3A_235 = tpu.memref_slice %arg16[%dma_start3A_233, %dma_start3A_234] : memref<12288x16xf32, #tpu.memory_space<vmem_shared>> -> memref<12288x16xf32, #tpu.memory_space<vmem_shared>>
    tpu.enqueue_indirect_dma source(%arg13 : memref<400x16xf32, #tpu.memory_space<vmem>>) target(%dma_start3A_235 : memref<12288x16xf32, #tpu.memory_space<vmem_shared>>) offsets(%arg11 : memref<400xi32, #tpu.memory_space<vmem>>) semaphore(%arg22 : memref<!tpu.dma_semaphore, #tpu.memory_space<semaphore_mem>>) {add = true}
    %dma_wait3A_236 = tpu.memref_slice %arg3[%add3A_222] : memref<320000xi32, #tpu.memory_space<hbm>> -> memref<400xi32, #tpu.memory_space<hbm>>
    %dma_wait3A_237 = tpu.memref_slice %arg3[%add3A_222] : memref<320000xi32, #tpu.memory_space<hbm>> -> memref<400xi32, #tpu.memory_space<hbm>>
    tpu.wait_dma2 semaphore(%arg17 : memref<!tpu.dma_semaphore, #tpu.memory_space<semaphore_mem>>) src(%dma_wait3A_237 : memref<400xi32, #tpu.memory_space<hbm>>) dst(%arg7 : memref<400xi32, #tpu.memory_space<vmem>>)
    %dma_wait3A_238 = tpu.memref_slice %arg4[%add3A_222] : memref<320000xi32, #tpu.memory_space<hbm>> -> memref<400xi32, #tpu.memory_space<hbm>>
    %dma_wait3A_239 = tpu.memref_slice %arg4[%add3A_222] : memref<320000xi32, #tpu.memory_space<hbm>> -> memref<400xi32, #tpu.memory_space<hbm>>
    tpu.wait_dma2 semaphore(%arg17 : memref<!tpu.dma_semaphore, #tpu.memory_space<semaphore_mem>>) src(%dma_wait3A_239 : memref<400xi32, #tpu.memory_space<hbm>>) dst(%arg8 : memref<400xi32, #tpu.memory_space<vmem>>)
    %dma_start3A_240 = arith.constant 0 : i32
    %dma_start3A_241 = arith.constant 0 : i32
    %dma_start3A_242 = tpu.memref_slice %arg2[%dma_start3A_240, %dma_start3A_241] : memref<10000x16xf32, #tpu.memory_space<hbm>> -> memref<10000x16xf32, #tpu.memory_space<hbm>>
    tpu.enqueue_indirect_dma source(%dma_start3A_242 : memref<10000x16xf32, #tpu.memory_space<hbm>>) target(%arg9 : memref<400x16xf32, #tpu.memory_space<vmem>>) offsets(%arg7 : memref<400xi32, #tpu.memory_space<vmem>>) semaphore(%arg18 : memref<!tpu.dma_semaphore, #tpu.memory_space<semaphore_mem>>)
    %dma_wait3A_243 = arith.constant 0 : i32
    %dma_wait3A_244 = arith.constant 0 : i32
    %dma_wait3A_245 = tpu.memref_slice %arg15[%dma_wait3A_243, %dma_wait3A_244] : memref<12288x16xf32, #tpu.memory_space<vmem_shared>> -> memref<12288x16xf32, #tpu.memory_space<vmem_shared>>
    tpu.wait_indirect_dma semaphore(%arg22 : memref<!tpu.dma_semaphore, #tpu.memory_space<semaphore_mem>>) src(%arg12 : memref<400x16xf32, #tpu.memory_space<vmem>>) dst(%dma_wait3A_245 : memref<12288x16xf32, #tpu.memory_space<vmem_shared>>)
    %dma_wait3A_246 = arith.constant 0 : i32
    %dma_wait3A_247 = arith.constant 0 : i32
    %dma_wait3A_248 = tpu.memref_slice %arg16[%dma_wait3A_246, %dma_wait3A_247] : memref<12288x16xf32, #tpu.memory_space<vmem_shared>> -> memref<12288x16xf32, #tpu.memory_space<vmem_shared>>
    tpu.wait_indirect_dma semaphore(%arg22 : memref<!tpu.dma_semaphore, #tpu.memory_space<semaphore_mem>>) src(%arg13 : memref<400x16xf32, #tpu.memory_space<vmem>>) dst(%dma_wait3A_248 : memref<12288x16xf32, #tpu.memory_space<vmem_shared>>)
    %add3A_249 = arith.constant 2800 : i32
    %add3A_250 = arith.addi %mul3A_67, %add3A_249 : i32
    %dma_start3A_251 = tpu.memref_slice %arg3[%add3A_250] : memref<320000xi32, #tpu.memory_space<hbm>> -> memref<400xi32, #tpu.memory_space<hbm>>
    %dma_start3A_252 = tpu.memref_slice %arg3[%add3A_250] : memref<320000xi32, #tpu.memory_space<hbm>> -> memref<400xi32, #tpu.memory_space<hbm>>
    tpu.enqueue_dma source(%dma_start3A_252 : memref<400xi32, #tpu.memory_space<hbm>>) target(%arg10 : memref<400xi32, #tpu.memory_space<vmem>>) target_semaphore(%arg20 : memref<!tpu.dma_semaphore, #tpu.memory_space<semaphore_mem>>)
    %dma_start3A_253 = tpu.memref_slice %arg4[%add3A_250] : memref<320000xi32, #tpu.memory_space<hbm>> -> memref<400xi32, #tpu.memory_space<hbm>>
    %dma_start3A_254 = tpu.memref_slice %arg4[%add3A_250] : memref<320000xi32, #tpu.memory_space<hbm>> -> memref<400xi32, #tpu.memory_space<hbm>>
    tpu.enqueue_dma source(%dma_start3A_254 : memref<400xi32, #tpu.memory_space<hbm>>) target(%arg11 : memref<400xi32, #tpu.memory_space<vmem>>) target_semaphore(%arg20 : memref<!tpu.dma_semaphore, #tpu.memory_space<semaphore_mem>>)
    %dma_wait3A_255 = arith.constant 0 : i32
    %dma_wait3A_256 = arith.constant 0 : i32
    %dma_wait3A_257 = tpu.memref_slice %arg2[%dma_wait3A_255, %dma_wait3A_256] : memref<10000x16xf32, #tpu.memory_space<hbm>> -> memref<10000x16xf32, #tpu.memory_space<hbm>>
    tpu.wait_indirect_dma semaphore(%arg18 : memref<!tpu.dma_semaphore, #tpu.memory_space<semaphore_mem>>) src(%dma_wait3A_257 : memref<10000x16xf32, #tpu.memory_space<hbm>>) dst(%arg9 : memref<400x16xf32, #tpu.memory_space<vmem>>)
    %dma_start3A_258 = arith.constant 0 : i32
    %dma_start3A_259 = arith.constant 0 : i32
    %dma_start3A_260 = tpu.memref_slice %arg15[%dma_start3A_258, %dma_start3A_259] : memref<12288x16xf32, #tpu.memory_space<vmem_shared>> -> memref<12288x16xf32, #tpu.memory_space<vmem_shared>>
    tpu.enqueue_indirect_dma source(%arg9 : memref<400x16xf32, #tpu.memory_space<vmem>>) target(%dma_start3A_260 : memref<12288x16xf32, #tpu.memory_space<vmem_shared>>) offsets(%arg8 : memref<400xi32, #tpu.memory_space<vmem>>) semaphore(%arg19 : memref<!tpu.dma_semaphore, #tpu.memory_space<semaphore_mem>>) {add = true}
    %dma_start3A_261 = arith.constant 0 : i32
    %dma_start3A_262 = arith.constant 0 : i32
    %dma_start3A_263 = tpu.memref_slice %arg16[%dma_start3A_261, %dma_start3A_262] : memref<12288x16xf32, #tpu.memory_space<vmem_shared>> -> memref<12288x16xf32, #tpu.memory_space<vmem_shared>>
    tpu.enqueue_indirect_dma source(%arg13 : memref<400x16xf32, #tpu.memory_space<vmem>>) target(%dma_start3A_263 : memref<12288x16xf32, #tpu.memory_space<vmem_shared>>) offsets(%arg8 : memref<400xi32, #tpu.memory_space<vmem>>) semaphore(%arg19 : memref<!tpu.dma_semaphore, #tpu.memory_space<semaphore_mem>>) {add = true}
    %dma_wait3A_264 = tpu.memref_slice %arg3[%add3A_250] : memref<320000xi32, #tpu.memory_space<hbm>> -> memref<400xi32, #tpu.memory_space<hbm>>
    %dma_wait3A_265 = tpu.memref_slice %arg3[%add3A_250] : memref<320000xi32, #tpu.memory_space<hbm>> -> memref<400xi32, #tpu.memory_space<hbm>>
    tpu.wait_dma2 semaphore(%arg20 : memref<!tpu.dma_semaphore, #tpu.memory_space<semaphore_mem>>) src(%dma_wait3A_265 : memref<400xi32, #tpu.memory_space<hbm>>) dst(%arg10 : memref<400xi32, #tpu.memory_space<vmem>>)
    %dma_wait3A_266 = tpu.memref_slice %arg4[%add3A_250] : memref<320000xi32, #tpu.memory_space<hbm>> -> memref<400xi32, #tpu.memory_space<hbm>>
    %dma_wait3A_267 = tpu.memref_slice %arg4[%add3A_250] : memref<320000xi32, #tpu.memory_space<hbm>> -> memref<400xi32, #tpu.memory_space<hbm>>
    tpu.wait_dma2 semaphore(%arg20 : memref<!tpu.dma_semaphore, #tpu.memory_space<semaphore_mem>>) src(%dma_wait3A_267 : memref<400xi32, #tpu.memory_space<hbm>>) dst(%arg11 : memref<400xi32, #tpu.memory_space<vmem>>)
    %dma_start3A_268 = arith.constant 0 : i32
    %dma_start3A_269 = arith.constant 0 : i32
    %dma_start3A_270 = tpu.memref_slice %arg2[%dma_start3A_268, %dma_start3A_269] : memref<10000x16xf32, #tpu.memory_space<hbm>> -> memref<10000x16xf32, #tpu.memory_space<hbm>>
    tpu.enqueue_indirect_dma source(%dma_start3A_270 : memref<10000x16xf32, #tpu.memory_space<hbm>>) target(%arg12 : memref<400x16xf32, #tpu.memory_space<vmem>>) offsets(%arg10 : memref<400xi32, #tpu.memory_space<vmem>>) semaphore(%arg21 : memref<!tpu.dma_semaphore, #tpu.memory_space<semaphore_mem>>)
    %dma_wait3A_271 = arith.constant 0 : i32
    %dma_wait3A_272 = arith.constant 0 : i32
    %dma_wait3A_273 = tpu.memref_slice %arg15[%dma_wait3A_271, %dma_wait3A_272] : memref<12288x16xf32, #tpu.memory_space<vmem_shared>> -> memref<12288x16xf32, #tpu.memory_space<vmem_shared>>
    tpu.wait_indirect_dma semaphore(%arg19 : memref<!tpu.dma_semaphore, #tpu.memory_space<semaphore_mem>>) src(%arg9 : memref<400x16xf32, #tpu.memory_space<vmem>>) dst(%dma_wait3A_273 : memref<12288x16xf32, #tpu.memory_space<vmem_shared>>)
    %dma_wait3A_274 = arith.constant 0 : i32
    %dma_wait3A_275 = arith.constant 0 : i32
    %dma_wait3A_276 = tpu.memref_slice %arg16[%dma_wait3A_274, %dma_wait3A_275] : memref<12288x16xf32, #tpu.memory_space<vmem_shared>> -> memref<12288x16xf32, #tpu.memory_space<vmem_shared>>
    tpu.wait_indirect_dma semaphore(%arg19 : memref<!tpu.dma_semaphore, #tpu.memory_space<semaphore_mem>>) src(%arg13 : memref<400x16xf32, #tpu.memory_space<vmem>>) dst(%dma_wait3A_276 : memref<12288x16xf32, #tpu.memory_space<vmem_shared>>)
    %add3A_277 = arith.constant 3200 : i32
    %add3A_278 = arith.addi %mul3A_67, %add3A_277 : i32
    %dma_start3A_279 = tpu.memref_slice %arg3[%add3A_278] : memref<320000xi32, #tpu.memory_space<hbm>> -> memref<400xi32, #tpu.memory_space<hbm>>
    %dma_start3A_280 = tpu.memref_slice %arg3[%add3A_278] : memref<320000xi32, #tpu.memory_space<hbm>> -> memref<400xi32, #tpu.memory_space<hbm>>
    tpu.enqueue_dma source(%dma_start3A_280 : memref<400xi32, #tpu.memory_space<hbm>>) target(%arg7 : memref<400xi32, #tpu.memory_space<vmem>>) target_semaphore(%arg17 : memref<!tpu.dma_semaphore, #tpu.memory_space<semaphore_mem>>)
    %dma_start3A_281 = tpu.memref_slice %arg4[%add3A_278] : memref<320000xi32, #tpu.memory_space<hbm>> -> memref<400xi32, #tpu.memory_space<hbm>>
    %dma_start3A_282 = tpu.memref_slice %arg4[%add3A_278] : memref<320000xi32, #tpu.memory_space<hbm>> -> memref<400xi32, #tpu.memory_space<hbm>>
    tpu.enqueue_dma source(%dma_start3A_282 : memref<400xi32, #tpu.memory_space<hbm>>) target(%arg8 : memref<400xi32, #tpu.memory_space<vmem>>) target_semaphore(%arg17 : memref<!tpu.dma_semaphore, #tpu.memory_space<semaphore_mem>>)
    %dma_wait3A_283 = arith.constant 0 : i32
    %dma_wait3A_284 = arith.constant 0 : i32
    %dma_wait3A_285 = tpu.memref_slice %arg2[%dma_wait3A_283, %dma_wait3A_284] : memref<10000x16xf32, #tpu.memory_space<hbm>> -> memref<10000x16xf32, #tpu.memory_space<hbm>>
    tpu.wait_indirect_dma semaphore(%arg21 : memref<!tpu.dma_semaphore, #tpu.memory_space<semaphore_mem>>) src(%dma_wait3A_285 : memref<10000x16xf32, #tpu.memory_space<hbm>>) dst(%arg12 : memref<400x16xf32, #tpu.memory_space<vmem>>)
    %dma_start3A_286 = arith.constant 0 : i32
    %dma_start3A_287 = arith.constant 0 : i32
    %dma_start3A_288 = tpu.memref_slice %arg15[%dma_start3A_286, %dma_start3A_287] : memref<12288x16xf32, #tpu.memory_space<vmem_shared>> -> memref<12288x16xf32, #tpu.memory_space<vmem_shared>>
    tpu.enqueue_indirect_dma source(%arg12 : memref<400x16xf32, #tpu.memory_space<vmem>>) target(%dma_start3A_288 : memref<12288x16xf32, #tpu.memory_space<vmem_shared>>) offsets(%arg11 : memref<400xi32, #tpu.memory_space<vmem>>) semaphore(%arg22 : memref<!tpu.dma_semaphore, #tpu.memory_space<semaphore_mem>>) {add = true}
    %dma_start3A_289 = arith.constant 0 : i32
    %dma_start3A_290 = arith.constant 0 : i32
    %dma_start3A_291 = tpu.memref_slice %arg16[%dma_start3A_289, %dma_start3A_290] : memref<12288x16xf32, #tpu.memory_space<vmem_shared>> -> memref<12288x16xf32, #tpu.memory_space<vmem_shared>>
    tpu.enqueue_indirect_dma source(%arg13 : memref<400x16xf32, #tpu.memory_space<vmem>>) target(%dma_start3A_291 : memref<12288x16xf32, #tpu.memory_space<vmem_shared>>) offsets(%arg11 : memref<400xi32, #tpu.memory_space<vmem>>) semaphore(%arg22 : memref<!tpu.dma_semaphore, #tpu.memory_space<semaphore_mem>>) {add = true}
    %dma_wait3A_292 = tpu.memref_slice %arg3[%add3A_278] : memref<320000xi32, #tpu.memory_space<hbm>> -> memref<400xi32, #tpu.memory_space<hbm>>
    %dma_wait3A_293 = tpu.memref_slice %arg3[%add3A_278] : memref<320000xi32, #tpu.memory_space<hbm>> -> memref<400xi32, #tpu.memory_space<hbm>>
    tpu.wait_dma2 semaphore(%arg17 : memref<!tpu.dma_semaphore, #tpu.memory_space<semaphore_mem>>) src(%dma_wait3A_293 : memref<400xi32, #tpu.memory_space<hbm>>) dst(%arg7 : memref<400xi32, #tpu.memory_space<vmem>>)
    %dma_wait3A_294 = tpu.memref_slice %arg4[%add3A_278] : memref<320000xi32, #tpu.memory_space<hbm>> -> memref<400xi32, #tpu.memory_space<hbm>>
    %dma_wait3A_295 = tpu.memref_slice %arg4[%add3A_278] : memref<320000xi32, #tpu.memory_space<hbm>> -> memref<400xi32, #tpu.memory_space<hbm>>
    tpu.wait_dma2 semaphore(%arg17 : memref<!tpu.dma_semaphore, #tpu.memory_space<semaphore_mem>>) src(%dma_wait3A_295 : memref<400xi32, #tpu.memory_space<hbm>>) dst(%arg8 : memref<400xi32, #tpu.memory_space<vmem>>)
    %dma_start3A_296 = arith.constant 0 : i32
    %dma_start3A_297 = arith.constant 0 : i32
    %dma_start3A_298 = tpu.memref_slice %arg2[%dma_start3A_296, %dma_start3A_297] : memref<10000x16xf32, #tpu.memory_space<hbm>> -> memref<10000x16xf32, #tpu.memory_space<hbm>>
    tpu.enqueue_indirect_dma source(%dma_start3A_298 : memref<10000x16xf32, #tpu.memory_space<hbm>>) target(%arg9 : memref<400x16xf32, #tpu.memory_space<vmem>>) offsets(%arg7 : memref<400xi32, #tpu.memory_space<vmem>>) semaphore(%arg18 : memref<!tpu.dma_semaphore, #tpu.memory_space<semaphore_mem>>)
    %dma_wait3A_299 = arith.constant 0 : i32
    %dma_wait3A_300 = arith.constant 0 : i32
    %dma_wait3A_301 = tpu.memref_slice %arg15[%dma_wait3A_299, %dma_wait3A_300] : memref<12288x16xf32, #tpu.memory_space<vmem_shared>> -> memref<12288x16xf32, #tpu.memory_space<vmem_shared>>
    tpu.wait_indirect_dma semaphore(%arg22 : memref<!tpu.dma_semaphore, #tpu.memory_space<semaphore_mem>>) src(%arg12 : memref<400x16xf32, #tpu.memory_space<vmem>>) dst(%dma_wait3A_301 : memref<12288x16xf32, #tpu.memory_space<vmem_shared>>)
    %dma_wait3A_302 = arith.constant 0 : i32
    %dma_wait3A_303 = arith.constant 0 : i32
    %dma_wait3A_304 = tpu.memref_slice %arg16[%dma_wait3A_302, %dma_wait3A_303] : memref<12288x16xf32, #tpu.memory_space<vmem_shared>> -> memref<12288x16xf32, #tpu.memory_space<vmem_shared>>
    tpu.wait_indirect_dma semaphore(%arg22 : memref<!tpu.dma_semaphore, #tpu.memory_space<semaphore_mem>>) src(%arg13 : memref<400x16xf32, #tpu.memory_space<vmem>>) dst(%dma_wait3A_304 : memref<12288x16xf32, #tpu.memory_space<vmem_shared>>)
    %add3A_305 = arith.constant 3600 : i32
    %add3A_306 = arith.addi %mul3A_67, %add3A_305 : i32
    %dma_start3A_307 = tpu.memref_slice %arg3[%add3A_306] : memref<320000xi32, #tpu.memory_space<hbm>> -> memref<400xi32, #tpu.memory_space<hbm>>
    %dma_start3A_308 = tpu.memref_slice %arg3[%add3A_306] : memref<320000xi32, #tpu.memory_space<hbm>> -> memref<400xi32, #tpu.memory_space<hbm>>
    tpu.enqueue_dma source(%dma_start3A_308 : memref<400xi32, #tpu.memory_space<hbm>>) target(%arg10 : memref<400xi32, #tpu.memory_space<vmem>>) target_semaphore(%arg20 : memref<!tpu.dma_semaphore, #tpu.memory_space<semaphore_mem>>)
    %dma_start3A_309 = tpu.memref_slice %arg4[%add3A_306] : memref<320000xi32, #tpu.memory_space<hbm>> -> memref<400xi32, #tpu.memory_space<hbm>>
    %dma_start3A_310 = tpu.memref_slice %arg4[%add3A_306] : memref<320000xi32, #tpu.memory_space<hbm>> -> memref<400xi32, #tpu.memory_space<hbm>>
    tpu.enqueue_dma source(%dma_start3A_310 : memref<400xi32, #tpu.memory_space<hbm>>) target(%arg11 : memref<400xi32, #tpu.memory_space<vmem>>) target_semaphore(%arg20 : memref<!tpu.dma_semaphore, #tpu.memory_space<semaphore_mem>>)
    %dma_wait3A_311 = arith.constant 0 : i32
    %dma_wait3A_312 = arith.constant 0 : i32
    %dma_wait3A_313 = tpu.memref_slice %arg2[%dma_wait3A_311, %dma_wait3A_312] : memref<10000x16xf32, #tpu.memory_space<hbm>> -> memref<10000x16xf32, #tpu.memory_space<hbm>>
    tpu.wait_indirect_dma semaphore(%arg18 : memref<!tpu.dma_semaphore, #tpu.memory_space<semaphore_mem>>) src(%dma_wait3A_313 : memref<10000x16xf32, #tpu.memory_space<hbm>>) dst(%arg9 : memref<400x16xf32, #tpu.memory_space<vmem>>)
    %dma_start3A_314 = arith.constant 0 : i32
    %dma_start3A_315 = arith.constant 0 : i32
    %dma_start3A_316 = tpu.memref_slice %arg15[%dma_start3A_314, %dma_start3A_315] : memref<12288x16xf32, #tpu.memory_space<vmem_shared>> -> memref<12288x16xf32, #tpu.memory_space<vmem_shared>>
    tpu.enqueue_indirect_dma source(%arg9 : memref<400x16xf32, #tpu.memory_space<vmem>>) target(%dma_start3A_316 : memref<12288x16xf32, #tpu.memory_space<vmem_shared>>) offsets(%arg8 : memref<400xi32, #tpu.memory_space<vmem>>) semaphore(%arg19 : memref<!tpu.dma_semaphore, #tpu.memory_space<semaphore_mem>>) {add = true}
    %dma_start3A_317 = arith.constant 0 : i32
    %dma_start3A_318 = arith.constant 0 : i32
    %dma_start3A_319 = tpu.memref_slice %arg16[%dma_start3A_317, %dma_start3A_318] : memref<12288x16xf32, #tpu.memory_space<vmem_shared>> -> memref<12288x16xf32, #tpu.memory_space<vmem_shared>>
    tpu.enqueue_indirect_dma source(%arg13 : memref<400x16xf32, #tpu.memory_space<vmem>>) target(%dma_start3A_319 : memref<12288x16xf32, #tpu.memory_space<vmem_shared>>) offsets(%arg8 : memref<400xi32, #tpu.memory_space<vmem>>) semaphore(%arg19 : memref<!tpu.dma_semaphore, #tpu.memory_space<semaphore_mem>>) {add = true}
    %dma_wait3A_320 = tpu.memref_slice %arg3[%add3A_306] : memref<320000xi32, #tpu.memory_space<hbm>> -> memref<400xi32, #tpu.memory_space<hbm>>
    %dma_wait3A_321 = tpu.memref_slice %arg3[%add3A_306] : memref<320000xi32, #tpu.memory_space<hbm>> -> memref<400xi32, #tpu.memory_space<hbm>>
    tpu.wait_dma2 semaphore(%arg20 : memref<!tpu.dma_semaphore, #tpu.memory_space<semaphore_mem>>) src(%dma_wait3A_321 : memref<400xi32, #tpu.memory_space<hbm>>) dst(%arg10 : memref<400xi32, #tpu.memory_space<vmem>>)
    %dma_wait3A_322 = tpu.memref_slice %arg4[%add3A_306] : memref<320000xi32, #tpu.memory_space<hbm>> -> memref<400xi32, #tpu.memory_space<hbm>>
    %dma_wait3A_323 = tpu.memref_slice %arg4[%add3A_306] : memref<320000xi32, #tpu.memory_space<hbm>> -> memref<400xi32, #tpu.memory_space<hbm>>
    tpu.wait_dma2 semaphore(%arg20 : memref<!tpu.dma_semaphore, #tpu.memory_space<semaphore_mem>>) src(%dma_wait3A_323 : memref<400xi32, #tpu.memory_space<hbm>>) dst(%arg11 : memref<400xi32, #tpu.memory_space<vmem>>)
    %dma_start3A_324 = arith.constant 0 : i32
    %dma_start3A_325 = arith.constant 0 : i32
    %dma_start3A_326 = tpu.memref_slice %arg2[%dma_start3A_324, %dma_start3A_325] : memref<10000x16xf32, #tpu.memory_space<hbm>> -> memref<10000x16xf32, #tpu.memory_space<hbm>>
    tpu.enqueue_indirect_dma source(%dma_start3A_326 : memref<10000x16xf32, #tpu.memory_space<hbm>>) target(%arg12 : memref<400x16xf32, #tpu.memory_space<vmem>>) offsets(%arg10 : memref<400xi32, #tpu.memory_space<vmem>>) semaphore(%arg21 : memref<!tpu.dma_semaphore, #tpu.memory_space<semaphore_mem>>)
    %dma_wait3A_327 = arith.constant 0 : i32
    %dma_wait3A_328 = arith.constant 0 : i32
    %dma_wait3A_329 = tpu.memref_slice %arg15[%dma_wait3A_327, %dma_wait3A_328] : memref<12288x16xf32, #tpu.memory_space<vmem_shared>> -> memref<12288x16xf32, #tpu.memory_space<vmem_shared>>
    tpu.wait_indirect_dma semaphore(%arg19 : memref<!tpu.dma_semaphore, #tpu.memory_space<semaphore_mem>>) src(%arg9 : memref<400x16xf32, #tpu.memory_space<vmem>>) dst(%dma_wait3A_329 : memref<12288x16xf32, #tpu.memory_space<vmem_shared>>)
    %dma_wait3A_330 = arith.constant 0 : i32
    %dma_wait3A_331 = arith.constant 0 : i32
    %dma_wait3A_332 = tpu.memref_slice %arg16[%dma_wait3A_330, %dma_wait3A_331] : memref<12288x16xf32, #tpu.memory_space<vmem_shared>> -> memref<12288x16xf32, #tpu.memory_space<vmem_shared>>
    tpu.wait_indirect_dma semaphore(%arg19 : memref<!tpu.dma_semaphore, #tpu.memory_space<semaphore_mem>>) src(%arg13 : memref<400x16xf32, #tpu.memory_space<vmem>>) dst(%dma_wait3A_332 : memref<12288x16xf32, #tpu.memory_space<vmem_shared>>)
    %add3A_333 = arith.constant 4000 : i32
    %add3A_334 = arith.addi %mul3A_67, %add3A_333 : i32
    %dma_start3A_335 = tpu.memref_slice %arg3[%add3A_334] : memref<320000xi32, #tpu.memory_space<hbm>> -> memref<400xi32, #tpu.memory_space<hbm>>
    %dma_start3A_336 = tpu.memref_slice %arg3[%add3A_334] : memref<320000xi32, #tpu.memory_space<hbm>> -> memref<400xi32, #tpu.memory_space<hbm>>
    tpu.enqueue_dma source(%dma_start3A_336 : memref<400xi32, #tpu.memory_space<hbm>>) target(%arg7 : memref<400xi32, #tpu.memory_space<vmem>>) target_semaphore(%arg17 : memref<!tpu.dma_semaphore, #tpu.memory_space<semaphore_mem>>)
    %dma_start3A_337 = tpu.memref_slice %arg4[%add3A_334] : memref<320000xi32, #tpu.memory_space<hbm>> -> memref<400xi32, #tpu.memory_space<hbm>>
    %dma_start3A_338 = tpu.memref_slice %arg4[%add3A_334] : memref<320000xi32, #tpu.memory_space<hbm>> -> memref<400xi32, #tpu.memory_space<hbm>>
    tpu.enqueue_dma source(%dma_start3A_338 : memref<400xi32, #tpu.memory_space<hbm>>) target(%arg8 : memref<400xi32, #tpu.memory_space<vmem>>) target_semaphore(%arg17 : memref<!tpu.dma_semaphore, #tpu.memory_space<semaphore_mem>>)
    %dma_wait3A_339 = arith.constant 0 : i32
    %dma_wait3A_340 = arith.constant 0 : i32
    %dma_wait3A_341 = tpu.memref_slice %arg2[%dma_wait3A_339, %dma_wait3A_340] : memref<10000x16xf32, #tpu.memory_space<hbm>> -> memref<10000x16xf32, #tpu.memory_space<hbm>>
    tpu.wait_indirect_dma semaphore(%arg21 : memref<!tpu.dma_semaphore, #tpu.memory_space<semaphore_mem>>) src(%dma_wait3A_341 : memref<10000x16xf32, #tpu.memory_space<hbm>>) dst(%arg12 : memref<400x16xf32, #tpu.memory_space<vmem>>)
    %dma_start3A_342 = arith.constant 0 : i32
    %dma_start3A_343 = arith.constant 0 : i32
    %dma_start3A_344 = tpu.memref_slice %arg15[%dma_start3A_342, %dma_start3A_343] : memref<12288x16xf32, #tpu.memory_space<vmem_shared>> -> memref<12288x16xf32, #tpu.memory_space<vmem_shared>>
    tpu.enqueue_indirect_dma source(%arg12 : memref<400x16xf32, #tpu.memory_space<vmem>>) target(%dma_start3A_344 : memref<12288x16xf32, #tpu.memory_space<vmem_shared>>) offsets(%arg11 : memref<400xi32, #tpu.memory_space<vmem>>) semaphore(%arg22 : memref<!tpu.dma_semaphore, #tpu.memory_space<semaphore_mem>>) {add = true}
    %dma_start3A_345 = arith.constant 0 : i32
    %dma_start3A_346 = arith.constant 0 : i32
    %dma_start3A_347 = tpu.memref_slice %arg16[%dma_start3A_345, %dma_start3A_346] : memref<12288x16xf32, #tpu.memory_space<vmem_shared>> -> memref<12288x16xf32, #tpu.memory_space<vmem_shared>>
    tpu.enqueue_indirect_dma source(%arg13 : memref<400x16xf32, #tpu.memory_space<vmem>>) target(%dma_start3A_347 : memref<12288x16xf32, #tpu.memory_space<vmem_shared>>) offsets(%arg11 : memref<400xi32, #tpu.memory_space<vmem>>) semaphore(%arg22 : memref<!tpu.dma_semaphore, #tpu.memory_space<semaphore_mem>>) {add = true}
    %dma_wait3A_348 = tpu.memref_slice %arg3[%add3A_334] : memref<320000xi32, #tpu.memory_space<hbm>> -> memref<400xi32, #tpu.memory_space<hbm>>
    %dma_wait3A_349 = tpu.memref_slice %arg3[%add3A_334] : memref<320000xi32, #tpu.memory_space<hbm>> -> memref<400xi32, #tpu.memory_space<hbm>>
    tpu.wait_dma2 semaphore(%arg17 : memref<!tpu.dma_semaphore, #tpu.memory_space<semaphore_mem>>) src(%dma_wait3A_349 : memref<400xi32, #tpu.memory_space<hbm>>) dst(%arg7 : memref<400xi32, #tpu.memory_space<vmem>>)
    %dma_wait3A_350 = tpu.memref_slice %arg4[%add3A_334] : memref<320000xi32, #tpu.memory_space<hbm>> -> memref<400xi32, #tpu.memory_space<hbm>>
    %dma_wait3A_351 = tpu.memref_slice %arg4[%add3A_334] : memref<320000xi32, #tpu.memory_space<hbm>> -> memref<400xi32, #tpu.memory_space<hbm>>
    tpu.wait_dma2 semaphore(%arg17 : memref<!tpu.dma_semaphore, #tpu.memory_space<semaphore_mem>>) src(%dma_wait3A_351 : memref<400xi32, #tpu.memory_space<hbm>>) dst(%arg8 : memref<400xi32, #tpu.memory_space<vmem>>)
    %dma_start3A_352 = arith.constant 0 : i32
    %dma_start3A_353 = arith.constant 0 : i32
    %dma_start3A_354 = tpu.memref_slice %arg2[%dma_start3A_352, %dma_start3A_353] : memref<10000x16xf32, #tpu.memory_space<hbm>> -> memref<10000x16xf32, #tpu.memory_space<hbm>>
    tpu.enqueue_indirect_dma source(%dma_start3A_354 : memref<10000x16xf32, #tpu.memory_space<hbm>>) target(%arg9 : memref<400x16xf32, #tpu.memory_space<vmem>>) offsets(%arg7 : memref<400xi32, #tpu.memory_space<vmem>>) semaphore(%arg18 : memref<!tpu.dma_semaphore, #tpu.memory_space<semaphore_mem>>)
    %dma_wait3A_355 = arith.constant 0 : i32
    %dma_wait3A_356 = arith.constant 0 : i32
    %dma_wait3A_357 = tpu.memref_slice %arg15[%dma_wait3A_355, %dma_wait3A_356] : memref<12288x16xf32, #tpu.memory_space<vmem_shared>> -> memref<12288x16xf32, #tpu.memory_space<vmem_shared>>
    tpu.wait_indirect_dma semaphore(%arg22 : memref<!tpu.dma_semaphore, #tpu.memory_space<semaphore_mem>>) src(%arg12 : memref<400x16xf32, #tpu.memory_space<vmem>>) dst(%dma_wait3A_357 : memref<12288x16xf32, #tpu.memory_space<vmem_shared>>)
    %dma_wait3A_358 = arith.constant 0 : i32
    %dma_wait3A_359 = arith.constant 0 : i32
    %dma_wait3A_360 = tpu.memref_slice %arg16[%dma_wait3A_358, %dma_wait3A_359] : memref<12288x16xf32, #tpu.memory_space<vmem_shared>> -> memref<12288x16xf32, #tpu.memory_space<vmem_shared>>
    tpu.wait_indirect_dma semaphore(%arg22 : memref<!tpu.dma_semaphore, #tpu.memory_space<semaphore_mem>>) src(%arg13 : memref<400x16xf32, #tpu.memory_space<vmem>>) dst(%dma_wait3A_360 : memref<12288x16xf32, #tpu.memory_space<vmem_shared>>)
    %add3A_361 = arith.constant 4400 : i32
    %add3A_362 = arith.addi %mul3A_67, %add3A_361 : i32
    %dma_start3A_363 = tpu.memref_slice %arg3[%add3A_362] : memref<320000xi32, #tpu.memory_space<hbm>> -> memref<400xi32, #tpu.memory_space<hbm>>
    %dma_start3A_364 = tpu.memref_slice %arg3[%add3A_362] : memref<320000xi32, #tpu.memory_space<hbm>> -> memref<400xi32, #tpu.memory_space<hbm>>
    tpu.enqueue_dma source(%dma_start3A_364 : memref<400xi32, #tpu.memory_space<hbm>>) target(%arg10 : memref<400xi32, #tpu.memory_space<vmem>>) target_semaphore(%arg20 : memref<!tpu.dma_semaphore, #tpu.memory_space<semaphore_mem>>)
    %dma_start3A_365 = tpu.memref_slice %arg4[%add3A_362] : memref<320000xi32, #tpu.memory_space<hbm>> -> memref<400xi32, #tpu.memory_space<hbm>>
    %dma_start3A_366 = tpu.memref_slice %arg4[%add3A_362] : memref<320000xi32, #tpu.memory_space<hbm>> -> memref<400xi32, #tpu.memory_space<hbm>>
    tpu.enqueue_dma source(%dma_start3A_366 : memref<400xi32, #tpu.memory_space<hbm>>) target(%arg11 : memref<400xi32, #tpu.memory_space<vmem>>) target_semaphore(%arg20 : memref<!tpu.dma_semaphore, #tpu.memory_space<semaphore_mem>>)
    %dma_wait3A_367 = arith.constant 0 : i32
    %dma_wait3A_368 = arith.constant 0 : i32
    %dma_wait3A_369 = tpu.memref_slice %arg2[%dma_wait3A_367, %dma_wait3A_368] : memref<10000x16xf32, #tpu.memory_space<hbm>> -> memref<10000x16xf32, #tpu.memory_space<hbm>>
    tpu.wait_indirect_dma semaphore(%arg18 : memref<!tpu.dma_semaphore, #tpu.memory_space<semaphore_mem>>) src(%dma_wait3A_369 : memref<10000x16xf32, #tpu.memory_space<hbm>>) dst(%arg9 : memref<400x16xf32, #tpu.memory_space<vmem>>)
    %dma_start3A_370 = arith.constant 0 : i32
    %dma_start3A_371 = arith.constant 0 : i32
    %dma_start3A_372 = tpu.memref_slice %arg15[%dma_start3A_370, %dma_start3A_371] : memref<12288x16xf32, #tpu.memory_space<vmem_shared>> -> memref<12288x16xf32, #tpu.memory_space<vmem_shared>>
    tpu.enqueue_indirect_dma source(%arg9 : memref<400x16xf32, #tpu.memory_space<vmem>>) target(%dma_start3A_372 : memref<12288x16xf32, #tpu.memory_space<vmem_shared>>) offsets(%arg8 : memref<400xi32, #tpu.memory_space<vmem>>) semaphore(%arg19 : memref<!tpu.dma_semaphore, #tpu.memory_space<semaphore_mem>>) {add = true}
    %dma_start3A_373 = arith.constant 0 : i32
    %dma_start3A_374 = arith.constant 0 : i32
    %dma_start3A_375 = tpu.memref_slice %arg16[%dma_start3A_373, %dma_start3A_374] : memref<12288x16xf32, #tpu.memory_space<vmem_shared>> -> memref<12288x16xf32, #tpu.memory_space<vmem_shared>>
    tpu.enqueue_indirect_dma source(%arg13 : memref<400x16xf32, #tpu.memory_space<vmem>>) target(%dma_start3A_375 : memref<12288x16xf32, #tpu.memory_space<vmem_shared>>) offsets(%arg8 : memref<400xi32, #tpu.memory_space<vmem>>) semaphore(%arg19 : memref<!tpu.dma_semaphore, #tpu.memory_space<semaphore_mem>>) {add = true}
    %dma_wait3A_376 = tpu.memref_slice %arg3[%add3A_362] : memref<320000xi32, #tpu.memory_space<hbm>> -> memref<400xi32, #tpu.memory_space<hbm>>
    %dma_wait3A_377 = tpu.memref_slice %arg3[%add3A_362] : memref<320000xi32, #tpu.memory_space<hbm>> -> memref<400xi32, #tpu.memory_space<hbm>>
    tpu.wait_dma2 semaphore(%arg20 : memref<!tpu.dma_semaphore, #tpu.memory_space<semaphore_mem>>) src(%dma_wait3A_377 : memref<400xi32, #tpu.memory_space<hbm>>) dst(%arg10 : memref<400xi32, #tpu.memory_space<vmem>>)
    %dma_wait3A_378 = tpu.memref_slice %arg4[%add3A_362] : memref<320000xi32, #tpu.memory_space<hbm>> -> memref<400xi32, #tpu.memory_space<hbm>>
    %dma_wait3A_379 = tpu.memref_slice %arg4[%add3A_362] : memref<320000xi32, #tpu.memory_space<hbm>> -> memref<400xi32, #tpu.memory_space<hbm>>
    tpu.wait_dma2 semaphore(%arg20 : memref<!tpu.dma_semaphore, #tpu.memory_space<semaphore_mem>>) src(%dma_wait3A_379 : memref<400xi32, #tpu.memory_space<hbm>>) dst(%arg11 : memref<400xi32, #tpu.memory_space<vmem>>)
    %dma_start3A_380 = arith.constant 0 : i32
    %dma_start3A_381 = arith.constant 0 : i32
    %dma_start3A_382 = tpu.memref_slice %arg2[%dma_start3A_380, %dma_start3A_381] : memref<10000x16xf32, #tpu.memory_space<hbm>> -> memref<10000x16xf32, #tpu.memory_space<hbm>>
    tpu.enqueue_indirect_dma source(%dma_start3A_382 : memref<10000x16xf32, #tpu.memory_space<hbm>>) target(%arg12 : memref<400x16xf32, #tpu.memory_space<vmem>>) offsets(%arg10 : memref<400xi32, #tpu.memory_space<vmem>>) semaphore(%arg21 : memref<!tpu.dma_semaphore, #tpu.memory_space<semaphore_mem>>)
    %dma_wait3A_383 = arith.constant 0 : i32
    %dma_wait3A_384 = arith.constant 0 : i32
    %dma_wait3A_385 = tpu.memref_slice %arg15[%dma_wait3A_383, %dma_wait3A_384] : memref<12288x16xf32, #tpu.memory_space<vmem_shared>> -> memref<12288x16xf32, #tpu.memory_space<vmem_shared>>
    tpu.wait_indirect_dma semaphore(%arg19 : memref<!tpu.dma_semaphore, #tpu.memory_space<semaphore_mem>>) src(%arg9 : memref<400x16xf32, #tpu.memory_space<vmem>>) dst(%dma_wait3A_385 : memref<12288x16xf32, #tpu.memory_space<vmem_shared>>)
    %dma_wait3A_386 = arith.constant 0 : i32
    %dma_wait3A_387 = arith.constant 0 : i32
    %dma_wait3A_388 = tpu.memref_slice %arg16[%dma_wait3A_386, %dma_wait3A_387] : memref<12288x16xf32, #tpu.memory_space<vmem_shared>> -> memref<12288x16xf32, #tpu.memory_space<vmem_shared>>
    tpu.wait_indirect_dma semaphore(%arg19 : memref<!tpu.dma_semaphore, #tpu.memory_space<semaphore_mem>>) src(%arg13 : memref<400x16xf32, #tpu.memory_space<vmem>>) dst(%dma_wait3A_388 : memref<12288x16xf32, #tpu.memory_space<vmem_shared>>)
    %add3A_389 = arith.constant 4800 : i32
    %add3A_390 = arith.addi %mul3A_67, %add3A_389 : i32
    %dma_start3A_391 = tpu.memref_slice %arg3[%add3A_390] : memref<320000xi32, #tpu.memory_space<hbm>> -> memref<400xi32, #tpu.memory_space<hbm>>
    %dma_start3A_392 = tpu.memref_slice %arg3[%add3A_390] : memref<320000xi32, #tpu.memory_space<hbm>> -> memref<400xi32, #tpu.memory_space<hbm>>
    tpu.enqueue_dma source(%dma_start3A_392 : memref<400xi32, #tpu.memory_space<hbm>>) target(%arg7 : memref<400xi32, #tpu.memory_space<vmem>>) target_semaphore(%arg17 : memref<!tpu.dma_semaphore, #tpu.memory_space<semaphore_mem>>)
    %dma_start3A_393 = tpu.memref_slice %arg4[%add3A_390] : memref<320000xi32, #tpu.memory_space<hbm>> -> memref<400xi32, #tpu.memory_space<hbm>>
    %dma_start3A_394 = tpu.memref_slice %arg4[%add3A_390] : memref<320000xi32, #tpu.memory_space<hbm>> -> memref<400xi32, #tpu.memory_space<hbm>>
    tpu.enqueue_dma source(%dma_start3A_394 : memref<400xi32, #tpu.memory_space<hbm>>) target(%arg8 : memref<400xi32, #tpu.memory_space<vmem>>) target_semaphore(%arg17 : memref<!tpu.dma_semaphore, #tpu.memory_space<semaphore_mem>>)
    %dma_wait3A_395 = arith.constant 0 : i32
    %dma_wait3A_396 = arith.constant 0 : i32
    %dma_wait3A_397 = tpu.memref_slice %arg2[%dma_wait3A_395, %dma_wait3A_396] : memref<10000x16xf32, #tpu.memory_space<hbm>> -> memref<10000x16xf32, #tpu.memory_space<hbm>>
    tpu.wait_indirect_dma semaphore(%arg21 : memref<!tpu.dma_semaphore, #tpu.memory_space<semaphore_mem>>) src(%dma_wait3A_397 : memref<10000x16xf32, #tpu.memory_space<hbm>>) dst(%arg12 : memref<400x16xf32, #tpu.memory_space<vmem>>)
    %dma_start3A_398 = arith.constant 0 : i32
    %dma_start3A_399 = arith.constant 0 : i32
    %dma_start3A_400 = tpu.memref_slice %arg15[%dma_start3A_398, %dma_start3A_399] : memref<12288x16xf32, #tpu.memory_space<vmem_shared>> -> memref<12288x16xf32, #tpu.memory_space<vmem_shared>>
    tpu.enqueue_indirect_dma source(%arg12 : memref<400x16xf32, #tpu.memory_space<vmem>>) target(%dma_start3A_400 : memref<12288x16xf32, #tpu.memory_space<vmem_shared>>) offsets(%arg11 : memref<400xi32, #tpu.memory_space<vmem>>) semaphore(%arg22 : memref<!tpu.dma_semaphore, #tpu.memory_space<semaphore_mem>>) {add = true}
    %dma_start3A_401 = arith.constant 0 : i32
    %dma_start3A_402 = arith.constant 0 : i32
    %dma_start3A_403 = tpu.memref_slice %arg16[%dma_start3A_401, %dma_start3A_402] : memref<12288x16xf32, #tpu.memory_space<vmem_shared>> -> memref<12288x16xf32, #tpu.memory_space<vmem_shared>>
    tpu.enqueue_indirect_dma source(%arg13 : memref<400x16xf32, #tpu.memory_space<vmem>>) target(%dma_start3A_403 : memref<12288x16xf32, #tpu.memory_space<vmem_shared>>) offsets(%arg11 : memref<400xi32, #tpu.memory_space<vmem>>) semaphore(%arg22 : memref<!tpu.dma_semaphore, #tpu.memory_space<semaphore_mem>>) {add = true}
    %dma_wait3A_404 = tpu.memref_slice %arg3[%add3A_390] : memref<320000xi32, #tpu.memory_space<hbm>> -> memref<400xi32, #tpu.memory_space<hbm>>
    %dma_wait3A_405 = tpu.memref_slice %arg3[%add3A_390] : memref<320000xi32, #tpu.memory_space<hbm>> -> memref<400xi32, #tpu.memory_space<hbm>>
    tpu.wait_dma2 semaphore(%arg17 : memref<!tpu.dma_semaphore, #tpu.memory_space<semaphore_mem>>) src(%dma_wait3A_405 : memref<400xi32, #tpu.memory_space<hbm>>) dst(%arg7 : memref<400xi32, #tpu.memory_space<vmem>>)
    %dma_wait3A_406 = tpu.memref_slice %arg4[%add3A_390] : memref<320000xi32, #tpu.memory_space<hbm>> -> memref<400xi32, #tpu.memory_space<hbm>>
    %dma_wait3A_407 = tpu.memref_slice %arg4[%add3A_390] : memref<320000xi32, #tpu.memory_space<hbm>> -> memref<400xi32, #tpu.memory_space<hbm>>
    tpu.wait_dma2 semaphore(%arg17 : memref<!tpu.dma_semaphore, #tpu.memory_space<semaphore_mem>>) src(%dma_wait3A_407 : memref<400xi32, #tpu.memory_space<hbm>>) dst(%arg8 : memref<400xi32, #tpu.memory_space<vmem>>)
    %dma_start3A_408 = arith.constant 0 : i32
    %dma_start3A_409 = arith.constant 0 : i32
    %dma_start3A_410 = tpu.memref_slice %arg2[%dma_start3A_408, %dma_start3A_409] : memref<10000x16xf32, #tpu.memory_space<hbm>> -> memref<10000x16xf32, #tpu.memory_space<hbm>>
    tpu.enqueue_indirect_dma source(%dma_start3A_410 : memref<10000x16xf32, #tpu.memory_space<hbm>>) target(%arg9 : memref<400x16xf32, #tpu.memory_space<vmem>>) offsets(%arg7 : memref<400xi32, #tpu.memory_space<vmem>>) semaphore(%arg18 : memref<!tpu.dma_semaphore, #tpu.memory_space<semaphore_mem>>)
    %dma_wait3A_411 = arith.constant 0 : i32
    %dma_wait3A_412 = arith.constant 0 : i32
    %dma_wait3A_413 = tpu.memref_slice %arg15[%dma_wait3A_411, %dma_wait3A_412] : memref<12288x16xf32, #tpu.memory_space<vmem_shared>> -> memref<12288x16xf32, #tpu.memory_space<vmem_shared>>
    tpu.wait_indirect_dma semaphore(%arg22 : memref<!tpu.dma_semaphore, #tpu.memory_space<semaphore_mem>>) src(%arg12 : memref<400x16xf32, #tpu.memory_space<vmem>>) dst(%dma_wait3A_413 : memref<12288x16xf32, #tpu.memory_space<vmem_shared>>)
    %dma_wait3A_414 = arith.constant 0 : i32
    %dma_wait3A_415 = arith.constant 0 : i32
    %dma_wait3A_416 = tpu.memref_slice %arg16[%dma_wait3A_414, %dma_wait3A_415] : memref<12288x16xf32, #tpu.memory_space<vmem_shared>> -> memref<12288x16xf32, #tpu.memory_space<vmem_shared>>
    tpu.wait_indirect_dma semaphore(%arg22 : memref<!tpu.dma_semaphore, #tpu.memory_space<semaphore_mem>>) src(%arg13 : memref<400x16xf32, #tpu.memory_space<vmem>>) dst(%dma_wait3A_416 : memref<12288x16xf32, #tpu.memory_space<vmem_shared>>)
    %add3A_417 = arith.constant 5200 : i32
    %add3A_418 = arith.addi %mul3A_67, %add3A_417 : i32
    %dma_start3A_419 = tpu.memref_slice %arg3[%add3A_418] : memref<320000xi32, #tpu.memory_space<hbm>> -> memref<400xi32, #tpu.memory_space<hbm>>
    %dma_start3A_420 = tpu.memref_slice %arg3[%add3A_418] : memref<320000xi32, #tpu.memory_space<hbm>> -> memref<400xi32, #tpu.memory_space<hbm>>
    tpu.enqueue_dma source(%dma_start3A_420 : memref<400xi32, #tpu.memory_space<hbm>>) target(%arg10 : memref<400xi32, #tpu.memory_space<vmem>>) target_semaphore(%arg20 : memref<!tpu.dma_semaphore, #tpu.memory_space<semaphore_mem>>)
    %dma_start3A_421 = tpu.memref_slice %arg4[%add3A_418] : memref<320000xi32, #tpu.memory_space<hbm>> -> memref<400xi32, #tpu.memory_space<hbm>>
    %dma_start3A_422 = tpu.memref_slice %arg4[%add3A_418] : memref<320000xi32, #tpu.memory_space<hbm>> -> memref<400xi32, #tpu.memory_space<hbm>>
    tpu.enqueue_dma source(%dma_start3A_422 : memref<400xi32, #tpu.memory_space<hbm>>) target(%arg11 : memref<400xi32, #tpu.memory_space<vmem>>) target_semaphore(%arg20 : memref<!tpu.dma_semaphore, #tpu.memory_space<semaphore_mem>>)
    %dma_wait3A_423 = arith.constant 0 : i32
    %dma_wait3A_424 = arith.constant 0 : i32
    %dma_wait3A_425 = tpu.memref_slice %arg2[%dma_wait3A_423, %dma_wait3A_424] : memref<10000x16xf32, #tpu.memory_space<hbm>> -> memref<10000x16xf32, #tpu.memory_space<hbm>>
    tpu.wait_indirect_dma semaphore(%arg18 : memref<!tpu.dma_semaphore, #tpu.memory_space<semaphore_mem>>) src(%dma_wait3A_425 : memref<10000x16xf32, #tpu.memory_space<hbm>>) dst(%arg9 : memref<400x16xf32, #tpu.memory_space<vmem>>)
    %dma_start3A_426 = arith.constant 0 : i32
    %dma_start3A_427 = arith.constant 0 : i32
    %dma_start3A_428 = tpu.memref_slice %arg15[%dma_start3A_426, %dma_start3A_427] : memref<12288x16xf32, #tpu.memory_space<vmem_shared>> -> memref<12288x16xf32, #tpu.memory_space<vmem_shared>>
    tpu.enqueue_indirect_dma source(%arg9 : memref<400x16xf32, #tpu.memory_space<vmem>>) target(%dma_start3A_428 : memref<12288x16xf32, #tpu.memory_space<vmem_shared>>) offsets(%arg8 : memref<400xi32, #tpu.memory_space<vmem>>) semaphore(%arg19 : memref<!tpu.dma_semaphore, #tpu.memory_space<semaphore_mem>>) {add = true}
    %dma_start3A_429 = arith.constant 0 : i32
    %dma_start3A_430 = arith.constant 0 : i32
    %dma_start3A_431 = tpu.memref_slice %arg16[%dma_start3A_429, %dma_start3A_430] : memref<12288x16xf32, #tpu.memory_space<vmem_shared>> -> memref<12288x16xf32, #tpu.memory_space<vmem_shared>>
    tpu.enqueue_indirect_dma source(%arg13 : memref<400x16xf32, #tpu.memory_space<vmem>>) target(%dma_start3A_431 : memref<12288x16xf32, #tpu.memory_space<vmem_shared>>) offsets(%arg8 : memref<400xi32, #tpu.memory_space<vmem>>) semaphore(%arg19 : memref<!tpu.dma_semaphore, #tpu.memory_space<semaphore_mem>>) {add = true}
    %dma_wait3A_432 = tpu.memref_slice %arg3[%add3A_418] : memref<320000xi32, #tpu.memory_space<hbm>> -> memref<400xi32, #tpu.memory_space<hbm>>
    %dma_wait3A_433 = tpu.memref_slice %arg3[%add3A_418] : memref<320000xi32, #tpu.memory_space<hbm>> -> memref<400xi32, #tpu.memory_space<hbm>>
    tpu.wait_dma2 semaphore(%arg20 : memref<!tpu.dma_semaphore, #tpu.memory_space<semaphore_mem>>) src(%dma_wait3A_433 : memref<400xi32, #tpu.memory_space<hbm>>) dst(%arg10 : memref<400xi32, #tpu.memory_space<vmem>>)
    %dma_wait3A_434 = tpu.memref_slice %arg4[%add3A_418] : memref<320000xi32, #tpu.memory_space<hbm>> -> memref<400xi32, #tpu.memory_space<hbm>>
    %dma_wait3A_435 = tpu.memref_slice %arg4[%add3A_418] : memref<320000xi32, #tpu.memory_space<hbm>> -> memref<400xi32, #tpu.memory_space<hbm>>
    tpu.wait_dma2 semaphore(%arg20 : memref<!tpu.dma_semaphore, #tpu.memory_space<semaphore_mem>>) src(%dma_wait3A_435 : memref<400xi32, #tpu.memory_space<hbm>>) dst(%arg11 : memref<400xi32, #tpu.memory_space<vmem>>)
    %dma_start3A_436 = arith.constant 0 : i32
    %dma_start3A_437 = arith.constant 0 : i32
    %dma_start3A_438 = tpu.memref_slice %arg2[%dma_start3A_436, %dma_start3A_437] : memref<10000x16xf32, #tpu.memory_space<hbm>> -> memref<10000x16xf32, #tpu.memory_space<hbm>>
    tpu.enqueue_indirect_dma source(%dma_start3A_438 : memref<10000x16xf32, #tpu.memory_space<hbm>>) target(%arg12 : memref<400x16xf32, #tpu.memory_space<vmem>>) offsets(%arg10 : memref<400xi32, #tpu.memory_space<vmem>>) semaphore(%arg21 : memref<!tpu.dma_semaphore, #tpu.memory_space<semaphore_mem>>)
    %dma_wait3A_439 = arith.constant 0 : i32
    %dma_wait3A_440 = arith.constant 0 : i32
    %dma_wait3A_441 = tpu.memref_slice %arg15[%dma_wait3A_439, %dma_wait3A_440] : memref<12288x16xf32, #tpu.memory_space<vmem_shared>> -> memref<12288x16xf32, #tpu.memory_space<vmem_shared>>
    tpu.wait_indirect_dma semaphore(%arg19 : memref<!tpu.dma_semaphore, #tpu.memory_space<semaphore_mem>>) src(%arg9 : memref<400x16xf32, #tpu.memory_space<vmem>>) dst(%dma_wait3A_441 : memref<12288x16xf32, #tpu.memory_space<vmem_shared>>)
    %dma_wait3A_442 = arith.constant 0 : i32
    %dma_wait3A_443 = arith.constant 0 : i32
    %dma_wait3A_444 = tpu.memref_slice %arg16[%dma_wait3A_442, %dma_wait3A_443] : memref<12288x16xf32, #tpu.memory_space<vmem_shared>> -> memref<12288x16xf32, #tpu.memory_space<vmem_shared>>
    tpu.wait_indirect_dma semaphore(%arg19 : memref<!tpu.dma_semaphore, #tpu.memory_space<semaphore_mem>>) src(%arg13 : memref<400x16xf32, #tpu.memory_space<vmem>>) dst(%dma_wait3A_444 : memref<12288x16xf32, #tpu.memory_space<vmem_shared>>)
    %add3A_445 = arith.constant 5600 : i32
    %add3A_446 = arith.addi %mul3A_67, %add3A_445 : i32
    %dma_start3A_447 = tpu.memref_slice %arg3[%add3A_446] : memref<320000xi32, #tpu.memory_space<hbm>> -> memref<400xi32, #tpu.memory_space<hbm>>
    %dma_start3A_448 = tpu.memref_slice %arg3[%add3A_446] : memref<320000xi32, #tpu.memory_space<hbm>> -> memref<400xi32, #tpu.memory_space<hbm>>
    tpu.enqueue_dma source(%dma_start3A_448 : memref<400xi32, #tpu.memory_space<hbm>>) target(%arg7 : memref<400xi32, #tpu.memory_space<vmem>>) target_semaphore(%arg17 : memref<!tpu.dma_semaphore, #tpu.memory_space<semaphore_mem>>)
    %dma_start3A_449 = tpu.memref_slice %arg4[%add3A_446] : memref<320000xi32, #tpu.memory_space<hbm>> -> memref<400xi32, #tpu.memory_space<hbm>>
    %dma_start3A_450 = tpu.memref_slice %arg4[%add3A_446] : memref<320000xi32, #tpu.memory_space<hbm>> -> memref<400xi32, #tpu.memory_space<hbm>>
    tpu.enqueue_dma source(%dma_start3A_450 : memref<400xi32, #tpu.memory_space<hbm>>) target(%arg8 : memref<400xi32, #tpu.memory_space<vmem>>) target_semaphore(%arg17 : memref<!tpu.dma_semaphore, #tpu.memory_space<semaphore_mem>>)
    %dma_wait3A_451 = arith.constant 0 : i32
    %dma_wait3A_452 = arith.constant 0 : i32
    %dma_wait3A_453 = tpu.memref_slice %arg2[%dma_wait3A_451, %dma_wait3A_452] : memref<10000x16xf32, #tpu.memory_space<hbm>> -> memref<10000x16xf32, #tpu.memory_space<hbm>>
    tpu.wait_indirect_dma semaphore(%arg21 : memref<!tpu.dma_semaphore, #tpu.memory_space<semaphore_mem>>) src(%dma_wait3A_453 : memref<10000x16xf32, #tpu.memory_space<hbm>>) dst(%arg12 : memref<400x16xf32, #tpu.memory_space<vmem>>)
    %dma_start3A_454 = arith.constant 0 : i32
    %dma_start3A_455 = arith.constant 0 : i32
    %dma_start3A_456 = tpu.memref_slice %arg15[%dma_start3A_454, %dma_start3A_455] : memref<12288x16xf32, #tpu.memory_space<vmem_shared>> -> memref<12288x16xf32, #tpu.memory_space<vmem_shared>>
    tpu.enqueue_indirect_dma source(%arg12 : memref<400x16xf32, #tpu.memory_space<vmem>>) target(%dma_start3A_456 : memref<12288x16xf32, #tpu.memory_space<vmem_shared>>) offsets(%arg11 : memref<400xi32, #tpu.memory_space<vmem>>) semaphore(%arg22 : memref<!tpu.dma_semaphore, #tpu.memory_space<semaphore_mem>>) {add = true}
    %dma_start3A_457 = arith.constant 0 : i32
    %dma_start3A_458 = arith.constant 0 : i32
    %dma_start3A_459 = tpu.memref_slice %arg16[%dma_start3A_457, %dma_start3A_458] : memref<12288x16xf32, #tpu.memory_space<vmem_shared>> -> memref<12288x16xf32, #tpu.memory_space<vmem_shared>>
    tpu.enqueue_indirect_dma source(%arg13 : memref<400x16xf32, #tpu.memory_space<vmem>>) target(%dma_start3A_459 : memref<12288x16xf32, #tpu.memory_space<vmem_shared>>) offsets(%arg11 : memref<400xi32, #tpu.memory_space<vmem>>) semaphore(%arg22 : memref<!tpu.dma_semaphore, #tpu.memory_space<semaphore_mem>>) {add = true}
    %dma_wait3A_460 = tpu.memref_slice %arg3[%add3A_446] : memref<320000xi32, #tpu.memory_space<hbm>> -> memref<400xi32, #tpu.memory_space<hbm>>
    %dma_wait3A_461 = tpu.memref_slice %arg3[%add3A_446] : memref<320000xi32, #tpu.memory_space<hbm>> -> memref<400xi32, #tpu.memory_space<hbm>>
    tpu.wait_dma2 semaphore(%arg17 : memref<!tpu.dma_semaphore, #tpu.memory_space<semaphore_mem>>) src(%dma_wait3A_461 : memref<400xi32, #tpu.memory_space<hbm>>) dst(%arg7 : memref<400xi32, #tpu.memory_space<vmem>>)
    %dma_wait3A_462 = tpu.memref_slice %arg4[%add3A_446] : memref<320000xi32, #tpu.memory_space<hbm>> -> memref<400xi32, #tpu.memory_space<hbm>>
    %dma_wait3A_463 = tpu.memref_slice %arg4[%add3A_446] : memref<320000xi32, #tpu.memory_space<hbm>> -> memref<400xi32, #tpu.memory_space<hbm>>
    tpu.wait_dma2 semaphore(%arg17 : memref<!tpu.dma_semaphore, #tpu.memory_space<semaphore_mem>>) src(%dma_wait3A_463 : memref<400xi32, #tpu.memory_space<hbm>>) dst(%arg8 : memref<400xi32, #tpu.memory_space<vmem>>)
    %dma_start3A_464 = arith.constant 0 : i32
    %dma_start3A_465 = arith.constant 0 : i32
    %dma_start3A_466 = tpu.memref_slice %arg2[%dma_start3A_464, %dma_start3A_465] : memref<10000x16xf32, #tpu.memory_space<hbm>> -> memref<10000x16xf32, #tpu.memory_space<hbm>>
    tpu.enqueue_indirect_dma source(%dma_start3A_466 : memref<10000x16xf32, #tpu.memory_space<hbm>>) target(%arg9 : memref<400x16xf32, #tpu.memory_space<vmem>>) offsets(%arg7 : memref<400xi32, #tpu.memory_space<vmem>>) semaphore(%arg18 : memref<!tpu.dma_semaphore, #tpu.memory_space<semaphore_mem>>)
    %dma_wait3A_467 = arith.constant 0 : i32
    %dma_wait3A_468 = arith.constant 0 : i32
    %dma_wait3A_469 = tpu.memref_slice %arg15[%dma_wait3A_467, %dma_wait3A_468] : memref<12288x16xf32, #tpu.memory_space<vmem_shared>> -> memref<12288x16xf32, #tpu.memory_space<vmem_shared>>
    tpu.wait_indirect_dma semaphore(%arg22 : memref<!tpu.dma_semaphore, #tpu.memory_space<semaphore_mem>>) src(%arg12 : memref<400x16xf32, #tpu.memory_space<vmem>>) dst(%dma_wait3A_469 : memref<12288x16xf32, #tpu.memory_space<vmem_shared>>)
    %dma_wait3A_470 = arith.constant 0 : i32
    %dma_wait3A_471 = arith.constant 0 : i32
    %dma_wait3A_472 = tpu.memref_slice %arg16[%dma_wait3A_470, %dma_wait3A_471] : memref<12288x16xf32, #tpu.memory_space<vmem_shared>> -> memref<12288x16xf32, #tpu.memory_space<vmem_shared>>
    tpu.wait_indirect_dma semaphore(%arg22 : memref<!tpu.dma_semaphore, #tpu.memory_space<semaphore_mem>>) src(%arg13 : memref<400x16xf32, #tpu.memory_space<vmem>>) dst(%dma_wait3A_472 : memref<12288x16xf32, #tpu.memory_space<vmem_shared>>)
    %add3A_473 = arith.constant 6000 : i32
    %add3A_474 = arith.addi %mul3A_67, %add3A_473 : i32
    %dma_start3A_475 = tpu.memref_slice %arg3[%add3A_474] : memref<320000xi32, #tpu.memory_space<hbm>> -> memref<400xi32, #tpu.memory_space<hbm>>
    %dma_start3A_476 = tpu.memref_slice %arg3[%add3A_474] : memref<320000xi32, #tpu.memory_space<hbm>> -> memref<400xi32, #tpu.memory_space<hbm>>
    tpu.enqueue_dma source(%dma_start3A_476 : memref<400xi32, #tpu.memory_space<hbm>>) target(%arg10 : memref<400xi32, #tpu.memory_space<vmem>>) target_semaphore(%arg20 : memref<!tpu.dma_semaphore, #tpu.memory_space<semaphore_mem>>)
    %dma_start3A_477 = tpu.memref_slice %arg4[%add3A_474] : memref<320000xi32, #tpu.memory_space<hbm>> -> memref<400xi32, #tpu.memory_space<hbm>>
    %dma_start3A_478 = tpu.memref_slice %arg4[%add3A_474] : memref<320000xi32, #tpu.memory_space<hbm>> -> memref<400xi32, #tpu.memory_space<hbm>>
    tpu.enqueue_dma source(%dma_start3A_478 : memref<400xi32, #tpu.memory_space<hbm>>) target(%arg11 : memref<400xi32, #tpu.memory_space<vmem>>) target_semaphore(%arg20 : memref<!tpu.dma_semaphore, #tpu.memory_space<semaphore_mem>>)
    %dma_wait3A_479 = arith.constant 0 : i32
    %dma_wait3A_480 = arith.constant 0 : i32
    %dma_wait3A_481 = tpu.memref_slice %arg2[%dma_wait3A_479, %dma_wait3A_480] : memref<10000x16xf32, #tpu.memory_space<hbm>> -> memref<10000x16xf32, #tpu.memory_space<hbm>>
    tpu.wait_indirect_dma semaphore(%arg18 : memref<!tpu.dma_semaphore, #tpu.memory_space<semaphore_mem>>) src(%dma_wait3A_481 : memref<10000x16xf32, #tpu.memory_space<hbm>>) dst(%arg9 : memref<400x16xf32, #tpu.memory_space<vmem>>)
    %dma_start3A_482 = arith.constant 0 : i32
    %dma_start3A_483 = arith.constant 0 : i32
    %dma_start3A_484 = tpu.memref_slice %arg15[%dma_start3A_482, %dma_start3A_483] : memref<12288x16xf32, #tpu.memory_space<vmem_shared>> -> memref<12288x16xf32, #tpu.memory_space<vmem_shared>>
    tpu.enqueue_indirect_dma source(%arg9 : memref<400x16xf32, #tpu.memory_space<vmem>>) target(%dma_start3A_484 : memref<12288x16xf32, #tpu.memory_space<vmem_shared>>) offsets(%arg8 : memref<400xi32, #tpu.memory_space<vmem>>) semaphore(%arg19 : memref<!tpu.dma_semaphore, #tpu.memory_space<semaphore_mem>>) {add = true}
    %dma_start3A_485 = arith.constant 0 : i32
    %dma_start3A_486 = arith.constant 0 : i32
    %dma_start3A_487 = tpu.memref_slice %arg16[%dma_start3A_485, %dma_start3A_486] : memref<12288x16xf32, #tpu.memory_space<vmem_shared>> -> memref<12288x16xf32, #tpu.memory_space<vmem_shared>>
    tpu.enqueue_indirect_dma source(%arg13 : memref<400x16xf32, #tpu.memory_space<vmem>>) target(%dma_start3A_487 : memref<12288x16xf32, #tpu.memory_space<vmem_shared>>) offsets(%arg8 : memref<400xi32, #tpu.memory_space<vmem>>) semaphore(%arg19 : memref<!tpu.dma_semaphore, #tpu.memory_space<semaphore_mem>>) {add = true}
    %dma_wait3A_488 = tpu.memref_slice %arg3[%add3A_474] : memref<320000xi32, #tpu.memory_space<hbm>> -> memref<400xi32, #tpu.memory_space<hbm>>
    %dma_wait3A_489 = tpu.memref_slice %arg3[%add3A_474] : memref<320000xi32, #tpu.memory_space<hbm>> -> memref<400xi32, #tpu.memory_space<hbm>>
    tpu.wait_dma2 semaphore(%arg20 : memref<!tpu.dma_semaphore, #tpu.memory_space<semaphore_mem>>) src(%dma_wait3A_489 : memref<400xi32, #tpu.memory_space<hbm>>) dst(%arg10 : memref<400xi32, #tpu.memory_space<vmem>>)
    %dma_wait3A_490 = tpu.memref_slice %arg4[%add3A_474] : memref<320000xi32, #tpu.memory_space<hbm>> -> memref<400xi32, #tpu.memory_space<hbm>>
    %dma_wait3A_491 = tpu.memref_slice %arg4[%add3A_474] : memref<320000xi32, #tpu.memory_space<hbm>> -> memref<400xi32, #tpu.memory_space<hbm>>
    tpu.wait_dma2 semaphore(%arg20 : memref<!tpu.dma_semaphore, #tpu.memory_space<semaphore_mem>>) src(%dma_wait3A_491 : memref<400xi32, #tpu.memory_space<hbm>>) dst(%arg11 : memref<400xi32, #tpu.memory_space<vmem>>)
    %dma_start3A_492 = arith.constant 0 : i32
    %dma_start3A_493 = arith.constant 0 : i32
    %dma_start3A_494 = tpu.memref_slice %arg2[%dma_start3A_492, %dma_start3A_493] : memref<10000x16xf32, #tpu.memory_space<hbm>> -> memref<10000x16xf32, #tpu.memory_space<hbm>>
    tpu.enqueue_indirect_dma source(%dma_start3A_494 : memref<10000x16xf32, #tpu.memory_space<hbm>>) target(%arg12 : memref<400x16xf32, #tpu.memory_space<vmem>>) offsets(%arg10 : memref<400xi32, #tpu.memory_space<vmem>>) semaphore(%arg21 : memref<!tpu.dma_semaphore, #tpu.memory_space<semaphore_mem>>)
    %dma_wait3A_495 = arith.constant 0 : i32
    %dma_wait3A_496 = arith.constant 0 : i32
    %dma_wait3A_497 = tpu.memref_slice %arg15[%dma_wait3A_495, %dma_wait3A_496] : memref<12288x16xf32, #tpu.memory_space<vmem_shared>> -> memref<12288x16xf32, #tpu.memory_space<vmem_shared>>
    tpu.wait_indirect_dma semaphore(%arg19 : memref<!tpu.dma_semaphore, #tpu.memory_space<semaphore_mem>>) src(%arg9 : memref<400x16xf32, #tpu.memory_space<vmem>>) dst(%dma_wait3A_497 : memref<12288x16xf32, #tpu.memory_space<vmem_shared>>)
    %dma_wait3A_498 = arith.constant 0 : i32
    %dma_wait3A_499 = arith.constant 0 : i32
    %dma_wait3A_500 = tpu.memref_slice %arg16[%dma_wait3A_498, %dma_wait3A_499] : memref<12288x16xf32, #tpu.memory_space<vmem_shared>> -> memref<12288x16xf32, #tpu.memory_space<vmem_shared>>
    tpu.wait_indirect_dma semaphore(%arg19 : memref<!tpu.dma_semaphore, #tpu.memory_space<semaphore_mem>>) src(%arg13 : memref<400x16xf32, #tpu.memory_space<vmem>>) dst(%dma_wait3A_500 : memref<12288x16xf32, #tpu.memory_space<vmem_shared>>)
    %add3A_501 = arith.constant 6400 : i32
    %add3A_502 = arith.addi %mul3A_67, %add3A_501 : i32
    %dma_start3A_503 = tpu.memref_slice %arg3[%add3A_502] : memref<320000xi32, #tpu.memory_space<hbm>> -> memref<400xi32, #tpu.memory_space<hbm>>
    %dma_start3A_504 = tpu.memref_slice %arg3[%add3A_502] : memref<320000xi32, #tpu.memory_space<hbm>> -> memref<400xi32, #tpu.memory_space<hbm>>
    tpu.enqueue_dma source(%dma_start3A_504 : memref<400xi32, #tpu.memory_space<hbm>>) target(%arg7 : memref<400xi32, #tpu.memory_space<vmem>>) target_semaphore(%arg17 : memref<!tpu.dma_semaphore, #tpu.memory_space<semaphore_mem>>)
    %dma_start3A_505 = tpu.memref_slice %arg4[%add3A_502] : memref<320000xi32, #tpu.memory_space<hbm>> -> memref<400xi32, #tpu.memory_space<hbm>>
    %dma_start3A_506 = tpu.memref_slice %arg4[%add3A_502] : memref<320000xi32, #tpu.memory_space<hbm>> -> memref<400xi32, #tpu.memory_space<hbm>>
    tpu.enqueue_dma source(%dma_start3A_506 : memref<400xi32, #tpu.memory_space<hbm>>) target(%arg8 : memref<400xi32, #tpu.memory_space<vmem>>) target_semaphore(%arg17 : memref<!tpu.dma_semaphore, #tpu.memory_space<semaphore_mem>>)
    %dma_wait3A_507 = arith.constant 0 : i32
    %dma_wait3A_508 = arith.constant 0 : i32
    %dma_wait3A_509 = tpu.memref_slice %arg2[%dma_wait3A_507, %dma_wait3A_508] : memref<10000x16xf32, #tpu.memory_space<hbm>> -> memref<10000x16xf32, #tpu.memory_space<hbm>>
    tpu.wait_indirect_dma semaphore(%arg21 : memref<!tpu.dma_semaphore, #tpu.memory_space<semaphore_mem>>) src(%dma_wait3A_509 : memref<10000x16xf32, #tpu.memory_space<hbm>>) dst(%arg12 : memref<400x16xf32, #tpu.memory_space<vmem>>)
    %dma_start3A_510 = arith.constant 0 : i32
    %dma_start3A_511 = arith.constant 0 : i32
    %dma_start3A_512 = tpu.memref_slice %arg15[%dma_start3A_510, %dma_start3A_511] : memref<12288x16xf32, #tpu.memory_space<vmem_shared>> -> memref<12288x16xf32, #tpu.memory_space<vmem_shared>>
    tpu.enqueue_indirect_dma source(%arg12 : memref<400x16xf32, #tpu.memory_space<vmem>>) target(%dma_start3A_512 : memref<12288x16xf32, #tpu.memory_space<vmem_shared>>) offsets(%arg11 : memref<400xi32, #tpu.memory_space<vmem>>) semaphore(%arg22 : memref<!tpu.dma_semaphore, #tpu.memory_space<semaphore_mem>>) {add = true}
    %dma_start3A_513 = arith.constant 0 : i32
    %dma_start3A_514 = arith.constant 0 : i32
    %dma_start3A_515 = tpu.memref_slice %arg16[%dma_start3A_513, %dma_start3A_514] : memref<12288x16xf32, #tpu.memory_space<vmem_shared>> -> memref<12288x16xf32, #tpu.memory_space<vmem_shared>>
    tpu.enqueue_indirect_dma source(%arg13 : memref<400x16xf32, #tpu.memory_space<vmem>>) target(%dma_start3A_515 : memref<12288x16xf32, #tpu.memory_space<vmem_shared>>) offsets(%arg11 : memref<400xi32, #tpu.memory_space<vmem>>) semaphore(%arg22 : memref<!tpu.dma_semaphore, #tpu.memory_space<semaphore_mem>>) {add = true}
    %dma_wait3A_516 = tpu.memref_slice %arg3[%add3A_502] : memref<320000xi32, #tpu.memory_space<hbm>> -> memref<400xi32, #tpu.memory_space<hbm>>
    %dma_wait3A_517 = tpu.memref_slice %arg3[%add3A_502] : memref<320000xi32, #tpu.memory_space<hbm>> -> memref<400xi32, #tpu.memory_space<hbm>>
    tpu.wait_dma2 semaphore(%arg17 : memref<!tpu.dma_semaphore, #tpu.memory_space<semaphore_mem>>) src(%dma_wait3A_517 : memref<400xi32, #tpu.memory_space<hbm>>) dst(%arg7 : memref<400xi32, #tpu.memory_space<vmem>>)
    %dma_wait3A_518 = tpu.memref_slice %arg4[%add3A_502] : memref<320000xi32, #tpu.memory_space<hbm>> -> memref<400xi32, #tpu.memory_space<hbm>>
    %dma_wait3A_519 = tpu.memref_slice %arg4[%add3A_502] : memref<320000xi32, #tpu.memory_space<hbm>> -> memref<400xi32, #tpu.memory_space<hbm>>
    tpu.wait_dma2 semaphore(%arg17 : memref<!tpu.dma_semaphore, #tpu.memory_space<semaphore_mem>>) src(%dma_wait3A_519 : memref<400xi32, #tpu.memory_space<hbm>>) dst(%arg8 : memref<400xi32, #tpu.memory_space<vmem>>)
    %dma_start3A_520 = arith.constant 0 : i32
    %dma_start3A_521 = arith.constant 0 : i32
    %dma_start3A_522 = tpu.memref_slice %arg2[%dma_start3A_520, %dma_start3A_521] : memref<10000x16xf32, #tpu.memory_space<hbm>> -> memref<10000x16xf32, #tpu.memory_space<hbm>>
    tpu.enqueue_indirect_dma source(%dma_start3A_522 : memref<10000x16xf32, #tpu.memory_space<hbm>>) target(%arg9 : memref<400x16xf32, #tpu.memory_space<vmem>>) offsets(%arg7 : memref<400xi32, #tpu.memory_space<vmem>>) semaphore(%arg18 : memref<!tpu.dma_semaphore, #tpu.memory_space<semaphore_mem>>)
    %dma_wait3A_523 = arith.constant 0 : i32
    %dma_wait3A_524 = arith.constant 0 : i32
    %dma_wait3A_525 = tpu.memref_slice %arg15[%dma_wait3A_523, %dma_wait3A_524] : memref<12288x16xf32, #tpu.memory_space<vmem_shared>> -> memref<12288x16xf32, #tpu.memory_space<vmem_shared>>
    tpu.wait_indirect_dma semaphore(%arg22 : memref<!tpu.dma_semaphore, #tpu.memory_space<semaphore_mem>>) src(%arg12 : memref<400x16xf32, #tpu.memory_space<vmem>>) dst(%dma_wait3A_525 : memref<12288x16xf32, #tpu.memory_space<vmem_shared>>)
    %dma_wait3A_526 = arith.constant 0 : i32
    %dma_wait3A_527 = arith.constant 0 : i32
    %dma_wait3A_528 = tpu.memref_slice %arg16[%dma_wait3A_526, %dma_wait3A_527] : memref<12288x16xf32, #tpu.memory_space<vmem_shared>> -> memref<12288x16xf32, #tpu.memory_space<vmem_shared>>
    tpu.wait_indirect_dma semaphore(%arg22 : memref<!tpu.dma_semaphore, #tpu.memory_space<semaphore_mem>>) src(%arg13 : memref<400x16xf32, #tpu.memory_space<vmem>>) dst(%dma_wait3A_528 : memref<12288x16xf32, #tpu.memory_space<vmem_shared>>)
    %add3A_529 = arith.constant 6800 : i32
    %add3A_530 = arith.addi %mul3A_67, %add3A_529 : i32
    %dma_start3A_531 = tpu.memref_slice %arg3[%add3A_530] : memref<320000xi32, #tpu.memory_space<hbm>> -> memref<400xi32, #tpu.memory_space<hbm>>
    %dma_start3A_532 = tpu.memref_slice %arg3[%add3A_530] : memref<320000xi32, #tpu.memory_space<hbm>> -> memref<400xi32, #tpu.memory_space<hbm>>
    tpu.enqueue_dma source(%dma_start3A_532 : memref<400xi32, #tpu.memory_space<hbm>>) target(%arg10 : memref<400xi32, #tpu.memory_space<vmem>>) target_semaphore(%arg20 : memref<!tpu.dma_semaphore, #tpu.memory_space<semaphore_mem>>)
    %dma_start3A_533 = tpu.memref_slice %arg4[%add3A_530] : memref<320000xi32, #tpu.memory_space<hbm>> -> memref<400xi32, #tpu.memory_space<hbm>>
    %dma_start3A_534 = tpu.memref_slice %arg4[%add3A_530] : memref<320000xi32, #tpu.memory_space<hbm>> -> memref<400xi32, #tpu.memory_space<hbm>>
    tpu.enqueue_dma source(%dma_start3A_534 : memref<400xi32, #tpu.memory_space<hbm>>) target(%arg11 : memref<400xi32, #tpu.memory_space<vmem>>) target_semaphore(%arg20 : memref<!tpu.dma_semaphore, #tpu.memory_space<semaphore_mem>>)
    %dma_wait3A_535 = arith.constant 0 : i32
    %dma_wait3A_536 = arith.constant 0 : i32
    %dma_wait3A_537 = tpu.memref_slice %arg2[%dma_wait3A_535, %dma_wait3A_536] : memref<10000x16xf32, #tpu.memory_space<hbm>> -> memref<10000x16xf32, #tpu.memory_space<hbm>>
    tpu.wait_indirect_dma semaphore(%arg18 : memref<!tpu.dma_semaphore, #tpu.memory_space<semaphore_mem>>) src(%dma_wait3A_537 : memref<10000x16xf32, #tpu.memory_space<hbm>>) dst(%arg9 : memref<400x16xf32, #tpu.memory_space<vmem>>)
    %dma_start3A_538 = arith.constant 0 : i32
    %dma_start3A_539 = arith.constant 0 : i32
    %dma_start3A_540 = tpu.memref_slice %arg15[%dma_start3A_538, %dma_start3A_539] : memref<12288x16xf32, #tpu.memory_space<vmem_shared>> -> memref<12288x16xf32, #tpu.memory_space<vmem_shared>>
    tpu.enqueue_indirect_dma source(%arg9 : memref<400x16xf32, #tpu.memory_space<vmem>>) target(%dma_start3A_540 : memref<12288x16xf32, #tpu.memory_space<vmem_shared>>) offsets(%arg8 : memref<400xi32, #tpu.memory_space<vmem>>) semaphore(%arg19 : memref<!tpu.dma_semaphore, #tpu.memory_space<semaphore_mem>>) {add = true}
    %dma_start3A_541 = arith.constant 0 : i32
    %dma_start3A_542 = arith.constant 0 : i32
    %dma_start3A_543 = tpu.memref_slice %arg16[%dma_start3A_541, %dma_start3A_542] : memref<12288x16xf32, #tpu.memory_space<vmem_shared>> -> memref<12288x16xf32, #tpu.memory_space<vmem_shared>>
    tpu.enqueue_indirect_dma source(%arg13 : memref<400x16xf32, #tpu.memory_space<vmem>>) target(%dma_start3A_543 : memref<12288x16xf32, #tpu.memory_space<vmem_shared>>) offsets(%arg8 : memref<400xi32, #tpu.memory_space<vmem>>) semaphore(%arg19 : memref<!tpu.dma_semaphore, #tpu.memory_space<semaphore_mem>>) {add = true}
    %dma_wait3A_544 = tpu.memref_slice %arg3[%add3A_530] : memref<320000xi32, #tpu.memory_space<hbm>> -> memref<400xi32, #tpu.memory_space<hbm>>
    %dma_wait3A_545 = tpu.memref_slice %arg3[%add3A_530] : memref<320000xi32, #tpu.memory_space<hbm>> -> memref<400xi32, #tpu.memory_space<hbm>>
    tpu.wait_dma2 semaphore(%arg20 : memref<!tpu.dma_semaphore, #tpu.memory_space<semaphore_mem>>) src(%dma_wait3A_545 : memref<400xi32, #tpu.memory_space<hbm>>) dst(%arg10 : memref<400xi32, #tpu.memory_space<vmem>>)
    %dma_wait3A_546 = tpu.memref_slice %arg4[%add3A_530] : memref<320000xi32, #tpu.memory_space<hbm>> -> memref<400xi32, #tpu.memory_space<hbm>>
    %dma_wait3A_547 = tpu.memref_slice %arg4[%add3A_530] : memref<320000xi32, #tpu.memory_space<hbm>> -> memref<400xi32, #tpu.memory_space<hbm>>
    tpu.wait_dma2 semaphore(%arg20 : memref<!tpu.dma_semaphore, #tpu.memory_space<semaphore_mem>>) src(%dma_wait3A_547 : memref<400xi32, #tpu.memory_space<hbm>>) dst(%arg11 : memref<400xi32, #tpu.memory_space<vmem>>)
    %dma_start3A_548 = arith.constant 0 : i32
    %dma_start3A_549 = arith.constant 0 : i32
    %dma_start3A_550 = tpu.memref_slice %arg2[%dma_start3A_548, %dma_start3A_549] : memref<10000x16xf32, #tpu.memory_space<hbm>> -> memref<10000x16xf32, #tpu.memory_space<hbm>>
    tpu.enqueue_indirect_dma source(%dma_start3A_550 : memref<10000x16xf32, #tpu.memory_space<hbm>>) target(%arg12 : memref<400x16xf32, #tpu.memory_space<vmem>>) offsets(%arg10 : memref<400xi32, #tpu.memory_space<vmem>>) semaphore(%arg21 : memref<!tpu.dma_semaphore, #tpu.memory_space<semaphore_mem>>)
    %dma_wait3A_551 = arith.constant 0 : i32
    %dma_wait3A_552 = arith.constant 0 : i32
    %dma_wait3A_553 = tpu.memref_slice %arg15[%dma_wait3A_551, %dma_wait3A_552] : memref<12288x16xf32, #tpu.memory_space<vmem_shared>> -> memref<12288x16xf32, #tpu.memory_space<vmem_shared>>
    tpu.wait_indirect_dma semaphore(%arg19 : memref<!tpu.dma_semaphore, #tpu.memory_space<semaphore_mem>>) src(%arg9 : memref<400x16xf32, #tpu.memory_space<vmem>>) dst(%dma_wait3A_553 : memref<12288x16xf32, #tpu.memory_space<vmem_shared>>)
    %dma_wait3A_554 = arith.constant 0 : i32
    %dma_wait3A_555 = arith.constant 0 : i32
    %dma_wait3A_556 = tpu.memref_slice %arg16[%dma_wait3A_554, %dma_wait3A_555] : memref<12288x16xf32, #tpu.memory_space<vmem_shared>> -> memref<12288x16xf32, #tpu.memory_space<vmem_shared>>
    tpu.wait_indirect_dma semaphore(%arg19 : memref<!tpu.dma_semaphore, #tpu.memory_space<semaphore_mem>>) src(%arg13 : memref<400x16xf32, #tpu.memory_space<vmem>>) dst(%dma_wait3A_556 : memref<12288x16xf32, #tpu.memory_space<vmem_shared>>)
    %add3A_557 = arith.constant 7200 : i32
    %add3A_558 = arith.addi %mul3A_67, %add3A_557 : i32
    %dma_start3A_559 = tpu.memref_slice %arg3[%add3A_558] : memref<320000xi32, #tpu.memory_space<hbm>> -> memref<400xi32, #tpu.memory_space<hbm>>
    %dma_start3A_560 = tpu.memref_slice %arg3[%add3A_558] : memref<320000xi32, #tpu.memory_space<hbm>> -> memref<400xi32, #tpu.memory_space<hbm>>
    tpu.enqueue_dma source(%dma_start3A_560 : memref<400xi32, #tpu.memory_space<hbm>>) target(%arg7 : memref<400xi32, #tpu.memory_space<vmem>>) target_semaphore(%arg17 : memref<!tpu.dma_semaphore, #tpu.memory_space<semaphore_mem>>)
    %dma_start3A_561 = tpu.memref_slice %arg4[%add3A_558] : memref<320000xi32, #tpu.memory_space<hbm>> -> memref<400xi32, #tpu.memory_space<hbm>>
    %dma_start3A_562 = tpu.memref_slice %arg4[%add3A_558] : memref<320000xi32, #tpu.memory_space<hbm>> -> memref<400xi32, #tpu.memory_space<hbm>>
    tpu.enqueue_dma source(%dma_start3A_562 : memref<400xi32, #tpu.memory_space<hbm>>) target(%arg8 : memref<400xi32, #tpu.memory_space<vmem>>) target_semaphore(%arg17 : memref<!tpu.dma_semaphore, #tpu.memory_space<semaphore_mem>>)
    %dma_wait3A_563 = arith.constant 0 : i32
    %dma_wait3A_564 = arith.constant 0 : i32
    %dma_wait3A_565 = tpu.memref_slice %arg2[%dma_wait3A_563, %dma_wait3A_564] : memref<10000x16xf32, #tpu.memory_space<hbm>> -> memref<10000x16xf32, #tpu.memory_space<hbm>>
    tpu.wait_indirect_dma semaphore(%arg21 : memref<!tpu.dma_semaphore, #tpu.memory_space<semaphore_mem>>) src(%dma_wait3A_565 : memref<10000x16xf32, #tpu.memory_space<hbm>>) dst(%arg12 : memref<400x16xf32, #tpu.memory_space<vmem>>)
    %dma_start3A_566 = arith.constant 0 : i32
    %dma_start3A_567 = arith.constant 0 : i32
    %dma_start3A_568 = tpu.memref_slice %arg15[%dma_start3A_566, %dma_start3A_567] : memref<12288x16xf32, #tpu.memory_space<vmem_shared>> -> memref<12288x16xf32, #tpu.memory_space<vmem_shared>>
    tpu.enqueue_indirect_dma source(%arg12 : memref<400x16xf32, #tpu.memory_space<vmem>>) target(%dma_start3A_568 : memref<12288x16xf32, #tpu.memory_space<vmem_shared>>) offsets(%arg11 : memref<400xi32, #tpu.memory_space<vmem>>) semaphore(%arg22 : memref<!tpu.dma_semaphore, #tpu.memory_space<semaphore_mem>>) {add = true}
    %dma_start3A_569 = arith.constant 0 : i32
    %dma_start3A_570 = arith.constant 0 : i32
    %dma_start3A_571 = tpu.memref_slice %arg16[%dma_start3A_569, %dma_start3A_570] : memref<12288x16xf32, #tpu.memory_space<vmem_shared>> -> memref<12288x16xf32, #tpu.memory_space<vmem_shared>>
    tpu.enqueue_indirect_dma source(%arg13 : memref<400x16xf32, #tpu.memory_space<vmem>>) target(%dma_start3A_571 : memref<12288x16xf32, #tpu.memory_space<vmem_shared>>) offsets(%arg11 : memref<400xi32, #tpu.memory_space<vmem>>) semaphore(%arg22 : memref<!tpu.dma_semaphore, #tpu.memory_space<semaphore_mem>>) {add = true}
    %dma_wait3A_572 = tpu.memref_slice %arg3[%add3A_558] : memref<320000xi32, #tpu.memory_space<hbm>> -> memref<400xi32, #tpu.memory_space<hbm>>
    %dma_wait3A_573 = tpu.memref_slice %arg3[%add3A_558] : memref<320000xi32, #tpu.memory_space<hbm>> -> memref<400xi32, #tpu.memory_space<hbm>>
    tpu.wait_dma2 semaphore(%arg17 : memref<!tpu.dma_semaphore, #tpu.memory_space<semaphore_mem>>) src(%dma_wait3A_573 : memref<400xi32, #tpu.memory_space<hbm>>) dst(%arg7 : memref<400xi32, #tpu.memory_space<vmem>>)
    %dma_wait3A_574 = tpu.memref_slice %arg4[%add3A_558] : memref<320000xi32, #tpu.memory_space<hbm>> -> memref<400xi32, #tpu.memory_space<hbm>>
    %dma_wait3A_575 = tpu.memref_slice %arg4[%add3A_558] : memref<320000xi32, #tpu.memory_space<hbm>> -> memref<400xi32, #tpu.memory_space<hbm>>
    tpu.wait_dma2 semaphore(%arg17 : memref<!tpu.dma_semaphore, #tpu.memory_space<semaphore_mem>>) src(%dma_wait3A_575 : memref<400xi32, #tpu.memory_space<hbm>>) dst(%arg8 : memref<400xi32, #tpu.memory_space<vmem>>)
    %dma_start3A_576 = arith.constant 0 : i32
    %dma_start3A_577 = arith.constant 0 : i32
    %dma_start3A_578 = tpu.memref_slice %arg2[%dma_start3A_576, %dma_start3A_577] : memref<10000x16xf32, #tpu.memory_space<hbm>> -> memref<10000x16xf32, #tpu.memory_space<hbm>>
    tpu.enqueue_indirect_dma source(%dma_start3A_578 : memref<10000x16xf32, #tpu.memory_space<hbm>>) target(%arg9 : memref<400x16xf32, #tpu.memory_space<vmem>>) offsets(%arg7 : memref<400xi32, #tpu.memory_space<vmem>>) semaphore(%arg18 : memref<!tpu.dma_semaphore, #tpu.memory_space<semaphore_mem>>)
    %dma_wait3A_579 = arith.constant 0 : i32
    %dma_wait3A_580 = arith.constant 0 : i32
    %dma_wait3A_581 = tpu.memref_slice %arg15[%dma_wait3A_579, %dma_wait3A_580] : memref<12288x16xf32, #tpu.memory_space<vmem_shared>> -> memref<12288x16xf32, #tpu.memory_space<vmem_shared>>
    tpu.wait_indirect_dma semaphore(%arg22 : memref<!tpu.dma_semaphore, #tpu.memory_space<semaphore_mem>>) src(%arg12 : memref<400x16xf32, #tpu.memory_space<vmem>>) dst(%dma_wait3A_581 : memref<12288x16xf32, #tpu.memory_space<vmem_shared>>)
    %dma_wait3A_582 = arith.constant 0 : i32
    %dma_wait3A_583 = arith.constant 0 : i32
    %dma_wait3A_584 = tpu.memref_slice %arg16[%dma_wait3A_582, %dma_wait3A_583] : memref<12288x16xf32, #tpu.memory_space<vmem_shared>> -> memref<12288x16xf32, #tpu.memory_space<vmem_shared>>
    tpu.wait_indirect_dma semaphore(%arg22 : memref<!tpu.dma_semaphore, #tpu.memory_space<semaphore_mem>>) src(%arg13 : memref<400x16xf32, #tpu.memory_space<vmem>>) dst(%dma_wait3A_584 : memref<12288x16xf32, #tpu.memory_space<vmem_shared>>)
    %add3A_585 = arith.constant 7600 : i32
    %add3A_586 = arith.addi %mul3A_67, %add3A_585 : i32
    %dma_start3A_587 = tpu.memref_slice %arg3[%add3A_586] : memref<320000xi32, #tpu.memory_space<hbm>> -> memref<400xi32, #tpu.memory_space<hbm>>
    %dma_start3A_588 = tpu.memref_slice %arg3[%add3A_586] : memref<320000xi32, #tpu.memory_space<hbm>> -> memref<400xi32, #tpu.memory_space<hbm>>
    tpu.enqueue_dma source(%dma_start3A_588 : memref<400xi32, #tpu.memory_space<hbm>>) target(%arg10 : memref<400xi32, #tpu.memory_space<vmem>>) target_semaphore(%arg20 : memref<!tpu.dma_semaphore, #tpu.memory_space<semaphore_mem>>)
    %dma_start3A_589 = tpu.memref_slice %arg4[%add3A_586] : memref<320000xi32, #tpu.memory_space<hbm>> -> memref<400xi32, #tpu.memory_space<hbm>>
    %dma_start3A_590 = tpu.memref_slice %arg4[%add3A_586] : memref<320000xi32, #tpu.memory_space<hbm>> -> memref<400xi32, #tpu.memory_space<hbm>>
    tpu.enqueue_dma source(%dma_start3A_590 : memref<400xi32, #tpu.memory_space<hbm>>) target(%arg11 : memref<400xi32, #tpu.memory_space<vmem>>) target_semaphore(%arg20 : memref<!tpu.dma_semaphore, #tpu.memory_space<semaphore_mem>>)
    %dma_wait3A_591 = arith.constant 0 : i32
    %dma_wait3A_592 = arith.constant 0 : i32
    %dma_wait3A_593 = tpu.memref_slice %arg2[%dma_wait3A_591, %dma_wait3A_592] : memref<10000x16xf32, #tpu.memory_space<hbm>> -> memref<10000x16xf32, #tpu.memory_space<hbm>>
    tpu.wait_indirect_dma semaphore(%arg18 : memref<!tpu.dma_semaphore, #tpu.memory_space<semaphore_mem>>) src(%dma_wait3A_593 : memref<10000x16xf32, #tpu.memory_space<hbm>>) dst(%arg9 : memref<400x16xf32, #tpu.memory_space<vmem>>)
    %dma_start3A_594 = arith.constant 0 : i32
    %dma_start3A_595 = arith.constant 0 : i32
    %dma_start3A_596 = tpu.memref_slice %arg15[%dma_start3A_594, %dma_start3A_595] : memref<12288x16xf32, #tpu.memory_space<vmem_shared>> -> memref<12288x16xf32, #tpu.memory_space<vmem_shared>>
    tpu.enqueue_indirect_dma source(%arg9 : memref<400x16xf32, #tpu.memory_space<vmem>>) target(%dma_start3A_596 : memref<12288x16xf32, #tpu.memory_space<vmem_shared>>) offsets(%arg8 : memref<400xi32, #tpu.memory_space<vmem>>) semaphore(%arg19 : memref<!tpu.dma_semaphore, #tpu.memory_space<semaphore_mem>>) {add = true}
    %dma_start3A_597 = arith.constant 0 : i32
    %dma_start3A_598 = arith.constant 0 : i32
    %dma_start3A_599 = tpu.memref_slice %arg16[%dma_start3A_597, %dma_start3A_598] : memref<12288x16xf32, #tpu.memory_space<vmem_shared>> -> memref<12288x16xf32, #tpu.memory_space<vmem_shared>>
    tpu.enqueue_indirect_dma source(%arg13 : memref<400x16xf32, #tpu.memory_space<vmem>>) target(%dma_start3A_599 : memref<12288x16xf32, #tpu.memory_space<vmem_shared>>) offsets(%arg8 : memref<400xi32, #tpu.memory_space<vmem>>) semaphore(%arg19 : memref<!tpu.dma_semaphore, #tpu.memory_space<semaphore_mem>>) {add = true}
    %dma_wait3A_600 = tpu.memref_slice %arg3[%add3A_586] : memref<320000xi32, #tpu.memory_space<hbm>> -> memref<400xi32, #tpu.memory_space<hbm>>
    %dma_wait3A_601 = tpu.memref_slice %arg3[%add3A_586] : memref<320000xi32, #tpu.memory_space<hbm>> -> memref<400xi32, #tpu.memory_space<hbm>>
    tpu.wait_dma2 semaphore(%arg20 : memref<!tpu.dma_semaphore, #tpu.memory_space<semaphore_mem>>) src(%dma_wait3A_601 : memref<400xi32, #tpu.memory_space<hbm>>) dst(%arg10 : memref<400xi32, #tpu.memory_space<vmem>>)
    %dma_wait3A_602 = tpu.memref_slice %arg4[%add3A_586] : memref<320000xi32, #tpu.memory_space<hbm>> -> memref<400xi32, #tpu.memory_space<hbm>>
    %dma_wait3A_603 = tpu.memref_slice %arg4[%add3A_586] : memref<320000xi32, #tpu.memory_space<hbm>> -> memref<400xi32, #tpu.memory_space<hbm>>
    tpu.wait_dma2 semaphore(%arg20 : memref<!tpu.dma_semaphore, #tpu.memory_space<semaphore_mem>>) src(%dma_wait3A_603 : memref<400xi32, #tpu.memory_space<hbm>>) dst(%arg11 : memref<400xi32, #tpu.memory_space<vmem>>)
    %dma_start3A_604 = arith.constant 0 : i32
    %dma_start3A_605 = arith.constant 0 : i32
    %dma_start3A_606 = tpu.memref_slice %arg2[%dma_start3A_604, %dma_start3A_605] : memref<10000x16xf32, #tpu.memory_space<hbm>> -> memref<10000x16xf32, #tpu.memory_space<hbm>>
    tpu.enqueue_indirect_dma source(%dma_start3A_606 : memref<10000x16xf32, #tpu.memory_space<hbm>>) target(%arg12 : memref<400x16xf32, #tpu.memory_space<vmem>>) offsets(%arg10 : memref<400xi32, #tpu.memory_space<vmem>>) semaphore(%arg21 : memref<!tpu.dma_semaphore, #tpu.memory_space<semaphore_mem>>)
    %dma_wait3A_607 = arith.constant 0 : i32
    %dma_wait3A_608 = arith.constant 0 : i32
    %dma_wait3A_609 = tpu.memref_slice %arg15[%dma_wait3A_607, %dma_wait3A_608] : memref<12288x16xf32, #tpu.memory_space<vmem_shared>> -> memref<12288x16xf32, #tpu.memory_space<vmem_shared>>
    tpu.wait_indirect_dma semaphore(%arg19 : memref<!tpu.dma_semaphore, #tpu.memory_space<semaphore_mem>>) src(%arg9 : memref<400x16xf32, #tpu.memory_space<vmem>>) dst(%dma_wait3A_609 : memref<12288x16xf32, #tpu.memory_space<vmem_shared>>)
    %dma_wait3A_610 = arith.constant 0 : i32
    %dma_wait3A_611 = arith.constant 0 : i32
    %dma_wait3A_612 = tpu.memref_slice %arg16[%dma_wait3A_610, %dma_wait3A_611] : memref<12288x16xf32, #tpu.memory_space<vmem_shared>> -> memref<12288x16xf32, #tpu.memory_space<vmem_shared>>
    tpu.wait_indirect_dma semaphore(%arg19 : memref<!tpu.dma_semaphore, #tpu.memory_space<semaphore_mem>>) src(%arg13 : memref<400x16xf32, #tpu.memory_space<vmem>>) dst(%dma_wait3A_612 : memref<12288x16xf32, #tpu.memory_space<vmem_shared>>)
    %add3A_613 = arith.constant 8000 : i32
    %add3A_614 = arith.addi %mul3A_67, %add3A_613 : i32
    %dma_start3A_615 = tpu.memref_slice %arg3[%add3A_614] : memref<320000xi32, #tpu.memory_space<hbm>> -> memref<400xi32, #tpu.memory_space<hbm>>
    %dma_start3A_616 = tpu.memref_slice %arg3[%add3A_614] : memref<320000xi32, #tpu.memory_space<hbm>> -> memref<400xi32, #tpu.memory_space<hbm>>
    tpu.enqueue_dma source(%dma_start3A_616 : memref<400xi32, #tpu.memory_space<hbm>>) target(%arg7 : memref<400xi32, #tpu.memory_space<vmem>>) target_semaphore(%arg17 : memref<!tpu.dma_semaphore, #tpu.memory_space<semaphore_mem>>)
    %dma_start3A_617 = tpu.memref_slice %arg4[%add3A_614] : memref<320000xi32, #tpu.memory_space<hbm>> -> memref<400xi32, #tpu.memory_space<hbm>>
    %dma_start3A_618 = tpu.memref_slice %arg4[%add3A_614] : memref<320000xi32, #tpu.memory_space<hbm>> -> memref<400xi32, #tpu.memory_space<hbm>>
    tpu.enqueue_dma source(%dma_start3A_618 : memref<400xi32, #tpu.memory_space<hbm>>) target(%arg8 : memref<400xi32, #tpu.memory_space<vmem>>) target_semaphore(%arg17 : memref<!tpu.dma_semaphore, #tpu.memory_space<semaphore_mem>>)
    %dma_wait3A_619 = arith.constant 0 : i32
    %dma_wait3A_620 = arith.constant 0 : i32
    %dma_wait3A_621 = tpu.memref_slice %arg2[%dma_wait3A_619, %dma_wait3A_620] : memref<10000x16xf32, #tpu.memory_space<hbm>> -> memref<10000x16xf32, #tpu.memory_space<hbm>>
    tpu.wait_indirect_dma semaphore(%arg21 : memref<!tpu.dma_semaphore, #tpu.memory_space<semaphore_mem>>) src(%dma_wait3A_621 : memref<10000x16xf32, #tpu.memory_space<hbm>>) dst(%arg12 : memref<400x16xf32, #tpu.memory_space<vmem>>)
    %dma_start3A_622 = arith.constant 0 : i32
    %dma_start3A_623 = arith.constant 0 : i32
    %dma_start3A_624 = tpu.memref_slice %arg15[%dma_start3A_622, %dma_start3A_623] : memref<12288x16xf32, #tpu.memory_space<vmem_shared>> -> memref<12288x16xf32, #tpu.memory_space<vmem_shared>>
    tpu.enqueue_indirect_dma source(%arg12 : memref<400x16xf32, #tpu.memory_space<vmem>>) target(%dma_start3A_624 : memref<12288x16xf32, #tpu.memory_space<vmem_shared>>) offsets(%arg11 : memref<400xi32, #tpu.memory_space<vmem>>) semaphore(%arg22 : memref<!tpu.dma_semaphore, #tpu.memory_space<semaphore_mem>>) {add = true}
    %dma_start3A_625 = arith.constant 0 : i32
    %dma_start3A_626 = arith.constant 0 : i32
    %dma_start3A_627 = tpu.memref_slice %arg16[%dma_start3A_625, %dma_start3A_626] : memref<12288x16xf32, #tpu.memory_space<vmem_shared>> -> memref<12288x16xf32, #tpu.memory_space<vmem_shared>>
    tpu.enqueue_indirect_dma source(%arg13 : memref<400x16xf32, #tpu.memory_space<vmem>>) target(%dma_start3A_627 : memref<12288x16xf32, #tpu.memory_space<vmem_shared>>) offsets(%arg11 : memref<400xi32, #tpu.memory_space<vmem>>) semaphore(%arg22 : memref<!tpu.dma_semaphore, #tpu.memory_space<semaphore_mem>>) {add = true}
    %dma_wait3A_628 = tpu.memref_slice %arg3[%add3A_614] : memref<320000xi32, #tpu.memory_space<hbm>> -> memref<400xi32, #tpu.memory_space<hbm>>
    %dma_wait3A_629 = tpu.memref_slice %arg3[%add3A_614] : memref<320000xi32, #tpu.memory_space<hbm>> -> memref<400xi32, #tpu.memory_space<hbm>>
    tpu.wait_dma2 semaphore(%arg17 : memref<!tpu.dma_semaphore, #tpu.memory_space<semaphore_mem>>) src(%dma_wait3A_629 : memref<400xi32, #tpu.memory_space<hbm>>) dst(%arg7 : memref<400xi32, #tpu.memory_space<vmem>>)
    %dma_wait3A_630 = tpu.memref_slice %arg4[%add3A_614] : memref<320000xi32, #tpu.memory_space<hbm>> -> memref<400xi32, #tpu.memory_space<hbm>>
    %dma_wait3A_631 = tpu.memref_slice %arg4[%add3A_614] : memref<320000xi32, #tpu.memory_space<hbm>> -> memref<400xi32, #tpu.memory_space<hbm>>
    tpu.wait_dma2 semaphore(%arg17 : memref<!tpu.dma_semaphore, #tpu.memory_space<semaphore_mem>>) src(%dma_wait3A_631 : memref<400xi32, #tpu.memory_space<hbm>>) dst(%arg8 : memref<400xi32, #tpu.memory_space<vmem>>)
    %dma_start3A_632 = arith.constant 0 : i32
    %dma_start3A_633 = arith.constant 0 : i32
    %dma_start3A_634 = tpu.memref_slice %arg2[%dma_start3A_632, %dma_start3A_633] : memref<10000x16xf32, #tpu.memory_space<hbm>> -> memref<10000x16xf32, #tpu.memory_space<hbm>>
    tpu.enqueue_indirect_dma source(%dma_start3A_634 : memref<10000x16xf32, #tpu.memory_space<hbm>>) target(%arg9 : memref<400x16xf32, #tpu.memory_space<vmem>>) offsets(%arg7 : memref<400xi32, #tpu.memory_space<vmem>>) semaphore(%arg18 : memref<!tpu.dma_semaphore, #tpu.memory_space<semaphore_mem>>)
    %dma_wait3A_635 = arith.constant 0 : i32
    %dma_wait3A_636 = arith.constant 0 : i32
    %dma_wait3A_637 = tpu.memref_slice %arg15[%dma_wait3A_635, %dma_wait3A_636] : memref<12288x16xf32, #tpu.memory_space<vmem_shared>> -> memref<12288x16xf32, #tpu.memory_space<vmem_shared>>
    tpu.wait_indirect_dma semaphore(%arg22 : memref<!tpu.dma_semaphore, #tpu.memory_space<semaphore_mem>>) src(%arg12 : memref<400x16xf32, #tpu.memory_space<vmem>>) dst(%dma_wait3A_637 : memref<12288x16xf32, #tpu.memory_space<vmem_shared>>)
    %dma_wait3A_638 = arith.constant 0 : i32
    %dma_wait3A_639 = arith.constant 0 : i32
    %dma_wait3A_640 = tpu.memref_slice %arg16[%dma_wait3A_638, %dma_wait3A_639] : memref<12288x16xf32, #tpu.memory_space<vmem_shared>> -> memref<12288x16xf32, #tpu.memory_space<vmem_shared>>
    tpu.wait_indirect_dma semaphore(%arg22 : memref<!tpu.dma_semaphore, #tpu.memory_space<semaphore_mem>>) src(%arg13 : memref<400x16xf32, #tpu.memory_space<vmem>>) dst(%dma_wait3A_640 : memref<12288x16xf32, #tpu.memory_space<vmem_shared>>)
    %add3A_641 = arith.constant 8400 : i32
    %add3A_642 = arith.addi %mul3A_67, %add3A_641 : i32
    %dma_start3A_643 = tpu.memref_slice %arg3[%add3A_642] : memref<320000xi32, #tpu.memory_space<hbm>> -> memref<400xi32, #tpu.memory_space<hbm>>
    %dma_start3A_644 = tpu.memref_slice %arg3[%add3A_642] : memref<320000xi32, #tpu.memory_space<hbm>> -> memref<400xi32, #tpu.memory_space<hbm>>
    tpu.enqueue_dma source(%dma_start3A_644 : memref<400xi32, #tpu.memory_space<hbm>>) target(%arg10 : memref<400xi32, #tpu.memory_space<vmem>>) target_semaphore(%arg20 : memref<!tpu.dma_semaphore, #tpu.memory_space<semaphore_mem>>)
    %dma_start3A_645 = tpu.memref_slice %arg4[%add3A_642] : memref<320000xi32, #tpu.memory_space<hbm>> -> memref<400xi32, #tpu.memory_space<hbm>>
    %dma_start3A_646 = tpu.memref_slice %arg4[%add3A_642] : memref<320000xi32, #tpu.memory_space<hbm>> -> memref<400xi32, #tpu.memory_space<hbm>>
    tpu.enqueue_dma source(%dma_start3A_646 : memref<400xi32, #tpu.memory_space<hbm>>) target(%arg11 : memref<400xi32, #tpu.memory_space<vmem>>) target_semaphore(%arg20 : memref<!tpu.dma_semaphore, #tpu.memory_space<semaphore_mem>>)
    %dma_wait3A_647 = arith.constant 0 : i32
    %dma_wait3A_648 = arith.constant 0 : i32
    %dma_wait3A_649 = tpu.memref_slice %arg2[%dma_wait3A_647, %dma_wait3A_648] : memref<10000x16xf32, #tpu.memory_space<hbm>> -> memref<10000x16xf32, #tpu.memory_space<hbm>>
    tpu.wait_indirect_dma semaphore(%arg18 : memref<!tpu.dma_semaphore, #tpu.memory_space<semaphore_mem>>) src(%dma_wait3A_649 : memref<10000x16xf32, #tpu.memory_space<hbm>>) dst(%arg9 : memref<400x16xf32, #tpu.memory_space<vmem>>)
    %dma_start3A_650 = arith.constant 0 : i32
    %dma_start3A_651 = arith.constant 0 : i32
    %dma_start3A_652 = tpu.memref_slice %arg15[%dma_start3A_650, %dma_start3A_651] : memref<12288x16xf32, #tpu.memory_space<vmem_shared>> -> memref<12288x16xf32, #tpu.memory_space<vmem_shared>>
    tpu.enqueue_indirect_dma source(%arg9 : memref<400x16xf32, #tpu.memory_space<vmem>>) target(%dma_start3A_652 : memref<12288x16xf32, #tpu.memory_space<vmem_shared>>) offsets(%arg8 : memref<400xi32, #tpu.memory_space<vmem>>) semaphore(%arg19 : memref<!tpu.dma_semaphore, #tpu.memory_space<semaphore_mem>>) {add = true}
    %dma_start3A_653 = arith.constant 0 : i32
    %dma_start3A_654 = arith.constant 0 : i32
    %dma_start3A_655 = tpu.memref_slice %arg16[%dma_start3A_653, %dma_start3A_654] : memref<12288x16xf32, #tpu.memory_space<vmem_shared>> -> memref<12288x16xf32, #tpu.memory_space<vmem_shared>>
    tpu.enqueue_indirect_dma source(%arg13 : memref<400x16xf32, #tpu.memory_space<vmem>>) target(%dma_start3A_655 : memref<12288x16xf32, #tpu.memory_space<vmem_shared>>) offsets(%arg8 : memref<400xi32, #tpu.memory_space<vmem>>) semaphore(%arg19 : memref<!tpu.dma_semaphore, #tpu.memory_space<semaphore_mem>>) {add = true}
    %dma_wait3A_656 = tpu.memref_slice %arg3[%add3A_642] : memref<320000xi32, #tpu.memory_space<hbm>> -> memref<400xi32, #tpu.memory_space<hbm>>
    %dma_wait3A_657 = tpu.memref_slice %arg3[%add3A_642] : memref<320000xi32, #tpu.memory_space<hbm>> -> memref<400xi32, #tpu.memory_space<hbm>>
    tpu.wait_dma2 semaphore(%arg20 : memref<!tpu.dma_semaphore, #tpu.memory_space<semaphore_mem>>) src(%dma_wait3A_657 : memref<400xi32, #tpu.memory_space<hbm>>) dst(%arg10 : memref<400xi32, #tpu.memory_space<vmem>>)
    %dma_wait3A_658 = tpu.memref_slice %arg4[%add3A_642] : memref<320000xi32, #tpu.memory_space<hbm>> -> memref<400xi32, #tpu.memory_space<hbm>>
    %dma_wait3A_659 = tpu.memref_slice %arg4[%add3A_642] : memref<320000xi32, #tpu.memory_space<hbm>> -> memref<400xi32, #tpu.memory_space<hbm>>
    tpu.wait_dma2 semaphore(%arg20 : memref<!tpu.dma_semaphore, #tpu.memory_space<semaphore_mem>>) src(%dma_wait3A_659 : memref<400xi32, #tpu.memory_space<hbm>>) dst(%arg11 : memref<400xi32, #tpu.memory_space<vmem>>)
    %dma_start3A_660 = arith.constant 0 : i32
    %dma_start3A_661 = arith.constant 0 : i32
    %dma_start3A_662 = tpu.memref_slice %arg2[%dma_start3A_660, %dma_start3A_661] : memref<10000x16xf32, #tpu.memory_space<hbm>> -> memref<10000x16xf32, #tpu.memory_space<hbm>>
    tpu.enqueue_indirect_dma source(%dma_start3A_662 : memref<10000x16xf32, #tpu.memory_space<hbm>>) target(%arg12 : memref<400x16xf32, #tpu.memory_space<vmem>>) offsets(%arg10 : memref<400xi32, #tpu.memory_space<vmem>>) semaphore(%arg21 : memref<!tpu.dma_semaphore, #tpu.memory_space<semaphore_mem>>)
    %dma_wait3A_663 = arith.constant 0 : i32
    %dma_wait3A_664 = arith.constant 0 : i32
    %dma_wait3A_665 = tpu.memref_slice %arg15[%dma_wait3A_663, %dma_wait3A_664] : memref<12288x16xf32, #tpu.memory_space<vmem_shared>> -> memref<12288x16xf32, #tpu.memory_space<vmem_shared>>
    tpu.wait_indirect_dma semaphore(%arg19 : memref<!tpu.dma_semaphore, #tpu.memory_space<semaphore_mem>>) src(%arg9 : memref<400x16xf32, #tpu.memory_space<vmem>>) dst(%dma_wait3A_665 : memref<12288x16xf32, #tpu.memory_space<vmem_shared>>)
    %dma_wait3A_666 = arith.constant 0 : i32
    %dma_wait3A_667 = arith.constant 0 : i32
    %dma_wait3A_668 = tpu.memref_slice %arg16[%dma_wait3A_666, %dma_wait3A_667] : memref<12288x16xf32, #tpu.memory_space<vmem_shared>> -> memref<12288x16xf32, #tpu.memory_space<vmem_shared>>
    tpu.wait_indirect_dma semaphore(%arg19 : memref<!tpu.dma_semaphore, #tpu.memory_space<semaphore_mem>>) src(%arg13 : memref<400x16xf32, #tpu.memory_space<vmem>>) dst(%dma_wait3A_668 : memref<12288x16xf32, #tpu.memory_space<vmem_shared>>)
    %add3A_669 = arith.constant 8800 : i32
    %add3A_670 = arith.addi %mul3A_67, %add3A_669 : i32
    %dma_start3A_671 = tpu.memref_slice %arg3[%add3A_670] : memref<320000xi32, #tpu.memory_space<hbm>> -> memref<400xi32, #tpu.memory_space<hbm>>
    %dma_start3A_672 = tpu.memref_slice %arg3[%add3A_670] : memref<320000xi32, #tpu.memory_space<hbm>> -> memref<400xi32, #tpu.memory_space<hbm>>
    tpu.enqueue_dma source(%dma_start3A_672 : memref<400xi32, #tpu.memory_space<hbm>>) target(%arg7 : memref<400xi32, #tpu.memory_space<vmem>>) target_semaphore(%arg17 : memref<!tpu.dma_semaphore, #tpu.memory_space<semaphore_mem>>)
    %dma_start3A_673 = tpu.memref_slice %arg4[%add3A_670] : memref<320000xi32, #tpu.memory_space<hbm>> -> memref<400xi32, #tpu.memory_space<hbm>>
    %dma_start3A_674 = tpu.memref_slice %arg4[%add3A_670] : memref<320000xi32, #tpu.memory_space<hbm>> -> memref<400xi32, #tpu.memory_space<hbm>>
    tpu.enqueue_dma source(%dma_start3A_674 : memref<400xi32, #tpu.memory_space<hbm>>) target(%arg8 : memref<400xi32, #tpu.memory_space<vmem>>) target_semaphore(%arg17 : memref<!tpu.dma_semaphore, #tpu.memory_space<semaphore_mem>>)
    %dma_wait3A_675 = arith.constant 0 : i32
    %dma_wait3A_676 = arith.constant 0 : i32
    %dma_wait3A_677 = tpu.memref_slice %arg2[%dma_wait3A_675, %dma_wait3A_676] : memref<10000x16xf32, #tpu.memory_space<hbm>> -> memref<10000x16xf32, #tpu.memory_space<hbm>>
    tpu.wait_indirect_dma semaphore(%arg21 : memref<!tpu.dma_semaphore, #tpu.memory_space<semaphore_mem>>) src(%dma_wait3A_677 : memref<10000x16xf32, #tpu.memory_space<hbm>>) dst(%arg12 : memref<400x16xf32, #tpu.memory_space<vmem>>)
    %dma_start3A_678 = arith.constant 0 : i32
    %dma_start3A_679 = arith.constant 0 : i32
    %dma_start3A_680 = tpu.memref_slice %arg15[%dma_start3A_678, %dma_start3A_679] : memref<12288x16xf32, #tpu.memory_space<vmem_shared>> -> memref<12288x16xf32, #tpu.memory_space<vmem_shared>>
    tpu.enqueue_indirect_dma source(%arg12 : memref<400x16xf32, #tpu.memory_space<vmem>>) target(%dma_start3A_680 : memref<12288x16xf32, #tpu.memory_space<vmem_shared>>) offsets(%arg11 : memref<400xi32, #tpu.memory_space<vmem>>) semaphore(%arg22 : memref<!tpu.dma_semaphore, #tpu.memory_space<semaphore_mem>>) {add = true}
    %dma_start3A_681 = arith.constant 0 : i32
    %dma_start3A_682 = arith.constant 0 : i32
    %dma_start3A_683 = tpu.memref_slice %arg16[%dma_start3A_681, %dma_start3A_682] : memref<12288x16xf32, #tpu.memory_space<vmem_shared>> -> memref<12288x16xf32, #tpu.memory_space<vmem_shared>>
    tpu.enqueue_indirect_dma source(%arg13 : memref<400x16xf32, #tpu.memory_space<vmem>>) target(%dma_start3A_683 : memref<12288x16xf32, #tpu.memory_space<vmem_shared>>) offsets(%arg11 : memref<400xi32, #tpu.memory_space<vmem>>) semaphore(%arg22 : memref<!tpu.dma_semaphore, #tpu.memory_space<semaphore_mem>>) {add = true}
    %dma_wait3A_684 = tpu.memref_slice %arg3[%add3A_670] : memref<320000xi32, #tpu.memory_space<hbm>> -> memref<400xi32, #tpu.memory_space<hbm>>
    %dma_wait3A_685 = tpu.memref_slice %arg3[%add3A_670] : memref<320000xi32, #tpu.memory_space<hbm>> -> memref<400xi32, #tpu.memory_space<hbm>>
    tpu.wait_dma2 semaphore(%arg17 : memref<!tpu.dma_semaphore, #tpu.memory_space<semaphore_mem>>) src(%dma_wait3A_685 : memref<400xi32, #tpu.memory_space<hbm>>) dst(%arg7 : memref<400xi32, #tpu.memory_space<vmem>>)
    %dma_wait3A_686 = tpu.memref_slice %arg4[%add3A_670] : memref<320000xi32, #tpu.memory_space<hbm>> -> memref<400xi32, #tpu.memory_space<hbm>>
    %dma_wait3A_687 = tpu.memref_slice %arg4[%add3A_670] : memref<320000xi32, #tpu.memory_space<hbm>> -> memref<400xi32, #tpu.memory_space<hbm>>
    tpu.wait_dma2 semaphore(%arg17 : memref<!tpu.dma_semaphore, #tpu.memory_space<semaphore_mem>>) src(%dma_wait3A_687 : memref<400xi32, #tpu.memory_space<hbm>>) dst(%arg8 : memref<400xi32, #tpu.memory_space<vmem>>)
    %dma_start3A_688 = arith.constant 0 : i32
    %dma_start3A_689 = arith.constant 0 : i32
    %dma_start3A_690 = tpu.memref_slice %arg2[%dma_start3A_688, %dma_start3A_689] : memref<10000x16xf32, #tpu.memory_space<hbm>> -> memref<10000x16xf32, #tpu.memory_space<hbm>>
    tpu.enqueue_indirect_dma source(%dma_start3A_690 : memref<10000x16xf32, #tpu.memory_space<hbm>>) target(%arg9 : memref<400x16xf32, #tpu.memory_space<vmem>>) offsets(%arg7 : memref<400xi32, #tpu.memory_space<vmem>>) semaphore(%arg18 : memref<!tpu.dma_semaphore, #tpu.memory_space<semaphore_mem>>)
    %dma_wait3A_691 = arith.constant 0 : i32
    %dma_wait3A_692 = arith.constant 0 : i32
    %dma_wait3A_693 = tpu.memref_slice %arg15[%dma_wait3A_691, %dma_wait3A_692] : memref<12288x16xf32, #tpu.memory_space<vmem_shared>> -> memref<12288x16xf32, #tpu.memory_space<vmem_shared>>
    tpu.wait_indirect_dma semaphore(%arg22 : memref<!tpu.dma_semaphore, #tpu.memory_space<semaphore_mem>>) src(%arg12 : memref<400x16xf32, #tpu.memory_space<vmem>>) dst(%dma_wait3A_693 : memref<12288x16xf32, #tpu.memory_space<vmem_shared>>)
    %dma_wait3A_694 = arith.constant 0 : i32
    %dma_wait3A_695 = arith.constant 0 : i32
    %dma_wait3A_696 = tpu.memref_slice %arg16[%dma_wait3A_694, %dma_wait3A_695] : memref<12288x16xf32, #tpu.memory_space<vmem_shared>> -> memref<12288x16xf32, #tpu.memory_space<vmem_shared>>
    tpu.wait_indirect_dma semaphore(%arg22 : memref<!tpu.dma_semaphore, #tpu.memory_space<semaphore_mem>>) src(%arg13 : memref<400x16xf32, #tpu.memory_space<vmem>>) dst(%dma_wait3A_696 : memref<12288x16xf32, #tpu.memory_space<vmem_shared>>)
    %add3A_697 = arith.constant 9200 : i32
    %add3A_698 = arith.addi %mul3A_67, %add3A_697 : i32
    %dma_start3A_699 = tpu.memref_slice %arg3[%add3A_698] : memref<320000xi32, #tpu.memory_space<hbm>> -> memref<400xi32, #tpu.memory_space<hbm>>
    %dma_start3A_700 = tpu.memref_slice %arg3[%add3A_698] : memref<320000xi32, #tpu.memory_space<hbm>> -> memref<400xi32, #tpu.memory_space<hbm>>
    tpu.enqueue_dma source(%dma_start3A_700 : memref<400xi32, #tpu.memory_space<hbm>>) target(%arg10 : memref<400xi32, #tpu.memory_space<vmem>>) target_semaphore(%arg20 : memref<!tpu.dma_semaphore, #tpu.memory_space<semaphore_mem>>)
    %dma_start3A_701 = tpu.memref_slice %arg4[%add3A_698] : memref<320000xi32, #tpu.memory_space<hbm>> -> memref<400xi32, #tpu.memory_space<hbm>>
    %dma_start3A_702 = tpu.memref_slice %arg4[%add3A_698] : memref<320000xi32, #tpu.memory_space<hbm>> -> memref<400xi32, #tpu.memory_space<hbm>>
    tpu.enqueue_dma source(%dma_start3A_702 : memref<400xi32, #tpu.memory_space<hbm>>) target(%arg11 : memref<400xi32, #tpu.memory_space<vmem>>) target_semaphore(%arg20 : memref<!tpu.dma_semaphore, #tpu.memory_space<semaphore_mem>>)
    %dma_wait3A_703 = arith.constant 0 : i32
    %dma_wait3A_704 = arith.constant 0 : i32
    %dma_wait3A_705 = tpu.memref_slice %arg2[%dma_wait3A_703, %dma_wait3A_704] : memref<10000x16xf32, #tpu.memory_space<hbm>> -> memref<10000x16xf32, #tpu.memory_space<hbm>>
    tpu.wait_indirect_dma semaphore(%arg18 : memref<!tpu.dma_semaphore, #tpu.memory_space<semaphore_mem>>) src(%dma_wait3A_705 : memref<10000x16xf32, #tpu.memory_space<hbm>>) dst(%arg9 : memref<400x16xf32, #tpu.memory_space<vmem>>)
    %dma_start3A_706 = arith.constant 0 : i32
    %dma_start3A_707 = arith.constant 0 : i32
    %dma_start3A_708 = tpu.memref_slice %arg15[%dma_start3A_706, %dma_start3A_707] : memref<12288x16xf32, #tpu.memory_space<vmem_shared>> -> memref<12288x16xf32, #tpu.memory_space<vmem_shared>>
    tpu.enqueue_indirect_dma source(%arg9 : memref<400x16xf32, #tpu.memory_space<vmem>>) target(%dma_start3A_708 : memref<12288x16xf32, #tpu.memory_space<vmem_shared>>) offsets(%arg8 : memref<400xi32, #tpu.memory_space<vmem>>) semaphore(%arg19 : memref<!tpu.dma_semaphore, #tpu.memory_space<semaphore_mem>>) {add = true}
    %dma_start3A_709 = arith.constant 0 : i32
    %dma_start3A_710 = arith.constant 0 : i32
    %dma_start3A_711 = tpu.memref_slice %arg16[%dma_start3A_709, %dma_start3A_710] : memref<12288x16xf32, #tpu.memory_space<vmem_shared>> -> memref<12288x16xf32, #tpu.memory_space<vmem_shared>>
    tpu.enqueue_indirect_dma source(%arg13 : memref<400x16xf32, #tpu.memory_space<vmem>>) target(%dma_start3A_711 : memref<12288x16xf32, #tpu.memory_space<vmem_shared>>) offsets(%arg8 : memref<400xi32, #tpu.memory_space<vmem>>) semaphore(%arg19 : memref<!tpu.dma_semaphore, #tpu.memory_space<semaphore_mem>>) {add = true}
    %dma_wait3A_712 = tpu.memref_slice %arg3[%add3A_698] : memref<320000xi32, #tpu.memory_space<hbm>> -> memref<400xi32, #tpu.memory_space<hbm>>
    %dma_wait3A_713 = tpu.memref_slice %arg3[%add3A_698] : memref<320000xi32, #tpu.memory_space<hbm>> -> memref<400xi32, #tpu.memory_space<hbm>>
    tpu.wait_dma2 semaphore(%arg20 : memref<!tpu.dma_semaphore, #tpu.memory_space<semaphore_mem>>) src(%dma_wait3A_713 : memref<400xi32, #tpu.memory_space<hbm>>) dst(%arg10 : memref<400xi32, #tpu.memory_space<vmem>>)
    %dma_wait3A_714 = tpu.memref_slice %arg4[%add3A_698] : memref<320000xi32, #tpu.memory_space<hbm>> -> memref<400xi32, #tpu.memory_space<hbm>>
    %dma_wait3A_715 = tpu.memref_slice %arg4[%add3A_698] : memref<320000xi32, #tpu.memory_space<hbm>> -> memref<400xi32, #tpu.memory_space<hbm>>
    tpu.wait_dma2 semaphore(%arg20 : memref<!tpu.dma_semaphore, #tpu.memory_space<semaphore_mem>>) src(%dma_wait3A_715 : memref<400xi32, #tpu.memory_space<hbm>>) dst(%arg11 : memref<400xi32, #tpu.memory_space<vmem>>)
    %dma_start3A_716 = arith.constant 0 : i32
    %dma_start3A_717 = arith.constant 0 : i32
    %dma_start3A_718 = tpu.memref_slice %arg2[%dma_start3A_716, %dma_start3A_717] : memref<10000x16xf32, #tpu.memory_space<hbm>> -> memref<10000x16xf32, #tpu.memory_space<hbm>>
    tpu.enqueue_indirect_dma source(%dma_start3A_718 : memref<10000x16xf32, #tpu.memory_space<hbm>>) target(%arg12 : memref<400x16xf32, #tpu.memory_space<vmem>>) offsets(%arg10 : memref<400xi32, #tpu.memory_space<vmem>>) semaphore(%arg21 : memref<!tpu.dma_semaphore, #tpu.memory_space<semaphore_mem>>)
    %dma_wait3A_719 = arith.constant 0 : i32
    %dma_wait3A_720 = arith.constant 0 : i32
    %dma_wait3A_721 = tpu.memref_slice %arg15[%dma_wait3A_719, %dma_wait3A_720] : memref<12288x16xf32, #tpu.memory_space<vmem_shared>> -> memref<12288x16xf32, #tpu.memory_space<vmem_shared>>
    tpu.wait_indirect_dma semaphore(%arg19 : memref<!tpu.dma_semaphore, #tpu.memory_space<semaphore_mem>>) src(%arg9 : memref<400x16xf32, #tpu.memory_space<vmem>>) dst(%dma_wait3A_721 : memref<12288x16xf32, #tpu.memory_space<vmem_shared>>)
    %dma_wait3A_722 = arith.constant 0 : i32
    %dma_wait3A_723 = arith.constant 0 : i32
    %dma_wait3A_724 = tpu.memref_slice %arg16[%dma_wait3A_722, %dma_wait3A_723] : memref<12288x16xf32, #tpu.memory_space<vmem_shared>> -> memref<12288x16xf32, #tpu.memory_space<vmem_shared>>
    tpu.wait_indirect_dma semaphore(%arg19 : memref<!tpu.dma_semaphore, #tpu.memory_space<semaphore_mem>>) src(%arg13 : memref<400x16xf32, #tpu.memory_space<vmem>>) dst(%dma_wait3A_724 : memref<12288x16xf32, #tpu.memory_space<vmem_shared>>)
    %add3A_725 = arith.constant 9600 : i32
    %add3A_726 = arith.addi %mul3A_67, %add3A_725 : i32
    %dma_start3A_727 = tpu.memref_slice %arg3[%add3A_726] : memref<320000xi32, #tpu.memory_space<hbm>> -> memref<400xi32, #tpu.memory_space<hbm>>
    %dma_start3A_728 = tpu.memref_slice %arg3[%add3A_726] : memref<320000xi32, #tpu.memory_space<hbm>> -> memref<400xi32, #tpu.memory_space<hbm>>
    tpu.enqueue_dma source(%dma_start3A_728 : memref<400xi32, #tpu.memory_space<hbm>>) target(%arg7 : memref<400xi32, #tpu.memory_space<vmem>>) target_semaphore(%arg17 : memref<!tpu.dma_semaphore, #tpu.memory_space<semaphore_mem>>)
    %dma_start3A_729 = tpu.memref_slice %arg4[%add3A_726] : memref<320000xi32, #tpu.memory_space<hbm>> -> memref<400xi32, #tpu.memory_space<hbm>>
    %dma_start3A_730 = tpu.memref_slice %arg4[%add3A_726] : memref<320000xi32, #tpu.memory_space<hbm>> -> memref<400xi32, #tpu.memory_space<hbm>>
    tpu.enqueue_dma source(%dma_start3A_730 : memref<400xi32, #tpu.memory_space<hbm>>) target(%arg8 : memref<400xi32, #tpu.memory_space<vmem>>) target_semaphore(%arg17 : memref<!tpu.dma_semaphore, #tpu.memory_space<semaphore_mem>>)
    %dma_wait3A_731 = arith.constant 0 : i32
    %dma_wait3A_732 = arith.constant 0 : i32
    %dma_wait3A_733 = tpu.memref_slice %arg2[%dma_wait3A_731, %dma_wait3A_732] : memref<10000x16xf32, #tpu.memory_space<hbm>> -> memref<10000x16xf32, #tpu.memory_space<hbm>>
    tpu.wait_indirect_dma semaphore(%arg21 : memref<!tpu.dma_semaphore, #tpu.memory_space<semaphore_mem>>) src(%dma_wait3A_733 : memref<10000x16xf32, #tpu.memory_space<hbm>>) dst(%arg12 : memref<400x16xf32, #tpu.memory_space<vmem>>)
    %dma_start3A_734 = arith.constant 0 : i32
    %dma_start3A_735 = arith.constant 0 : i32
    %dma_start3A_736 = tpu.memref_slice %arg15[%dma_start3A_734, %dma_start3A_735] : memref<12288x16xf32, #tpu.memory_space<vmem_shared>> -> memref<12288x16xf32, #tpu.memory_space<vmem_shared>>
    tpu.enqueue_indirect_dma source(%arg12 : memref<400x16xf32, #tpu.memory_space<vmem>>) target(%dma_start3A_736 : memref<12288x16xf32, #tpu.memory_space<vmem_shared>>) offsets(%arg11 : memref<400xi32, #tpu.memory_space<vmem>>) semaphore(%arg22 : memref<!tpu.dma_semaphore, #tpu.memory_space<semaphore_mem>>) {add = true}
    %dma_start3A_737 = arith.constant 0 : i32
    %dma_start3A_738 = arith.constant 0 : i32
    %dma_start3A_739 = tpu.memref_slice %arg16[%dma_start3A_737, %dma_start3A_738] : memref<12288x16xf32, #tpu.memory_space<vmem_shared>> -> memref<12288x16xf32, #tpu.memory_space<vmem_shared>>
    tpu.enqueue_indirect_dma source(%arg13 : memref<400x16xf32, #tpu.memory_space<vmem>>) target(%dma_start3A_739 : memref<12288x16xf32, #tpu.memory_space<vmem_shared>>) offsets(%arg11 : memref<400xi32, #tpu.memory_space<vmem>>) semaphore(%arg22 : memref<!tpu.dma_semaphore, #tpu.memory_space<semaphore_mem>>) {add = true}
    %dma_wait3A_740 = tpu.memref_slice %arg3[%add3A_726] : memref<320000xi32, #tpu.memory_space<hbm>> -> memref<400xi32, #tpu.memory_space<hbm>>
    %dma_wait3A_741 = tpu.memref_slice %arg3[%add3A_726] : memref<320000xi32, #tpu.memory_space<hbm>> -> memref<400xi32, #tpu.memory_space<hbm>>
    tpu.wait_dma2 semaphore(%arg17 : memref<!tpu.dma_semaphore, #tpu.memory_space<semaphore_mem>>) src(%dma_wait3A_741 : memref<400xi32, #tpu.memory_space<hbm>>) dst(%arg7 : memref<400xi32, #tpu.memory_space<vmem>>)
    %dma_wait3A_742 = tpu.memref_slice %arg4[%add3A_726] : memref<320000xi32, #tpu.memory_space<hbm>> -> memref<400xi32, #tpu.memory_space<hbm>>
    %dma_wait3A_743 = tpu.memref_slice %arg4[%add3A_726] : memref<320000xi32, #tpu.memory_space<hbm>> -> memref<400xi32, #tpu.memory_space<hbm>>
    tpu.wait_dma2 semaphore(%arg17 : memref<!tpu.dma_semaphore, #tpu.memory_space<semaphore_mem>>) src(%dma_wait3A_743 : memref<400xi32, #tpu.memory_space<hbm>>) dst(%arg8 : memref<400xi32, #tpu.memory_space<vmem>>)
    %dma_start3A_744 = arith.constant 0 : i32
    %dma_start3A_745 = arith.constant 0 : i32
    %dma_start3A_746 = tpu.memref_slice %arg2[%dma_start3A_744, %dma_start3A_745] : memref<10000x16xf32, #tpu.memory_space<hbm>> -> memref<10000x16xf32, #tpu.memory_space<hbm>>
    tpu.enqueue_indirect_dma source(%dma_start3A_746 : memref<10000x16xf32, #tpu.memory_space<hbm>>) target(%arg9 : memref<400x16xf32, #tpu.memory_space<vmem>>) offsets(%arg7 : memref<400xi32, #tpu.memory_space<vmem>>) semaphore(%arg18 : memref<!tpu.dma_semaphore, #tpu.memory_space<semaphore_mem>>)
    %dma_wait3A_747 = arith.constant 0 : i32
    %dma_wait3A_748 = arith.constant 0 : i32
    %dma_wait3A_749 = tpu.memref_slice %arg15[%dma_wait3A_747, %dma_wait3A_748] : memref<12288x16xf32, #tpu.memory_space<vmem_shared>> -> memref<12288x16xf32, #tpu.memory_space<vmem_shared>>
    tpu.wait_indirect_dma semaphore(%arg22 : memref<!tpu.dma_semaphore, #tpu.memory_space<semaphore_mem>>) src(%arg12 : memref<400x16xf32, #tpu.memory_space<vmem>>) dst(%dma_wait3A_749 : memref<12288x16xf32, #tpu.memory_space<vmem_shared>>)
    %dma_wait3A_750 = arith.constant 0 : i32
    %dma_wait3A_751 = arith.constant 0 : i32
    %dma_wait3A_752 = tpu.memref_slice %arg16[%dma_wait3A_750, %dma_wait3A_751] : memref<12288x16xf32, #tpu.memory_space<vmem_shared>> -> memref<12288x16xf32, #tpu.memory_space<vmem_shared>>
    tpu.wait_indirect_dma semaphore(%arg22 : memref<!tpu.dma_semaphore, #tpu.memory_space<semaphore_mem>>) src(%arg13 : memref<400x16xf32, #tpu.memory_space<vmem>>) dst(%dma_wait3A_752 : memref<12288x16xf32, #tpu.memory_space<vmem_shared>>)
    %dma_wait3A_753 = arith.constant 0 : i32
    %dma_wait3A_754 = arith.constant 0 : i32
    %dma_wait3A_755 = tpu.memref_slice %arg2[%dma_wait3A_753, %dma_wait3A_754] : memref<10000x16xf32, #tpu.memory_space<hbm>> -> memref<10000x16xf32, #tpu.memory_space<hbm>>
    tpu.wait_indirect_dma semaphore(%arg18 : memref<!tpu.dma_semaphore, #tpu.memory_space<semaphore_mem>>) src(%dma_wait3A_755 : memref<10000x16xf32, #tpu.memory_space<hbm>>) dst(%arg9 : memref<400x16xf32, #tpu.memory_space<vmem>>)
    %dma_start3A_756 = arith.constant 0 : i32
    %dma_start3A_757 = arith.constant 0 : i32
    %dma_start3A_758 = tpu.memref_slice %arg15[%dma_start3A_756, %dma_start3A_757] : memref<12288x16xf32, #tpu.memory_space<vmem_shared>> -> memref<12288x16xf32, #tpu.memory_space<vmem_shared>>
    tpu.enqueue_indirect_dma source(%arg9 : memref<400x16xf32, #tpu.memory_space<vmem>>) target(%dma_start3A_758 : memref<12288x16xf32, #tpu.memory_space<vmem_shared>>) offsets(%arg8 : memref<400xi32, #tpu.memory_space<vmem>>) semaphore(%arg19 : memref<!tpu.dma_semaphore, #tpu.memory_space<semaphore_mem>>) {add = true}
    %dma_start3A_759 = arith.constant 0 : i32
    %dma_start3A_760 = arith.constant 0 : i32
    %dma_start3A_761 = tpu.memref_slice %arg16[%dma_start3A_759, %dma_start3A_760] : memref<12288x16xf32, #tpu.memory_space<vmem_shared>> -> memref<12288x16xf32, #tpu.memory_space<vmem_shared>>
    tpu.enqueue_indirect_dma source(%arg13 : memref<400x16xf32, #tpu.memory_space<vmem>>) target(%dma_start3A_761 : memref<12288x16xf32, #tpu.memory_space<vmem_shared>>) offsets(%arg8 : memref<400xi32, #tpu.memory_space<vmem>>) semaphore(%arg19 : memref<!tpu.dma_semaphore, #tpu.memory_space<semaphore_mem>>) {add = true}
    %dma_wait3A_762 = arith.constant 0 : i32
    %dma_wait3A_763 = arith.constant 0 : i32
    %dma_wait3A_764 = tpu.memref_slice %arg15[%dma_wait3A_762, %dma_wait3A_763] : memref<12288x16xf32, #tpu.memory_space<vmem_shared>> -> memref<12288x16xf32, #tpu.memory_space<vmem_shared>>
    tpu.wait_indirect_dma semaphore(%arg19 : memref<!tpu.dma_semaphore, #tpu.memory_space<semaphore_mem>>) src(%arg9 : memref<400x16xf32, #tpu.memory_space<vmem>>) dst(%dma_wait3A_764 : memref<12288x16xf32, #tpu.memory_space<vmem_shared>>)
    %dma_wait3A_765 = arith.constant 0 : i32
    %dma_wait3A_766 = arith.constant 0 : i32
    %dma_wait3A_767 = tpu.memref_slice %arg16[%dma_wait3A_765, %dma_wait3A_766] : memref<12288x16xf32, #tpu.memory_space<vmem_shared>> -> memref<12288x16xf32, #tpu.memory_space<vmem_shared>>
    tpu.wait_indirect_dma semaphore(%arg19 : memref<!tpu.dma_semaphore, #tpu.memory_space<semaphore_mem>>) src(%arg13 : memref<400x16xf32, #tpu.memory_space<vmem>>) dst(%dma_wait3A_767 : memref<12288x16xf32, #tpu.memory_space<vmem_shared>>)
    %barrier3A_768 = arith.constant 0 : index
    tpu.barrier barrier_id(%barrier3A_768)
    %mul3A_769 = arith.constant 12288 : i32
    %mul3A_770 = arith.muli %arg0, %mul3A_769 : i32
    %mul3A_771 = arith.constant 768 : i32
    %mul3A_772 = arith.muli %arg1, %mul3A_771 : i32
    %add3A_773 = arith.addi %mul3A_770, %mul3A_772 : i32
    %mul3A_774 = arith.constant 768 : i32
    %mul3A_775 = arith.muli %arg1, %mul3A_774 : i32
    "tpu.region"() ({
      %run_scoped3A = tpu.sem_alloc : memref<!tpu.dma_semaphore, #tpu.memory_space<semaphore_mem>>
      %dma_start3A_776 = arith.constant 0 : i32
      %dma_start3A_777 = tpu.memref_slice %arg5[%add3A_773, %dma_start3A_776] : memref<24576x16xf32, #tpu.memory_space<hbm>> -> memref<768x16xf32, #tpu.memory_space<hbm>>
      %dma_start3A_778 = arith.constant 0 : i32
      %dma_start3A_779 = tpu.memref_slice %arg15[%mul3A_775, %dma_start3A_778] : memref<12288x16xf32, #tpu.memory_space<vmem_shared>> -> memref<768x16xf32, #tpu.memory_space<vmem_shared>>
      tpu.enqueue_dma source(%dma_start3A_779 : memref<768x16xf32, #tpu.memory_space<vmem_shared>>) target(%dma_start3A_777 : memref<768x16xf32, #tpu.memory_space<hbm>>) target_semaphore(%run_scoped3A : memref<!tpu.dma_semaphore, #tpu.memory_space<semaphore_mem>>)
      %dma_wait3A_780 = arith.constant 0 : i32
      %dma_wait3A_781 = tpu.memref_slice %arg5[%add3A_773, %dma_wait3A_780] : memref<24576x16xf32, #tpu.memory_space<hbm>> -> memref<768x16xf32, #tpu.memory_space<hbm>>
      %dma_wait3A_782 = arith.constant 0 : i32
      %dma_wait3A_783 = tpu.memref_slice %arg15[%mul3A_775, %dma_wait3A_782] : memref<12288x16xf32, #tpu.memory_space<vmem_shared>> -> memref<768x16xf32, #tpu.memory_space<vmem_shared>>
      tpu.wait_dma2 semaphore(%run_scoped3A : memref<!tpu.dma_semaphore, #tpu.memory_space<semaphore_mem>>) src(%dma_wait3A_783 : memref<768x16xf32, #tpu.memory_space<vmem_shared>>) dst(%dma_wait3A_781 : memref<768x16xf32, #tpu.memory_space<hbm>>)
      tpu.yield
    }) : () -> ()
    "tpu.region"() ({
      %run_scoped3A = tpu.sem_alloc : memref<!tpu.dma_semaphore, #tpu.memory_space<semaphore_mem>>
      %dma_start3A_776 = arith.constant 0 : i32
      %dma_start3A_777 = tpu.memref_slice %arg6[%add3A_773, %dma_start3A_776] : memref<24576x16xf32, #tpu.memory_space<hbm>> -> memref<768x16xf32, #tpu.memory_space<hbm>>
      %dma_start3A_778 = arith.constant 0 : i32
      %dma_start3A_779 = tpu.memref_slice %arg16[%mul3A_775, %dma_start3A_778] : memref<12288x16xf32, #tpu.memory_space<vmem_shared>> -> memref<768x16xf32, #tpu.memory_space<vmem_shared>>
      tpu.enqueue_dma source(%dma_start3A_779 : memref<768x16xf32, #tpu.memory_space<vmem_shared>>) target(%dma_start3A_777 : memref<768x16xf32, #tpu.memory_space<hbm>>) target_semaphore(%run_scoped3A : memref<!tpu.dma_semaphore, #tpu.memory_space<semaphore_mem>>)
      %dma_wait3A_780 = arith.constant 0 : i32
      %dma_wait3A_781 = tpu.memref_slice %arg6[%add3A_773, %dma_wait3A_780] : memref<24576x16xf32, #tpu.memory_space<hbm>> -> memref<768x16xf32, #tpu.memory_space<hbm>>
      %dma_wait3A_782 = arith.constant 0 : i32
      %dma_wait3A_783 = tpu.memref_slice %arg16[%mul3A_775, %dma_wait3A_782] : memref<12288x16xf32, #tpu.memory_space<vmem_shared>> -> memref<768x16xf32, #tpu.memory_space<vmem_shared>>
      tpu.wait_dma2 semaphore(%run_scoped3A : memref<!tpu.dma_semaphore, #tpu.memory_space<semaphore_mem>>) src(%dma_wait3A_783 : memref<768x16xf32, #tpu.memory_space<vmem_shared>>) dst(%dma_wait3A_781 : memref<768x16xf32, #tpu.memory_space<hbm>>)
      tpu.yield
    }) : () -> ()
    return
  }
}

module attributes {stable_mosaic.version = 14 : i64} {
  func.func @_pre_body(%arg0: i32, %arg1: memref<2048x128xf32, #tpu.memory_space<vmem>>, %arg2: memref<2048x16xf32, #tpu.memory_space<vmem>>, %arg3: memref<272x128xf32, #tpu.memory_space<vmem>>, %arg4: memref<272x128xf32, #tpu.memory_space<vmem>>, %arg5: memref<128x16xf32, #tpu.memory_space<vmem>>, %arg6: memref<2048x16xf32, #tpu.memory_space<vmem>>, %arg7: memref<2048x16xf32, #tpu.memory_space<vmem>>, %arg8: memref<2048x16xf32, #tpu.memory_space<vmem>>) attributes {dimension_semantics = [#tpu.dimension_semantics<arbitrary>], iteration_bounds = array<i64: 5>, scalar_prefetch = 0 : i64, scratch_operands = 0 : i64, tpu.core_type = #tpu.core_type<tc>, window_params = [{transform_indices = @transform_0, window_bounds = array<i64: 2048, 128>}, {transform_indices = @transform_1, window_bounds = array<i64: 2048, 16>}, {pipeline_mode = #tpu.pipeline_mode<synchronous>, transform_indices = @transform_2, window_bounds = array<i64: 272, 128>}, {pipeline_mode = #tpu.pipeline_mode<synchronous>, transform_indices = @transform_3, window_bounds = array<i64: 272, 128>}, {pipeline_mode = #tpu.pipeline_mode<synchronous>, transform_indices = @transform_4, window_bounds = array<i64: 128, 16>}, {transform_indices = @transform_5, window_bounds = array<i64: 2048, 16>}, {transform_indices = @transform_6, window_bounds = array<i64: 2048, 16>}, {transform_indices = @transform_7, window_bounds = array<i64: 2048, 16>}]} {
    %get3A = arith.constant 0 : index
    %get3A_0 = arith.constant 0 : index
    %get3A_1 = vector.load %arg5[%get3A, %get3A_0] : memref<128x16xf32, #tpu.memory_space<vmem>>, vector<128x16xf32>
    %get3A_2 = arith.constant 144 : index
    %get3A_3 = arith.constant 0 : index
    %get3A_4 = vector.load %arg4[%get3A_2, %get3A_3] : memref<272x128xf32, #tpu.memory_space<vmem>>, vector<128x128xf32>
    %dot_general3A = arith.constant dense<0.000000e+00> : vector<128x16xf32>
    %dot_general3A_5 = tpu.matmul %get3A_4, %get3A_1, %dot_general3A {dimension_numbers = #tpu.dot_dimension_numbers<[1], [0], [0], [1], [0, 0, 1, 1], [], []>, transpose_lhs_hint = false} : vector<128x128xf32>, vector<128x16xf32>, vector<128x16xf32> -> vector<128x16xf32>
    %get3A_6 = arith.constant 0 : index
    %get3A_7 = arith.constant 0 : index
    %get3A_8 = vector.load %arg3[%get3A_6, %get3A_7] : memref<272x128xf32, #tpu.memory_space<vmem>>, vector<128x128xf32>
    %dot_general3A_9 = arith.constant dense<0.000000e+00> : vector<128x16xf32>
    %dot_general3A_10 = tpu.matmul %get3A_8, %dot_general3A_5, %dot_general3A_9 {dimension_numbers = #tpu.dot_dimension_numbers<[1], [0], [0], [1], [0, 0, 1, 1], [], []>, transpose_lhs_hint = false} : vector<128x128xf32>, vector<128x16xf32>, vector<128x16xf32> -> vector<128x16xf32>
    %get3A_11 = arith.constant 128 : index
    %get3A_12 = arith.constant 0 : index
    %get3A_13 = vector.load %arg3[%get3A_11, %get3A_12] : memref<272x128xf32, #tpu.memory_space<vmem>>, vector<128x128xf32>
    %dot_general3A_14 = arith.constant dense<0.000000e+00> : vector<128x16xf32>
    %dot_general3A_15 = tpu.matmul %get3A_13, %dot_general3A_5, %dot_general3A_14 {dimension_numbers = #tpu.dot_dimension_numbers<[1], [0], [0], [1], [0, 0, 1, 1], [], []>, transpose_lhs_hint = false} : vector<128x128xf32>, vector<128x16xf32>, vector<128x16xf32> -> vector<128x16xf32>
    %get3A_16 = arith.constant 0 : index
    %get3A_17 = arith.constant 0 : index
    %get3A_18 = vector.load %arg4[%get3A_16, %get3A_17] : memref<272x128xf32, #tpu.memory_space<vmem>>, vector<128x128xf32>
    %dot_general3A_19 = arith.constant dense<0.000000e+00> : vector<128x16xf32>
    %dot_general3A_20 = tpu.matmul %get3A_18, %get3A_1, %dot_general3A_19 {dimension_numbers = #tpu.dot_dimension_numbers<[1], [0], [0], [1], [0, 0, 1, 1], [], []>, transpose_lhs_hint = false} : vector<128x128xf32>, vector<128x16xf32>, vector<128x16xf32> -> vector<128x16xf32>
    %get3A_21 = arith.constant 128 : index
    %get3A_22 = arith.constant 0 : index
    %get3A_23 = vector.load %arg4[%get3A_21, %get3A_22] : memref<272x128xf32, #tpu.memory_space<vmem>>, vector<16x128xf32>
    %dot_general3A_24 = arith.constant dense<0.000000e+00> : vector<16x16xf32>
    %dot_general3A_25 = tpu.matmul %get3A_23, %get3A_1, %dot_general3A_24 {dimension_numbers = #tpu.dot_dimension_numbers<[1], [0], [0], [1], [0, 0, 1, 1], [], []>, transpose_lhs_hint = false} : vector<16x128xf32>, vector<128x16xf32>, vector<16x16xf32> -> vector<16x16xf32>
    %get3A_26 = arith.constant 0 : index
    %get3A_27 = arith.constant 0 : index
    %get3A_28 = vector.load %arg1[%get3A_26, %get3A_27] : memref<2048x128xf32, #tpu.memory_space<vmem>>, vector<2048x128xf32>
    %dot_general3A_29 = arith.constant dense<0.000000e+00> : vector<2048x16xf32>
    %dot_general3A_30 = tpu.matmul %get3A_28, %dot_general3A_10, %dot_general3A_29 {dimension_numbers = #tpu.dot_dimension_numbers<[1], [0], [0], [1], [0, 0, 1, 1], [], []>, transpose_lhs_hint = false} : vector<2048x128xf32>, vector<128x16xf32>, vector<2048x16xf32> -> vector<2048x16xf32>
    %swap3A = arith.constant 0 : index
    %swap3A_31 = arith.constant 0 : index
    %swap3A_32 = vector.load %arg6[%swap3A, %swap3A_31] : memref<2048x16xf32, #tpu.memory_space<vmem>>, vector<2048x16xf32>
    tpu.vector_store %arg6[%swap3A, %swap3A_31], %dot_general3A_30 {strides = array<i32>} : memref<2048x16xf32, #tpu.memory_space<vmem>>, vector<2048x16xf32>,
    %dot_general3A_33 = arith.constant dense<0.000000e+00> : vector<2048x16xf32>
    %dot_general3A_34 = tpu.matmul %get3A_28, %dot_general3A_15, %dot_general3A_33 {dimension_numbers = #tpu.dot_dimension_numbers<[1], [0], [0], [1], [0, 0, 1, 1], [], []>, transpose_lhs_hint = false} : vector<2048x128xf32>, vector<128x16xf32>, vector<2048x16xf32> -> vector<2048x16xf32>
    %swap3A_35 = arith.constant 0 : index
    %swap3A_36 = arith.constant 0 : index
    %swap3A_37 = vector.load %arg7[%swap3A_35, %swap3A_36] : memref<2048x16xf32, #tpu.memory_space<vmem>>, vector<2048x16xf32>
    tpu.vector_store %arg7[%swap3A_35, %swap3A_36], %dot_general3A_34 {strides = array<i32>} : memref<2048x16xf32, #tpu.memory_space<vmem>>, vector<2048x16xf32>,
    %dot_general3A_38 = arith.constant dense<0.000000e+00> : vector<2048x16xf32>
    %dot_general3A_39 = tpu.matmul %get3A_28, %dot_general3A_20, %dot_general3A_38 {dimension_numbers = #tpu.dot_dimension_numbers<[1], [0], [0], [1], [0, 0, 1, 1], [], []>, transpose_lhs_hint = false} : vector<2048x128xf32>, vector<128x16xf32>, vector<2048x16xf32> -> vector<2048x16xf32>
    %get3A_40 = arith.constant 0 : index
    %get3A_41 = arith.constant 0 : index
    %get3A_42 = vector.load %arg2[%get3A_40, %get3A_41] : memref<2048x16xf32, #tpu.memory_space<vmem>>, vector<2048x16xf32>
    %dot_general3A_43 = arith.constant dense<0.000000e+00> : vector<2048x16xf32>
    %dot_general3A_44 = tpu.matmul %get3A_42, %dot_general3A_25, %dot_general3A_43 {dimension_numbers = #tpu.dot_dimension_numbers<[1], [0], [0], [1], [0, 0, 1, 1], [], []>, transpose_lhs_hint = false} : vector<2048x16xf32>, vector<16x16xf32>, vector<2048x16xf32> -> vector<2048x16xf32>
    %add3A = arith.addf %dot_general3A_39, %dot_general3A_44 : vector<2048x16xf32>
    %swap3A_45 = arith.constant 0 : index
    %swap3A_46 = arith.constant 0 : index
    %swap3A_47 = vector.load %arg8[%swap3A_45, %swap3A_46] : memref<2048x16xf32, #tpu.memory_space<vmem>>, vector<2048x16xf32>
    tpu.vector_store %arg8[%swap3A_45, %swap3A_46], %add3A {strides = array<i32>} : memref<2048x16xf32, #tpu.memory_space<vmem>>, vector<2048x16xf32>,
    return
  }
  func.func @transform_0(%arg0: i32) -> (i32, i32) {
    %c0_i32 = arith.constant 0 : i32
    %c0_i32_0 = arith.constant 0 : i32
    return %arg0, %c0_i32 : i32, i32
  }
  func.func @transform_1(%arg0: i32) -> (i32, i32) {
    %c0_i32 = arith.constant 0 : i32
    %c0_i32_0 = arith.constant 0 : i32
    return %arg0, %c0_i32 : i32, i32
  }
  func.func @transform_2(%arg0: i32) -> (i32, i32) {
    %c0_i32 = arith.constant 0 : i32
    %c0_i32_0 = arith.constant 0 : i32
    %c0_i32_1 = arith.constant 0 : i32
    return %c0_i32, %c0_i32_0 : i32, i32
  }
  func.func @transform_3(%arg0: i32) -> (i32, i32) {
    %c0_i32 = arith.constant 0 : i32
    %c0_i32_0 = arith.constant 0 : i32
    %c0_i32_1 = arith.constant 0 : i32
    return %c0_i32, %c0_i32_0 : i32, i32
  }
  func.func @transform_4(%arg0: i32) -> (i32, i32) {
    %c0_i32 = arith.constant 0 : i32
    %c0_i32_0 = arith.constant 0 : i32
    %c0_i32_1 = arith.constant 0 : i32
    return %c0_i32, %c0_i32_0 : i32, i32
  }
  func.func @transform_5(%arg0: i32) -> (i32, i32) {
    %c0_i32 = arith.constant 0 : i32
    %c0_i32_0 = arith.constant 0 : i32
    return %arg0, %c0_i32 : i32, i32
  }
  func.func @transform_6(%arg0: i32) -> (i32, i32) {
    %c0_i32 = arith.constant 0 : i32
    %c0_i32_0 = arith.constant 0 : i32
    return %arg0, %c0_i32 : i32, i32
  }
  func.func @transform_7(%arg0: i32) -> (i32, i32) {
    %c0_i32 = arith.constant 0 : i32
    %c0_i32_0 = arith.constant 0 : i32
    return %arg0, %c0_i32 : i32, i32
  }
}

module attributes {stable_mosaic.version = 14 : i64} {
  func.func @_post_body(%arg0: i32, %arg1: memref<2048x16xf32, #tpu.memory_space<vmem>>, %arg2: memref<2048x16xf32, #tpu.memory_space<vmem>>, %arg3: memref<2048x16xf32, #tpu.memory_space<vmem>>, %arg4: memref<2048x16xf32, #tpu.memory_space<vmem>>, %arg5: memref<2048x16xf32, #tpu.memory_space<vmem>>, %arg6: memref<2048x16xf32, #tpu.memory_space<vmem>>, %arg7: memref<2048x16xf32, #tpu.memory_space<vmem>>, %arg8: memref<2048x16xf32, #tpu.memory_space<vmem>>, %arg9: memref<272x128xf32, #tpu.memory_space<vmem>>, %arg10: memref<272x128xf32, #tpu.memory_space<vmem>>, %arg11: memref<128x16xf32, #tpu.memory_space<vmem>>, %arg12: memref<1x128xf32, #tpu.memory_space<vmem>>, %arg13: memref<1x128xf32, #tpu.memory_space<vmem>>, %arg14: memref<1x16xf32, #tpu.memory_space<vmem>>, %arg15: memref<2048x16xf32, #tpu.memory_space<vmem>>) attributes {dimension_semantics = [#tpu.dimension_semantics<arbitrary>], iteration_bounds = array<i64: 5>, scalar_prefetch = 0 : i64, scratch_operands = 0 : i64, tpu.core_type = #tpu.core_type<tc>, window_params = [{transform_indices = @transform_0, window_bounds = array<i64: 2048, 16>}, {transform_indices = @transform_1, window_bounds = array<i64: 2048, 16>}, {transform_indices = @transform_2, window_bounds = array<i64: 2048, 16>}, {transform_indices = @transform_3, window_bounds = array<i64: 2048, 16>}, {transform_indices = @transform_4, window_bounds = array<i64: 2048, 16>}, {transform_indices = @transform_5, window_bounds = array<i64: 2048, 16>}, {transform_indices = @transform_6, window_bounds = array<i64: 2048, 16>}, {transform_indices = @transform_7, window_bounds = array<i64: 2048, 16>}, {pipeline_mode = #tpu.pipeline_mode<synchronous>, transform_indices = @transform_8, window_bounds = array<i64: 272, 128>}, {pipeline_mode = #tpu.pipeline_mode<synchronous>, transform_indices = @transform_9, window_bounds = array<i64: 272, 128>}, {pipeline_mode = #tpu.pipeline_mode<synchronous>, transform_indices = @transform_10, window_bounds = array<i64: 128, 16>}, {pipeline_mode = #tpu.pipeline_mode<synchronous>, transform_indices = @transform_11, window_bounds = array<i64: 1, 128>}, {pipeline_mode = #tpu.pipeline_mode<synchronous>, transform_indices = @transform_12, window_bounds = array<i64: 1, 128>}, {pipeline_mode = #tpu.pipeline_mode<synchronous>, transform_indices = @transform_13, window_bounds = array<i64: 1, 16>}, {transform_indices = @transform_14, window_bounds = array<i64: 2048, 16>}]} {
    %get3A = arith.constant 0 : index
    %get3A_0 = arith.constant 0 : index
    %get3A_1 = vector.load %arg11[%get3A, %get3A_0] : memref<128x16xf32, #tpu.memory_space<vmem>>, vector<128x16xf32>
    %get3A_2 = arith.constant 144 : index
    %get3A_3 = arith.constant 0 : index
    %get3A_4 = vector.load %arg10[%get3A_2, %get3A_3] : memref<272x128xf32, #tpu.memory_space<vmem>>, vector<128x128xf32>
    %dot_general3A = arith.constant dense<0.000000e+00> : vector<128x16xf32>
    %dot_general3A_5 = tpu.matmul %get3A_4, %get3A_1, %dot_general3A {dimension_numbers = #tpu.dot_dimension_numbers<[1], [0], [0], [1], [0, 0, 1, 1], [], []>, transpose_lhs_hint = false} : vector<128x128xf32>, vector<128x16xf32>, vector<128x16xf32> -> vector<128x16xf32>
    %get3A_6 = arith.constant 256 : index
    %get3A_7 = arith.constant 0 : index
    %get3A_8 = vector.load %arg9[%get3A_6, %get3A_7] : memref<272x128xf32, #tpu.memory_space<vmem>>, vector<16x128xf32>
    %dot_general3A_9 = arith.constant dense<0.000000e+00> : vector<16x16xf32>
    %dot_general3A_10 = tpu.matmul %get3A_8, %dot_general3A_5, %dot_general3A_9 {dimension_numbers = #tpu.dot_dimension_numbers<[1], [0], [0], [1], [0, 0, 1, 1], [], []>, transpose_lhs_hint = false} : vector<16x128xf32>, vector<128x16xf32>, vector<16x16xf32> -> vector<16x16xf32>
    %get3A_11 = arith.constant 0 : index
    %get3A_12 = arith.constant 0 : index
    %get3A_13 = vector.load %arg12[%get3A_11, %get3A_12] : memref<1x128xf32, #tpu.memory_space<vmem>>, vector<1x128xf32>
    %dot_general3A_14 = arith.constant dense<0.000000e+00> : vector<1x16xf32>
    %dot_general3A_15 = tpu.matmul %get3A_13, %dot_general3A_5, %dot_general3A_14 {dimension_numbers = #tpu.dot_dimension_numbers<[1], [0], [0], [1], [0, 0, 1, 1], [], []>, transpose_lhs_hint = false} : vector<1x128xf32>, vector<128x16xf32>, vector<1x16xf32> -> vector<1x16xf32>
    %get3A_16 = arith.constant 0 : index
    %get3A_17 = arith.constant 0 : index
    %get3A_18 = vector.load %arg13[%get3A_16, %get3A_17] : memref<1x128xf32, #tpu.memory_space<vmem>>, vector<1x128xf32>
    %dot_general3A_19 = arith.constant dense<0.000000e+00> : vector<1x16xf32>
    %dot_general3A_20 = tpu.matmul %get3A_18, %get3A_1, %dot_general3A_19 {dimension_numbers = #tpu.dot_dimension_numbers<[1], [0], [0], [1], [0, 0, 1, 1], [], []>, transpose_lhs_hint = false} : vector<1x128xf32>, vector<128x16xf32>, vector<1x16xf32> -> vector<1x16xf32>
    %get3A_21 = arith.constant 0 : index
    %get3A_22 = arith.constant 0 : index
    %get3A_23 = vector.load %arg14[%get3A_21, %get3A_22] : memref<1x16xf32, #tpu.memory_space<vmem>>, vector<1x16xf32>
    %add3A = arith.addf %dot_general3A_20, %get3A_23 : vector<1x16xf32>
    %get3A_24 = arith.constant 0 : index
    %get3A_25 = arith.constant 0 : index
    %get3A_26 = vector.load %arg1[%get3A_24, %get3A_25] : memref<2048x16xf32, #tpu.memory_space<vmem>>, vector<2048x16xf32>
    %get3A_27 = arith.constant 0 : index
    %get3A_28 = arith.constant 0 : index
    %get3A_29 = vector.load %arg2[%get3A_27, %get3A_28] : memref<2048x16xf32, #tpu.memory_space<vmem>>, vector<2048x16xf32>
    %add3A_30 = arith.addf %get3A_26, %get3A_29 : vector<2048x16xf32>
    %get3A_31 = arith.constant 0 : index
    %get3A_32 = arith.constant 0 : index
    %get3A_33 = vector.load %arg3[%get3A_31, %get3A_32] : memref<2048x16xf32, #tpu.memory_space<vmem>>, vector<2048x16xf32>
    %get3A_34 = arith.constant 0 : index
    %get3A_35 = arith.constant 0 : index
    %get3A_36 = vector.load %arg4[%get3A_34, %get3A_35] : memref<2048x16xf32, #tpu.memory_space<vmem>>, vector<2048x16xf32>
    %add3A_37 = arith.addf %get3A_33, %get3A_36 : vector<2048x16xf32>
    %get3A_38 = arith.constant 0 : index
    %get3A_39 = arith.constant 0 : index
    %get3A_40 = vector.load %arg5[%get3A_38, %get3A_39] : memref<2048x16xf32, #tpu.memory_space<vmem>>, vector<2048x16xf32>
    %get3A_41 = arith.constant 0 : index
    %get3A_42 = arith.constant 0 : index
    %get3A_43 = vector.load %arg6[%get3A_41, %get3A_42] : memref<2048x16xf32, #tpu.memory_space<vmem>>, vector<2048x16xf32>
    %add3A_44 = arith.addf %get3A_40, %get3A_43 : vector<2048x16xf32>
    %get3A_45 = arith.constant 0 : index
    %get3A_46 = arith.constant 0 : index
    %get3A_47 = vector.load %arg8[%get3A_45, %get3A_46] : memref<2048x16xf32, #tpu.memory_space<vmem>>, vector<2048x16xf32>
    %add3A_48 = arith.addf %get3A_47, %add3A_30 : vector<2048x16xf32>
    %get3A_49 = arith.constant 0 : index
    %get3A_50 = arith.constant 0 : index
    %get3A_51 = vector.load %arg7[%get3A_49, %get3A_50] : memref<2048x16xf32, #tpu.memory_space<vmem>>, vector<2048x16xf32>
    %add3A_52 = vector.broadcast %dot_general3A_15 : vector<1x16xf32> to vector<2048x16xf32>
    %add3A_53 = arith.addf %get3A_51, %add3A_52 : vector<2048x16xf32>
    %mul3A = arith.mulf %add3A_44, %add3A_53 : vector<2048x16xf32>
    %add3A_54 = arith.addf %add3A_48, %mul3A : vector<2048x16xf32>
    %dot_general3A_55 = arith.constant dense<0.000000e+00> : vector<2048x16xf32>
    %dot_general3A_56 = tpu.matmul %add3A_37, %dot_general3A_10, %dot_general3A_55 {dimension_numbers = #tpu.dot_dimension_numbers<[1], [0], [0], [1], [0, 0, 1, 1], [], []>, transpose_lhs_hint = false} : vector<2048x16xf32>, vector<16x16xf32>, vector<2048x16xf32> -> vector<2048x16xf32>
    %add3A_57 = arith.addf %add3A_54, %dot_general3A_56 : vector<2048x16xf32>
    %add3A_58 = vector.broadcast %add3A : vector<1x16xf32> to vector<2048x16xf32>
    %add3A_59 = arith.addf %add3A_57, %add3A_58 : vector<2048x16xf32>
    %reduce_max3A = arith.constant dense<0xFF800000> : vector<2048xf32>
    %reduce_max3A_60 = vector.multi_reduction <maximumf>, %add3A_59, %reduce_max3A [1] : vector<2048x16xf32> to vector<2048xf32>
    %broadcast_in_dim3A = vector.shape_cast %reduce_max3A_60 : vector<2048xf32> to vector<2048x1xf32>
    %sub3A = vector.broadcast %broadcast_in_dim3A : vector<2048x1xf32> to vector<2048x16xf32>
    %sub3A_61 = arith.subf %add3A_59, %sub3A : vector<2048x16xf32>
    %exp3A = math.exp %sub3A_61 : vector<2048x16xf32>
    %reduce_sum3A = arith.constant dense<0.000000e+00> : vector<2048xf32>
    %reduce_sum3A_62 = vector.multi_reduction <add>, %exp3A, %reduce_sum3A [1] : vector<2048x16xf32> to vector<2048xf32>
    %broadcast_in_dim3A_63 = vector.shape_cast %reduce_sum3A_62 : vector<2048xf32> to vector<2048x1xf32>
    %div3A = vector.broadcast %broadcast_in_dim3A_63 : vector<2048x1xf32> to vector<2048x16xf32>
    %div3A_64 = arith.divf %exp3A, %div3A : vector<2048x16xf32>
    %swap3A = arith.constant 0 : index
    %swap3A_65 = arith.constant 0 : index
    %swap3A_66 = vector.load %arg15[%swap3A, %swap3A_65] : memref<2048x16xf32, #tpu.memory_space<vmem>>, vector<2048x16xf32>
    tpu.vector_store %arg15[%swap3A, %swap3A_65], %div3A_64 {strides = array<i32>} : memref<2048x16xf32, #tpu.memory_space<vmem>>, vector<2048x16xf32>,
    return
  }
  func.func @transform_0(%arg0: i32) -> (i32, i32) {
    %c0_i32 = arith.constant 0 : i32
    %c0_i32_0 = arith.constant 0 : i32
    return %arg0, %c0_i32 : i32, i32
  }
  func.func @transform_1(%arg0: i32) -> (i32, i32) {
    %add3A = arith.constant 6 : i32
    %add3A_0 = arith.addi %arg0, %add3A : i32
    %c0_i32 = arith.constant 0 : i32
    %c0_i32_1 = arith.constant 0 : i32
    return %add3A_0, %c0_i32 : i32, i32
  }
  func.func @transform_2(%arg0: i32) -> (i32, i32) {
    %c0_i32 = arith.constant 0 : i32
    %c0_i32_0 = arith.constant 0 : i32
    return %arg0, %c0_i32 : i32, i32
  }
  func.func @transform_3(%arg0: i32) -> (i32, i32) {
    %add3A = arith.constant 6 : i32
    %add3A_0 = arith.addi %arg0, %add3A : i32
    %c0_i32 = arith.constant 0 : i32
    %c0_i32_1 = arith.constant 0 : i32
    return %add3A_0, %c0_i32 : i32, i32
  }
  func.func @transform_4(%arg0: i32) -> (i32, i32) {
    %c0_i32 = arith.constant 0 : i32
    %c0_i32_0 = arith.constant 0 : i32
    return %arg0, %c0_i32 : i32, i32
  }
  func.func @transform_5(%arg0: i32) -> (i32, i32) {
    %add3A = arith.constant 6 : i32
    %add3A_0 = arith.addi %arg0, %add3A : i32
    %c0_i32 = arith.constant 0 : i32
    %c0_i32_1 = arith.constant 0 : i32
    return %add3A_0, %c0_i32 : i32, i32
  }
  func.func @transform_6(%arg0: i32) -> (i32, i32) {
    %c0_i32 = arith.constant 0 : i32
    %c0_i32_0 = arith.constant 0 : i32
    return %arg0, %c0_i32 : i32, i32
  }
  func.func @transform_7(%arg0: i32) -> (i32, i32) {
    %c0_i32 = arith.constant 0 : i32
    %c0_i32_0 = arith.constant 0 : i32
    return %arg0, %c0_i32 : i32, i32
  }
  func.func @transform_8(%arg0: i32) -> (i32, i32) {
    %c0_i32 = arith.constant 0 : i32
    %c0_i32_0 = arith.constant 0 : i32
    %c0_i32_1 = arith.constant 0 : i32
    return %c0_i32, %c0_i32_0 : i32, i32
  }
  func.func @transform_9(%arg0: i32) -> (i32, i32) {
    %c0_i32 = arith.constant 0 : i32
    %c0_i32_0 = arith.constant 0 : i32
    %c0_i32_1 = arith.constant 0 : i32
    return %c0_i32, %c0_i32_0 : i32, i32
  }
  func.func @transform_10(%arg0: i32) -> (i32, i32) {
    %c0_i32 = arith.constant 0 : i32
    %c0_i32_0 = arith.constant 0 : i32
    %c0_i32_1 = arith.constant 0 : i32
    return %c0_i32, %c0_i32_0 : i32, i32
  }
  func.func @transform_11(%arg0: i32) -> (i32, i32) {
    %c0_i32 = arith.constant 0 : i32
    %c0_i32_0 = arith.constant 0 : i32
    %c0_i32_1 = arith.constant 0 : i32
    return %c0_i32, %c0_i32_0 : i32, i32
  }
  func.func @transform_12(%arg0: i32) -> (i32, i32) {
    %c0_i32 = arith.constant 0 : i32
    %c0_i32_0 = arith.constant 0 : i32
    %c0_i32_1 = arith.constant 0 : i32
    return %c0_i32, %c0_i32_0 : i32, i32
  }
  func.func @transform_13(%arg0: i32) -> (i32, i32) {
    %c0_i32 = arith.constant 0 : i32
    %c0_i32_0 = arith.constant 0 : i32
    %c0_i32_1 = arith.constant 0 : i32
    return %c0_i32, %c0_i32_0 : i32, i32
  }
  func.func @transform_14(%arg0: i32) -> (i32, i32) {
    %c0_i32 = arith.constant 0 : i32
    %c0_i32_0 = arith.constant 0 : i32
    return %arg0, %c0_i32 : i32, i32
  }
}

</mosaic_0001>

<sc_bundles>
// kernel: kernel.6.cloned.1.call-start
scs
__scs_entry_jumppad:
0x0: {  	(pc) =	sbr.rel $0x88, $3  }
0x1: {  	(tag) =	ssettag $0x0;
	lr =	simm.s32 $0x1  }
0x2: {  	[smem:$0x3F97] =	sst lr;
	_ =	strace $0xD0000000  }
0x3: {  	_ = 	snop  }
0x4: {  	_ = 	snop  }
0x5: {  	_ = 	snop  }
0x6: {  	_ = 	snop  }
0x7: {  	_ = 	snop  }
__scs_overlays_trampoline_lowered:
0x8: {  	[smem:$0x3FA6] =	sst s0  }
0x9: {  	[smem:$0x3FA7] =	sst s1  }
0xa: {  	[smem:$0x3FA8] =	sst s2  }
0xb: {  	[smem:$0x3FA9] =	sst s3  }
0xc: {  	[smem:$0x3FAA] =	sst s4  }
0xd: {  	[smem:$0x3FAB] =	sst s5  }
0xe: {  	[smem:$0x3FAC] =	sst s6  }
0xf: {  	[smem:$0x3FAD] =	sst s7  }
0x10: {  	[smem:$0x3FAE] =	sst s8  }
0x11: {  	[smem:$0x3FAF] =	sst s9;
	s0 =	simm.s32 @!p0 $0x0  }
0x12: {  	s1 =	sld [smem:$0x3F95];
	s0 =	simm.s32 @p0 $0x1  }
0x13: {  	[smem:$0x3FB0] =	sst s0;
	s0 =	simm.s32 @!p1 $0x0  }
0x14: {  	s2 =	sld [smem:$0x3F94];
	s0 =	simm.s32 @p1 $0x1  }
0x15: {  	[smem:$0x3FB1] =	sst s0;
	s0 =	simm.s32 @!p2 $0x0  }
0x16: {  	s3 =	sld [smem:$0x3FDB];
	s0 =	simm.s32 @p2 $0x1  }
0x17: {  	s4 =	simm.s32 $0x1BF5;
	[smem:$0x3FB3] =	sst s0  }
0x18: {  	s0 =	sld [smem:$0x3F96];
	_ =	swait.ge [sflag:s4], $0x0  }
0x19: {  	s7 =	sld [smem:$0x3F97]  }
0x1a: {  	s8 =	sadd.s32 $0xFFFFE003, lr  }
0x1b: {  	s9 =	sadd.s32 $0xFFFFFEF7, lr;
	s5 =	simm.s32 $0xFFFFFFFF;
	p2 =	slt.u32 s8, $0xFFFFF086  }
0x1c: {  	p1 =	slt.u32 s9, $0xF7A;
	s5 =	simm.s32 @!p2 $0x0  }
0x1d: {  	s5 =	simm.s32 @p1 $0x1;
	p0 =	seq.s32 s7, s2  }
0x1e: {  	s7 =	smul.u32 @!p0 $0xF7A, s2;
	p2 =	seq.s32 @!p0 s5, $0x0  }
0x1f: {  	s9 =	smul.u32 $0xF7A, s1;
	s8 =	simm.s32 @!p0 $0x1BF5;
	p2 =	por !p2, p0  }
0x20: {  	[sflag:s8] =	ssyncset.s32 @!p0 $0xFFFFF086;
	s6 =	sadd.s32 @!p0 s3, s7;
	s7 =	simm.s32 @!p0 $0x108  }
0x21: {  	s3 =	sadd.s32 s3, s9;
	s6 =	sadd.s32 @!p0 $0x88, s6;
	s7 =	simm.s32 @p2 $0x1082  }
0x22: {  	[simem:s7], [sflag:s8] =	dma.local @!p0 [hbm:s6], $0xF7A  }
0x23: {  	s9 =	sor.u32 $0xD0000000, s2;
	s6 =	simm.s32 $0x108;
	_ =	swait.ge @!p0 [sflag:s8], $0x0  }
0x24: {  	s3 =	sadd.s32 $0x88, s3;
	s6 =	simm.s32 @!p1 $0x1082;
	[sflag:s4] =	ssyncset.s32 $0xFFFFF086  }
0x25: {  	[simem:s6], [sflag:s4] =	dma.local [hbm:s3], $0xF7A  }
0x26: {  	[smem:$0x3F97] =	sst s1;
	(tag) =	ssettag s2;
	_ =	strace s9  }
0x27: {  	s1 =	sld [smem:$0x3FA7]  }
0x28: {  	s2 =	sld [smem:$0x3FA8]  }
0x29: {  	s4 =	sld [smem:$0x3FAA]  }
0x2a: {  	p0 =	seq.s32 s5, $0x0;
	s5 =	sld [smem:$0x3FAB]  }
0x2b: {  	s6 =	sld [smem:$0x3FAC]  }
0x2c: {  	s7 =	sld [smem:$0x3FAD]  }
0x2d: {  	s3 =	simm.s32 $0x108;
	s8 =	sld [smem:$0x3FAE]  }
0x2e: {  	s3 =	simm.s32 @!p0 $0x1082;
	s9 =	sld [smem:$0x3FAF]  }
0x2f: {  	lr =	sadd.s32 s0, s3;
	s0 =	sld [smem:$0x3FA6]  }
0x30: {  	s3 =	sld [smem:$0x3FA9]  }
0x31: {  	[smem:$0x3FB2] =	sst s10  }
0x32: {  	s10 =	sld [smem:$0x3FB0];
	_ =	sdelay $0x3  }
0x33: {  	p0 =	seq.s32 s10, $0x1;
	s10 =	sld [smem:$0x3FB2];
	_ =	sdelay $0x3  }
0x34: {  	[smem:$0x3FB2] =	sst s10  }
0x35: {  	s10 =	sld [smem:$0x3FB1];
	_ =	sdelay $0x3  }
0x36: {  	p1 =	seq.s32 s10, $0x1;
	s10 =	sld [smem:$0x3FB2];
	_ =	sdelay $0x3  }
0x37: {  	[smem:$0x3FB2] =	sst s10  }
0x38: {  	s10 =	sld [smem:$0x3FB3]  }
0x39: {  	_ = 	snop;
	(pc) =	sbr.ind lr, $3  }
0x3a: {  	_ = 	snop  }
0x3b: {  	_ = 	snop  }
0x3c: {  	p2 =	seq.s32 s10, $0x1;
	s10 =	sld [smem:$0x3FB2]  }
0x3d: {  	_ =	shalt  }
0x3e: {  	_ =	shalt  }
0x3f: {  	_ =	shalt  }
0x40: {  	_ =	shalt  }
0x41: {  	_ =	shalt  }
0x42: {  	_ =	shalt  }
0x43: {  	_ =	shalt  }
0x44: {  	_ =	shalt  }
0x45: {  	_ =	shalt  }
0x46: {  	_ =	shalt  }
0x47: {  	_ =	shalt  }
0x48: {  	_ =	shalt  }
0x49: {  	_ =	shalt  }
0x4a: {  	_ =	shalt  }
0x4b: {  	_ =	shalt  }
0x4c: {  	_ =	shalt  }
0x4d: {  	_ =	shalt  }
0x4e: {  	_ =	shalt  }
0x4f: {  	_ =	shalt  }
0x50: {  	_ =	shalt  }
0x51: {  	_ =	shalt  }
0x52: {  	_ =	shalt  }
0x53: {  	_ =	shalt  }
0x54: {  	_ =	shalt  }
0x55: {  	_ =	shalt  }
0x56: {  	_ =	shalt  }
0x57: {  	_ =	shalt  }
0x58: {  	_ =	shalt  }
0x59: {  	_ =	shalt  }
0x5a: {  	_ =	shalt  }
0x5b: {  	_ =	shalt  }
0x5c: {  	_ =	shalt  }
0x5d: {  	_ =	shalt  }
0x5e: {  	_ =	shalt  }
0x5f: {  	_ =	shalt  }
0x60: {  	_ =	shalt  }
0x61: {  	_ =	shalt  }
0x62: {  	_ =	shalt  }
0x63: {  	_ =	shalt  }
0x64: {  	_ =	shalt  }
0x65: {  	_ =	shalt  }
0x66: {  	_ =	shalt  }
0x67: {  	_ =	shalt  }
0x68: {  	_ =	shalt  }
0x69: {  	_ =	shalt  }
0x6a: {  	_ =	shalt  }
0x6b: {  	_ =	shalt  }
0x6c: {  	_ =	shalt  }
0x6d: {  	_ =	shalt  }
0x6e: {  	_ =	shalt  }
0x6f: {  	_ =	shalt  }
0x70: {  	_ =	shalt  }
0x71: {  	_ =	shalt  }
0x72: {  	_ =	shalt  }
0x73: {  	_ =	shalt  }
0x74: {  	_ =	shalt  }
0x75: {  	_ =	shalt  }
0x76: {  	_ =	shalt  }
0x77: {  	_ =	shalt  }
0x78: {  	_ =	shalt  }
0x79: {  	_ =	shalt  }
0x7a: {  	_ =	shalt  }
0x7b: {  	_ =	shalt  }
0x7c: {  	_ =	shalt  }
0x7d: {  	_ =	shalt  }
0x7e: {  	_ =	shalt  }
0x7f: {  	_ =	shalt  }
0x80: {  	_ =	shalt  }
0x81: {  	_ =	shalt  }
0x82: {  	_ =	shalt  }
0x83: {  	_ =	shalt  }
0x84: {  	_ =	shalt  }
0x85: {  	_ =	shalt  }
0x86: {  	_ =	shalt  }
0x87: {  	_ =	shalt  }
.Lfunc_end0:
.L_simem_size_0:
called_computation_lowered:
.L_overlay_start_0:
0x88: {  	s2 =	sld [smem:$0x3FD9]  }
0x89: {  	s3 =	sld [smem:$0x3FFE];
	_ =	sdelay $0x1  }
0x8a: {  	s1 =	srdreg.scid  }
0x8b: {  	s0 =	sand.u32 $0x1, s1  }
0x8c: {  	s17 =	sshll.u32 s0, $0xA;
	s2 =	sadd.s32 s3, s2  }
0x8d: {  	s2 =	sadd.s32 s2, s17  }
0x8e: {  	[smem:$0x3FBE] =	sst s2  }
0x8f: {  	_ = 	snop  }
0x90: {  	s2 =	sld [smem:$0x3FD0];
	(tm) =	ssettm $0x1  }
0x91: {  	s18 =	sld [smem:$0x3FFB];
	_ =	sdelay $0x3  }
0x92: {  	_ =	strace s18  }
0x93: {  	s3 =	sld [smem:$0x3FFC];
	_ =	sdelay $0x3  }
0x94: {  	_ =	strace s3  }
0x95: {  	s3 =	sld [smem:$0x3FFD];
	_ =	sdelay $0x3  }
0x96: {  	_ =	strace s3  }
0x97: {  	_ =	strace $0x8FFFFFFF  }
0x98: {  	s19 =	sld [smem:$0x3FDB];
	_ =	sdelay $0x1  }
0x99: {  	s4 =	simm.s32 $_scs_section_size  }
0x9a: {  	s5 =	simm.s32 $_size__tile_overlayer_lowered;
	s6 =	simm.s32 $_tile_overlayer_lowered  }
0x9b: {  	s22 =	simm.s32 $0x1BFF;
	s21 =	sshll.u32 s6, $0x1;
	s3 =	sadd.s32 s4, s19  }
0x9c: {  	s7 =	simm.s32 $0x0;
	s20 =	sshll.u32 s5, $0x1;
	s5 =	sadd.s32 s21, s3  }
0x9d: {  	[timem:s7], [sflag:s22] =	dma.local [hbm:s5], s20  }
0x9e: {  	_ =	swait.ge [sflag:s22], s20  }
0x9f: {  	s4 =	ssub.s32 $0x0, s20;
	[sflag:s22] =	ssyncset.done $0x0  }
0xa0: {  	[sflag:s22] =	ssyncadd.s32 s4;
	_ =	sdelay $0x1  }
0xa1: {  	s23 =	simm.s32 $0x1B8B  }
0xa2: {  	_ =	swait.ge [sflag:s23], $0x1  }
0xa3: {  	[sflag:s23] =	ssyncset.done $0x0  }
0xa4: {  	s25 =	simm.s32 $0x1B8E;
	s24 =	sld [smem:$0x3FFE];
	[sflag:s23] =	ssyncadd.s32 $0xFFFFFFFF  }
0xa5: {  	s26 =	simm.s32 $execute0_lowered;
	[smem:$0x3FD2] =	sst s25  }
0xa6: {  	s5 =	sshll.u32 s26, $0x1;
	_ =	strace $0x80000046;
	[dreg:$0x1] =	wrdreg $0xFFFFFFFF  }
0xa7: {  	s28 =	simm.s32 $_size_execute0_lowered;
	s3 =	sadd.s32 s3, s5;
	[dreg:$0x0] =	wrdreg $0x0  }
0xa8: {  	s5 =	sshll.u32 s28, $0x1;
	[dreg:$0x2] =	wrdreg s3  }
0xa9: {  	[dreg:$0x3] =	wrdreg s5  }
0xaa: {  	[dreg:$0x4] =	wrdreg $0xC0  }
0xab: {  	_ =	task [dreg:s7], $0x5FFFF  }
0xac: {  	[dreg:$0x1] =	wrdreg $0xFFFFFFFF  }
0xad: {  	[dreg:$0x0] =	wrdreg $0x60  }
0xae: {  	[dreg:$0x2] =	wrdreg s2  }
0xaf: {  	[dreg:$0x3] =	wrdreg s24  }
0xb0: {  	[dreg:$0x4] =	wrdreg $0x61400  }
0xb1: {  	[dreg:$0x5] =	wrdreg $0x91400  }
0xb2: {  	[dreg:$0x6] =	wrdreg $0x9  }
0xb3: {  	_ =	task.clear_ibuf [dreg:s7], $0x7FFFF;
	_ =	strace $0x90000046  }
0xb4: {  	s29 =	simm.s32 $0x9;
	_ =	strace $0x80000048  }
0xb5: {  	_ =	swait.ge [sflag:s29], $0x1  }
0xb6: {  	[sflag:s29] =	ssyncadd.s32 $0xFFFFFFFF  }
0xb7: {  	_ =	strace $0x90000048  }
0xb8: {  	_ =	sfence  }
0xb9: {  	s30 =	sld [smem:$0x0];
	_ =	sdelay $0x2  }
0xba: {  	s31 =	sshll.u32 s1, $0xD;
	s1 =	sshrl.u32 s1, $0x2  }
0xbb: {  	s3 =	sand.u32 $0x4000, s31;
	s1 =	sadd.s32 s1, s30  }
0xbc: {  	s0 =	sor.u32 s3, s0;
	s1 =	sshll.u32 s1, $0x11  }
0xbd: {  	s0 =	sor.u32 s1, s0  }
0xbe: {  	s0 =	sadd.s32 $0x8F2B, s0  }
0xbf: {  	[sflag:s0] =	ssyncadd.remote.s32 $0x1  }
0xc0: {  	_ =	sfence.sel $0xFFFF  }
0xc1: {  	[dreg:$0x0] =	wrdreg $0xFFFFFFFF;
	(pc) =	sbr.abs _section_cstart, $3  }
0xc2: {  	[dreg:$0x1] =	wrdreg $0xFFFFFFFF  }
0xc3: {  	_ =	task.clear_ibuf [dreg:s7], $0x2FFFF;
	_ =	strace $0x9FFFFFFF  }
0xc4: {  	(tm) =	ssettm $0x7FFFFFFF  }
0xc5: {  	_ =	shalt  }
tec
execute0_lowered:
.L_overlay_start_1:
0x0: {  	(tag) =	ssettag $0x1  }
0x1: {  	s0 =	srdreg.scid  }
0x2: {  	s9 =	stileid.u32;
	s2 =	sand.u32 $0x1, s0  }
0x3: {  	s5 =	smul.u32 $0x300, s9;
	s0 =	sshll.u32 s2, $0x4  }
0x4: {  	s6 =	smul.u32 $0x3000, s2;
	s4 =	sor.u32 s9, s0  }
0x5: {  	s3 =	rddreg [dreg:$0x1];
	s1 =	simm.s32 $0x0;
	s7 =	smul.u32 $0x2710, s4  }
0x6: {  	[smem:$0x7FF] =	sst s1;
	s22 =	ssub.s32 $0x2, s2;
	s5 =	sadd.s32 s5, s6  }
0x7: {  	s0 =	sadd.s32 $0x1800, s3;
	s23 =	sshll.u32 s5, $0x1;
	s5 =	sshrl.u32 s7, $0x3  }
0x8: {  	s8 =	sshrl.u32 s22, $0x1;
	s4 =	sadd.s32 $0xB600, s3;
	s24 =	sadd.s32 $0x32, s5  }
0x9: {  	s2 =	sadd.s32 s23, s3;
	s3 =	ssub.s32 s22, s8;
	s25 =	sadd.s32 s0, s24  }
0xa: {  	s26 =	sadd.s32 $0x64, s5;
	s6 =	sadd.s32 s4, s24;
	[dreg:$0x5] =	wrdreg s25  }
0xb: {  	s10 =	sadd.s32 $0x96, s5;
	s8 =	sadd.s32 s0, s26;
	[dreg:$0x6] =	wrdreg s6  }
0xc: {  	s12 =	sadd.s32 $0xC8, s5;
	s11 =	sadd.s32 s0, s10;
	[dreg:$0x7] =	wrdreg s8  }
0xd: {  	s14 =	sadd.s32 $0xFA, s5;
	s13 =	sadd.s32 s0, s12;
	[dreg:$0x9] =	wrdreg s11  }
0xe: {  	s16 =	sadd.s32 $0x12C, s5;
	s15 =	sadd.s32 s0, s14;
	[dreg:$0xb] =	wrdreg s13  }
0xf: {  	s18 =	sadd.s32 $0x15E, s5;
	s17 =	sadd.s32 s0, s16;
	[dreg:$0xd] =	wrdreg s15  }
0x10: {  	s20 =	sadd.s32 $0x190, s5;
	s19 =	sadd.s32 s0, s18;
	[dreg:$0xf] =	wrdreg s17  }
0x11: {  	s22 =	sadd.s32 $0x1C2, s5;
	s21 =	sadd.s32 s0, s20;
	[dreg:$0x11] =	wrdreg s19  }
0x12: {  	s23 =	sadd.s32 s0, s22;
	[dreg:$0x13] =	wrdreg s21  }
0x13: {  	s24 =	sadd.s32 $0x1F4, s5;
	s6 =	sadd.s32 s4, s26;
	[dreg:$0x15] =	wrdreg s23  }
0x14: {  	s25 =	sadd.s32 s0, s24;
	[dreg:$0x8] =	wrdreg s6  }
0x15: {  	s26 =	sadd.s32 $0x226, s5;
	s6 =	sadd.s32 s4, s10;
	[dreg:$0x17] =	wrdreg s25  }
0x16: {  	s8 =	sadd.s32 s0, s26;
	[dreg:$0xa] =	wrdreg s6  }
0x17: {  	s10 =	sadd.s32 $0x258, s5;
	s6 =	sadd.s32 s4, s12;
	[dreg:$0x19] =	wrdreg s8  }
0x18: {  	s11 =	sadd.s32 s0, s10;
	[dreg:$0xc] =	wrdreg s6  }
0x19: {  	s12 =	sadd.s32 $0x28A, s5;
	s6 =	sadd.s32 s4, s14;
	[dreg:$0x1b] =	wrdreg s11  }
0x1a: {  	s13 =	sadd.s32 s0, s12;
	[dreg:$0xe] =	wrdreg s6  }
0x1b: {  	s14 =	sadd.s32 $0x2BC, s5;
	s6 =	sadd.s32 s4, s16;
	[dreg:$0x1d] =	wrdreg s13  }
0x1c: {  	s15 =	sadd.s32 s0, s14;
	[dreg:$0x10] =	wrdreg s6  }
0x1d: {  	s16 =	sadd.s32 $0x2EE, s5;
	s6 =	sadd.s32 s4, s18;
	[dreg:$0x1f] =	wrdreg s15  }
0x1e: {  	s17 =	sadd.s32 s0, s16;
	[dreg:$0x12] =	wrdreg s6  }
0x1f: {  	s18 =	sadd.s32 $0x320, s5;
	s6 =	sadd.s32 s4, s20;
	[smem:$0x7E9] =	sst s17  }
0x20: {  	s19 =	sadd.s32 s0, s18;
	[dreg:$0x14] =	wrdreg s6  }
0x21: {  	[smem:$0x7EB] =	sst s19  }
0x22: {  	s17 =	sadd.s32 s4, s5;
	s19 =	rddreg [dreg:$0x2]  }
0x23: {  	s20 =	sadd.s32 $0x352, s5;
	s6 =	sadd.s32 s4, s22;
	[smem:$0x7FC] =	sst s17  }
0x24: {  	s21 =	sadd.s32 s0, s20;
	[dreg:$0x16] =	wrdreg s6  }
0x25: {  	s22 =	sadd.s32 $0x384, s5;
	s6 =	sadd.s32 s4, s24;
	[smem:$0x7ED] =	sst s21  }
0x26: {  	s23 =	sadd.s32 s0, s22;
	[dreg:$0x18] =	wrdreg s6  }
0x27: {  	s24 =	sadd.s32 $0x3B6, s5;
	s6 =	sadd.s32 s4, s26;
	[smem:$0x7EF] =	sst s23  }
0x28: {  	s25 =	sadd.s32 s0, s24;
	[dreg:$0x1a] =	wrdreg s6  }
0x29: {  	s26 =	sadd.s32 $0x3E8, s5;
	s6 =	sadd.s32 s4, s10;
	[smem:$0x7F1] =	sst s25  }
0x2a: {  	s8 =	sadd.s32 s0, s26;
	[dreg:$0x1c] =	wrdreg s6  }
0x2b: {  	s10 =	sadd.s32 $0x41A, s5;
	s6 =	sadd.s32 s4, s12;
	[smem:$0x7F3] =	sst s8  }
0x2c: {  	s11 =	sadd.s32 s0, s10;
	[dreg:$0x1e] =	wrdreg s6  }
0x2d: {  	s12 =	sadd.s32 $0x44C, s5;
	s6 =	sadd.s32 s4, s14;
	[smem:$0x7F5] =	sst s11  }
0x2e: {  	s7 =	simm.s32 $0x320;
	s13 =	sadd.s32 s0, s12;
	[smem:$0x7E8] =	sst s6  }
0x2f: {  	s14 =	sadd.s32 $0x47E, s5;
	s6 =	sadd.s32 s4, s16;
	[smem:$0x7F7] =	sst s13  }
0x30: {  	s3 =	smax.u32 s3, $0x1;
	s15 =	sadd.s32 s0, s14;
	[smem:$0x7EA] =	sst s6  }
0x31: {  	s17 =	simm.s32 $0x7;
	s8 =	simm.s32 $0x1C20;
	[smem:$0x7F9] =	sst s15  }
0x32: {  	s16 =	sadd.s32 s0, s5;
	s6 =	sadd.s32 s4, s18;
	s18 =	rddreg [dreg:$0x0]  }
0x33: {  	s11 =	simm.s32 $0x3840;
	s5 =	sadd.s32 $0x4B0, s5;
	[smem:$0x7FB] =	sst s16  }
0x34: {  	s13 =	simm.s32 $0x1F40;
	s0 =	sadd.s32 s0, s5;
	[smem:$0x7EC] =	sst s6  }
0x35: {  	s15 =	simm.s32 $0x5;
	s6 =	sadd.s32 s4, s20;
	[smem:$0x7FD] =	sst s0  }
0x36: {  	s16 =	simm.s32 $0x6;
	s20 =	smul.u32 $0x3000, s9;
	[smem:$0x7EE] =	sst s6  }
0x37: {  	s0 =	sadd.s32 $0x15400, s2;
	s6 =	sadd.s32 s4, s22;
	s22 =	rddreg [dreg:$0x3]  }
0x38: {  	s2 =	sadd.s32 $0x21400, s2;
	s9 =	simm.s32 $0x1DB0;
	[smem:$0x7F0] =	sst s6  }
0x39: {  	s6 =	sadd.s32 s4, s24;
	s24 =	sadd.s32 s4, s5;
	s25 =	sadd.s32 s20, s19  }
0x3a: {  	s21 =	sadd.s32 $0x1000, s20;
	s23 =	sadd.s32 $0x2000, s20;
	s5 =	simm.s32 $0x1  }
0x3b: {  	[smem:$0x7F2] =	sst s6;
	s6 =	sadd.s32 s4, s26;
	s26 =	sadd.s32 s20, s22  }
0x3c: {  	s28 =	sadd.s32 s21, s19;
	s29 =	sadd.s32 s21, s22;
	s30 =	sadd.s32 s23, s19  }
0x3d: {  	s31 =	sadd.s32 s23, s22;
	[smem:$0x7F4] =	sst s6;
	s6 =	sadd.s32 s4, s10  }
0x3e: {  	s20 =	simm.s32 $0x0;
	[smem:$0x7F6] =	sst s6;
	s6 =	sadd.s32 s4, s12  }
0x3f: {  	s10 =	simm.s32 $0x2;
	[smem:$0x7F8] =	sst s6;
	s6 =	sadd.s32 s4, s14  }
0x40: {  	s12 =	simm.s32 $0x4;
	s4 =	simm.s32 $0x5140;
	[smem:$0x7FA] =	sst s6  }
0x41: {  	v0 =	vimm.f32 $1.000000000e+00;
	v1 =	vimm.f32 $0.0e+00;
	s14 =	simm.s32 $0x3;
	s6 =	simm.s32 $0x190;
	_ =	strace $0x80000047  }
.LBB2_1:
0x42: {  	s21 =	simm.s32 $0x0  }
.LBB2_2:
0x43: {  	p0 =	sne.s32 s21, $0x63C0  }
.Ltmp0:
0x44: {  	_ = 	snop;
	(pc) =	sbr.rel @p0 .LBB2_2-.Ltmp0, $3  }
0x45: {  	_ =	sdelay $0x1  }
0x46: {  	s23 =	sshra.s32 s21, $0x2  }
0x47: {  	s21 =	sadd.s32 $0x40, s21;
	[tilespmem:s23+$0x3840] =	vst v0  }
0x48: {  	s21 =	simm.s32 $0x40;
	s23 =	simm.s32 $0x0  }
.LBB2_4:
0x49: {  	p0 =	sne.s32 s21, $0x3FC0;
	[tilespmem:s23+$0x5140] =	vst v1;
	s23 =	smov.u32 s21;
	s21 =	sadd.s32 $0x40, s21  }
.Ltmp1:
0x4a: {  	(pc) =	sbr.rel @p0 .LBB2_4-.Ltmp1, $2  }
0x4b: {  	_ =	sdelay $0x2  }
0x4c: {  	s23 =	sshra.s32 s23, $0x2  }
0x4d: {  	[tilespmem:s23+$0x5140] =	vst v1  }
0x4e: {  	[spmem:s25] =	stream.linear.scatter [tilespmem:s4], [sflag:$0x1], $0x1000, $0x38;
	[tilespmem:$0xC140] =	vst v63  }
0x4f: {  	_ = 	snop  }
0x50: {  	[spmem:s26] =	stream.linear.scatter [tilespmem:s4], [sflag:$0x1], $0x1000, $0x38;
	[tilespmem:$0xC140] =	vst v63  }
0x51: {  	_ = 	snop  }
0x52: {  	[spmem:s28] =	stream.linear.scatter [tilespmem:s4], [sflag:$0x1], $0x1000, $0x38;
	[tilespmem:$0xC140] =	vst v63  }
0x53: {  	_ = 	snop  }
0x54: {  	[spmem:s29] =	stream.linear.scatter [tilespmem:s4], [sflag:$0x1], $0x1000, $0x38;
	[tilespmem:$0xC140] =	vst v63  }
0x55: {  	_ = 	snop  }
0x56: {  	[spmem:s30] =	stream.linear.scatter [tilespmem:s4], [sflag:$0x1], $0x1000, $0x38;
	[tilespmem:$0xC140] =	vst v63  }
0x57: {  	_ = 	snop  }
0x58: {  	[spmem:s31] =	stream.linear.scatter [tilespmem:s4], [sflag:$0x1], $0x1000, $0x38;
	[tilespmem:$0xC140] =	vst v63  }
0x59: {  	_ =	swait.ge [sflag:s5], $0x1000  }
0x5a: {  	[sflag:s5] =	ssyncset.done $0x0  }
0x5b: {  	[sflag:s5] =	ssyncadd.s32 $0xFFFFF000  }
0x5c: {  	_ =	swait.ge [sflag:s5], $0x1000  }
0x5d: {  	[sflag:s5] =	ssyncset.done $0x0  }
0x5e: {  	[sflag:s5] =	ssyncadd.s32 $0xFFFFF000  }
0x5f: {  	_ =	swait.ge [sflag:s5], $0x1000  }
0x60: {  	[sflag:s5] =	ssyncset.done $0x0  }
0x61: {  	[sflag:s5] =	ssyncadd.s32 $0xFFFFF000  }
0x62: {  	_ =	swait.ge [sflag:s5], $0x1000  }
0x63: {  	[sflag:s5] =	ssyncset.done $0x0  }
0x64: {  	[sflag:s5] =	ssyncadd.s32 $0xFFFFF000  }
0x65: {  	_ =	swait.ge [sflag:s5], $0x1000  }
0x66: {  	[sflag:s5] =	ssyncset.done $0x0  }
0x67: {  	[sflag:s5] =	ssyncadd.s32 $0xFFFFF000  }
0x68: {  	_ =	swait.ge [sflag:s5], $0x1000  }
0x69: {  	[sflag:s5] =	ssyncset.done $0x0  }
0x6a: {  	[sflag:s5] =	ssyncadd.s32 $0xFFFFF000  }
0x6b: {  	[bflag:$0x0] =	sbarrier.arrive $0xFFFF  }
0x6c: {  	s21 =	sld [smem:$0x7FB];
	_ =	sdelay $0x1  }
0x6d: {  	s23 =	sld [smem:$0x7FC]  }
0x6e: {  	[tilespmem:s1], [sflag:$0x1] =	stream.linear.gather [hbm4b:s21+s1], $0x190, $0x38;
	[tilespmem:$0xC140] =	vst v63  }
0x6f: {  	_ = 	snop  }
0x70: {  	[tilespmem:s6], [sflag:$0x1] =	stream.linear.gather [hbm4b:s23+s1], $0x190, $0x38;
	[tilespmem:$0xC140] =	vst v63  }
0x71: {  	_ =	swait.ge [sflag:s5], $0x190  }
0x72: {  	[sflag:s5] =	ssyncset.done $0x0  }
0x73: {  	[sflag:s5] =	ssyncadd.s32 $0xFFFFFE70  }
0x74: {  	_ =	swait.ge [sflag:s5], $0x190  }
0x75: {  	[sflag:s5] =	ssyncset.done $0x0  }
0x76: {  	[sflag:s5] =	ssyncadd.s32 $0xFFFFFE70  }
0x77: {  	[tilespmem:s7], [sflag:$0x2] =	stream.indirect.gather [hbm4b:s18+s6], $0x10, s1, s6, $0xb8;
	[tilespmem:$0xC140] =	vst v63  }
0x78: {  	s23 =	rddreg [dreg:$0x5]  }
0x79: {  	[tilespmem:s8], [sflag:$0x4] =	stream.linear.gather [hbm4b:s23+s1], $0x190, $0x38;
	[tilespmem:$0xC140] =	vst v63  }
0x7a: {  	s23 =	rddreg [dreg:$0x6]  }
0x7b: {  	[tilespmem:s9], [sflag:$0x4] =	stream.linear.gather [hbm4b:s23+s1], $0x190, $0x38;
	[tilespmem:$0xC140] =	vst v63  }
0x7c: {  	_ =	swait.ge [sflag:s10], $0x1900  }
0x7d: {  	[sflag:s10] =	ssyncset.done $0x0  }
0x7e: {  	[sflag:s10] =	ssyncadd.s32 $0xFFFFE700  }
0x7f: {  	[spmem:s19] =	stream.indirect.scatter.add.f32 [tilespmem:s7], [sflag:$0x3], $0x10, s6, s6, $0xb8;
	[tilespmem:$0xC140] =	vst v63  }
0x80: {  	_ = 	snop  }
0x81: {  	[spmem:s22] =	stream.indirect.scatter.add.f32 [tilespmem:s11], [sflag:$0x3], $0x10, s6, s6, $0xb8;
	[tilespmem:$0xC140] =	vst v63  }
0x82: {  	_ =	swait.ge [sflag:s12], $0x190  }
0x83: {  	[sflag:s12] =	ssyncset.done $0x0  }
0x84: {  	[sflag:s12] =	ssyncadd.s32 $0xFFFFFE70  }
0x85: {  	_ =	swait.ge [sflag:s12], $0x190  }
0x86: {  	[sflag:s12] =	ssyncset.done $0x0  }
0x87: {  	[sflag:s12] =	ssyncadd.s32 $0xFFFFFE70  }
0x88: {  	[tilespmem:s13], [sflag:$0x5] =	stream.indirect.gather [hbm4b:s18+s6], $0x10, s8, s6, $0xb8;
	[tilespmem:$0xC140] =	vst v63  }
0x89: {  	_ =	swait.ge [sflag:s14], $0x1900  }
0x8a: {  	[sflag:s14] =	ssyncset.done $0x0  }
0x8b: {  	[sflag:s14] =	ssyncadd.s32 $0xFFFFE700  }
0x8c: {  	_ =	swait.ge [sflag:s14], $0x1900  }
0x8d: {  	[sflag:s14] =	ssyncset.done $0x0  }
0x8e: {  	s23 =	rddreg [dreg:$0x7];
	[sflag:s14] =	ssyncadd.s32 $0xFFFFE700  }
0x8f: {  	[tilespmem:s1], [sflag:$0x1] =	stream.linear.gather [hbm4b:s23+s1], $0x190, $0x38;
	[tilespmem:$0xC140] =	vst v63  }
0x90: {  	s23 =	rddreg [dreg:$0x8]  }
0x91: {  	[tilespmem:s6], [sflag:$0x1] =	stream.linear.gather [hbm4b:s23+s1], $0x190, $0x38;
	[tilespmem:$0xC140] =	vst v63  }
0x92: {  	_ =	swait.ge [sflag:s15], $0x1900  }
0x93: {  	[sflag:s15] =	ssyncset.done $0x0  }
0x94: {  	[sflag:s15] =	ssyncadd.s32 $0xFFFFE700  }
0x95: {  	[spmem:s19] =	stream.indirect.scatter.add.f32 [tilespmem:s13], [sflag:$0x6], $0x10, s9, s6, $0xb8;
	[tilespmem:$0xC140] =	vst v63  }
0x96: {  	_ = 	snop  }
0x97: {  	[spmem:s22] =	stream.indirect.scatter.add.f32 [tilespmem:s11], [sflag:$0x6], $0x10, s9, s6, $0xb8;
	[tilespmem:$0xC140] =	vst v63  }
0x98: {  	_ =	swait.ge [sflag:s5], $0x190  }
0x99: {  	[sflag:s5] =	ssyncset.done $0x0  }
0x9a: {  	[sflag:s5] =	ssyncadd.s32 $0xFFFFFE70  }
0x9b: {  	_ =	swait.ge [sflag:s5], $0x190  }
0x9c: {  	[sflag:s5] =	ssyncset.done $0x0  }
0x9d: {  	[sflag:s5] =	ssyncadd.s32 $0xFFFFFE70  }
0x9e: {  	[tilespmem:s7], [sflag:$0x2] =	stream.indirect.gather [hbm4b:s18+s6], $0x10, s1, s6, $0xb8;
	[tilespmem:$0xC140] =	vst v63  }
0x9f: {  	_ =	swait.ge [sflag:s16], $0x1900  }
0xa0: {  	[sflag:s16] =	ssyncset.done $0x0  }
0xa1: {  	[sflag:s16] =	ssyncadd.s32 $0xFFFFE700  }
0xa2: {  	_ =	swait.ge [sflag:s16], $0x1900  }
0xa3: {  	[sflag:s16] =	ssyncset.done $0x0  }
0xa4: {  	s23 =	rddreg [dreg:$0x9];
	[sflag:s16] =	ssyncadd.s32 $0xFFFFE700  }
0xa5: {  	[tilespmem:s8], [sflag:$0x4] =	stream.linear.gather [hbm4b:s23+s1], $0x190, $0x38;
	[tilespmem:$0xC140] =	vst v63  }
0xa6: {  	s23 =	rddreg [dreg:$0xa]  }
0xa7: {  	[tilespmem:s9], [sflag:$0x4] =	stream.linear.gather [hbm4b:s23+s1], $0x190, $0x38;
	[tilespmem:$0xC140] =	vst v63  }
0xa8: {  	_ =	swait.ge [sflag:s10], $0x1900  }
0xa9: {  	[sflag:s10] =	ssyncset.done $0x0  }
0xaa: {  	[sflag:s10] =	ssyncadd.s32 $0xFFFFE700  }
0xab: {  	[spmem:s19] =	stream.indirect.scatter.add.f32 [tilespmem:s7], [sflag:$0x3], $0x10, s6, s6, $0xb8;
	[tilespmem:$0xC140] =	vst v63  }
0xac: {  	_ = 	snop  }
0xad: {  	[spmem:s22] =	stream.indirect.scatter.add.f32 [tilespmem:s11], [sflag:$0x3], $0x10, s6, s6, $0xb8;
	[tilespmem:$0xC140] =	vst v63  }
0xae: {  	_ =	swait.ge [sflag:s12], $0x190  }
0xaf: {  	[sflag:s12] =	ssyncset.done $0x0  }
0xb0: {  	[sflag:s12] =	ssyncadd.s32 $0xFFFFFE70  }
0xb1: {  	_ =	swait.ge [sflag:s12], $0x190  }
0xb2: {  	[sflag:s12] =	ssyncset.done $0x0  }
0xb3: {  	[sflag:s12] =	ssyncadd.s32 $0xFFFFFE70  }
0xb4: {  	[tilespmem:s13], [sflag:$0x5] =	stream.indirect.gather [hbm4b:s18+s6], $0x10, s8, s6, $0xb8;
	[tilespmem:$0xC140] =	vst v63  }
0xb5: {  	_ =	swait.ge [sflag:s14], $0x1900  }
0xb6: {  	[sflag:s14] =	ssyncset.done $0x0  }
0xb7: {  	[sflag:s14] =	ssyncadd.s32 $0xFFFFE700  }
0xb8: {  	_ =	swait.ge [sflag:s14], $0x1900  }
0xb9: {  	[sflag:s14] =	ssyncset.done $0x0  }
0xba: {  	s23 =	rddreg [dreg:$0xb];
	[sflag:s14] =	ssyncadd.s32 $0xFFFFE700  }
0xbb: {  	[tilespmem:s1], [sflag:$0x1] =	stream.linear.gather [hbm4b:s23+s1], $0x190, $0x38;
	[tilespmem:$0xC140] =	vst v63  }
0xbc: {  	s23 =	rddreg [dreg:$0xc]  }
0xbd: {  	[tilespmem:s6], [sflag:$0x1] =	stream.linear.gather [hbm4b:s23+s1], $0x190, $0x38;
	[tilespmem:$0xC140] =	vst v63  }
0xbe: {  	_ =	swait.ge [sflag:s15], $0x1900  }
0xbf: {  	[sflag:s15] =	ssyncset.done $0x0  }
0xc0: {  	[sflag:s15] =	ssyncadd.s32 $0xFFFFE700  }
0xc1: {  	[spmem:s19] =	stream.indirect.scatter.add.f32 [tilespmem:s13], [sflag:$0x6], $0x10, s9, s6, $0xb8;
	[tilespmem:$0xC140] =	vst v63  }
0xc2: {  	_ = 	snop  }
0xc3: {  	[spmem:s22] =	stream.indirect.scatter.add.f32 [tilespmem:s11], [sflag:$0x6], $0x10, s9, s6, $0xb8;
	[tilespmem:$0xC140] =	vst v63  }
0xc4: {  	_ =	swait.ge [sflag:s5], $0x190  }
0xc5: {  	[sflag:s5] =	ssyncset.done $0x0  }
0xc6: {  	[sflag:s5] =	ssyncadd.s32 $0xFFFFFE70  }
0xc7: {  	_ =	swait.ge [sflag:s5], $0x190  }
0xc8: {  	[sflag:s5] =	ssyncset.done $0x0  }
0xc9: {  	[sflag:s5] =	ssyncadd.s32 $0xFFFFFE70  }
0xca: {  	[tilespmem:s7], [sflag:$0x2] =	stream.indirect.gather [hbm4b:s18+s6], $0x10, s1, s6, $0xb8;
	[tilespmem:$0xC140] =	vst v63  }
0xcb: {  	_ =	swait.ge [sflag:s16], $0x1900  }
0xcc: {  	[sflag:s16] =	ssyncset.done $0x0  }
0xcd: {  	[sflag:s16] =	ssyncadd.s32 $0xFFFFE700  }
0xce: {  	_ =	swait.ge [sflag:s16], $0x1900  }
0xcf: {  	[sflag:s16] =	ssyncset.done $0x0  }
0xd0: {  	s23 =	rddreg [dreg:$0xd];
	[sflag:s16] =	ssyncadd.s32 $0xFFFFE700  }
0xd1: {  	[tilespmem:s8], [sflag:$0x4] =	stream.linear.gather [hbm4b:s23+s1], $0x190, $0x38;
	[tilespmem:$0xC140] =	vst v63  }
0xd2: {  	s23 =	rddreg [dreg:$0xe]  }
0xd3: {  	[tilespmem:s9], [sflag:$0x4] =	stream.linear.gather [hbm4b:s23+s1], $0x190, $0x38;
	[tilespmem:$0xC140] =	vst v63  }
0xd4: {  	_ =	swait.ge [sflag:s10], $0x1900  }
0xd5: {  	[sflag:s10] =	ssyncset.done $0x0  }
0xd6: {  	[sflag:s10] =	ssyncadd.s32 $0xFFFFE700  }
0xd7: {  	[spmem:s19] =	stream.indirect.scatter.add.f32 [tilespmem:s7], [sflag:$0x3], $0x10, s6, s6, $0xb8;
	[tilespmem:$0xC140] =	vst v63  }
0xd8: {  	_ = 	snop  }
0xd9: {  	[spmem:s22] =	stream.indirect.scatter.add.f32 [tilespmem:s11], [sflag:$0x3], $0x10, s6, s6, $0xb8;
	[tilespmem:$0xC140] =	vst v63  }
0xda: {  	_ =	swait.ge [sflag:s12], $0x190  }
0xdb: {  	[sflag:s12] =	ssyncset.done $0x0  }
0xdc: {  	[sflag:s12] =	ssyncadd.s32 $0xFFFFFE70  }
0xdd: {  	_ =	swait.ge [sflag:s12], $0x190  }
0xde: {  	[sflag:s12] =	ssyncset.done $0x0  }
0xdf: {  	[sflag:s12] =	ssyncadd.s32 $0xFFFFFE70  }
0xe0: {  	[tilespmem:s13], [sflag:$0x5] =	stream.indirect.gather [hbm4b:s18+s6], $0x10, s8, s6, $0xb8;
	[tilespmem:$0xC140] =	vst v63  }
0xe1: {  	_ =	swait.ge [sflag:s14], $0x1900  }
0xe2: {  	[sflag:s14] =	ssyncset.done $0x0  }
0xe3: {  	[sflag:s14] =	ssyncadd.s32 $0xFFFFE700  }
0xe4: {  	_ =	swait.ge [sflag:s14], $0x1900  }
0xe5: {  	[sflag:s14] =	ssyncset.done $0x0  }
0xe6: {  	s23 =	rddreg [dreg:$0xf];
	[sflag:s14] =	ssyncadd.s32 $0xFFFFE700  }
0xe7: {  	[tilespmem:s1], [sflag:$0x1] =	stream.linear.gather [hbm4b:s23+s1], $0x190, $0x38;
	[tilespmem:$0xC140] =	vst v63  }
0xe8: {  	s23 =	rddreg [dreg:$0x10]  }
0xe9: {  	[tilespmem:s6], [sflag:$0x1] =	stream.linear.gather [hbm4b:s23+s1], $0x190, $0x38;
	[tilespmem:$0xC140] =	vst v63  }
0xea: {  	_ =	swait.ge [sflag:s15], $0x1900  }
0xeb: {  	[sflag:s15] =	ssyncset.done $0x0  }
0xec: {  	[sflag:s15] =	ssyncadd.s32 $0xFFFFE700  }
0xed: {  	[spmem:s19] =	stream.indirect.scatter.add.f32 [tilespmem:s13], [sflag:$0x6], $0x10, s9, s6, $0xb8;
	[tilespmem:$0xC140] =	vst v63  }
0xee: {  	_ = 	snop  }
0xef: {  	[spmem:s22] =	stream.indirect.scatter.add.f32 [tilespmem:s11], [sflag:$0x6], $0x10, s9, s6, $0xb8;
	[tilespmem:$0xC140] =	vst v63  }
0xf0: {  	_ =	swait.ge [sflag:s5], $0x190  }
0xf1: {  	[sflag:s5] =	ssyncset.done $0x0  }
0xf2: {  	[sflag:s5] =	ssyncadd.s32 $0xFFFFFE70  }
0xf3: {  	_ =	swait.ge [sflag:s5], $0x190  }
0xf4: {  	[sflag:s5] =	ssyncset.done $0x0  }
0xf5: {  	[sflag:s5] =	ssyncadd.s32 $0xFFFFFE70  }
0xf6: {  	[tilespmem:s7], [sflag:$0x2] =	stream.indirect.gather [hbm4b:s18+s6], $0x10, s1, s6, $0xb8;
	[tilespmem:$0xC140] =	vst v63  }
0xf7: {  	_ =	swait.ge [sflag:s16], $0x1900  }
0xf8: {  	[sflag:s16] =	ssyncset.done $0x0  }
0xf9: {  	[sflag:s16] =	ssyncadd.s32 $0xFFFFE700  }
0xfa: {  	_ =	swait.ge [sflag:s16], $0x1900  }
0xfb: {  	[sflag:s16] =	ssyncset.done $0x0  }
0xfc: {  	s23 =	rddreg [dreg:$0x11];
	[sflag:s16] =	ssyncadd.s32 $0xFFFFE700  }
0xfd: {  	[tilespmem:s8], [sflag:$0x4] =	stream.linear.gather [hbm4b:s23+s1], $0x190, $0x38;
	[tilespmem:$0xC140] =	vst v63  }
0xfe: {  	s23 =	rddreg [dreg:$0x12]  }
0xff: {  	[tilespmem:s9], [sflag:$0x4] =	stream.linear.gather [hbm4b:s23+s1], $0x190, $0x38;
	[tilespmem:$0xC140] =	vst v63  }
0x100: {  	_ =	swait.ge [sflag:s10], $0x1900  }
0x101: {  	[sflag:s10] =	ssyncset.done $0x0  }
0x102: {  	[sflag:s10] =	ssyncadd.s32 $0xFFFFE700  }
0x103: {  	[spmem:s19] =	stream.indirect.scatter.add.f32 [tilespmem:s7], [sflag:$0x3], $0x10, s6, s6, $0xb8;
	[tilespmem:$0xC140] =	vst v63  }
0x104: {  	_ = 	snop  }
0x105: {  	[spmem:s22] =	stream.indirect.scatter.add.f32 [tilespmem:s11], [sflag:$0x3], $0x10, s6, s6, $0xb8;
	[tilespmem:$0xC140] =	vst v63  }
0x106: {  	_ =	swait.ge [sflag:s12], $0x190  }
0x107: {  	[sflag:s12] =	ssyncset.done $0x0  }
0x108: {  	[sflag:s12] =	ssyncadd.s32 $0xFFFFFE70  }
0x109: {  	_ =	swait.ge [sflag:s12], $0x190  }
0x10a: {  	[sflag:s12] =	ssyncset.done $0x0  }
0x10b: {  	[sflag:s12] =	ssyncadd.s32 $0xFFFFFE70  }
0x10c: {  	[tilespmem:s13], [sflag:$0x5] =	stream.indirect.gather [hbm4b:s18+s6], $0x10, s8, s6, $0xb8;
	[tilespmem:$0xC140] =	vst v63  }
0x10d: {  	_ =	swait.ge [sflag:s14], $0x1900  }
0x10e: {  	[sflag:s14] =	ssyncset.done $0x0  }
0x10f: {  	[sflag:s14] =	ssyncadd.s32 $0xFFFFE700  }
0x110: {  	_ =	swait.ge [sflag:s14], $0x1900  }
0x111: {  	[sflag:s14] =	ssyncset.done $0x0  }
0x112: {  	s23 =	rddreg [dreg:$0x13];
	[sflag:s14] =	ssyncadd.s32 $0xFFFFE700  }
0x113: {  	[tilespmem:s1], [sflag:$0x1] =	stream.linear.gather [hbm4b:s23+s1], $0x190, $0x38;
	[tilespmem:$0xC140] =	vst v63  }
0x114: {  	s23 =	rddreg [dreg:$0x14]  }
0x115: {  	[tilespmem:s6], [sflag:$0x1] =	stream.linear.gather [hbm4b:s23+s1], $0x190, $0x38;
	[tilespmem:$0xC140] =	vst v63  }
0x116: {  	_ =	swait.ge [sflag:s15], $0x1900  }
0x117: {  	[sflag:s15] =	ssyncset.done $0x0  }
0x118: {  	[sflag:s15] =	ssyncadd.s32 $0xFFFFE700  }
0x119: {  	[spmem:s19] =	stream.indirect.scatter.add.f32 [tilespmem:s13], [sflag:$0x6], $0x10, s9, s6, $0xb8;
	[tilespmem:$0xC140] =	vst v63  }
0x11a: {  	_ = 	snop  }
0x11b: {  	[spmem:s22] =	stream.indirect.scatter.add.f32 [tilespmem:s11], [sflag:$0x6], $0x10, s9, s6, $0xb8;
	[tilespmem:$0xC140] =	vst v63  }
0x11c: {  	_ =	swait.ge [sflag:s5], $0x190  }
0x11d: {  	[sflag:s5] =	ssyncset.done $0x0  }
0x11e: {  	[sflag:s5] =	ssyncadd.s32 $0xFFFFFE70  }
0x11f: {  	_ =	swait.ge [sflag:s5], $0x190  }
0x120: {  	[sflag:s5] =	ssyncset.done $0x0  }
0x121: {  	[sflag:s5] =	ssyncadd.s32 $0xFFFFFE70  }
0x122: {  	[tilespmem:s7], [sflag:$0x2] =	stream.indirect.gather [hbm4b:s18+s6], $0x10, s1, s6, $0xb8;
	[tilespmem:$0xC140] =	vst v63  }
0x123: {  	_ =	swait.ge [sflag:s16], $0x1900  }
0x124: {  	[sflag:s16] =	ssyncset.done $0x0  }
0x125: {  	[sflag:s16] =	ssyncadd.s32 $0xFFFFE700  }
0x126: {  	_ =	swait.ge [sflag:s16], $0x1900  }
0x127: {  	[sflag:s16] =	ssyncset.done $0x0  }
0x128: {  	s23 =	rddreg [dreg:$0x15];
	[sflag:s16] =	ssyncadd.s32 $0xFFFFE700  }
0x129: {  	[tilespmem:s8], [sflag:$0x4] =	stream.linear.gather [hbm4b:s23+s1], $0x190, $0x38;
	[tilespmem:$0xC140] =	vst v63  }
0x12a: {  	s23 =	rddreg [dreg:$0x16]  }
0x12b: {  	[tilespmem:s9], [sflag:$0x4] =	stream.linear.gather [hbm4b:s23+s1], $0x190, $0x38;
	[tilespmem:$0xC140] =	vst v63  }
0x12c: {  	_ =	swait.ge [sflag:s10], $0x1900  }
0x12d: {  	[sflag:s10] =	ssyncset.done $0x0  }
0x12e: {  	[sflag:s10] =	ssyncadd.s32 $0xFFFFE700  }
0x12f: {  	[spmem:s19] =	stream.indirect.scatter.add.f32 [tilespmem:s7], [sflag:$0x3], $0x10, s6, s6, $0xb8;
	[tilespmem:$0xC140] =	vst v63  }
0x130: {  	_ = 	snop  }
0x131: {  	[spmem:s22] =	stream.indirect.scatter.add.f32 [tilespmem:s11], [sflag:$0x3], $0x10, s6, s6, $0xb8;
	[tilespmem:$0xC140] =	vst v63  }
0x132: {  	_ =	swait.ge [sflag:s12], $0x190  }
0x133: {  	[sflag:s12] =	ssyncset.done $0x0  }
0x134: {  	[sflag:s12] =	ssyncadd.s32 $0xFFFFFE70  }
0x135: {  	_ =	swait.ge [sflag:s12], $0x190  }
0x136: {  	[sflag:s12] =	ssyncset.done $0x0  }
0x137: {  	[sflag:s12] =	ssyncadd.s32 $0xFFFFFE70  }
0x138: {  	[tilespmem:s13], [sflag:$0x5] =	stream.indirect.gather [hbm4b:s18+s6], $0x10, s8, s6, $0xb8;
	[tilespmem:$0xC140] =	vst v63  }
0x139: {  	_ =	swait.ge [sflag:s14], $0x1900  }
0x13a: {  	[sflag:s14] =	ssyncset.done $0x0  }
0x13b: {  	[sflag:s14] =	ssyncadd.s32 $0xFFFFE700  }
0x13c: {  	_ =	swait.ge [sflag:s14], $0x1900  }
0x13d: {  	[sflag:s14] =	ssyncset.done $0x0  }
0x13e: {  	s23 =	rddreg [dreg:$0x17];
	[sflag:s14] =	ssyncadd.s32 $0xFFFFE700  }
0x13f: {  	[tilespmem:s1], [sflag:$0x1] =	stream.linear.gather [hbm4b:s23+s1], $0x190, $0x38;
	[tilespmem:$0xC140] =	vst v63  }
0x140: {  	s23 =	rddreg [dreg:$0x18]  }
0x141: {  	[tilespmem:s6], [sflag:$0x1] =	stream.linear.gather [hbm4b:s23+s1], $0x190, $0x38;
	[tilespmem:$0xC140] =	vst v63  }
0x142: {  	_ =	swait.ge [sflag:s15], $0x1900  }
0x143: {  	[sflag:s15] =	ssyncset.done $0x0  }
0x144: {  	[sflag:s15] =	ssyncadd.s32 $0xFFFFE700  }
0x145: {  	[spmem:s19] =	stream.indirect.scatter.add.f32 [tilespmem:s13], [sflag:$0x6], $0x10, s9, s6, $0xb8;
	[tilespmem:$0xC140] =	vst v63  }
0x146: {  	_ = 	snop  }
0x147: {  	[spmem:s22] =	stream.indirect.scatter.add.f32 [tilespmem:s11], [sflag:$0x6], $0x10, s9, s6, $0xb8;
	[tilespmem:$0xC140] =	vst v63  }
0x148: {  	_ =	swait.ge [sflag:s5], $0x190  }
0x149: {  	[sflag:s5] =	ssyncset.done $0x0  }
0x14a: {  	[sflag:s5] =	ssyncadd.s32 $0xFFFFFE70  }
0x14b: {  	_ =	swait.ge [sflag:s5], $0x190  }
0x14c: {  	[sflag:s5] =	ssyncset.done $0x0  }
0x14d: {  	[sflag:s5] =	ssyncadd.s32 $0xFFFFFE70  }
0x14e: {  	[tilespmem:s7], [sflag:$0x2] =	stream.indirect.gather [hbm4b:s18+s6], $0x10, s1, s6, $0xb8;
	[tilespmem:$0xC140] =	vst v63  }
0x14f: {  	_ =	swait.ge [sflag:s16], $0x1900  }
0x150: {  	[sflag:s16] =	ssyncset.done $0x0  }
0x151: {  	[sflag:s16] =	ssyncadd.s32 $0xFFFFE700  }
0x152: {  	_ =	swait.ge [sflag:s16], $0x1900  }
0x153: {  	[sflag:s16] =	ssyncset.done $0x0  }
0x154: {  	s23 =	rddreg [dreg:$0x19];
	[sflag:s16] =	ssyncadd.s32 $0xFFFFE700  }
0x155: {  	[tilespmem:s8], [sflag:$0x4] =	stream.linear.gather [hbm4b:s23+s1], $0x190, $0x38;
	[tilespmem:$0xC140] =	vst v63  }
0x156: {  	s23 =	rddreg [dreg:$0x1a]  }
0x157: {  	[tilespmem:s9], [sflag:$0x4] =	stream.linear.gather [hbm4b:s23+s1], $0x190, $0x38;
	[tilespmem:$0xC140] =	vst v63  }
0x158: {  	_ =	swait.ge [sflag:s10], $0x1900  }
0x159: {  	[sflag:s10] =	ssyncset.done $0x0  }
0x15a: {  	[sflag:s10] =	ssyncadd.s32 $0xFFFFE700  }
0x15b: {  	[spmem:s19] =	stream.indirect.scatter.add.f32 [tilespmem:s7], [sflag:$0x3], $0x10, s6, s6, $0xb8;
	[tilespmem:$0xC140] =	vst v63  }
0x15c: {  	_ = 	snop  }
0x15d: {  	[spmem:s22] =	stream.indirect.scatter.add.f32 [tilespmem:s11], [sflag:$0x3], $0x10, s6, s6, $0xb8;
	[tilespmem:$0xC140] =	vst v63  }
0x15e: {  	_ =	swait.ge [sflag:s12], $0x190  }
0x15f: {  	[sflag:s12] =	ssyncset.done $0x0  }
0x160: {  	[sflag:s12] =	ssyncadd.s32 $0xFFFFFE70  }
0x161: {  	_ =	swait.ge [sflag:s12], $0x190  }
0x162: {  	[sflag:s12] =	ssyncset.done $0x0  }
0x163: {  	[sflag:s12] =	ssyncadd.s32 $0xFFFFFE70  }
0x164: {  	[tilespmem:s13], [sflag:$0x5] =	stream.indirect.gather [hbm4b:s18+s6], $0x10, s8, s6, $0xb8;
	[tilespmem:$0xC140] =	vst v63  }
0x165: {  	_ =	swait.ge [sflag:s14], $0x1900  }
0x166: {  	[sflag:s14] =	ssyncset.done $0x0  }
0x167: {  	[sflag:s14] =	ssyncadd.s32 $0xFFFFE700  }
0x168: {  	_ =	swait.ge [sflag:s14], $0x1900  }
0x169: {  	[sflag:s14] =	ssyncset.done $0x0  }
0x16a: {  	s23 =	rddreg [dreg:$0x1b];
	[sflag:s14] =	ssyncadd.s32 $0xFFFFE700  }
0x16b: {  	[tilespmem:s1], [sflag:$0x1] =	stream.linear.gather [hbm4b:s23+s1], $0x190, $0x38;
	[tilespmem:$0xC140] =	vst v63  }
0x16c: {  	s23 =	rddreg [dreg:$0x1c]  }
0x16d: {  	[tilespmem:s6], [sflag:$0x1] =	stream.linear.gather [hbm4b:s23+s1], $0x190, $0x38;
	[tilespmem:$0xC140] =	vst v63  }
0x16e: {  	_ =	swait.ge [sflag:s15], $0x1900  }
0x16f: {  	[sflag:s15] =	ssyncset.done $0x0  }
0x170: {  	[sflag:s15] =	ssyncadd.s32 $0xFFFFE700  }
0x171: {  	[spmem:s19] =	stream.indirect.scatter.add.f32 [tilespmem:s13], [sflag:$0x6], $0x10, s9, s6, $0xb8;
	[tilespmem:$0xC140] =	vst v63  }
0x172: {  	_ = 	snop  }
0x173: {  	[spmem:s22] =	stream.indirect.scatter.add.f32 [tilespmem:s11], [sflag:$0x6], $0x10, s9, s6, $0xb8;
	[tilespmem:$0xC140] =	vst v63  }
0x174: {  	_ =	swait.ge [sflag:s5], $0x190  }
0x175: {  	[sflag:s5] =	ssyncset.done $0x0  }
0x176: {  	[sflag:s5] =	ssyncadd.s32 $0xFFFFFE70  }
0x177: {  	_ =	swait.ge [sflag:s5], $0x190  }
0x178: {  	[sflag:s5] =	ssyncset.done $0x0  }
0x179: {  	[sflag:s5] =	ssyncadd.s32 $0xFFFFFE70  }
0x17a: {  	[tilespmem:s7], [sflag:$0x2] =	stream.indirect.gather [hbm4b:s18+s6], $0x10, s1, s6, $0xb8;
	[tilespmem:$0xC140] =	vst v63  }
0x17b: {  	_ =	swait.ge [sflag:s16], $0x1900  }
0x17c: {  	[sflag:s16] =	ssyncset.done $0x0  }
0x17d: {  	[sflag:s16] =	ssyncadd.s32 $0xFFFFE700  }
0x17e: {  	_ =	swait.ge [sflag:s16], $0x1900  }
0x17f: {  	[sflag:s16] =	ssyncset.done $0x0  }
0x180: {  	s23 =	rddreg [dreg:$0x1d];
	[sflag:s16] =	ssyncadd.s32 $0xFFFFE700  }
0x181: {  	[tilespmem:s8], [sflag:$0x4] =	stream.linear.gather [hbm4b:s23+s1], $0x190, $0x38;
	[tilespmem:$0xC140] =	vst v63  }
0x182: {  	s23 =	rddreg [dreg:$0x1e]  }
0x183: {  	[tilespmem:s9], [sflag:$0x4] =	stream.linear.gather [hbm4b:s23+s1], $0x190, $0x38;
	[tilespmem:$0xC140] =	vst v63  }
0x184: {  	_ =	swait.ge [sflag:s10], $0x1900  }
0x185: {  	[sflag:s10] =	ssyncset.done $0x0  }
0x186: {  	[sflag:s10] =	ssyncadd.s32 $0xFFFFE700  }
0x187: {  	[spmem:s19] =	stream.indirect.scatter.add.f32 [tilespmem:s7], [sflag:$0x3], $0x10, s6, s6, $0xb8;
	[tilespmem:$0xC140] =	vst v63  }
0x188: {  	_ = 	snop  }
0x189: {  	[spmem:s22] =	stream.indirect.scatter.add.f32 [tilespmem:s11], [sflag:$0x3], $0x10, s6, s6, $0xb8;
	[tilespmem:$0xC140] =	vst v63  }
0x18a: {  	_ =	swait.ge [sflag:s12], $0x190  }
0x18b: {  	[sflag:s12] =	ssyncset.done $0x0  }
0x18c: {  	[sflag:s12] =	ssyncadd.s32 $0xFFFFFE70  }
0x18d: {  	_ =	swait.ge [sflag:s12], $0x190  }
0x18e: {  	[sflag:s12] =	ssyncset.done $0x0  }
0x18f: {  	[sflag:s12] =	ssyncadd.s32 $0xFFFFFE70  }
0x190: {  	[tilespmem:s13], [sflag:$0x5] =	stream.indirect.gather [hbm4b:s18+s6], $0x10, s8, s6, $0xb8;
	[tilespmem:$0xC140] =	vst v63  }
0x191: {  	_ =	swait.ge [sflag:s14], $0x1900  }
0x192: {  	[sflag:s14] =	ssyncset.done $0x0  }
0x193: {  	[sflag:s14] =	ssyncadd.s32 $0xFFFFE700  }
0x194: {  	_ =	swait.ge [sflag:s14], $0x1900  }
0x195: {  	[sflag:s14] =	ssyncset.done $0x0  }
0x196: {  	s23 =	rddreg [dreg:$0x1f];
	[sflag:s14] =	ssyncadd.s32 $0xFFFFE700  }
0x197: {  	[tilespmem:s1], [sflag:$0x1] =	stream.linear.gather [hbm4b:s23+s1], $0x190, $0x38;
	[tilespmem:$0xC140] =	vst v63  }
0x198: {  	s23 =	sld [smem:$0x7E8];
	_ =	sdelay $0x2  }
0x199: {  	[tilespmem:s6], [sflag:$0x1] =	stream.linear.gather [hbm4b:s23+s1], $0x190, $0x38;
	[tilespmem:$0xC140] =	vst v63  }
0x19a: {  	_ =	swait.ge [sflag:s15], $0x1900  }
0x19b: {  	[sflag:s15] =	ssyncset.done $0x0  }
0x19c: {  	[sflag:s15] =	ssyncadd.s32 $0xFFFFE700  }
0x19d: {  	[spmem:s19] =	stream.indirect.scatter.add.f32 [tilespmem:s13], [sflag:$0x6], $0x10, s9, s6, $0xb8;
	[tilespmem:$0xC140] =	vst v63  }
0x19e: {  	_ = 	snop  }
0x19f: {  	[spmem:s22] =	stream.indirect.scatter.add.f32 [tilespmem:s11], [sflag:$0x6], $0x10, s9, s6, $0xb8;
	[tilespmem:$0xC140] =	vst v63  }
0x1a0: {  	_ =	swait.ge [sflag:s5], $0x190  }
0x1a1: {  	[sflag:s5] =	ssyncset.done $0x0  }
0x1a2: {  	[sflag:s5] =	ssyncadd.s32 $0xFFFFFE70  }
0x1a3: {  	_ =	swait.ge [sflag:s5], $0x190  }
0x1a4: {  	[sflag:s5] =	ssyncset.done $0x0  }
0x1a5: {  	[sflag:s5] =	ssyncadd.s32 $0xFFFFFE70  }
0x1a6: {  	[tilespmem:s7], [sflag:$0x2] =	stream.indirect.gather [hbm4b:s18+s6], $0x10, s1, s6, $0xb8;
	[tilespmem:$0xC140] =	vst v63  }
0x1a7: {  	_ =	swait.ge [sflag:s16], $0x1900  }
0x1a8: {  	[sflag:s16] =	ssyncset.done $0x0  }
0x1a9: {  	[sflag:s16] =	ssyncadd.s32 $0xFFFFE700  }
0x1aa: {  	_ =	swait.ge [sflag:s16], $0x1900  }
0x1ab: {  	s23 =	sld [smem:$0x7E9]  }
0x1ac: {  	[sflag:s16] =	ssyncset.done $0x0  }
0x1ad: {  	[sflag:s16] =	ssyncadd.s32 $0xFFFFE700  }
0x1ae: {  	[tilespmem:s8], [sflag:$0x4] =	stream.linear.gather [hbm4b:s23+s1], $0x190, $0x38;
	[tilespmem:$0xC140] =	vst v63  }
0x1af: {  	s23 =	sld [smem:$0x7EA];
	_ =	sdelay $0x2  }
0x1b0: {  	[tilespmem:s9], [sflag:$0x4] =	stream.linear.gather [hbm4b:s23+s1], $0x190, $0x38;
	[tilespmem:$0xC140] =	vst v63  }
0x1b1: {  	_ =	swait.ge [sflag:s10], $0x1900  }
0x1b2: {  	[sflag:s10] =	ssyncset.done $0x0  }
0x1b3: {  	[sflag:s10] =	ssyncadd.s32 $0xFFFFE700  }
0x1b4: {  	[spmem:s19] =	stream.indirect.scatter.add.f32 [tilespmem:s7], [sflag:$0x3], $0x10, s6, s6, $0xb8;
	[tilespmem:$0xC140] =	vst v63  }
0x1b5: {  	_ = 	snop  }
0x1b6: {  	[spmem:s22] =	stream.indirect.scatter.add.f32 [tilespmem:s11], [sflag:$0x3], $0x10, s6, s6, $0xb8;
	[tilespmem:$0xC140] =	vst v63  }
0x1b7: {  	_ =	swait.ge [sflag:s12], $0x190  }
0x1b8: {  	[sflag:s12] =	ssyncset.done $0x0  }
0x1b9: {  	[sflag:s12] =	ssyncadd.s32 $0xFFFFFE70  }
0x1ba: {  	_ =	swait.ge [sflag:s12], $0x190  }
0x1bb: {  	[sflag:s12] =	ssyncset.done $0x0  }
0x1bc: {  	[sflag:s12] =	ssyncadd.s32 $0xFFFFFE70  }
0x1bd: {  	[tilespmem:s13], [sflag:$0x5] =	stream.indirect.gather [hbm4b:s18+s6], $0x10, s8, s6, $0xb8;
	[tilespmem:$0xC140] =	vst v63  }
0x1be: {  	_ =	swait.ge [sflag:s14], $0x1900  }
0x1bf: {  	[sflag:s14] =	ssyncset.done $0x0  }
0x1c0: {  	[sflag:s14] =	ssyncadd.s32 $0xFFFFE700  }
0x1c1: {  	_ =	swait.ge [sflag:s14], $0x1900  }
0x1c2: {  	s23 =	sld [smem:$0x7EB]  }
0x1c3: {  	[sflag:s14] =	ssyncset.done $0x0  }
0x1c4: {  	[sflag:s14] =	ssyncadd.s32 $0xFFFFE700  }
0x1c5: {  	[tilespmem:s1], [sflag:$0x1] =	stream.linear.gather [hbm4b:s23+s1], $0x190, $0x38;
	[tilespmem:$0xC140] =	vst v63  }
0x1c6: {  	s23 =	sld [smem:$0x7EC];
	_ =	sdelay $0x2  }
0x1c7: {  	[tilespmem:s6], [sflag:$0x1] =	stream.linear.gather [hbm4b:s23+s1], $0x190, $0x38;
	[tilespmem:$0xC140] =	vst v63  }
0x1c8: {  	_ =	swait.ge [sflag:s15], $0x1900  }
0x1c9: {  	[sflag:s15] =	ssyncset.done $0x0  }
0x1ca: {  	[sflag:s15] =	ssyncadd.s32 $0xFFFFE700  }
0x1cb: {  	[spmem:s19] =	stream.indirect.scatter.add.f32 [tilespmem:s13], [sflag:$0x6], $0x10, s9, s6, $0xb8;
	[tilespmem:$0xC140] =	vst v63  }
0x1cc: {  	_ = 	snop  }
0x1cd: {  	[spmem:s22] =	stream.indirect.scatter.add.f32 [tilespmem:s11], [sflag:$0x6], $0x10, s9, s6, $0xb8;
	[tilespmem:$0xC140] =	vst v63  }
0x1ce: {  	_ =	swait.ge [sflag:s5], $0x190  }
0x1cf: {  	[sflag:s5] =	ssyncset.done $0x0  }
0x1d0: {  	[sflag:s5] =	ssyncadd.s32 $0xFFFFFE70  }
0x1d1: {  	_ =	swait.ge [sflag:s5], $0x190  }
0x1d2: {  	[sflag:s5] =	ssyncset.done $0x0  }
0x1d3: {  	[sflag:s5] =	ssyncadd.s32 $0xFFFFFE70  }
0x1d4: {  	[tilespmem:s7], [sflag:$0x2] =	stream.indirect.gather [hbm4b:s18+s6], $0x10, s1, s6, $0xb8;
	[tilespmem:$0xC140] =	vst v63  }
0x1d5: {  	_ =	swait.ge [sflag:s16], $0x1900  }
0x1d6: {  	[sflag:s16] =	ssyncset.done $0x0  }
0x1d7: {  	[sflag:s16] =	ssyncadd.s32 $0xFFFFE700  }
0x1d8: {  	_ =	swait.ge [sflag:s16], $0x1900  }
0x1d9: {  	s23 =	sld [smem:$0x7ED]  }
0x1da: {  	[sflag:s16] =	ssyncset.done $0x0  }
0x1db: {  	[sflag:s16] =	ssyncadd.s32 $0xFFFFE700  }
0x1dc: {  	[tilespmem:s8], [sflag:$0x4] =	stream.linear.gather [hbm4b:s23+s1], $0x190, $0x38;
	[tilespmem:$0xC140] =	vst v63  }
0x1dd: {  	s23 =	sld [smem:$0x7EE];
	_ =	sdelay $0x2  }
0x1de: {  	[tilespmem:s9], [sflag:$0x4] =	stream.linear.gather [hbm4b:s23+s1], $0x190, $0x38;
	[tilespmem:$0xC140] =	vst v63  }
0x1df: {  	_ =	swait.ge [sflag:s10], $0x1900  }
0x1e0: {  	[sflag:s10] =	ssyncset.done $0x0  }
0x1e1: {  	[sflag:s10] =	ssyncadd.s32 $0xFFFFE700  }
0x1e2: {  	[spmem:s19] =	stream.indirect.scatter.add.f32 [tilespmem:s7], [sflag:$0x3], $0x10, s6, s6, $0xb8;
	[tilespmem:$0xC140] =	vst v63  }
0x1e3: {  	_ = 	snop  }
0x1e4: {  	[spmem:s22] =	stream.indirect.scatter.add.f32 [tilespmem:s11], [sflag:$0x3], $0x10, s6, s6, $0xb8;
	[tilespmem:$0xC140] =	vst v63  }
0x1e5: {  	_ =	swait.ge [sflag:s12], $0x190  }
0x1e6: {  	[sflag:s12] =	ssyncset.done $0x0  }
0x1e7: {  	[sflag:s12] =	ssyncadd.s32 $0xFFFFFE70  }
0x1e8: {  	_ =	swait.ge [sflag:s12], $0x190  }
0x1e9: {  	[sflag:s12] =	ssyncset.done $0x0  }
0x1ea: {  	[sflag:s12] =	ssyncadd.s32 $0xFFFFFE70  }
0x1eb: {  	[tilespmem:s13], [sflag:$0x5] =	stream.indirect.gather [hbm4b:s18+s6], $0x10, s8, s6, $0xb8;
	[tilespmem:$0xC140] =	vst v63  }
0x1ec: {  	_ =	swait.ge [sflag:s14], $0x1900  }
0x1ed: {  	[sflag:s14] =	ssyncset.done $0x0  }
0x1ee: {  	[sflag:s14] =	ssyncadd.s32 $0xFFFFE700  }
0x1ef: {  	_ =	swait.ge [sflag:s14], $0x1900  }
0x1f0: {  	s23 =	sld [smem:$0x7EF]  }
0x1f1: {  	[sflag:s14] =	ssyncset.done $0x0  }
0x1f2: {  	[sflag:s14] =	ssyncadd.s32 $0xFFFFE700  }
0x1f3: {  	[tilespmem:s1], [sflag:$0x1] =	stream.linear.gather [hbm4b:s23+s1], $0x190, $0x38;
	[tilespmem:$0xC140] =	vst v63  }
0x1f4: {  	s23 =	sld [smem:$0x7F0];
	_ =	sdelay $0x2  }
0x1f5: {  	[tilespmem:s6], [sflag:$0x1] =	stream.linear.gather [hbm4b:s23+s1], $0x190, $0x38;
	[tilespmem:$0xC140] =	vst v63  }
0x1f6: {  	_ =	swait.ge [sflag:s15], $0x1900  }
0x1f7: {  	[sflag:s15] =	ssyncset.done $0x0  }
0x1f8: {  	[sflag:s15] =	ssyncadd.s32 $0xFFFFE700  }
0x1f9: {  	[spmem:s19] =	stream.indirect.scatter.add.f32 [tilespmem:s13], [sflag:$0x6], $0x10, s9, s6, $0xb8;
	[tilespmem:$0xC140] =	vst v63  }
0x1fa: {  	_ = 	snop  }
0x1fb: {  	[spmem:s22] =	stream.indirect.scatter.add.f32 [tilespmem:s11], [sflag:$0x6], $0x10, s9, s6, $0xb8;
	[tilespmem:$0xC140] =	vst v63  }
0x1fc: {  	_ =	swait.ge [sflag:s5], $0x190  }
0x1fd: {  	[sflag:s5] =	ssyncset.done $0x0  }
0x1fe: {  	[sflag:s5] =	ssyncadd.s32 $0xFFFFFE70  }
0x1ff: {  	_ =	swait.ge [sflag:s5], $0x190  }
0x200: {  	[sflag:s5] =	ssyncset.done $0x0  }
0x201: {  	[sflag:s5] =	ssyncadd.s32 $0xFFFFFE70  }
0x202: {  	[tilespmem:s7], [sflag:$0x2] =	stream.indirect.gather [hbm4b:s18+s6], $0x10, s1, s6, $0xb8;
	[tilespmem:$0xC140] =	vst v63  }
0x203: {  	_ =	swait.ge [sflag:s16], $0x1900  }
0x204: {  	[sflag:s16] =	ssyncset.done $0x0  }
0x205: {  	[sflag:s16] =	ssyncadd.s32 $0xFFFFE700  }
0x206: {  	_ =	swait.ge [sflag:s16], $0x1900  }
0x207: {  	s23 =	sld [smem:$0x7F1]  }
0x208: {  	[sflag:s16] =	ssyncset.done $0x0  }
0x209: {  	[sflag:s16] =	ssyncadd.s32 $0xFFFFE700  }
0x20a: {  	[tilespmem:s8], [sflag:$0x4] =	stream.linear.gather [hbm4b:s23+s1], $0x190, $0x38;
	[tilespmem:$0xC140] =	vst v63  }
0x20b: {  	s23 =	sld [smem:$0x7F2];
	_ =	sdelay $0x2  }
0x20c: {  	[tilespmem:s9], [sflag:$0x4] =	stream.linear.gather [hbm4b:s23+s1], $0x190, $0x38;
	[tilespmem:$0xC140] =	vst v63  }
0x20d: {  	_ =	swait.ge [sflag:s10], $0x1900  }
0x20e: {  	[sflag:s10] =	ssyncset.done $0x0  }
0x20f: {  	[sflag:s10] =	ssyncadd.s32 $0xFFFFE700  }
0x210: {  	[spmem:s19] =	stream.indirect.scatter.add.f32 [tilespmem:s7], [sflag:$0x3], $0x10, s6, s6, $0xb8;
	[tilespmem:$0xC140] =	vst v63  }
0x211: {  	_ = 	snop  }
0x212: {  	[spmem:s22] =	stream.indirect.scatter.add.f32 [tilespmem:s11], [sflag:$0x3], $0x10, s6, s6, $0xb8;
	[tilespmem:$0xC140] =	vst v63  }
0x213: {  	_ =	swait.ge [sflag:s12], $0x190  }
0x214: {  	[sflag:s12] =	ssyncset.done $0x0  }
0x215: {  	[sflag:s12] =	ssyncadd.s32 $0xFFFFFE70  }
0x216: {  	_ =	swait.ge [sflag:s12], $0x190  }
0x217: {  	[sflag:s12] =	ssyncset.done $0x0  }
0x218: {  	[sflag:s12] =	ssyncadd.s32 $0xFFFFFE70  }
0x219: {  	[tilespmem:s13], [sflag:$0x5] =	stream.indirect.gather [hbm4b:s18+s6], $0x10, s8, s6, $0xb8;
	[tilespmem:$0xC140] =	vst v63  }
0x21a: {  	_ =	swait.ge [sflag:s14], $0x1900  }
0x21b: {  	[sflag:s14] =	ssyncset.done $0x0  }
0x21c: {  	[sflag:s14] =	ssyncadd.s32 $0xFFFFE700  }
0x21d: {  	_ =	swait.ge [sflag:s14], $0x1900  }
0x21e: {  	s23 =	sld [smem:$0x7F3]  }
0x21f: {  	[sflag:s14] =	ssyncset.done $0x0  }
0x220: {  	[sflag:s14] =	ssyncadd.s32 $0xFFFFE700  }
0x221: {  	[tilespmem:s1], [sflag:$0x1] =	stream.linear.gather [hbm4b:s23+s1], $0x190, $0x38;
	[tilespmem:$0xC140] =	vst v63  }
0x222: {  	s23 =	sld [smem:$0x7F4];
	_ =	sdelay $0x2  }
0x223: {  	[tilespmem:s6], [sflag:$0x1] =	stream.linear.gather [hbm4b:s23+s1], $0x190, $0x38;
	[tilespmem:$0xC140] =	vst v63  }
0x224: {  	_ =	swait.ge [sflag:s15], $0x1900  }
0x225: {  	[sflag:s15] =	ssyncset.done $0x0  }
0x226: {  	[sflag:s15] =	ssyncadd.s32 $0xFFFFE700  }
0x227: {  	[spmem:s19] =	stream.indirect.scatter.add.f32 [tilespmem:s13], [sflag:$0x6], $0x10, s9, s6, $0xb8;
	[tilespmem:$0xC140] =	vst v63  }
0x228: {  	_ = 	snop  }
0x229: {  	[spmem:s22] =	stream.indirect.scatter.add.f32 [tilespmem:s11], [sflag:$0x6], $0x10, s9, s6, $0xb8;
	[tilespmem:$0xC140] =	vst v63  }
0x22a: {  	_ =	swait.ge [sflag:s5], $0x190  }
0x22b: {  	[sflag:s5] =	ssyncset.done $0x0  }
0x22c: {  	[sflag:s5] =	ssyncadd.s32 $0xFFFFFE70  }
0x22d: {  	_ =	swait.ge [sflag:s5], $0x190  }
0x22e: {  	[sflag:s5] =	ssyncset.done $0x0  }
0x22f: {  	[sflag:s5] =	ssyncadd.s32 $0xFFFFFE70  }
0x230: {  	[tilespmem:s7], [sflag:$0x2] =	stream.indirect.gather [hbm4b:s18+s6], $0x10, s1, s6, $0xb8;
	[tilespmem:$0xC140] =	vst v63  }
0x231: {  	_ =	swait.ge [sflag:s16], $0x1900  }
0x232: {  	[sflag:s16] =	ssyncset.done $0x0  }
0x233: {  	[sflag:s16] =	ssyncadd.s32 $0xFFFFE700  }
0x234: {  	_ =	swait.ge [sflag:s16], $0x1900  }
0x235: {  	s23 =	sld [smem:$0x7F5]  }
0x236: {  	[sflag:s16] =	ssyncset.done $0x0  }
0x237: {  	[sflag:s16] =	ssyncadd.s32 $0xFFFFE700  }
0x238: {  	[tilespmem:s8], [sflag:$0x4] =	stream.linear.gather [hbm4b:s23+s1], $0x190, $0x38;
	[tilespmem:$0xC140] =	vst v63  }
0x239: {  	s23 =	sld [smem:$0x7F6];
	_ =	sdelay $0x2  }
0x23a: {  	[tilespmem:s9], [sflag:$0x4] =	stream.linear.gather [hbm4b:s23+s1], $0x190, $0x38;
	[tilespmem:$0xC140] =	vst v63  }
0x23b: {  	_ =	swait.ge [sflag:s10], $0x1900  }
0x23c: {  	[sflag:s10] =	ssyncset.done $0x0  }
0x23d: {  	[sflag:s10] =	ssyncadd.s32 $0xFFFFE700  }
0x23e: {  	[spmem:s19] =	stream.indirect.scatter.add.f32 [tilespmem:s7], [sflag:$0x3], $0x10, s6, s6, $0xb8;
	[tilespmem:$0xC140] =	vst v63  }
0x23f: {  	_ = 	snop  }
0x240: {  	[spmem:s22] =	stream.indirect.scatter.add.f32 [tilespmem:s11], [sflag:$0x3], $0x10, s6, s6, $0xb8;
	[tilespmem:$0xC140] =	vst v63  }
0x241: {  	_ =	swait.ge [sflag:s12], $0x190  }
0x242: {  	[sflag:s12] =	ssyncset.done $0x0  }
0x243: {  	[sflag:s12] =	ssyncadd.s32 $0xFFFFFE70  }
0x244: {  	_ =	swait.ge [sflag:s12], $0x190  }
0x245: {  	[sflag:s12] =	ssyncset.done $0x0  }
0x246: {  	[sflag:s12] =	ssyncadd.s32 $0xFFFFFE70  }
0x247: {  	[tilespmem:s13], [sflag:$0x5] =	stream.indirect.gather [hbm4b:s18+s6], $0x10, s8, s6, $0xb8;
	[tilespmem:$0xC140] =	vst v63  }
0x248: {  	_ =	swait.ge [sflag:s14], $0x1900  }
0x249: {  	[sflag:s14] =	ssyncset.done $0x0  }
0x24a: {  	[sflag:s14] =	ssyncadd.s32 $0xFFFFE700  }
0x24b: {  	_ =	swait.ge [sflag:s14], $0x1900  }
0x24c: {  	s23 =	sld [smem:$0x7F7]  }
0x24d: {  	[sflag:s14] =	ssyncset.done $0x0  }
0x24e: {  	[sflag:s14] =	ssyncadd.s32 $0xFFFFE700  }
0x24f: {  	[tilespmem:s1], [sflag:$0x1] =	stream.linear.gather [hbm4b:s23+s1], $0x190, $0x38;
	[tilespmem:$0xC140] =	vst v63  }
0x250: {  	s23 =	sld [smem:$0x7F8];
	_ =	sdelay $0x2  }
0x251: {  	[tilespmem:s6], [sflag:$0x1] =	stream.linear.gather [hbm4b:s23+s1], $0x190, $0x38;
	[tilespmem:$0xC140] =	vst v63  }
0x252: {  	_ =	swait.ge [sflag:s15], $0x1900  }
0x253: {  	[sflag:s15] =	ssyncset.done $0x0  }
0x254: {  	[sflag:s15] =	ssyncadd.s32 $0xFFFFE700  }
0x255: {  	[spmem:s19] =	stream.indirect.scatter.add.f32 [tilespmem:s13], [sflag:$0x6], $0x10, s9, s6, $0xb8;
	[tilespmem:$0xC140] =	vst v63  }
0x256: {  	_ = 	snop  }
0x257: {  	[spmem:s22] =	stream.indirect.scatter.add.f32 [tilespmem:s11], [sflag:$0x6], $0x10, s9, s6, $0xb8;
	[tilespmem:$0xC140] =	vst v63  }
0x258: {  	_ =	swait.ge [sflag:s5], $0x190  }
0x259: {  	[sflag:s5] =	ssyncset.done $0x0  }
0x25a: {  	[sflag:s5] =	ssyncadd.s32 $0xFFFFFE70  }
0x25b: {  	_ =	swait.ge [sflag:s5], $0x190  }
0x25c: {  	[sflag:s5] =	ssyncset.done $0x0  }
0x25d: {  	[sflag:s5] =	ssyncadd.s32 $0xFFFFFE70  }
0x25e: {  	[tilespmem:s7], [sflag:$0x2] =	stream.indirect.gather [hbm4b:s18+s6], $0x10, s1, s6, $0xb8;
	[tilespmem:$0xC140] =	vst v63  }
0x25f: {  	_ =	swait.ge [sflag:s16], $0x1900  }
0x260: {  	[sflag:s16] =	ssyncset.done $0x0  }
0x261: {  	[sflag:s16] =	ssyncadd.s32 $0xFFFFE700  }
0x262: {  	_ =	swait.ge [sflag:s16], $0x1900  }
0x263: {  	s23 =	sld [smem:$0x7F9]  }
0x264: {  	[sflag:s16] =	ssyncset.done $0x0  }
0x265: {  	[sflag:s16] =	ssyncadd.s32 $0xFFFFE700  }
0x266: {  	[tilespmem:s8], [sflag:$0x4] =	stream.linear.gather [hbm4b:s23+s1], $0x190, $0x38;
	[tilespmem:$0xC140] =	vst v63  }
0x267: {  	s23 =	sld [smem:$0x7FA];
	_ =	sdelay $0x2  }
0x268: {  	[tilespmem:s9], [sflag:$0x4] =	stream.linear.gather [hbm4b:s23+s1], $0x190, $0x38;
	[tilespmem:$0xC140] =	vst v63  }
0x269: {  	_ =	swait.ge [sflag:s10], $0x1900  }
0x26a: {  	[sflag:s10] =	ssyncset.done $0x0  }
0x26b: {  	[sflag:s10] =	ssyncadd.s32 $0xFFFFE700  }
0x26c: {  	[spmem:s19] =	stream.indirect.scatter.add.f32 [tilespmem:s7], [sflag:$0x3], $0x10, s6, s6, $0xb8;
	[tilespmem:$0xC140] =	vst v63  }
0x26d: {  	_ = 	snop  }
0x26e: {  	[spmem:s22] =	stream.indirect.scatter.add.f32 [tilespmem:s11], [sflag:$0x3], $0x10, s6, s6, $0xb8;
	[tilespmem:$0xC140] =	vst v63  }
0x26f: {  	_ =	swait.ge [sflag:s12], $0x190  }
0x270: {  	[sflag:s12] =	ssyncset.done $0x0  }
0x271: {  	[sflag:s12] =	ssyncadd.s32 $0xFFFFFE70  }
0x272: {  	_ =	swait.ge [sflag:s12], $0x190  }
0x273: {  	[sflag:s12] =	ssyncset.done $0x0  }
0x274: {  	[sflag:s12] =	ssyncadd.s32 $0xFFFFFE70  }
0x275: {  	[tilespmem:s13], [sflag:$0x5] =	stream.indirect.gather [hbm4b:s18+s6], $0x10, s8, s6, $0xb8;
	[tilespmem:$0xC140] =	vst v63  }
0x276: {  	_ =	swait.ge [sflag:s14], $0x1900  }
0x277: {  	[sflag:s14] =	ssyncset.done $0x0  }
0x278: {  	[sflag:s14] =	ssyncadd.s32 $0xFFFFE700  }
0x279: {  	_ =	swait.ge [sflag:s14], $0x1900  }
0x27a: {  	s23 =	sld [smem:$0x7FD]  }
0x27b: {  	[sflag:s14] =	ssyncset.done $0x0  }
0x27c: {  	[sflag:s14] =	ssyncadd.s32 $0xFFFFE700  }
0x27d: {  	[tilespmem:s1], [sflag:$0x1] =	stream.linear.gather [hbm4b:s23+s1], $0x190, $0x38;
	[tilespmem:$0xC140] =	vst v63  }
0x27e: {  	_ = 	snop  }
0x27f: {  	[tilespmem:s6], [sflag:$0x1] =	stream.linear.gather [hbm4b:s24+s1], $0x190, $0x38;
	[tilespmem:$0xC140] =	vst v63  }
0x280: {  	_ =	swait.ge [sflag:s15], $0x1900  }
0x281: {  	[sflag:s15] =	ssyncset.done $0x0  }
0x282: {  	[sflag:s15] =	ssyncadd.s32 $0xFFFFE700  }
0x283: {  	[spmem:s19] =	stream.indirect.scatter.add.f32 [tilespmem:s13], [sflag:$0x6], $0x10, s9, s6, $0xb8;
	[tilespmem:$0xC140] =	vst v63  }
0x284: {  	_ = 	snop  }
0x285: {  	[spmem:s22] =	stream.indirect.scatter.add.f32 [tilespmem:s11], [sflag:$0x6], $0x10, s9, s6, $0xb8;
	[tilespmem:$0xC140] =	vst v63  }
0x286: {  	_ =	swait.ge [sflag:s5], $0x190  }
0x287: {  	[sflag:s5] =	ssyncset.done $0x0  }
0x288: {  	[sflag:s5] =	ssyncadd.s32 $0xFFFFFE70  }
0x289: {  	_ =	swait.ge [sflag:s5], $0x190  }
0x28a: {  	[sflag:s5] =	ssyncset.done $0x0  }
0x28b: {  	[sflag:s5] =	ssyncadd.s32 $0xFFFFFE70  }
0x28c: {  	[tilespmem:s7], [sflag:$0x2] =	stream.indirect.gather [hbm4b:s18+s6], $0x10, s1, s6, $0xb8;
	[tilespmem:$0xC140] =	vst v63  }
0x28d: {  	_ =	swait.ge [sflag:s16], $0x1900  }
0x28e: {  	[sflag:s16] =	ssyncset.done $0x0  }
0x28f: {  	[sflag:s16] =	ssyncadd.s32 $0xFFFFE700  }
0x290: {  	_ =	swait.ge [sflag:s16], $0x1900  }
0x291: {  	[sflag:s16] =	ssyncset.done $0x0  }
0x292: {  	[sflag:s16] =	ssyncadd.s32 $0xFFFFE700  }
0x293: {  	_ =	swait.ge [sflag:s10], $0x1900  }
0x294: {  	[sflag:s10] =	ssyncset.done $0x0  }
0x295: {  	[sflag:s10] =	ssyncadd.s32 $0xFFFFE700  }
0x296: {  	[spmem:s19] =	stream.indirect.scatter.add.f32 [tilespmem:s7], [sflag:$0x3], $0x10, s6, s6, $0xb8;
	[tilespmem:$0xC140] =	vst v63  }
0x297: {  	_ = 	snop  }
0x298: {  	[spmem:s22] =	stream.indirect.scatter.add.f32 [tilespmem:s11], [sflag:$0x3], $0x10, s6, s6, $0xb8;
	[tilespmem:$0xC140] =	vst v63  }
0x299: {  	_ =	swait.ge [sflag:s14], $0x1900  }
0x29a: {  	[sflag:s14] =	ssyncset.done $0x0  }
0x29b: {  	[sflag:s14] =	ssyncadd.s32 $0xFFFFE700  }
0x29c: {  	_ =	swait.ge [sflag:s14], $0x1900  }
0x29d: {  	s23 =	stileid.u32;
	[sflag:s14] =	ssyncset.done $0x0  }
0x29e: {  	s21 =	sshll.u32 s23, $0x6;
	[sflag:s14] =	ssyncadd.s32 $0xFFFFE700  }
0x29f: {  	s23 =	sshrl.u32 s25, $0x3;
	s21 =	sor.u32 $0x1C07, s21;
	[bflag:$0x0] =	sbarrier.arrive $0xFFFF  }
0x2a0: {  	[hbm:s0], [sflag:s21] =	dma.local [spmem:s23], $0x600  }
0x2a1: {  	s20 =	sadd.s32 $0x1, s20;
	_ =	swait.ge [sflag:s17], $0x600  }
0x2a2: {  	p0 =	sne.s32 s20, s3;
	[sflag:s17] =	ssyncset.done $0x0  }
.Ltmp2:
0x2a3: {  	s23 =	sshrl.u32 s26, $0x3;
	[sflag:s17] =	ssyncadd.s32 $0xFFFFFA00;
	(pc) =	sbr.rel @p0 .LBB2_1-.Ltmp2, $4  }
0x2a4: {  	[hbm:s2], [sflag:s21] =	dma.local [spmem:s23], $0x600  }
0x2a5: {  	_ =	swait.ge [sflag:s17], $0x600  }
0x2a6: {  	[sflag:s17] =	ssyncset.done $0x0  }
0x2a7: {  	[sflag:s17] =	ssyncadd.s32 $0xFFFFFA00  }
0x2a8: {  	_ =	sfence.sel $0x180000  }
0x2a9: {  	[bflag:$0x0] =	sbarrier.arrive $0xFFFF  }
0x2aa: {  	_ =	strace $0x90000047  }
0x2ab: {  	s0 =	stileid.u32;
	[bflag:$0x2] =	sbarrier.arrive $0xFFFF  }
0x2ac: {  	p0 =	sne.s32 s0, $0x0;
	s0 =	rddreg [dreg:$0x4]  }
0x2ad: {  	s0 =	sadd.s32 @!p0 $0x100000, s0  }
0x2ae: {  	[sflag:s0] =	ssyncadd.tile.s32 @!p0 $0x1;
	_ =	shalt  }
.Lfunc_end2:
_tile_overlayer_lowered:
.L_overlay_start_2:
0x2af: {  	(tag) =	ssettag $0x2  }
0x2b0: {  	s0 =	rddreg [dreg:$0x0];
	s2 =	stileid.u32  }
0x2b1: {  	s1 =	rddreg [dreg:$0x1];
	p0 =	sne.s32 s2, $0x0  }
0x2b2: {  	s3 =	rddreg [dreg:$0x2];
	[bflag:$0x3] =	sbarrier.arrive $0xFFFF;
	s2 =	simm.s32 @!p0 $0x1C07  }
0x2b3: {  	[timem:s3], [sflag:s2] =	dma.local @!p0 [hbm:s0], s1  }
0x2b4: {  	s0 =	simm.s32 @!p0 $0x7  }
0x2b5: {  	_ =	swait.ge @!p0 [sflag:s0], s1  }
0x2b6: {  	s1 =	ssub.s32 @!p0 $0x0, s1;
	[sflag:s0] =	ssyncset.done @!p0 $0x0  }
0x2b7: {  	[sflag:s0] =	ssyncadd.s32 @!p0 s1  }
0x2b8: {  	[bflag:$0x3] =	sbarrier.arrive $0xFFFF  }
0x2b9: {  	_ =	shalt  }

// kernel: kernel.9.cloned.1.call-start
scs
__scs_entry_jumppad:
0x0: {  	(pc) =	sbr.rel $0x88, $3  }
0x1: {  	(tag) =	ssettag $0x0;
	lr =	simm.s32 $0x1  }
0x2: {  	[smem:$0x3F97] =	sst lr;
	_ =	strace $0xD0000000  }
0x3: {  	_ = 	snop  }
0x4: {  	_ = 	snop  }
0x5: {  	_ = 	snop  }
0x6: {  	_ = 	snop  }
0x7: {  	_ = 	snop  }
__scs_overlays_trampoline_lowered:
0x8: {  	[smem:$0x3FA6] =	sst s0  }
0x9: {  	[smem:$0x3FA7] =	sst s1  }
0xa: {  	[smem:$0x3FA8] =	sst s2  }
0xb: {  	[smem:$0x3FA9] =	sst s3  }
0xc: {  	[smem:$0x3FAA] =	sst s4  }
0xd: {  	[smem:$0x3FAB] =	sst s5  }
0xe: {  	[smem:$0x3FAC] =	sst s6  }
0xf: {  	[smem:$0x3FAD] =	sst s7  }
0x10: {  	[smem:$0x3FAE] =	sst s8  }
0x11: {  	[smem:$0x3FAF] =	sst s9;
	s0 =	simm.s32 @!p0 $0x0  }
0x12: {  	s1 =	sld [smem:$0x3F95];
	s0 =	simm.s32 @p0 $0x1  }
0x13: {  	[smem:$0x3FB0] =	sst s0;
	s0 =	simm.s32 @!p1 $0x0  }
0x14: {  	s2 =	sld [smem:$0x3F94];
	s0 =	simm.s32 @p1 $0x1  }
0x15: {  	[smem:$0x3FB1] =	sst s0;
	s0 =	simm.s32 @!p2 $0x0  }
0x16: {  	s3 =	sld [smem:$0x3FDB];
	s0 =	simm.s32 @p2 $0x1  }
0x17: {  	s4 =	simm.s32 $0x1BF5;
	[smem:$0x3FB3] =	sst s0  }
0x18: {  	s0 =	sld [smem:$0x3F96];
	_ =	swait.ge [sflag:s4], $0x0  }
0x19: {  	s7 =	sld [smem:$0x3F97]  }
0x1a: {  	s8 =	sadd.s32 $0xFFFFE003, lr  }
0x1b: {  	s9 =	sadd.s32 $0xFFFFFEF7, lr;
	s5 =	simm.s32 $0xFFFFFFFF;
	p2 =	slt.u32 s8, $0xFFFFF086  }
0x1c: {  	p1 =	slt.u32 s9, $0xF7A;
	s5 =	simm.s32 @!p2 $0x0  }
0x1d: {  	s5 =	simm.s32 @p1 $0x1;
	p0 =	seq.s32 s7, s2  }
0x1e: {  	s7 =	smul.u32 @!p0 $0xF7A, s2;
	p2 =	seq.s32 @!p0 s5, $0x0  }
0x1f: {  	s9 =	smul.u32 $0xF7A, s1;
	s8 =	simm.s32 @!p0 $0x1BF5;
	p2 =	por !p2, p0  }
0x20: {  	[sflag:s8] =	ssyncset.s32 @!p0 $0xFFFFF086;
	s6 =	sadd.s32 @!p0 s3, s7;
	s7 =	simm.s32 @!p0 $0x108  }
0x21: {  	s3 =	sadd.s32 s3, s9;
	s6 =	sadd.s32 @!p0 $0x88, s6;
	s7 =	simm.s32 @p2 $0x1082  }
0x22: {  	[simem:s7], [sflag:s8] =	dma.local @!p0 [hbm:s6], $0xF7A  }
0x23: {  	s9 =	sor.u32 $0xD0000000, s2;
	s6 =	simm.s32 $0x108;
	_ =	swait.ge @!p0 [sflag:s8], $0x0  }
0x24: {  	s3 =	sadd.s32 $0x88, s3;
	s6 =	simm.s32 @!p1 $0x1082;
	[sflag:s4] =	ssyncset.s32 $0xFFFFF086  }
0x25: {  	[simem:s6], [sflag:s4] =	dma.local [hbm:s3], $0xF7A  }
0x26: {  	[smem:$0x3F97] =	sst s1;
	(tag) =	ssettag s2;
	_ =	strace s9  }
0x27: {  	s1 =	sld [smem:$0x3FA7]  }
0x28: {  	s2 =	sld [smem:$0x3FA8]  }
0x29: {  	s4 =	sld [smem:$0x3FAA]  }
0x2a: {  	p0 =	seq.s32 s5, $0x0;
	s5 =	sld [smem:$0x3FAB]  }
0x2b: {  	s6 =	sld [smem:$0x3FAC]  }
0x2c: {  	s7 =	sld [smem:$0x3FAD]  }
0x2d: {  	s3 =	simm.s32 $0x108;
	s8 =	sld [smem:$0x3FAE]  }
0x2e: {  	s3 =	simm.s32 @!p0 $0x1082;
	s9 =	sld [smem:$0x3FAF]  }
0x2f: {  	lr =	sadd.s32 s0, s3;
	s0 =	sld [smem:$0x3FA6]  }
0x30: {  	s3 =	sld [smem:$0x3FA9]  }
0x31: {  	[smem:$0x3FB2] =	sst s10  }
0x32: {  	s10 =	sld [smem:$0x3FB0];
	_ =	sdelay $0x3  }
0x33: {  	p0 =	seq.s32 s10, $0x1;
	s10 =	sld [smem:$0x3FB2];
	_ =	sdelay $0x3  }
0x34: {  	[smem:$0x3FB2] =	sst s10  }
0x35: {  	s10 =	sld [smem:$0x3FB1];
	_ =	sdelay $0x3  }
0x36: {  	p1 =	seq.s32 s10, $0x1;
	s10 =	sld [smem:$0x3FB2];
	_ =	sdelay $0x3  }
0x37: {  	[smem:$0x3FB2] =	sst s10  }
0x38: {  	s10 =	sld [smem:$0x3FB3]  }
0x39: {  	_ = 	snop;
	(pc) =	sbr.ind lr, $3  }
0x3a: {  	_ = 	snop  }
0x3b: {  	_ = 	snop  }
0x3c: {  	p2 =	seq.s32 s10, $0x1;
	s10 =	sld [smem:$0x3FB2]  }
0x3d: {  	_ =	shalt  }
0x3e: {  	_ =	shalt  }
0x3f: {  	_ =	shalt  }
0x40: {  	_ =	shalt  }
0x41: {  	_ =	shalt  }
0x42: {  	_ =	shalt  }
0x43: {  	_ =	shalt  }
0x44: {  	_ =	shalt  }
0x45: {  	_ =	shalt  }
0x46: {  	_ =	shalt  }
0x47: {  	_ =	shalt  }
0x48: {  	_ =	shalt  }
0x49: {  	_ =	shalt  }
0x4a: {  	_ =	shalt  }
0x4b: {  	_ =	shalt  }
0x4c: {  	_ =	shalt  }
0x4d: {  	_ =	shalt  }
0x4e: {  	_ =	shalt  }
0x4f: {  	_ =	shalt  }
0x50: {  	_ =	shalt  }
0x51: {  	_ =	shalt  }
0x52: {  	_ =	shalt  }
0x53: {  	_ =	shalt  }
0x54: {  	_ =	shalt  }
0x55: {  	_ =	shalt  }
0x56: {  	_ =	shalt  }
0x57: {  	_ =	shalt  }
0x58: {  	_ =	shalt  }
0x59: {  	_ =	shalt  }
0x5a: {  	_ =	shalt  }
0x5b: {  	_ =	shalt  }
0x5c: {  	_ =	shalt  }
0x5d: {  	_ =	shalt  }
0x5e: {  	_ =	shalt  }
0x5f: {  	_ =	shalt  }
0x60: {  	_ =	shalt  }
0x61: {  	_ =	shalt  }
0x62: {  	_ =	shalt  }
0x63: {  	_ =	shalt  }
0x64: {  	_ =	shalt  }
0x65: {  	_ =	shalt  }
0x66: {  	_ =	shalt  }
0x67: {  	_ =	shalt  }
0x68: {  	_ =	shalt  }
0x69: {  	_ =	shalt  }
0x6a: {  	_ =	shalt  }
0x6b: {  	_ =	shalt  }
0x6c: {  	_ =	shalt  }
0x6d: {  	_ =	shalt  }
0x6e: {  	_ =	shalt  }
0x6f: {  	_ =	shalt  }
0x70: {  	_ =	shalt  }
0x71: {  	_ =	shalt  }
0x72: {  	_ =	shalt  }
0x73: {  	_ =	shalt  }
0x74: {  	_ =	shalt  }
0x75: {  	_ =	shalt  }
0x76: {  	_ =	shalt  }
0x77: {  	_ =	shalt  }
0x78: {  	_ =	shalt  }
0x79: {  	_ =	shalt  }
0x7a: {  	_ =	shalt  }
0x7b: {  	_ =	shalt  }
0x7c: {  	_ =	shalt  }
0x7d: {  	_ =	shalt  }
0x7e: {  	_ =	shalt  }
0x7f: {  	_ =	shalt  }
0x80: {  	_ =	shalt  }
0x81: {  	_ =	shalt  }
0x82: {  	_ =	shalt  }
0x83: {  	_ =	shalt  }
0x84: {  	_ =	shalt  }
0x85: {  	_ =	shalt  }
0x86: {  	_ =	shalt  }
0x87: {  	_ =	shalt  }
.Lfunc_end0:
.L_simem_size_0:
called_computation.1_lowered:
.L_overlay_start_0:
0x88: {  	s2 =	sld [smem:$0x3FD9]  }
0x89: {  	s3 =	sld [smem:$0x3FFE];
	_ =	sdelay $0x1  }
0x8a: {  	s1 =	srdreg.scid  }
0x8b: {  	s0 =	sand.u32 $0x1, s1  }
0x8c: {  	s17 =	sshll.u32 s0, $0xA;
	s2 =	sadd.s32 s3, s2  }
0x8d: {  	s2 =	sadd.s32 s2, s17  }
0x8e: {  	[smem:$0x3FBE] =	sst s2  }
0x8f: {  	_ = 	snop  }
0x90: {  	(tm) =	ssettm $0x1  }
0x91: {  	s18 =	sld [smem:$0x3FFB];
	_ =	sdelay $0x3  }
0x92: {  	_ =	strace s18  }
0x93: {  	s2 =	sld [smem:$0x3FFC];
	_ =	sdelay $0x3  }
0x94: {  	_ =	strace s2  }
0x95: {  	s2 =	sld [smem:$0x3FFD];
	_ =	sdelay $0x3  }
0x96: {  	_ =	strace s2  }
0x97: {  	_ =	strace $0x8FFFFFFF  }
0x98: {  	s19 =	sld [smem:$0x3FDB];
	_ =	sdelay $0x1  }
0x99: {  	s20 =	simm.s32 $_scs_section_size  }
0x9a: {  	s4 =	simm.s32 $_size__tile_overlayer_lowered;
	s5 =	simm.s32 $_tile_overlayer_lowered  }
0x9b: {  	s6 =	simm.s32 $0x1BFF;
	s21 =	sshll.u32 s5, $0x1;
	s3 =	sadd.s32 s20, s19  }
0x9c: {  	s22 =	simm.s32 $0x0;
	s4 =	sshll.u32 s4, $0x1;
	s5 =	sadd.s32 s21, s3  }
0x9d: {  	[timem:s22], [sflag:s6] =	dma.local [hbm:s5], s4  }
0x9e: {  	_ =	swait.ge [sflag:s6], s4  }
0x9f: {  	s4 =	ssub.s32 $0x0, s4;
	[sflag:s6] =	ssyncset.done $0x0  }
0xa0: {  	[sflag:s6] =	ssyncadd.s32 s4;
	_ =	sdelay $0x1  }
0xa1: {  	s23 =	simm.s32 $0x1B8B  }
0xa2: {  	_ =	swait.ge [sflag:s23], $0x1  }
0xa3: {  	[sflag:s23] =	ssyncset.done $0x0  }
0xa4: {  	[sflag:s23] =	ssyncadd.s32 $0xFFFFFFFF  }
0xa5: {  	s4 =	sld [smem:$0x0]  }
0xa6: {  	s5 =	sand.u32 $0xFFFFFFFE, s1  }
0xa7: {  	p0 =	sne.s32 s1, s5  }
0xa8: {  	s5 =	sshll.u32 @p0 s5, $0xE  }
0xa9: {  	s5 =	sadd.s32 @p0 $0x11B8D, s5;
	s6 =	sshll.u32 @p0 s4, $0x11  }
0xaa: {  	s5 =	sor.u32 @p0 s6, s5  }
0xab: {  	[sflag:s5] =	ssyncadd.remote.s32 @p0 $0x1;
	_ =	sdelay $0x1  }
0xac: {  	s5 =	simm.s32 @p0 $0x1B8D  }
0xad: {  	_ =	swait.eq @p0 [sflag:s5], $0x1  }
0xae: {  	[sflag:s5] =	ssyncadd.s32 @p0 $0xFFFFFFFF  }
0xaf: {  	s6 =	sshll.u32 @!p0 s1, $0xE  }
0xb0: {  	s6 =	sor.u32 @!p0 $0x4000, s6;
	s5 =	simm.s32 @!p0 $0x1B8D  }
0xb1: {  	s4 =	sshll.u32 @!p0 s4, $0x11;
	s6 =	sadd.s32 @!p0 $0x11B8D, s6;
	_ =	swait.eq @!p0 [sflag:s5], $0x1  }
0xb2: {  	s4 =	sor.u32 @!p0 s4, s6;
	[sflag:s5] =	ssyncadd.s32 @!p0 $0xFFFFFFFF  }
0xb3: {  	s25 =	simm.s32 $0x1B8E;
	s24 =	sld [smem:$0x3FFE];
	[sflag:s4] =	ssyncadd.remote.s32 @!p0 $0x1  }
0xb4: {  	s26 =	simm.s32 $execute0_lowered;
	[smem:$0x3FD2] =	sst s25  }
0xb5: {  	s5 =	sshll.u32 s26, $0x1;
	_ =	strace $0x80000049;
	[dreg:$0x1] =	wrdreg $0xFFFFFFFF  }
0xb6: {  	s28 =	simm.s32 $_size_execute0_lowered;
	s3 =	sadd.s32 s3, s5;
	[dreg:$0x0] =	wrdreg $0x0  }
0xb7: {  	s5 =	sshll.u32 s28, $0x1;
	[dreg:$0x2] =	wrdreg s3  }
0xb8: {  	[dreg:$0x3] =	wrdreg s5  }
0xb9: {  	[dreg:$0x4] =	wrdreg $0xC0  }
0xba: {  	_ =	task [dreg:s22], $0x5FFFF  }
0xbb: {  	[dreg:$0x1] =	wrdreg $0xFFFFFFFF  }
0xbc: {  	[dreg:$0x0] =	wrdreg $0x60  }
0xbd: {  	[dreg:$0x2] =	wrdreg s24  }
0xbe: {  	[dreg:$0x3] =	wrdreg $0x45200  }
0xbf: {  	[dreg:$0x4] =	wrdreg $0xA  }
0xc0: {  	_ =	task.clear_ibuf [dreg:s22], $0x5FFFF;
	_ =	strace $0x90000049  }
0xc1: {  	s29 =	simm.s32 $0xA;
	_ =	strace $0x8000004B  }
0xc2: {  	_ =	swait.ge [sflag:s29], $0x1  }
0xc3: {  	[sflag:s29] =	ssyncadd.s32 $0xFFFFFFFF  }
0xc4: {  	_ =	strace $0x9000004B  }
0xc5: {  	_ =	sfence  }
0xc6: {  	s30 =	sld [smem:$0x0];
	_ =	sdelay $0x2  }
0xc7: {  	s31 =	sshll.u32 s1, $0xD;
	s1 =	sshrl.u32 s1, $0x2  }
0xc8: {  	s4 =	sand.u32 $0x4000, s31;
	s1 =	sadd.s32 s1, s30  }
0xc9: {  	s0 =	sor.u32 s4, s0;
	s1 =	sshll.u32 s1, $0x11  }
0xca: {  	s0 =	sor.u32 s1, s0  }
0xcb: {  	s0 =	sadd.s32 $0x8F2B, s0  }
0xcc: {  	[sflag:s0] =	ssyncadd.remote.s32 $0x1  }
0xcd: {  	_ =	sfence.sel $0xFFFF  }
0xce: {  	[dreg:$0x0] =	wrdreg $0xFFFFFFFF;
	(pc) =	sbr.abs _section_cstart, $3  }
0xcf: {  	[dreg:$0x1] =	wrdreg $0xFFFFFFFF  }
0xd0: {  	_ =	task.clear_ibuf [dreg:s22], $0x2FFFF;
	_ =	strace $0x9FFFFFFF  }
0xd1: {  	(tm) =	ssettm $0x7FFFFFFF  }
tec
execute0_lowered:
.L_overlay_start_1:
0x0: {  	(tag) =	ssettag $0x1  }
0x1: {  	s0 =	srdreg.scid  }
0x2: {  	s2 =	stileid.u32;
	s0 =	sand.u32 $0x1, s0  }
0x3: {  	s3 =	smul.u32 $0x600, s2;
	s1 =	sshll.u32 s0, $0x4  }
0x4: {  	s5 =	smul.u32 $0x6000, s0;
	s2 =	sor.u32 s2, s1  }
0x5: {  	s0 =	ssub.s32 $0x2, s0;
	s1 =	rddreg [dreg:$0x0];
	s12 =	smul.u32 $0x2710, s2  }
0x6: {  	s7 =	sshrl.u32 s0, $0x1;
	s4 =	sadd.s32 $0xB600, s1;
	s6 =	sadd.s32 s3, s5  }
0x7: {  	s0 =	ssub.s32 s0, s7;
	s14 =	sshrl.u32 s12, $0x3;
	s8 =	sadd.s32 $0x190, s12  }
0x8: {  	s5 =	sadd.s32 $0x4B0, s12;
	s10 =	sadd.s32 $0x640, s12;
	s3 =	sadd.s32 s4, s14  }
0x9: {  	s15 =	sshrl.u32 s8, $0x3;
	s17 =	sshrl.u32 s5, $0x3;
	s11 =	sshrl.u32 s10, $0x3  }
0xa: {  	s14 =	sadd.s32 $0xAF0, s12;
	[dreg:$0x3] =	wrdreg s3;
	s3 =	sadd.s32 $0x320, s12  }
0xb: {  	s7 =	sadd.s32 s4, s15;
	s11 =	sadd.s32 s4, s11;
	s15 =	sshrl.u32 s14, $0x3  }
0xc: {  	s9 =	sshrl.u32 s3, $0x3;
	[dreg:$0x4] =	wrdreg s7;
	s7 =	sadd.s32 s4, s17  }
0xd: {  	[dreg:$0x7] =	wrdreg s11;
	s15 =	sadd.s32 s4, s15;
	s17 =	sadd.s32 $0xFA0, s12  }
0xe: {  	s16 =	sadd.s32 s4, s9;
	[dreg:$0x6] =	wrdreg s7;
	s7 =	sadd.s32 $0x7D0, s12  }
0xf: {  	s9 =	sadd.s32 $0x960, s12;
	[dreg:$0xa] =	wrdreg s15;
	s13 =	sshrl.u32 s7, $0x3  }
0x10: {  	[dreg:$0x5] =	wrdreg s16;
	s19 =	sshrl.u32 s9, $0x3;
	s18 =	sadd.s32 s4, s13  }
0x11: {  	s11 =	sadd.s32 s4, s19;
	s13 =	sadd.s32 $0xE10, s12;
	[dreg:$0x8] =	wrdreg s18  }
0x12: {  	[dreg:$0x9] =	wrdreg s11;
	s11 =	sadd.s32 $0xC80, s12;
	s21 =	sshrl.u32 s13, $0x3  }
0x13: {  	s18 =	sshrl.u32 s17, $0x3;
	s16 =	sshrl.u32 s11, $0x3;
	s15 =	sadd.s32 s4, s21  }
0x14: {  	s18 =	sadd.s32 s4, s18;
	s20 =	sadd.s32 s4, s16;
	[dreg:$0xc] =	wrdreg s15  }
0x15: {  	s15 =	sadd.s32 $0x1130, s12;
	s16 =	sadd.s32 $0x12C0, s12;
	[dreg:$0xd] =	wrdreg s18  }
0x16: {  	[dreg:$0xb] =	wrdreg s20;
	s19 =	sshrl.u32 s15, $0x3;
	s23 =	sshrl.u32 s16, $0x3  }
0x17: {  	s20 =	sadd.s32 $0x1450, s12;
	s22 =	sadd.s32 s4, s19;
	s18 =	sadd.s32 s4, s23  }
0x18: {  	s21 =	sshrl.u32 s20, $0x3;
	s19 =	sadd.s32 $0x1770, s12;
	[dreg:$0xe] =	wrdreg s22  }
0x19: {  	[dreg:$0xf] =	wrdreg s18;
	s18 =	sadd.s32 $0x15E0, s12;
	s21 =	sadd.s32 s4, s21  }
0x1a: {  	s25 =	sshrl.u32 s19, $0x3;
	s22 =	sshrl.u32 s18, $0x3;
	[dreg:$0x10] =	wrdreg s21  }
0x1b: {  	s21 =	sadd.s32 s4, s25;
	s25 =	sadd.s32 $0x1C20, s12;
	s24 =	sadd.s32 s4, s22  }
0x1c: {  	[dreg:$0x12] =	wrdreg s21;
	s22 =	sadd.s32 $0x1900, s12;
	s21 =	sadd.s32 $0x1A90, s12  }
0x1d: {  	[dreg:$0x11] =	wrdreg s24;
	s23 =	sshrl.u32 s22, $0x3;
	s24 =	sshrl.u32 s21, $0x3  }
0x1e: {  	s23 =	sadd.s32 s4, s23;
	s26 =	sadd.s32 s4, s24;
	s24 =	sshrl.u32 s25, $0x3  }
0x1f: {  	[dreg:$0x13] =	wrdreg s23;
	s23 =	sadd.s32 s4, s24  }
0x20: {  	[dreg:$0x15] =	wrdreg s23;
	s23 =	sadd.s32 $0x1DB0, s12  }
0x21: {  	[dreg:$0x14] =	wrdreg s26;
	s24 =	sadd.s32 $0x1F40, s12;
	s26 =	sshrl.u32 s23, $0x3  }
0x22: {  	s2 =	smul.u32 $0x4E20, s2;
	s28 =	sshrl.u32 s24, $0x3;
	s26 =	sadd.s32 s4, s26  }
0x23: {  	s29 =	sadd.s32 $0x20D0, s12;
	[dreg:$0x16] =	wrdreg s26;
	s26 =	sadd.s32 s4, s28  }
0x24: {  	s30 =	sadd.s32 $0x23F0, s12;
	[dreg:$0x17] =	wrdreg s26;
	s26 =	sshrl.u32 s29, $0x3  }
0x25: {  	s31 =	sadd.s32 $0x2580, s12;
	s8 =	sshll.u32 s8, $0x1;
	s26 =	sadd.s32 s4, s26  }
0x26: {  	s28 =	sadd.s32 $0x2260, s12;
	[dreg:$0x18] =	wrdreg s26;
	s26 =	sshrl.u32 s30, $0x3  }
0x27: {  	s9 =	sshll.u32 s9, $0x1;
	s12 =	sshrl.u32 s28, $0x3;
	s26 =	sadd.s32 s4, s26  }
0x28: {  	s12 =	sadd.s32 s4, s12;
	[dreg:$0x1a] =	wrdreg s26;
	s26 =	sshrl.u32 s31, $0x3  }
0x29: {  	[dreg:$0x19] =	wrdreg s12;
	s4 =	sadd.s32 s4, s26;
	s26 =	simm.s32 $0x0  }
0x2a: {  	[dreg:$0x1b] =	wrdreg s4;
	s4 =	sadd.s32 s6, s1;
	s1 =	sadd.s32 $0x50F400, s1  }
0x2b: {  	[smem:$0x7FF] =	sst s26;
	s6 =	sshll.u32 s3, $0x1;
	s2 =	sadd.s32 s1, s2  }
0x2c: {  	s12 =	sadd.s32 s1, s8;
	s8 =	sshll.u32 s5, $0x1;
	s5 =	sshll.u32 s13, $0x1  }
0x2d: {  	s13 =	sshll.u32 s18, $0x1;
	s18 =	sshll.u32 s23, $0x1;
	[dreg:$0x1c] =	wrdreg s2  }
0x2e: {  	s23 =	stileid.u32;
	[dreg:$0x1d] =	wrdreg s12;
	s12 =	sshll.u32 s10, $0x1  }
0x2f: {  	s2 =	sadd.s32 s1, s6;
	s3 =	sadd.s32 s1, s8;
	s8 =	sshll.u32 s7, $0x1  }
0x30: {  	s10 =	sshll.u32 s14, $0x1;
	s7 =	sadd.s32 s1, s5;
	[dreg:$0x1e] =	wrdreg s2  }
0x31: {  	s5 =	simm.s32 $0x5;
	[dreg:$0x1f] =	wrdreg s3;
	s6 =	sadd.s32 s1, s12  }
0x32: {  	s2 =	sadd.s32 s1, s8;
	s12 =	sadd.s32 s1, s9;
	s14 =	sadd.s32 s1, s10  }
0x33: {  	s3 =	sshll.u32 s11, $0x1;
	[smem:$0x7FA] =	sst s7;
	s9 =	sshll.u32 s15, $0x1  }
0x34: {  	s10 =	sshll.u32 s16, $0x1;
	s11 =	sshll.u32 s20, $0x1;
	s15 =	sshll.u32 s22, $0x1  }
0x35: {  	s16 =	sshll.u32 s21, $0x1;
	s20 =	sshll.u32 s29, $0x1;
	[smem:$0x7F5] =	sst s6  }
0x36: {  	s21 =	sshll.u32 s28, $0x1;
	s22 =	sshll.u32 s30, $0x1;
	[smem:$0x7F6] =	sst s2  }
0x37: {  	s29 =	simm.s32 $0x3520;
	s30 =	simm.s32 $0x1;
	[smem:$0x7F7] =	sst s12  }
0x38: {  	[smem:$0x7F8] =	sst s14;
	s6 =	sshll.u32 s17, $0x1;
	s2 =	sadd.s32 s1, s3  }
0x39: {  	s12 =	sadd.s32 s1, s10;
	s14 =	sshll.u32 s19, $0x1;
	s10 =	sadd.s32 s1, s13  }
0x3a: {  	s17 =	sshll.u32 s25, $0x1;
	s13 =	sadd.s32 s1, s16;
	s19 =	sshll.u32 s24, $0x1  }
0x3b: {  	s3 =	smul.u32 $0xC000, s23;
	s24 =	sshll.u32 s31, $0x1;
	s23 =	sadd.s32 $0x2D400, s4  }
0x3c: {  	s31 =	simm.s32 $0x190;
	s4 =	simm.s32 $0x4;
	[smem:$0x7F9] =	sst s2  }
0x3d: {  	s8 =	sadd.s32 s1, s6;
	s2 =	sadd.s32 s1, s9;
	[smem:$0x7FD] =	sst s12  }
0x3e: {  	s9 =	sadd.s32 s1, s11;
	s11 =	sadd.s32 s1, s14;
	s12 =	sadd.s32 s1, s15  }
0x3f: {  	s14 =	sadd.s32 s1, s17;
	s15 =	sadd.s32 s1, s18;
	s16 =	sadd.s32 s1, s19  }
0x40: {  	s17 =	sadd.s32 s1, s20;
	s18 =	sadd.s32 s1, s21;
	s19 =	rddreg [dreg:$0x1]  }
0x41: {  	s20 =	sadd.s32 s1, s22;
	s21 =	sadd.s32 s1, s24;
	s24 =	smax.u32 s0, $0x1  }
0x42: {  	s0 =	simm.s32 $0x1A90;
	s1 =	simm.s32 $0x1C20;
	[smem:$0x7FB] =	sst s8  }
0x43: {  	s6 =	simm.s32 $0x0;
	[smem:$0x7FC] =	sst s2;
	s25 =	sshrl.u32 s3, $0x2  }
0x44: {  	s2 =	simm.s32 $0x3;
	s3 =	simm.s32 $0x2;
	s22 =	sadd.s32 s25, s19  }
0x45: {  	v0 =	vimm.f32 $0.0e+00;
	_ =	strace $0x8000004A;
	s25 =	sadd.s32 $0x1000, s22;
	s28 =	sadd.s32 $0x2000, s22  }
.LBB2_1:
0x46: {  	s7 =	simm.s32 $0x40;
	s8 =	simm.s32 $0x0  }
.LBB2_2:
0x47: {  	p0 =	sne.s32 s7, $0x3FC0;
	[tilespmem:s8+$0x3520] =	vst v0;
	s8 =	smov.u32 s7;
	s7 =	sadd.s32 $0x40, s7  }
.Ltmp0:
0x48: {  	(pc) =	sbr.rel @p0 .LBB2_2-.Ltmp0, $2  }
0x49: {  	_ =	sdelay $0x2  }
0x4a: {  	s8 =	sshra.s32 s8, $0x2  }
0x4b: {  	[tilespmem:s8+$0x3520] =	vst v0  }
0x4c: {  	[spmem:s22] =	stream.linear.scatter [tilespmem:s29], [sflag:$0x1], $0x1000, $0x38;
	[tilespmem:$0x7520] =	vst v63  }
0x4d: {  	_ = 	snop  }
0x4e: {  	[spmem:s25] =	stream.linear.scatter [tilespmem:s29], [sflag:$0x1], $0x1000, $0x38;
	[tilespmem:$0x7520] =	vst v63  }
0x4f: {  	_ = 	snop  }
0x50: {  	[spmem:s28] =	stream.linear.scatter [tilespmem:s29], [sflag:$0x1], $0x1000, $0x38;
	[tilespmem:$0x7520] =	vst v63  }
0x51: {  	_ =	swait.ge [sflag:s30], $0x1000  }
0x52: {  	[sflag:s30] =	ssyncset.done $0x0  }
0x53: {  	[sflag:s30] =	ssyncadd.s32 $0xFFFFF000  }
0x54: {  	_ =	swait.ge [sflag:s30], $0x1000  }
0x55: {  	[sflag:s30] =	ssyncset.done $0x0  }
0x56: {  	[sflag:s30] =	ssyncadd.s32 $0xFFFFF000  }
0x57: {  	_ =	swait.ge [sflag:s30], $0x1000  }
0x58: {  	[sflag:s30] =	ssyncset.done $0x0  }
0x59: {  	[sflag:s30] =	ssyncadd.s32 $0xFFFFF000  }
0x5a: {  	[bflag:$0x0] =	sbarrier.arrive $0xFFFF  }
0x5b: {  	s7 =	rddreg [dreg:$0x3]  }
0x5c: {  	[tilespmem:s26], [sflag:$0x1] =	stream.linear.gather [hbm4b:s7+s26], $0x190, $0x38;
	[tilespmem:$0x7520] =	vst v63  }
0x5d: {  	s8 =	rddreg [dreg:$0x1c]  }
0x5e: {  	[tilespmem:s31], [sflag:$0x1] =	stream.linear.gather [hbm4b:s8+s26], $0x1900, $0x38;
	[tilespmem:$0x7520] =	vst v63  }
0x5f: {  	_ =	swait.ge [sflag:s30], $0x190  }
0x60: {  	[sflag:s30] =	ssyncset.done $0x0  }
0x61: {  	[sflag:s30] =	ssyncadd.s32 $0xFFFFFE70  }
0x62: {  	_ =	swait.ge [sflag:s30], $0x1900  }
0x63: {  	[sflag:s30] =	ssyncset.done $0x0  }
0x64: {  	s8 =	rddreg [dreg:$0x4];
	[sflag:s30] =	ssyncadd.s32 $0xFFFFE700  }
0x65: {  	[tilespmem:s0], [sflag:$0x3] =	stream.linear.gather [hbm4b:s8+s26], $0x190, $0x38;
	[tilespmem:$0x7520] =	vst v63  }
0x66: {  	s8 =	rddreg [dreg:$0x1d]  }
0x67: {  	[tilespmem:s1], [sflag:$0x3] =	stream.linear.gather [hbm4b:s8+s26], $0x1900, $0x38;
	[tilespmem:$0x7520] =	vst v63  }
0x68: {  	_ = 	snop  }
0x69: {  	[spmem:s19] =	stream.indirect.scatter.add.f32 [tilespmem:s31], [sflag:$0x2], $0x10, s26, s31, $0xb8;
	[tilespmem:$0x7520] =	vst v63  }
0x6a: {  	_ =	swait.ge [sflag:s2], $0x190  }
0x6b: {  	[sflag:s2] =	ssyncset.done $0x0  }
0x6c: {  	[sflag:s2] =	ssyncadd.s32 $0xFFFFFE70  }
0x6d: {  	_ =	swait.ge [sflag:s2], $0x1900  }
0x6e: {  	[sflag:s2] =	ssyncset.done $0x0  }
0x6f: {  	[sflag:s2] =	ssyncadd.s32 $0xFFFFE700  }
0x70: {  	_ =	swait.ge [sflag:s3], $0x1900  }
0x71: {  	[sflag:s3] =	ssyncset.done $0x0  }
0x72: {  	s8 =	rddreg [dreg:$0x5];
	[sflag:s3] =	ssyncadd.s32 $0xFFFFE700  }
0x73: {  	[tilespmem:s26], [sflag:$0x1] =	stream.linear.gather [hbm4b:s8+s26], $0x190, $0x38;
	[tilespmem:$0x7520] =	vst v63  }
0x74: {  	s8 =	rddreg [dreg:$0x1e]  }
0x75: {  	[tilespmem:s31], [sflag:$0x1] =	stream.linear.gather [hbm4b:s8+s26], $0x1900, $0x38;
	[tilespmem:$0x7520] =	vst v63  }
0x76: {  	_ = 	snop  }
0x77: {  	[spmem:s19] =	stream.indirect.scatter.add.f32 [tilespmem:s1], [sflag:$0x4], $0x10, s0, s31, $0xb8;
	[tilespmem:$0x7520] =	vst v63  }
0x78: {  	_ =	swait.ge [sflag:s30], $0x190  }
0x79: {  	[sflag:s30] =	ssyncset.done $0x0  }
0x7a: {  	[sflag:s30] =	ssyncadd.s32 $0xFFFFFE70  }
0x7b: {  	_ =	swait.ge [sflag:s30], $0x1900  }
0x7c: {  	[sflag:s30] =	ssyncset.done $0x0  }
0x7d: {  	[sflag:s30] =	ssyncadd.s32 $0xFFFFE700  }
0x7e: {  	_ =	swait.ge [sflag:s4], $0x1900  }
0x7f: {  	[sflag:s4] =	ssyncset.done $0x0  }
0x80: {  	s8 =	rddreg [dreg:$0x6];
	[sflag:s4] =	ssyncadd.s32 $0xFFFFE700  }
0x81: {  	[tilespmem:s0], [sflag:$0x3] =	stream.linear.gather [hbm4b:s8+s26], $0x190, $0x38;
	[tilespmem:$0x7520] =	vst v63  }
0x82: {  	s8 =	rddreg [dreg:$0x1f]  }
0x83: {  	[tilespmem:s1], [sflag:$0x3] =	stream.linear.gather [hbm4b:s8+s26], $0x1900, $0x38;
	[tilespmem:$0x7520] =	vst v63  }
0x84: {  	_ = 	snop  }
0x85: {  	[spmem:s19] =	stream.indirect.scatter.add.f32 [tilespmem:s31], [sflag:$0x2], $0x10, s26, s31, $0xb8;
	[tilespmem:$0x7520] =	vst v63  }
0x86: {  	_ =	swait.ge [sflag:s2], $0x190  }
0x87: {  	[sflag:s2] =	ssyncset.done $0x0  }
0x88: {  	[sflag:s2] =	ssyncadd.s32 $0xFFFFFE70  }
0x89: {  	_ =	swait.ge [sflag:s2], $0x1900  }
0x8a: {  	[sflag:s2] =	ssyncset.done $0x0  }
0x8b: {  	[sflag:s2] =	ssyncadd.s32 $0xFFFFE700  }
0x8c: {  	_ =	swait.ge [sflag:s3], $0x1900  }
0x8d: {  	[sflag:s3] =	ssyncset.done $0x0  }
0x8e: {  	s8 =	rddreg [dreg:$0x7];
	[sflag:s3] =	ssyncadd.s32 $0xFFFFE700  }
0x8f: {  	[tilespmem:s26], [sflag:$0x1] =	stream.linear.gather [hbm4b:s8+s26], $0x190, $0x38;
	[tilespmem:$0x7520] =	vst v63  }
0x90: {  	s8 =	sld [smem:$0x7F5];
	_ =	sdelay $0x2  }
0x91: {  	[tilespmem:s31], [sflag:$0x1] =	stream.linear.gather [hbm4b:s8+s26], $0x1900, $0x38;
	[tilespmem:$0x7520] =	vst v63  }
0x92: {  	_ = 	snop  }
0x93: {  	[spmem:s19] =	stream.indirect.scatter.add.f32 [tilespmem:s1], [sflag:$0x4], $0x10, s0, s31, $0xb8;
	[tilespmem:$0x7520] =	vst v63  }
0x94: {  	_ =	swait.ge [sflag:s30], $0x190  }
0x95: {  	[sflag:s30] =	ssyncset.done $0x0  }
0x96: {  	[sflag:s30] =	ssyncadd.s32 $0xFFFFFE70  }
0x97: {  	_ =	swait.ge [sflag:s30], $0x1900  }
0x98: {  	[sflag:s30] =	ssyncset.done $0x0  }
0x99: {  	[sflag:s30] =	ssyncadd.s32 $0xFFFFE700  }
0x9a: {  	_ =	swait.ge [sflag:s4], $0x1900  }
0x9b: {  	[sflag:s4] =	ssyncset.done $0x0  }
0x9c: {  	s8 =	rddreg [dreg:$0x8];
	[sflag:s4] =	ssyncadd.s32 $0xFFFFE700  }
0x9d: {  	[tilespmem:s0], [sflag:$0x3] =	stream.linear.gather [hbm4b:s8+s26], $0x190, $0x38;
	[tilespmem:$0x7520] =	vst v63  }
0x9e: {  	s8 =	sld [smem:$0x7F6];
	_ =	sdelay $0x2  }
0x9f: {  	[tilespmem:s1], [sflag:$0x3] =	stream.linear.gather [hbm4b:s8+s26], $0x1900, $0x38;
	[tilespmem:$0x7520] =	vst v63  }
0xa0: {  	_ = 	snop  }
0xa1: {  	[spmem:s19] =	stream.indirect.scatter.add.f32 [tilespmem:s31], [sflag:$0x2], $0x10, s26, s31, $0xb8;
	[tilespmem:$0x7520] =	vst v63  }
0xa2: {  	_ =	swait.ge [sflag:s2], $0x190  }
0xa3: {  	[sflag:s2] =	ssyncset.done $0x0  }
0xa4: {  	[sflag:s2] =	ssyncadd.s32 $0xFFFFFE70  }
0xa5: {  	_ =	swait.ge [sflag:s2], $0x1900  }
0xa6: {  	[sflag:s2] =	ssyncset.done $0x0  }
0xa7: {  	[sflag:s2] =	ssyncadd.s32 $0xFFFFE700  }
0xa8: {  	_ =	swait.ge [sflag:s3], $0x1900  }
0xa9: {  	[sflag:s3] =	ssyncset.done $0x0  }
0xaa: {  	s8 =	rddreg [dreg:$0x9];
	[sflag:s3] =	ssyncadd.s32 $0xFFFFE700  }
0xab: {  	[tilespmem:s26], [sflag:$0x1] =	stream.linear.gather [hbm4b:s8+s26], $0x190, $0x38;
	[tilespmem:$0x7520] =	vst v63  }
0xac: {  	s8 =	sld [smem:$0x7F7];
	_ =	sdelay $0x2  }
0xad: {  	[tilespmem:s31], [sflag:$0x1] =	stream.linear.gather [hbm4b:s8+s26], $0x1900, $0x38;
	[tilespmem:$0x7520] =	vst v63  }
0xae: {  	_ = 	snop  }
0xaf: {  	[spmem:s19] =	stream.indirect.scatter.add.f32 [tilespmem:s1], [sflag:$0x4], $0x10, s0, s31, $0xb8;
	[tilespmem:$0x7520] =	vst v63  }
0xb0: {  	_ =	swait.ge [sflag:s30], $0x190  }
0xb1: {  	[sflag:s30] =	ssyncset.done $0x0  }
0xb2: {  	[sflag:s30] =	ssyncadd.s32 $0xFFFFFE70  }
0xb3: {  	_ =	swait.ge [sflag:s30], $0x1900  }
0xb4: {  	[sflag:s30] =	ssyncset.done $0x0  }
0xb5: {  	[sflag:s30] =	ssyncadd.s32 $0xFFFFE700  }
0xb6: {  	_ =	swait.ge [sflag:s4], $0x1900  }
0xb7: {  	[sflag:s4] =	ssyncset.done $0x0  }
0xb8: {  	s8 =	rddreg [dreg:$0xa];
	[sflag:s4] =	ssyncadd.s32 $0xFFFFE700  }
0xb9: {  	[tilespmem:s0], [sflag:$0x3] =	stream.linear.gather [hbm4b:s8+s26], $0x190, $0x38;
	[tilespmem:$0x7520] =	vst v63  }
0xba: {  	s8 =	sld [smem:$0x7F8];
	_ =	sdelay $0x2  }
0xbb: {  	[tilespmem:s1], [sflag:$0x3] =	stream.linear.gather [hbm4b:s8+s26], $0x1900, $0x38;
	[tilespmem:$0x7520] =	vst v63  }
0xbc: {  	_ = 	snop  }
0xbd: {  	[spmem:s19] =	stream.indirect.scatter.add.f32 [tilespmem:s31], [sflag:$0x2], $0x10, s26, s31, $0xb8;
	[tilespmem:$0x7520] =	vst v63  }
0xbe: {  	_ =	swait.ge [sflag:s2], $0x190  }
0xbf: {  	[sflag:s2] =	ssyncset.done $0x0  }
0xc0: {  	[sflag:s2] =	ssyncadd.s32 $0xFFFFFE70  }
0xc1: {  	_ =	swait.ge [sflag:s2], $0x1900  }
0xc2: {  	[sflag:s2] =	ssyncset.done $0x0  }
0xc3: {  	[sflag:s2] =	ssyncadd.s32 $0xFFFFE700  }
0xc4: {  	_ =	swait.ge [sflag:s3], $0x1900  }
0xc5: {  	[sflag:s3] =	ssyncset.done $0x0  }
0xc6: {  	s8 =	rddreg [dreg:$0xb];
	[sflag:s3] =	ssyncadd.s32 $0xFFFFE700  }
0xc7: {  	[tilespmem:s26], [sflag:$0x1] =	stream.linear.gather [hbm4b:s8+s26], $0x190, $0x38;
	[tilespmem:$0x7520] =	vst v63  }
0xc8: {  	s8 =	sld [smem:$0x7F9];
	_ =	sdelay $0x2  }
0xc9: {  	[tilespmem:s31], [sflag:$0x1] =	stream.linear.gather [hbm4b:s8+s26], $0x1900, $0x38;
	[tilespmem:$0x7520] =	vst v63  }
0xca: {  	_ = 	snop  }
0xcb: {  	[spmem:s19] =	stream.indirect.scatter.add.f32 [tilespmem:s1], [sflag:$0x4], $0x10, s0, s31, $0xb8;
	[tilespmem:$0x7520] =	vst v63  }
0xcc: {  	_ =	swait.ge [sflag:s30], $0x190  }
0xcd: {  	[sflag:s30] =	ssyncset.done $0x0  }
0xce: {  	[sflag:s30] =	ssyncadd.s32 $0xFFFFFE70  }
0xcf: {  	_ =	swait.ge [sflag:s30], $0x1900  }
0xd0: {  	[sflag:s30] =	ssyncset.done $0x0  }
0xd1: {  	[sflag:s30] =	ssyncadd.s32 $0xFFFFE700  }
0xd2: {  	_ =	swait.ge [sflag:s4], $0x1900  }
0xd3: {  	[sflag:s4] =	ssyncset.done $0x0  }
0xd4: {  	s8 =	rddreg [dreg:$0xc];
	[sflag:s4] =	ssyncadd.s32 $0xFFFFE700  }
0xd5: {  	[tilespmem:s0], [sflag:$0x3] =	stream.linear.gather [hbm4b:s8+s26], $0x190, $0x38;
	[tilespmem:$0x7520] =	vst v63  }
0xd6: {  	s8 =	sld [smem:$0x7FA];
	_ =	sdelay $0x2  }
0xd7: {  	[tilespmem:s1], [sflag:$0x3] =	stream.linear.gather [hbm4b:s8+s26], $0x1900, $0x38;
	[tilespmem:$0x7520] =	vst v63  }
0xd8: {  	_ = 	snop  }
0xd9: {  	[spmem:s19] =	stream.indirect.scatter.add.f32 [tilespmem:s31], [sflag:$0x2], $0x10, s26, s31, $0xb8;
	[tilespmem:$0x7520] =	vst v63  }
0xda: {  	_ =	swait.ge [sflag:s2], $0x190  }
0xdb: {  	[sflag:s2] =	ssyncset.done $0x0  }
0xdc: {  	[sflag:s2] =	ssyncadd.s32 $0xFFFFFE70  }
0xdd: {  	_ =	swait.ge [sflag:s2], $0x1900  }
0xde: {  	[sflag:s2] =	ssyncset.done $0x0  }
0xdf: {  	[sflag:s2] =	ssyncadd.s32 $0xFFFFE700  }
0xe0: {  	_ =	swait.ge [sflag:s3], $0x1900  }
0xe1: {  	[sflag:s3] =	ssyncset.done $0x0  }
0xe2: {  	s8 =	rddreg [dreg:$0xd];
	[sflag:s3] =	ssyncadd.s32 $0xFFFFE700  }
0xe3: {  	[tilespmem:s26], [sflag:$0x1] =	stream.linear.gather [hbm4b:s8+s26], $0x190, $0x38;
	[tilespmem:$0x7520] =	vst v63  }
0xe4: {  	s8 =	sld [smem:$0x7FB];
	_ =	sdelay $0x2  }
0xe5: {  	[tilespmem:s31], [sflag:$0x1] =	stream.linear.gather [hbm4b:s8+s26], $0x1900, $0x38;
	[tilespmem:$0x7520] =	vst v63  }
0xe6: {  	_ = 	snop  }
0xe7: {  	[spmem:s19] =	stream.indirect.scatter.add.f32 [tilespmem:s1], [sflag:$0x4], $0x10, s0, s31, $0xb8;
	[tilespmem:$0x7520] =	vst v63  }
0xe8: {  	_ =	swait.ge [sflag:s30], $0x190  }
0xe9: {  	[sflag:s30] =	ssyncset.done $0x0  }
0xea: {  	[sflag:s30] =	ssyncadd.s32 $0xFFFFFE70  }
0xeb: {  	_ =	swait.ge [sflag:s30], $0x1900  }
0xec: {  	[sflag:s30] =	ssyncset.done $0x0  }
0xed: {  	[sflag:s30] =	ssyncadd.s32 $0xFFFFE700  }
0xee: {  	_ =	swait.ge [sflag:s4], $0x1900  }
0xef: {  	[sflag:s4] =	ssyncset.done $0x0  }
0xf0: {  	s8 =	rddreg [dreg:$0xe];
	[sflag:s4] =	ssyncadd.s32 $0xFFFFE700  }
0xf1: {  	[tilespmem:s0], [sflag:$0x3] =	stream.linear.gather [hbm4b:s8+s26], $0x190, $0x38;
	[tilespmem:$0x7520] =	vst v63  }
0xf2: {  	s8 =	sld [smem:$0x7FC];
	_ =	sdelay $0x2  }
0xf3: {  	[tilespmem:s1], [sflag:$0x3] =	stream.linear.gather [hbm4b:s8+s26], $0x1900, $0x38;
	[tilespmem:$0x7520] =	vst v63  }
0xf4: {  	_ = 	snop  }
0xf5: {  	[spmem:s19] =	stream.indirect.scatter.add.f32 [tilespmem:s31], [sflag:$0x2], $0x10, s26, s31, $0xb8;
	[tilespmem:$0x7520] =	vst v63  }
0xf6: {  	_ =	swait.ge [sflag:s2], $0x190  }
0xf7: {  	[sflag:s2] =	ssyncset.done $0x0  }
0xf8: {  	[sflag:s2] =	ssyncadd.s32 $0xFFFFFE70  }
0xf9: {  	_ =	swait.ge [sflag:s2], $0x1900  }
0xfa: {  	[sflag:s2] =	ssyncset.done $0x0  }
0xfb: {  	[sflag:s2] =	ssyncadd.s32 $0xFFFFE700  }
0xfc: {  	_ =	swait.ge [sflag:s3], $0x1900  }
0xfd: {  	[sflag:s3] =	ssyncset.done $0x0  }
0xfe: {  	s8 =	rddreg [dreg:$0xf];
	[sflag:s3] =	ssyncadd.s32 $0xFFFFE700  }
0xff: {  	[tilespmem:s26], [sflag:$0x1] =	stream.linear.gather [hbm4b:s8+s26], $0x190, $0x38;
	[tilespmem:$0x7520] =	vst v63  }
0x100: {  	s8 =	sld [smem:$0x7FD];
	_ =	sdelay $0x2  }
0x101: {  	[tilespmem:s31], [sflag:$0x1] =	stream.linear.gather [hbm4b:s8+s26], $0x1900, $0x38;
	[tilespmem:$0x7520] =	vst v63  }
0x102: {  	_ = 	snop  }
0x103: {  	[spmem:s19] =	stream.indirect.scatter.add.f32 [tilespmem:s1], [sflag:$0x4], $0x10, s0, s31, $0xb8;
	[tilespmem:$0x7520] =	vst v63  }
0x104: {  	_ =	swait.ge [sflag:s30], $0x190  }
0x105: {  	[sflag:s30] =	ssyncset.done $0x0  }
0x106: {  	[sflag:s30] =	ssyncadd.s32 $0xFFFFFE70  }
0x107: {  	_ =	swait.ge [sflag:s30], $0x1900  }
0x108: {  	[sflag:s30] =	ssyncset.done $0x0  }
0x109: {  	[sflag:s30] =	ssyncadd.s32 $0xFFFFE700  }
0x10a: {  	_ =	swait.ge [sflag:s4], $0x1900  }
0x10b: {  	[sflag:s4] =	ssyncset.done $0x0  }
0x10c: {  	s8 =	rddreg [dreg:$0x10];
	[sflag:s4] =	ssyncadd.s32 $0xFFFFE700  }
0x10d: {  	[tilespmem:s0], [sflag:$0x3] =	stream.linear.gather [hbm4b:s8+s26], $0x190, $0x38;
	[tilespmem:$0x7520] =	vst v63  }
0x10e: {  	_ = 	snop  }
0x10f: {  	[tilespmem:s1], [sflag:$0x3] =	stream.linear.gather [hbm4b:s9+s26], $0x1900, $0x38;
	[tilespmem:$0x7520] =	vst v63  }
0x110: {  	_ = 	snop  }
0x111: {  	[spmem:s19] =	stream.indirect.scatter.add.f32 [tilespmem:s31], [sflag:$0x2], $0x10, s26, s31, $0xb8;
	[tilespmem:$0x7520] =	vst v63  }
0x112: {  	_ =	swait.ge [sflag:s2], $0x190  }
0x113: {  	[sflag:s2] =	ssyncset.done $0x0  }
0x114: {  	[sflag:s2] =	ssyncadd.s32 $0xFFFFFE70  }
0x115: {  	_ =	swait.ge [sflag:s2], $0x1900  }
0x116: {  	[sflag:s2] =	ssyncset.done $0x0  }
0x117: {  	[sflag:s2] =	ssyncadd.s32 $0xFFFFE700  }
0x118: {  	_ =	swait.ge [sflag:s3], $0x1900  }
0x119: {  	[sflag:s3] =	ssyncset.done $0x0  }
0x11a: {  	s8 =	rddreg [dreg:$0x11];
	[sflag:s3] =	ssyncadd.s32 $0xFFFFE700  }
0x11b: {  	[tilespmem:s26], [sflag:$0x1] =	stream.linear.gather [hbm4b:s8+s26], $0x190, $0x38;
	[tilespmem:$0x7520] =	vst v63  }
0x11c: {  	_ = 	snop  }
0x11d: {  	[tilespmem:s31], [sflag:$0x1] =	stream.linear.gather [hbm4b:s10+s26], $0x1900, $0x38;
	[tilespmem:$0x7520] =	vst v63  }
0x11e: {  	_ = 	snop  }
0x11f: {  	[spmem:s19] =	stream.indirect.scatter.add.f32 [tilespmem:s1], [sflag:$0x4], $0x10, s0, s31, $0xb8;
	[tilespmem:$0x7520] =	vst v63  }
0x120: {  	_ =	swait.ge [sflag:s30], $0x190  }
0x121: {  	[sflag:s30] =	ssyncset.done $0x0  }
0x122: {  	[sflag:s30] =	ssyncadd.s32 $0xFFFFFE70  }
0x123: {  	_ =	swait.ge [sflag:s30], $0x1900  }
0x124: {  	[sflag:s30] =	ssyncset.done $0x0  }
0x125: {  	[sflag:s30] =	ssyncadd.s32 $0xFFFFE700  }
0x126: {  	_ =	swait.ge [sflag:s4], $0x1900  }
0x127: {  	[sflag:s4] =	ssyncset.done $0x0  }
0x128: {  	s8 =	rddreg [dreg:$0x12];
	[sflag:s4] =	ssyncadd.s32 $0xFFFFE700  }
0x129: {  	[tilespmem:s0], [sflag:$0x3] =	stream.linear.gather [hbm4b:s8+s26], $0x190, $0x38;
	[tilespmem:$0x7520] =	vst v63  }
0x12a: {  	_ = 	snop  }
0x12b: {  	[tilespmem:s1], [sflag:$0x3] =	stream.linear.gather [hbm4b:s11+s26], $0x1900, $0x38;
	[tilespmem:$0x7520] =	vst v63  }
0x12c: {  	_ = 	snop  }
0x12d: {  	[spmem:s19] =	stream.indirect.scatter.add.f32 [tilespmem:s31], [sflag:$0x2], $0x10, s26, s31, $0xb8;
	[tilespmem:$0x7520] =	vst v63  }
0x12e: {  	_ =	swait.ge [sflag:s2], $0x190  }
0x12f: {  	[sflag:s2] =	ssyncset.done $0x0  }
0x130: {  	[sflag:s2] =	ssyncadd.s32 $0xFFFFFE70  }
0x131: {  	_ =	swait.ge [sflag:s2], $0x1900  }
0x132: {  	[sflag:s2] =	ssyncset.done $0x0  }
0x133: {  	[sflag:s2] =	ssyncadd.s32 $0xFFFFE700  }
0x134: {  	_ =	swait.ge [sflag:s3], $0x1900  }
0x135: {  	[sflag:s3] =	ssyncset.done $0x0  }
0x136: {  	s8 =	rddreg [dreg:$0x13];
	[sflag:s3] =	ssyncadd.s32 $0xFFFFE700  }
0x137: {  	[tilespmem:s26], [sflag:$0x1] =	stream.linear.gather [hbm4b:s8+s26], $0x190, $0x38;
	[tilespmem:$0x7520] =	vst v63  }
0x138: {  	_ = 	snop  }
0x139: {  	[tilespmem:s31], [sflag:$0x1] =	stream.linear.gather [hbm4b:s12+s26], $0x1900, $0x38;
	[tilespmem:$0x7520] =	vst v63  }
0x13a: {  	_ = 	snop  }
0x13b: {  	[spmem:s19] =	stream.indirect.scatter.add.f32 [tilespmem:s1], [sflag:$0x4], $0x10, s0, s31, $0xb8;
	[tilespmem:$0x7520] =	vst v63  }
0x13c: {  	_ =	swait.ge [sflag:s30], $0x190  }
0x13d: {  	[sflag:s30] =	ssyncset.done $0x0  }
0x13e: {  	[sflag:s30] =	ssyncadd.s32 $0xFFFFFE70  }
0x13f: {  	_ =	swait.ge [sflag:s30], $0x1900  }
0x140: {  	[sflag:s30] =	ssyncset.done $0x0  }
0x141: {  	[sflag:s30] =	ssyncadd.s32 $0xFFFFE700  }
0x142: {  	_ =	swait.ge [sflag:s4], $0x1900  }
0x143: {  	[sflag:s4] =	ssyncset.done $0x0  }
0x144: {  	s8 =	rddreg [dreg:$0x14];
	[sflag:s4] =	ssyncadd.s32 $0xFFFFE700  }
0x145: {  	[tilespmem:s0], [sflag:$0x3] =	stream.linear.gather [hbm4b:s8+s26], $0x190, $0x38;
	[tilespmem:$0x7520] =	vst v63  }
0x146: {  	_ = 	snop  }
0x147: {  	[tilespmem:s1], [sflag:$0x3] =	stream.linear.gather [hbm4b:s13+s26], $0x1900, $0x38;
	[tilespmem:$0x7520] =	vst v63  }
0x148: {  	_ = 	snop  }
0x149: {  	[spmem:s19] =	stream.indirect.scatter.add.f32 [tilespmem:s31], [sflag:$0x2], $0x10, s26, s31, $0xb8;
	[tilespmem:$0x7520] =	vst v63  }
0x14a: {  	_ =	swait.ge [sflag:s2], $0x190  }
0x14b: {  	[sflag:s2] =	ssyncset.done $0x0  }
0x14c: {  	[sflag:s2] =	ssyncadd.s32 $0xFFFFFE70  }
0x14d: {  	_ =	swait.ge [sflag:s2], $0x1900  }
0x14e: {  	[sflag:s2] =	ssyncset.done $0x0  }
0x14f: {  	[sflag:s2] =	ssyncadd.s32 $0xFFFFE700  }
0x150: {  	_ =	swait.ge [sflag:s3], $0x1900  }
0x151: {  	[sflag:s3] =	ssyncset.done $0x0  }
0x152: {  	s8 =	rddreg [dreg:$0x15];
	[sflag:s3] =	ssyncadd.s32 $0xFFFFE700  }
0x153: {  	[tilespmem:s26], [sflag:$0x1] =	stream.linear.gather [hbm4b:s8+s26], $0x190, $0x38;
	[tilespmem:$0x7520] =	vst v63  }
0x154: {  	_ = 	snop  }
0x155: {  	[tilespmem:s31], [sflag:$0x1] =	stream.linear.gather [hbm4b:s14+s26], $0x1900, $0x38;
	[tilespmem:$0x7520] =	vst v63  }
0x156: {  	_ = 	snop  }
0x157: {  	[spmem:s19] =	stream.indirect.scatter.add.f32 [tilespmem:s1], [sflag:$0x4], $0x10, s0, s31, $0xb8;
	[tilespmem:$0x7520] =	vst v63  }
0x158: {  	_ =	swait.ge [sflag:s30], $0x190  }
0x159: {  	[sflag:s30] =	ssyncset.done $0x0  }
0x15a: {  	[sflag:s30] =	ssyncadd.s32 $0xFFFFFE70  }
0x15b: {  	_ =	swait.ge [sflag:s30], $0x1900  }
0x15c: {  	[sflag:s30] =	ssyncset.done $0x0  }
0x15d: {  	[sflag:s30] =	ssyncadd.s32 $0xFFFFE700  }
0x15e: {  	_ =	swait.ge [sflag:s4], $0x1900  }
0x15f: {  	[sflag:s4] =	ssyncset.done $0x0  }
0x160: {  	s8 =	rddreg [dreg:$0x16];
	[sflag:s4] =	ssyncadd.s32 $0xFFFFE700  }
0x161: {  	[tilespmem:s0], [sflag:$0x3] =	stream.linear.gather [hbm4b:s8+s26], $0x190, $0x38;
	[tilespmem:$0x7520] =	vst v63  }
0x162: {  	_ = 	snop  }
0x163: {  	[tilespmem:s1], [sflag:$0x3] =	stream.linear.gather [hbm4b:s15+s26], $0x1900, $0x38;
	[tilespmem:$0x7520] =	vst v63  }
0x164: {  	_ = 	snop  }
0x165: {  	[spmem:s19] =	stream.indirect.scatter.add.f32 [tilespmem:s31], [sflag:$0x2], $0x10, s26, s31, $0xb8;
	[tilespmem:$0x7520] =	vst v63  }
0x166: {  	_ =	swait.ge [sflag:s2], $0x190  }
0x167: {  	[sflag:s2] =	ssyncset.done $0x0  }
0x168: {  	[sflag:s2] =	ssyncadd.s32 $0xFFFFFE70  }
0x169: {  	_ =	swait.ge [sflag:s2], $0x1900  }
0x16a: {  	[sflag:s2] =	ssyncset.done $0x0  }
0x16b: {  	[sflag:s2] =	ssyncadd.s32 $0xFFFFE700  }
0x16c: {  	_ =	swait.ge [sflag:s3], $0x1900  }
0x16d: {  	[sflag:s3] =	ssyncset.done $0x0  }
0x16e: {  	s8 =	rddreg [dreg:$0x17];
	[sflag:s3] =	ssyncadd.s32 $0xFFFFE700  }
0x16f: {  	[tilespmem:s26], [sflag:$0x1] =	stream.linear.gather [hbm4b:s8+s26], $0x190, $0x38;
	[tilespmem:$0x7520] =	vst v63  }
0x170: {  	_ = 	snop  }
0x171: {  	[tilespmem:s31], [sflag:$0x1] =	stream.linear.gather [hbm4b:s16+s26], $0x1900, $0x38;
	[tilespmem:$0x7520] =	vst v63  }
0x172: {  	_ = 	snop  }
0x173: {  	[spmem:s19] =	stream.indirect.scatter.add.f32 [tilespmem:s1], [sflag:$0x4], $0x10, s0, s31, $0xb8;
	[tilespmem:$0x7520] =	vst v63  }
0x174: {  	_ =	swait.ge [sflag:s30], $0x190  }
0x175: {  	[sflag:s30] =	ssyncset.done $0x0  }
0x176: {  	[sflag:s30] =	ssyncadd.s32 $0xFFFFFE70  }
0x177: {  	_ =	swait.ge [sflag:s30], $0x1900  }
0x178: {  	[sflag:s30] =	ssyncset.done $0x0  }
0x179: {  	[sflag:s30] =	ssyncadd.s32 $0xFFFFE700  }
0x17a: {  	_ =	swait.ge [sflag:s4], $0x1900  }
0x17b: {  	[sflag:s4] =	ssyncset.done $0x0  }
0x17c: {  	s8 =	rddreg [dreg:$0x18];
	[sflag:s4] =	ssyncadd.s32 $0xFFFFE700  }
0x17d: {  	[tilespmem:s0], [sflag:$0x3] =	stream.linear.gather [hbm4b:s8+s26], $0x190, $0x38;
	[tilespmem:$0x7520] =	vst v63  }
0x17e: {  	_ = 	snop  }
0x17f: {  	[tilespmem:s1], [sflag:$0x3] =	stream.linear.gather [hbm4b:s17+s26], $0x1900, $0x38;
	[tilespmem:$0x7520] =	vst v63  }
0x180: {  	_ = 	snop  }
0x181: {  	[spmem:s19] =	stream.indirect.scatter.add.f32 [tilespmem:s31], [sflag:$0x2], $0x10, s26, s31, $0xb8;
	[tilespmem:$0x7520] =	vst v63  }
0x182: {  	_ =	swait.ge [sflag:s2], $0x190  }
0x183: {  	[sflag:s2] =	ssyncset.done $0x0  }
0x184: {  	[sflag:s2] =	ssyncadd.s32 $0xFFFFFE70  }
0x185: {  	_ =	swait.ge [sflag:s2], $0x1900  }
0x186: {  	[sflag:s2] =	ssyncset.done $0x0  }
0x187: {  	[sflag:s2] =	ssyncadd.s32 $0xFFFFE700  }
0x188: {  	_ =	swait.ge [sflag:s3], $0x1900  }
0x189: {  	[sflag:s3] =	ssyncset.done $0x0  }
0x18a: {  	s8 =	rddreg [dreg:$0x19];
	[sflag:s3] =	ssyncadd.s32 $0xFFFFE700  }
0x18b: {  	[tilespmem:s26], [sflag:$0x1] =	stream.linear.gather [hbm4b:s8+s26], $0x190, $0x38;
	[tilespmem:$0x7520] =	vst v63  }
0x18c: {  	_ = 	snop  }
0x18d: {  	[tilespmem:s31], [sflag:$0x1] =	stream.linear.gather [hbm4b:s18+s26], $0x1900, $0x38;
	[tilespmem:$0x7520] =	vst v63  }
0x18e: {  	_ = 	snop  }
0x18f: {  	[spmem:s19] =	stream.indirect.scatter.add.f32 [tilespmem:s1], [sflag:$0x4], $0x10, s0, s31, $0xb8;
	[tilespmem:$0x7520] =	vst v63  }
0x190: {  	_ =	swait.ge [sflag:s30], $0x190  }
0x191: {  	[sflag:s30] =	ssyncset.done $0x0  }
0x192: {  	[sflag:s30] =	ssyncadd.s32 $0xFFFFFE70  }
0x193: {  	_ =	swait.ge [sflag:s30], $0x1900  }
0x194: {  	[sflag:s30] =	ssyncset.done $0x0  }
0x195: {  	[sflag:s30] =	ssyncadd.s32 $0xFFFFE700  }
0x196: {  	_ =	swait.ge [sflag:s4], $0x1900  }
0x197: {  	[sflag:s4] =	ssyncset.done $0x0  }
0x198: {  	s8 =	rddreg [dreg:$0x1a];
	[sflag:s4] =	ssyncadd.s32 $0xFFFFE700  }
0x199: {  	[tilespmem:s0], [sflag:$0x3] =	stream.linear.gather [hbm4b:s8+s26], $0x190, $0x38;
	[tilespmem:$0x7520] =	vst v63  }
0x19a: {  	_ = 	snop  }
0x19b: {  	[tilespmem:s1], [sflag:$0x3] =	stream.linear.gather [hbm4b:s20+s26], $0x1900, $0x38;
	[tilespmem:$0x7520] =	vst v63  }
0x19c: {  	_ = 	snop  }
0x19d: {  	[spmem:s19] =	stream.indirect.scatter.add.f32 [tilespmem:s31], [sflag:$0x2], $0x10, s26, s31, $0xb8;
	[tilespmem:$0x7520] =	vst v63  }
0x19e: {  	_ =	swait.ge [sflag:s2], $0x190  }
0x19f: {  	[sflag:s2] =	ssyncset.done $0x0  }
0x1a0: {  	[sflag:s2] =	ssyncadd.s32 $0xFFFFFE70  }
0x1a1: {  	_ =	swait.ge [sflag:s2], $0x1900  }
0x1a2: {  	[sflag:s2] =	ssyncset.done $0x0  }
0x1a3: {  	[sflag:s2] =	ssyncadd.s32 $0xFFFFE700  }
0x1a4: {  	_ =	swait.ge [sflag:s3], $0x1900  }
0x1a5: {  	[sflag:s3] =	ssyncset.done $0x0  }
0x1a6: {  	s8 =	rddreg [dreg:$0x1b];
	[sflag:s3] =	ssyncadd.s32 $0xFFFFE700  }
0x1a7: {  	[tilespmem:s26], [sflag:$0x1] =	stream.linear.gather [hbm4b:s8+s26], $0x190, $0x38;
	[tilespmem:$0x7520] =	vst v63  }
0x1a8: {  	_ = 	snop  }
0x1a9: {  	[tilespmem:s31], [sflag:$0x1] =	stream.linear.gather [hbm4b:s21+s26], $0x1900, $0x38;
	[tilespmem:$0x7520] =	vst v63  }
0x1aa: {  	_ = 	snop  }
0x1ab: {  	[spmem:s19] =	stream.indirect.scatter.add.f32 [tilespmem:s1], [sflag:$0x4], $0x10, s0, s31, $0xb8;
	[tilespmem:$0x7520] =	vst v63  }
0x1ac: {  	_ =	swait.ge [sflag:s30], $0x190  }
0x1ad: {  	[sflag:s30] =	ssyncset.done $0x0  }
0x1ae: {  	[sflag:s30] =	ssyncadd.s32 $0xFFFFFE70  }
0x1af: {  	_ =	swait.ge [sflag:s30], $0x1900  }
0x1b0: {  	[sflag:s30] =	ssyncset.done $0x0  }
0x1b1: {  	[sflag:s30] =	ssyncadd.s32 $0xFFFFE700  }
0x1b2: {  	_ =	swait.ge [sflag:s4], $0x1900  }
0x1b3: {  	[sflag:s4] =	ssyncset.done $0x0  }
0x1b4: {  	[sflag:s4] =	ssyncadd.s32 $0xFFFFE700  }
0x1b5: {  	[spmem:s19] =	stream.indirect.scatter.add.f32 [tilespmem:s31], [sflag:$0x2], $0x10, s26, s31, $0xb8;
	[tilespmem:$0x7520] =	vst v63  }
0x1b6: {  	s6 =	sadd.s32 $0x1, s6;
	_ =	swait.ge [sflag:s3], $0x1900  }
0x1b7: {  	p0 =	sne.s32 s6, s24;
	s8 =	stileid.u32;
	[sflag:s3] =	ssyncset.done $0x0  }
0x1b8: {  	s7 =	sshll.u32 s8, $0x6;
	s8 =	sshrl.u32 s22, $0x3;
	[sflag:s3] =	ssyncadd.s32 $0xFFFFE700  }
.Ltmp1:
0x1b9: {  	s7 =	sor.u32 $0x1C05, s7;
	[bflag:$0x0] =	sbarrier.arrive $0xFFFF;
	(pc) =	sbr.rel @p0 .LBB2_1-.Ltmp1, $4  }
0x1ba: {  	[hbm:s23], [sflag:s7] =	dma.local [spmem:s8], $0x600  }
0x1bb: {  	_ =	swait.ge [sflag:s5], $0x600  }
0x1bc: {  	[sflag:s5] =	ssyncset.done $0x0  }
0x1bd: {  	[sflag:s5] =	ssyncadd.s32 $0xFFFFFA00  }
0x1be: {  	_ =	sfence.sel $0x180000  }
0x1bf: {  	[bflag:$0x0] =	sbarrier.arrive $0xFFFF  }
0x1c0: {  	_ =	strace $0x9000004A  }
0x1c1: {  	s0 =	stileid.u32;
	[bflag:$0x2] =	sbarrier.arrive $0xFFFF  }
0x1c2: {  	p0 =	sne.s32 s0, $0x0;
	s0 =	rddreg [dreg:$0x2]  }
0x1c3: {  	s0 =	sadd.s32 @!p0 $0x100000, s0  }
0x1c4: {  	[sflag:s0] =	ssyncadd.tile.s32 @!p0 $0x1;
	_ =	shalt  }
.Lfunc_end2:
_tile_overlayer_lowered:
.L_overlay_start_2:
0x1c5: {  	(tag) =	ssettag $0x2  }
0x1c6: {  	s0 =	rddreg [dreg:$0x0];
	s2 =	stileid.u32  }
0x1c7: {  	s1 =	rddreg [dreg:$0x1];
	p0 =	sne.s32 s2, $0x0  }
0x1c8: {  	s3 =	rddreg [dreg:$0x2];
	[bflag:$0x3] =	sbarrier.arrive $0xFFFF;
	s2 =	simm.s32 @!p0 $0x1C05  }
0x1c9: {  	[timem:s3], [sflag:s2] =	dma.local @!p0 [hbm:s0], s1  }
0x1ca: {  	s0 =	simm.s32 @!p0 $0x5  }
0x1cb: {  	_ =	swait.ge @!p0 [sflag:s0], s1  }
0x1cc: {  	s1 =	ssub.s32 @!p0 $0x0, s1;
	[sflag:s0] =	ssyncset.done @!p0 $0x0  }
0x1cd: {  	[sflag:s0] =	ssyncadd.s32 @!p0 s1  }
0x1ce: {  	[bflag:$0x3] =	sbarrier.arrive $0xFFFF  }
0x1cf: {  	_ =	shalt  }

</sc_bundles>
